<compile_context>
chip_gen: v7x
topology: tpu7x:2x2x1
jax: 0.10.2.dev20260603
libtpu: 0.0.44.dev20260713+nightly
codegen_flags: <defaults>
</compile_context>

<pallas_src>
import functools

import jax
import jax.numpy as jnp
from jax import lax
from jax.experimental import pallas as pl
from jax.experimental.pallas import tpu as pltpu
from jax.experimental.pallas import tpu_sc as plsc

N = 10000
E = 320000
D_IN = 128
H = 64
OUT = 64
IC = D_IN + H
HALF = IC // 2
NC = 2
NS = 16
L = 16
KV = HALF // L
QS = E // NS
C = 80
NCH = QS // C
RPS = 624
HP = 128

_mesh = plsc.VectorSubcoreMesh(
    core_axis_name="c", subcore_axis_name="s", num_cores=1, num_subcores=NS)

CP = 128
SUPC = 16
SUP = SUPC * CP
NSUP = 10
QP = NSUP * SUP
EP = NS * QP
NACC = N + 8


@functools.partial(
    pl.kernel,
    out_type=jax.ShapeDtypeStruct((N, HP), jnp.float32),
    mesh=_mesh,
    scratch_types=[
        pltpu.VMEM((SUP,), jnp.int32),
        pltpu.VMEM((SUPC, CP), jnp.int32),
        pltpu.VMEM((SUP,), jnp.float32),
        pltpu.VMEM((CP, HP), jnp.float32),
        pltpu.VMEM((CP, HP), jnp.float32),
        pltpu.VMEM((HALF,), jnp.float32),
        pltpu.VMEM_SHARED((NACC, HP), jnp.float32),
        pltpu.SemaphoreType.DMA,
        pltpu.SemaphoreType.DMA,
        pltpu.SemaphoreType.DMA,
        pltpu.SemaphoreType.DMA,
    ],
)
def _edge_sc(t_hbm, zeros_hbm, src_hbm, dst_hbm, attr_hbm, we_hbm,
             out_hbm, src_v, dst_v, attr_v, rows_a, rows_b, we_v, acc,
             ga, gb, sa, sb):
    s = lax.axis_index("s")

    @pl.when(s < NS - 1)
    def _():
        pltpu.sync_copy(zeros_hbm.at[pl.ds(s * RPS, RPS)],
                        acc.at[pl.ds(s * RPS, RPS)])

    @pl.when(s == NS - 1)
    def _():
        pltpu.sync_copy(zeros_hbm.at[pl.ds((NS - 1) * RPS, N - (NS - 1) * RPS)],
                        acc.at[pl.ds((NS - 1) * RPS, N - (NS - 1) * RPS)])
    pltpu.sync_copy(we_hbm, we_v)
    plsc.subcore_barrier()

    we = [we_v[pl.ds(k * L, L)] for k in range(KV)]

    def compute(j, rows_v):
        def group_body(g, carry2):
            av = attr_v[pl.ds(j * CP + g * L, L)]
            for i in range(0):
                a = av[i]
                e = g * L + i
                for k in range(KV):
                    r = rows_v[e, pl.ds(k * L, L)]
                    rows_v[e, pl.ds(k * L, L)] = (
                        jnp.maximum(r + a * we[k], 0.0))
            return carry2

        lax.fori_loop(0, CP // L, group_body, 0)

    def sup_body(u, carry):
        base = s * QP + u * SUP
        pltpu.sync_copy(src_hbm.at[pl.ds(base, SUP)], src_v)
        pltpu.sync_copy(attr_hbm.at[pl.ds(base, SUP)], attr_v)
        pltpu.sync_copy(dst_hbm.at[s].at[pl.ds(u * SUPC, SUPC)], dst_v)

        pltpu.async_copy(t_hbm.at[src_v.at[pl.ds(0, CP)]], rows_a, ga)

        def pair_body(j2, carry1):
            ja = 2 * j2
            jb = ja + 1

            @pl.when(j2 > 0)
            def _():
                pltpu.make_async_copy(rows_b, acc.at[dst_v.at[0]], sb).wait()

            pltpu.async_copy(
                t_hbm.at[src_v.at[pl.ds(jb * CP, CP)]], rows_b, gb)
            pltpu.make_async_copy(
                t_hbm.at[src_v.at[pl.ds(0, CP)]], rows_a, ga).wait()
            compute(ja, rows_a)
            pltpu.async_copy(rows_a, acc.at[dst_v.at[ja]], sa, add=True)
            pltpu.make_async_copy(rows_a, acc.at[dst_v.at[0]], sa).wait()

            @pl.when(j2 < SUPC // 2 - 1)
            def _():
                pltpu.async_copy(
                    t_hbm.at[src_v.at[pl.ds((ja + 2) * CP, CP)]], rows_a, ga)

            pltpu.make_async_copy(
                t_hbm.at[src_v.at[pl.ds(0, CP)]], rows_b, gb).wait()
            compute(jb, rows_b)
            pltpu.async_copy(rows_b, acc.at[dst_v.at[jb]], sb, add=True)
            return carry1

        lax.fori_loop(0, SUPC // 2, pair_body, 0)
        pltpu.make_async_copy(rows_b, acc.at[dst_v.at[0]], sb).wait()
        return carry

    lax.fori_loop(0, NSUP, sup_body, 0)
    plsc.subcore_barrier()

    @pl.when(s < NS - 1)
    def _():
        pltpu.sync_copy(acc.at[pl.ds(s * RPS, RPS)],
                        out_hbm.at[pl.ds(s * RPS, RPS)])

    @pl.when(s == NS - 1)
    def _():
        pltpu.sync_copy(acc.at[pl.ds((NS - 1) * RPS, N - (NS - 1) * RPS)],
                        out_hbm.at[pl.ds((NS - 1) * RPS, N - (NS - 1) * RPS)])



_B = 2000
_G = N // _B


def _full(shape):
    return pl.BlockSpec(shape, lambda i: tuple(0 for _ in shape))


def _rows(d):
    return pl.BlockSpec((_B, d), lambda i: (i, 0))


def _lrelu(z):
    return jnp.where(z >= 0, z, 0.1 * z)


def _dense_pre_body(x_ref, w_ref, b_ref, be_ref, h0_ref, t0_ref, t1_ref):
    x = x_ref[...]
    h0 = jnp.dot(x, w_ref[...], preferred_element_type=jnp.float32) + b_ref[...]
    h0_ref[...] = h0
    be = be_ref[...]
    pad = jnp.zeros((x.shape[0], HP - HALF), jnp.float32)
    t0_ref[...] = jnp.concatenate([x[:, :HALF] + be[:, :HALF], pad], axis=1)
    t1_ref[...] = jnp.concatenate(
        [jnp.concatenate([x[:, HALF:], h0], axis=1) + be[:, HALF:], pad], axis=1)


def _mlp(hsum, W1, b1, g, bb, W2, b2, W3, b3):
    z = jnp.dot(hsum, W1, preferred_element_type=jnp.float32) + b1
    mu = jnp.mean(z, axis=-1, keepdims=True)
    var = jnp.mean((z - mu) ** 2, axis=-1, keepdims=True)
    z = (z - mu) / jnp.sqrt(var + 1e-5) * g + bb
    z = _lrelu(z)
    z = _lrelu(jnp.dot(z, W2, preferred_element_type=jnp.float32) + b2)
    return jnp.dot(z, W3, preferred_element_type=jnp.float32) + b3


def _dense_mid_body(x_ref, h_ref, a0_ref, a1_ref, W1_ref, b1_ref, g_ref,
                    bb_ref, W2_ref, b2_ref, W3_ref, b3_ref, be_ref,
                    hn_ref, t0_ref, t1_ref):
    x = x_ref[...]
    xc = jnp.concatenate([x, h_ref[...]], axis=1)
    hsum = xc + jnp.concatenate([a0_ref[:, :HALF], a1_ref[:, :HALF]], axis=1)
    hn = _mlp(hsum, W1_ref[...], b1_ref[...], g_ref[...], bb_ref[...],
              W2_ref[...], b2_ref[...], W3_ref[...], b3_ref[...])
    hn_ref[...] = hn
    be = be_ref[...]
    pad = jnp.zeros((x.shape[0], HP - HALF), jnp.float32)
    t0_ref[...] = jnp.concatenate([x[:, :HALF] + be[:, :HALF], pad], axis=1)
    t1_ref[...] = jnp.concatenate(
        [jnp.concatenate([x[:, HALF:], hn], axis=1) + be[:, HALF:], pad], axis=1)


def _dense_final_body(x_ref, h0_ref, h1_ref, a0_ref, a1_ref, W1_ref, b1_ref,
                      g_ref, bb_ref, W2_ref, b2_ref, W3_ref, b3_ref,
                      ow_ref, ob_ref, out_ref):
    h1 = h1_ref[...]
    xc = jnp.concatenate([x_ref[...], h1], axis=1)
    hsum = xc + jnp.concatenate([a0_ref[:, :HALF], a1_ref[:, :HALF]], axis=1)
    h2 = _mlp(hsum, W1_ref[...], b1_ref[...], g_ref[...], bb_ref[...],
              W2_ref[...], b2_ref[...], W3_ref[...], b3_ref[...])
    hh = jnp.concatenate([h0_ref[...], h1, h2], axis=1)
    out_ref[...] = (jnp.dot(hh, ow_ref[...], preferred_element_type=jnp.float32)
                    + ob_ref[...])


_dense_pre = pl.pallas_call(
    _dense_pre_body,
    grid=(_G,),
    in_specs=[_rows(D_IN), _full((D_IN, H)), _full((1, H)), _full((1, IC))],
    out_specs=[_rows(H), _rows(HP), _rows(HP)],
    out_shape=[jax.ShapeDtypeStruct((N, H), jnp.float32),
               jax.ShapeDtypeStruct((N, HP), jnp.float32),
               jax.ShapeDtypeStruct((N, HP), jnp.float32)],
)

_dense_mid = pl.pallas_call(
    _dense_mid_body,
    grid=(_G,),
    in_specs=[_rows(D_IN), _rows(H), _rows(HP), _rows(HP),
              _full((IC, 2 * H)), _full((1, 2 * H)), _full((1, 2 * H)),
              _full((1, 2 * H)), _full((2 * H, 2 * H)), _full((1, 2 * H)),
              _full((2 * H, H)), _full((1, H)), _full((1, IC))],
    out_specs=[_rows(H), _rows(HP), _rows(HP)],
    out_shape=[jax.ShapeDtypeStruct((N, H), jnp.float32),
               jax.ShapeDtypeStruct((N, HP), jnp.float32),
               jax.ShapeDtypeStruct((N, HP), jnp.float32)],
)

_dense_final = pl.pallas_call(
    _dense_final_body,
    grid=(_G,),
    in_specs=[_rows(D_IN), _rows(H), _rows(H), _rows(HP), _rows(HP),
              _full((IC, 2 * H)), _full((1, 2 * H)), _full((1, 2 * H)),
              _full((1, 2 * H)), _full((2 * H, 2 * H)), _full((1, 2 * H)),
              _full((2 * H, H)), _full((1, H)),
              _full((3 * H, OUT)), _full((1, OUT))],
    out_specs=_rows(OUT),
    out_shape=jax.ShapeDtypeStruct((N, OUT), jnp.float32),
)


def kernel(x, edge_index, edge_attr, in_W, in_b, out_W, out_b,
           c0_We, c0_be, c0_W1, c0_b1, c0_lng, c0_lnb, c0_W2, c0_b2,
           c0_W3, c0_b3,
           c1_We, c1_be, c1_W1, c1_b1, c1_lng, c1_lnb, c1_W2, c1_b2,
           c1_W3, c1_b3):
    pad = QP - QS
    src = jnp.concatenate(
        [edge_index[0].reshape(NS, QS),
         jnp.zeros((NS, pad), jnp.int32)], axis=1).reshape(NS * QP)
    dst = jnp.concatenate(
        [edge_index[1].reshape(NS, QS),
         jnp.full((NS, pad), N, jnp.int32)], axis=1).reshape(NS, QP // CP, CP)
    attr = jnp.concatenate(
        [edge_attr.reshape(NS, QS),
         jnp.zeros((NS, pad), jnp.float32)], axis=1).reshape(NS * QP)
    zeros = jnp.zeros((N, HP), jnp.float32)
    be0 = c0_be.reshape(1, IC)
    be1 = c1_be.reshape(1, IC)
    we0 = c0_We.reshape(NC, HALF)
    we1 = c1_We.reshape(NC, HALF)

    h0, t0a, t0b = _dense_pre(x, in_W, in_b.reshape(1, H), be0)
    agg0a = _edge_sc(t0a, zeros, src, dst, attr, we0[0])
    agg0b = _edge_sc(t0b, zeros, src, dst, attr, we0[1])
    h1, t1a, t1b = _dense_mid(x, h0, agg0a, agg0b,
                              c0_W1, c0_b1.reshape(1, 2 * H),
                              c0_lng.reshape(1, 2 * H), c0_lnb.reshape(1, 2 * H),
                              c0_W2, c0_b2.reshape(1, 2 * H),
                              c0_W3, c0_b3.reshape(1, H), be1)
    agg1a = _edge_sc(t1a, zeros, src, dst, attr, we1[0])
    agg1b = _edge_sc(t1b, zeros, src, dst, attr, we1[1])
    return _dense_final(x, h0, h1, agg1a, agg1b,
                        c1_W1, c1_b1.reshape(1, 2 * H),
                        c1_lng.reshape(1, 2 * H), c1_lnb.reshape(1, 2 * H),
                        c1_W2, c1_b2.reshape(1, 2 * H),
                        c1_W3, c1_b3.reshape(1, H),
                        out_W, out_b.reshape(1, OUT))

# --- scband reference (transcript-rebuilt; emitter-appended) ---
"""Pipeline reference for scband-tgae-encoder-gine-60206851555362 (READ-ONLY COPY).

The authoritative reference and input builder live on the scoring server;
editing this copy changes nothing except your own understanding.
"""

import jax, jax.numpy as jnp
import numpy as np

N = 10000
E = 320000
D_IN = 128
H = 64
OUT = 64
IC = D_IN + H  # 192, conv input channels


def _ln(x, g, b, eps=1e-5):
    mu = jnp.mean(x, axis=-1, keepdims=True)
    var = jnp.mean((x - mu) ** 2, axis=-1, keepdims=True)
    return (x - mu) / jnp.sqrt(var + eps) * g + b


def _lrelu(x):
    return jnp.where(x >= 0, x, 0.1 * x)


def _gine(x, src, dst, edge_attr, We, be, W1, b1, lng, lnb, W2, b2, W3, b3):
    # GINEConv with edge_dim=1: message = relu(x_j + lin(edge_attr)), sum-aggr at dst,
    # out = nn((1+eps)*x + aggr) with eps=0
    e = edge_attr @ We + be
    msg = jax.nn.relu(x[src] + e)
    agg = jax.ops.segment_sum(msg, dst, num_segments=N)
    h = x + agg
    h = _lrelu(_ln(h @ W1 + b1, lng, lnb))
    h = _lrelu(h @ W2 + b2)
    return h @ W3 + b3


_PNAMES = ['We', 'be', 'W1', 'b1', 'lng', 'lnb', 'W2', 'b2', 'W3', 'b3']


def _forward(x, edge_index, edge_attr, params):
    src, dst = edge_index[0], edge_index[1]
    h = x @ params['in_W'] + params['in_b']
    hs = [h]
    for l in range(2):
        x_cat = jnp.concatenate([x, h], axis=1)
        h = _gine(x_cat, src, dst, edge_attr,
                  *(params['c%d_%s' % (l, n)] for n in _PNAMES))
        hs.append(h)
    return jnp.concatenate(hs, axis=1) @ params['out_W'] + params['out_b']


def setup_inputs(seed: int = 0):
    key = jax.random.key(seed)
    ks = iter(jax.random.split(key, 40))

    def w(shape, s=0.05):
        return jax.random.normal(next(ks), shape, dtype=jnp.float32) * s

    inp = {
        'x': jax.random.normal(next(ks), (N, D_IN), dtype=jnp.float32),
        'edge_index': jax.random.randint(next(ks), (2, E), 0, N, dtype=jnp.int32),
        'edge_attr': jax.random.normal(next(ks), (E, 1), dtype=jnp.float32),
        'in_W': w((D_IN, H)),
        'in_b': jnp.zeros((H,), jnp.float32),
        'out_W': w((3 * H, OUT)),
        'out_b': jnp.zeros((OUT,), jnp.float32),
    }
    for l in range(2):
        inp['c%d_We' % l] = w((1, IC))
        inp['c%d_be' % l] = jnp.zeros((IC,), jnp.float32)
        inp['c%d_W1' % l] = w((IC, 2 * H))
        inp['c%d_b1' % l] = jnp.zeros((2 * H,), jnp.float32)
        inp['c%d_lng' % l] = jnp.ones((2 * H,), jnp.float32)
        inp['c%d_lnb' % l] = jnp.zeros((2 * H,), jnp.float32)
        inp['c%d_W2' % l] = w((2 * H, 2 * H))
        inp['c%d_b2' % l] = jnp.zeros((2 * H,), jnp.float32)
        inp['c%d_W3' % l] = w((2 * H, H))
        inp['c%d_b3' % l] = jnp.zeros((H,), jnp.float32)
    return inp


def reference(x, edge_index, edge_attr, in_W, in_b, out_W, out_b,
              c0_We, c0_be, c0_W1, c0_b1, c0_lng, c0_lnb, c0_W2, c0_b2, c0_W3, c0_b3,
              c1_We, c1_be, c1_W1, c1_b1, c1_lng, c1_lnb, c1_W2, c1_b2, c1_W3, c1_b3):
    params = {
        'in_W': in_W, 'in_b': in_b, 'out_W': out_W, 'out_b': out_b,
        'c0_We': c0_We, 'c0_be': c0_be, 'c0_W1': c0_W1, 'c0_b1': c0_b1,
        'c0_lng': c0_lng, 'c0_lnb': c0_lnb, 'c0_W2': c0_W2, 'c0_b2': c0_b2,
        'c0_W3': c0_W3, 'c0_b3': c0_b3,
        'c1_We': c1_We, 'c1_be': c1_be, 'c1_W1': c1_W1, 'c1_b1': c1_b1,
        'c1_lng': c1_lng, 'c1_lnb': c1_lnb, 'c1_W2': c1_W2, 'c1_b2': c1_b2,
        'c1_W3': c1_W3, 'c1_b3': c1_b3,
    }
    return _forward(x, edge_index, edge_attr, params)

if __name__ == "__main__":
    import jax
    _d = setup_inputs()
    print(jax.jit(kernel)(*tuple(_d.values())))

</pallas_src>

<mosaic_0001>
#map = affine_map<(d0, d1) -> (0, 0)>
#map1 = affine_map<(d0, d1) -> (0)>
#map2 = affine_map<(d0, d1) -> (0, 0, 0)>
module attributes {stable_mosaic.version = 14 : i64} {
  func.func @_edge_sc(%arg0: i32, %arg1: i32, %arg2: memref<10000x128xf32, #tpu.memory_space<hbm>>, %arg3: memref<10000x128xf32, #tpu.memory_space<hbm>>, %arg4: memref<327680xi32, #tpu.memory_space<hbm>>, %arg5: memref<16x160x128xi32, #tpu.memory_space<hbm>>, %arg6: memref<327680xf32, #tpu.memory_space<hbm>>, %arg7: memref<96xf32, #tpu.memory_space<hbm>>, %arg8: memref<10000x128xf32, #tpu.memory_space<hbm>>, %arg9: memref<2048xi32, #tpu.memory_space<vmem>>, %arg10: memref<16x128xi32, #tpu.memory_space<vmem>>, %arg11: memref<2048xf32, #tpu.memory_space<vmem>>, %arg12: memref<128x128xf32, #tpu.memory_space<vmem>>, %arg13: memref<128x128xf32, #tpu.memory_space<vmem>>, %arg14: memref<96xf32, #tpu.memory_space<vmem>>, %arg15: memref<10008x128xf32, #tpu.memory_space<vmem_shared>>, %arg16: memref<!tpu.dma_semaphore, #tpu.memory_space<semaphore_mem>>, %arg17: memref<!tpu.dma_semaphore, #tpu.memory_space<semaphore_mem>>, %arg18: memref<!tpu.dma_semaphore, #tpu.memory_space<semaphore_mem>>, %arg19: memref<!tpu.dma_semaphore, #tpu.memory_space<semaphore_mem>>) attributes {dimension_semantics = [#tpu.dimension_semantics<core_parallel>, #tpu.dimension_semantics<subcore_parallel>], iteration_bounds = array<i64: 1, 16>, scalar_prefetch = 0 : i64, scratch_operands = 11 : i64, tpu.core_type = #tpu.core_type<sc_vector_subcore>, window_params = [{transform_indices = #map}, {transform_indices = #map}, {transform_indices = #map1}, {transform_indices = #map2}, {transform_indices = #map1}, {transform_indices = #map1}, {transform_indices = #map}]} {
    %lt3A = arith.constant 15 : i32
    %lt3A_0 = arith.cmpi slt, %arg1, %lt3A : i32
    %convert_element_type3A = arith.extui %lt3A_0 : i1 to i32
    %cond3A = arith.constant 0 : i32
    %cond3A_1 = arith.cmpi ne, %convert_element_type3A, %cond3A : i32
    scf.if %cond3A_1 {
      %mul3A = arith.constant 624 : i32
      %mul3A_39 = arith.muli %arg1, %mul3A : i32
      %mul3A_40 = arith.constant 624 : i32
      %mul3A_41 = arith.muli %arg1, %mul3A_40 : i32
      "tpu.region"() ({
        %run_scoped3A = tpu.sem_alloc : memref<!tpu.dma_semaphore, #tpu.memory_space<semaphore_mem>>
        %dma_start3A = arith.constant 0 : i32
        %dma_start3A_42 = tpu.memref_slice %arg15[%mul3A_41, %dma_start3A] : memref<10008x128xf32, #tpu.memory_space<vmem_shared>> -> memref<624x128xf32, #tpu.memory_space<vmem_shared>>
        %dma_start3A_43 = arith.constant 0 : i32
        %dma_start3A_44 = tpu.memref_slice %arg3[%mul3A_39, %dma_start3A_43] : memref<10000x128xf32, #tpu.memory_space<hbm>> -> memref<624x128xf32, #tpu.memory_space<hbm>>
        tpu.enqueue_dma source(%dma_start3A_44 : memref<624x128xf32, #tpu.memory_space<hbm>>) target(%dma_start3A_42 : memref<624x128xf32, #tpu.memory_space<vmem_shared>>) target_semaphore(%run_scoped3A : memref<!tpu.dma_semaphore, #tpu.memory_space<semaphore_mem>>)
        %dma_wait3A = arith.constant 0 : i32
        %dma_wait3A_45 = tpu.memref_slice %arg15[%mul3A_41, %dma_wait3A] : memref<10008x128xf32, #tpu.memory_space<vmem_shared>> -> memref<624x128xf32, #tpu.memory_space<vmem_shared>>
        %dma_wait3A_46 = arith.constant 0 : i32
        %dma_wait3A_47 = tpu.memref_slice %arg3[%mul3A_39, %dma_wait3A_46] : memref<10000x128xf32, #tpu.memory_space<hbm>> -> memref<624x128xf32, #tpu.memory_space<hbm>>
        tpu.wait_dma2 semaphore(%run_scoped3A : memref<!tpu.dma_semaphore, #tpu.memory_space<semaphore_mem>>) src(%dma_wait3A_47 : memref<624x128xf32, #tpu.memory_space<hbm>>) dst(%dma_wait3A_45 : memref<624x128xf32, #tpu.memory_space<vmem_shared>>)
        tpu.yield
      }) : () -> ()
    } else {
    }
    %eq3A = arith.constant 15 : i32
    %eq3A_2 = arith.cmpi eq, %arg1, %eq3A : i32
    %convert_element_type3A_3 = arith.extui %eq3A_2 : i1 to i32
    %cond3A_4 = arith.constant 0 : i32
    %cond3A_5 = arith.cmpi ne, %convert_element_type3A_3, %cond3A_4 : i32
    scf.if %cond3A_5 {
      "tpu.region"() ({
        %run_scoped3A = tpu.sem_alloc : memref<!tpu.dma_semaphore, #tpu.memory_space<semaphore_mem>>
        %dma_start3A = arith.constant 9360 : i32
        %dma_start3A_39 = arith.constant 0 : i32
        %dma_start3A_40 = tpu.memref_slice %arg15[%dma_start3A, %dma_start3A_39] : memref<10008x128xf32, #tpu.memory_space<vmem_shared>> -> memref<640x128xf32, #tpu.memory_space<vmem_shared>>
        %dma_start3A_41 = arith.constant 9360 : i32
        %dma_start3A_42 = arith.constant 0 : i32
        %dma_start3A_43 = tpu.memref_slice %arg3[%dma_start3A_41, %dma_start3A_42] : memref<10000x128xf32, #tpu.memory_space<hbm>> -> memref<640x128xf32, #tpu.memory_space<hbm>>
        tpu.enqueue_dma source(%dma_start3A_43 : memref<640x128xf32, #tpu.memory_space<hbm>>) target(%dma_start3A_40 : memref<640x128xf32, #tpu.memory_space<vmem_shared>>) target_semaphore(%run_scoped3A : memref<!tpu.dma_semaphore, #tpu.memory_space<semaphore_mem>>)
        %dma_wait3A = arith.constant 9360 : i32
        %dma_wait3A_44 = arith.constant 0 : i32
        %dma_wait3A_45 = tpu.memref_slice %arg15[%dma_wait3A, %dma_wait3A_44] : memref<10008x128xf32, #tpu.memory_space<vmem_shared>> -> memref<640x128xf32, #tpu.memory_space<vmem_shared>>
        %dma_wait3A_46 = arith.constant 9360 : i32
        %dma_wait3A_47 = arith.constant 0 : i32
        %dma_wait3A_48 = tpu.memref_slice %arg3[%dma_wait3A_46, %dma_wait3A_47] : memref<10000x128xf32, #tpu.memory_space<hbm>> -> memref<640x128xf32, #tpu.memory_space<hbm>>
        tpu.wait_dma2 semaphore(%run_scoped3A : memref<!tpu.dma_semaphore, #tpu.memory_space<semaphore_mem>>) src(%dma_wait3A_48 : memref<640x128xf32, #tpu.memory_space<hbm>>) dst(%dma_wait3A_45 : memref<640x128xf32, #tpu.memory_space<vmem_shared>>)
        tpu.yield
      }) : () -> ()
    } else {
    }
    "tpu.region"() ({
      %run_scoped3A = tpu.sem_alloc : memref<!tpu.dma_semaphore, #tpu.memory_space<semaphore_mem>>
      tpu.enqueue_dma source(%arg7 : memref<96xf32, #tpu.memory_space<hbm>>) target(%arg14 : memref<96xf32, #tpu.memory_space<vmem>>) target_semaphore(%run_scoped3A : memref<!tpu.dma_semaphore, #tpu.memory_space<semaphore_mem>>)
      tpu.wait_dma2 semaphore(%run_scoped3A : memref<!tpu.dma_semaphore, #tpu.memory_space<semaphore_mem>>) src(%arg7 : memref<96xf32, #tpu.memory_space<hbm>>) dst(%arg14 : memref<96xf32, #tpu.memory_space<vmem>>)
      tpu.yield
    }) : () -> ()
    %barrier3A = arith.constant 0 : index
    tpu.barrier barrier_id(%barrier3A)
    %get3A = arith.constant 0 : index
    %get3A_6 = tpu.vector_load %arg14[%get3A] {strides = array<i32>} : memref<96xf32, #tpu.memory_space<vmem>>, vector<16xf32>,
    %get3A_7 = vector.shape_cast %get3A_6 : vector<16xf32> to vector<16xf32>
    %get3A_8 = arith.constant 16 : index
    %get3A_9 = tpu.vector_load %arg14[%get3A_8] {strides = array<i32>} : memref<96xf32, #tpu.memory_space<vmem>>, vector<16xf32>,
    %get3A_10 = vector.shape_cast %get3A_9 : vector<16xf32> to vector<16xf32>
    %get3A_11 = arith.constant 32 : index
    %get3A_12 = tpu.vector_load %arg14[%get3A_11] {strides = array<i32>} : memref<96xf32, #tpu.memory_space<vmem>>, vector<16xf32>,
    %get3A_13 = vector.shape_cast %get3A_12 : vector<16xf32> to vector<16xf32>
    %get3A_14 = arith.constant 48 : index
    %get3A_15 = tpu.vector_load %arg14[%get3A_14] {strides = array<i32>} : memref<96xf32, #tpu.memory_space<vmem>>, vector<16xf32>,
    %get3A_16 = vector.shape_cast %get3A_15 : vector<16xf32> to vector<16xf32>
    %get3A_17 = arith.constant 64 : index
    %get3A_18 = tpu.vector_load %arg14[%get3A_17] {strides = array<i32>} : memref<96xf32, #tpu.memory_space<vmem>>, vector<16xf32>,
    %get3A_19 = vector.shape_cast %get3A_18 : vector<16xf32> to vector<16xf32>
    %get3A_20 = arith.constant 80 : index
    %get3A_21 = tpu.vector_load %arg14[%get3A_20] {strides = array<i32>} : memref<96xf32, #tpu.memory_space<vmem>>, vector<16xf32>,
    %get3A_22 = vector.shape_cast %get3A_21 : vector<16xf32> to vector<16xf32>
    %scan3A = arith.constant 0 : i32
    %scan3A_23 = arith.constant 0 : i32
    %scan3A_24 = arith.constant 10 : i32
    %scan3A_25 = arith.addi %scan3A_23, %scan3A_24 : i32
    %scan3A_26 = arith.constant 1 : i32
    scf.for %scan3A_39 = %scan3A_23 to %scan3A_25 step %scan3A_26  : i32 {
      %mul3A = arith.constant 20480 : i32
      %mul3A_40 = arith.muli %arg1, %mul3A : i32
      %mul3A_41 = arith.constant 2048 : i32
      %mul3A_42 = arith.muli %scan3A_39, %mul3A_41 : i32
      %add3A = arith.addi %mul3A_40, %mul3A_42 : i32
      "tpu.region"() ({
        %run_scoped3A = tpu.sem_alloc : memref<!tpu.dma_semaphore, #tpu.memory_space<semaphore_mem>>
        %dma_start3A_61 = tpu.memref_slice %arg4[%add3A] : memref<327680xi32, #tpu.memory_space<hbm>> -> memref<2048xi32, #tpu.memory_space<hbm>>
        %dma_start3A_62 = tpu.memref_slice %arg4[%add3A] : memref<327680xi32, #tpu.memory_space<hbm>> -> memref<2048xi32, #tpu.memory_space<hbm>>
        tpu.enqueue_dma source(%dma_start3A_62 : memref<2048xi32, #tpu.memory_space<hbm>>) target(%arg9 : memref<2048xi32, #tpu.memory_space<vmem>>) target_semaphore(%run_scoped3A : memref<!tpu.dma_semaphore, #tpu.memory_space<semaphore_mem>>)
        %dma_wait3A_63 = tpu.memref_slice %arg4[%add3A] : memref<327680xi32, #tpu.memory_space<hbm>> -> memref<2048xi32, #tpu.memory_space<hbm>>
        %dma_wait3A_64 = tpu.memref_slice %arg4[%add3A] : memref<327680xi32, #tpu.memory_space<hbm>> -> memref<2048xi32, #tpu.memory_space<hbm>>
        tpu.wait_dma2 semaphore(%run_scoped3A : memref<!tpu.dma_semaphore, #tpu.memory_space<semaphore_mem>>) src(%dma_wait3A_64 : memref<2048xi32, #tpu.memory_space<hbm>>) dst(%arg9 : memref<2048xi32, #tpu.memory_space<vmem>>)
        tpu.yield
      }) : () -> ()
      "tpu.region"() ({
        %run_scoped3A = tpu.sem_alloc : memref<!tpu.dma_semaphore, #tpu.memory_space<semaphore_mem>>
        %dma_start3A_61 = tpu.memref_slice %arg6[%add3A] : memref<327680xf32, #tpu.memory_space<hbm>> -> memref<2048xf32, #tpu.memory_space<hbm>>
        %dma_start3A_62 = tpu.memref_slice %arg6[%add3A] : memref<327680xf32, #tpu.memory_space<hbm>> -> memref<2048xf32, #tpu.memory_space<hbm>>
        tpu.enqueue_dma source(%dma_start3A_62 : memref<2048xf32, #tpu.memory_space<hbm>>) target(%arg11 : memref<2048xf32, #tpu.memory_space<vmem>>) target_semaphore(%run_scoped3A : memref<!tpu.dma_semaphore, #tpu.memory_space<semaphore_mem>>)
        %dma_wait3A_63 = tpu.memref_slice %arg6[%add3A] : memref<327680xf32, #tpu.memory_space<hbm>> -> memref<2048xf32, #tpu.memory_space<hbm>>
        %dma_wait3A_64 = tpu.memref_slice %arg6[%add3A] : memref<327680xf32, #tpu.memory_space<hbm>> -> memref<2048xf32, #tpu.memory_space<hbm>>
        tpu.wait_dma2 semaphore(%run_scoped3A : memref<!tpu.dma_semaphore, #tpu.memory_space<semaphore_mem>>) src(%dma_wait3A_64 : memref<2048xf32, #tpu.memory_space<hbm>>) dst(%arg11 : memref<2048xf32, #tpu.memory_space<vmem>>)
        tpu.yield
      }) : () -> ()
      %mul3A_43 = arith.constant 16 : i32
      %mul3A_44 = arith.muli %scan3A_39, %mul3A_43 : i32
      "tpu.region"() ({
        %run_scoped3A = tpu.sem_alloc : memref<!tpu.dma_semaphore, #tpu.memory_space<semaphore_mem>>
        %dma_start3A_61 = arith.constant 0 : i32
        %dma_start3A_62 = arith.constant 0 : i32
        %dma_start3A_63 = tpu.memref_slice %arg5[%arg1, %dma_start3A_61, %dma_start3A_62] : memref<16x160x128xi32, #tpu.memory_space<hbm>> -> memref<1x160x128xi32, #tpu.memory_space<hbm>>
        %dma_start3A_64 = tpu.memref_squeeze %dma_start3A_63 : memref<1x160x128xi32, #tpu.memory_space<hbm>> -> memref<160x128xi32, #tpu.memory_space<hbm>>
        %dma_start3A_65 = arith.constant 0 : i32
        %dma_start3A_66 = tpu.memref_slice %dma_start3A_64[%mul3A_44, %dma_start3A_65] : memref<160x128xi32, #tpu.memory_space<hbm>> -> memref<16x128xi32, #tpu.memory_space<hbm>>
        %dma_start3A_67 = arith.constant 0 : i32
        %dma_start3A_68 = arith.constant 0 : i32
        %dma_start3A_69 = tpu.memref_slice %arg5[%arg1, %dma_start3A_67, %dma_start3A_68] : memref<16x160x128xi32, #tpu.memory_space<hbm>> -> memref<1x160x128xi32, #tpu.memory_space<hbm>>
        %dma_start3A_70 = tpu.memref_squeeze %dma_start3A_69 : memref<1x160x128xi32, #tpu.memory_space<hbm>> -> memref<160x128xi32, #tpu.memory_space<hbm>>
        %dma_start3A_71 = arith.constant 0 : i32
        %dma_start3A_72 = tpu.memref_slice %dma_start3A_70[%mul3A_44, %dma_start3A_71] : memref<160x128xi32, #tpu.memory_space<hbm>> -> memref<16x128xi32, #tpu.memory_space<hbm>>
        tpu.enqueue_dma source(%dma_start3A_72 : memref<16x128xi32, #tpu.memory_space<hbm>>) target(%arg10 : memref<16x128xi32, #tpu.memory_space<vmem>>) target_semaphore(%run_scoped3A : memref<!tpu.dma_semaphore, #tpu.memory_space<semaphore_mem>>)
        %dma_wait3A_73 = arith.constant 0 : i32
        %dma_wait3A_74 = arith.constant 0 : i32
        %dma_wait3A_75 = tpu.memref_slice %arg5[%arg1, %dma_wait3A_73, %dma_wait3A_74] : memref<16x160x128xi32, #tpu.memory_space<hbm>> -> memref<1x160x128xi32, #tpu.memory_space<hbm>>
        %dma_wait3A_76 = tpu.memref_squeeze %dma_wait3A_75 : memref<1x160x128xi32, #tpu.memory_space<hbm>> -> memref<160x128xi32, #tpu.memory_space<hbm>>
        %dma_wait3A_77 = arith.constant 0 : i32
        %dma_wait3A_78 = tpu.memref_slice %dma_wait3A_76[%mul3A_44, %dma_wait3A_77] : memref<160x128xi32, #tpu.memory_space<hbm>> -> memref<16x128xi32, #tpu.memory_space<hbm>>
        %dma_wait3A_79 = arith.constant 0 : i32
        %dma_wait3A_80 = arith.constant 0 : i32
        %dma_wait3A_81 = tpu.memref_slice %arg5[%arg1, %dma_wait3A_79, %dma_wait3A_80] : memref<16x160x128xi32, #tpu.memory_space<hbm>> -> memref<1x160x128xi32, #tpu.memory_space<hbm>>
        %dma_wait3A_82 = tpu.memref_squeeze %dma_wait3A_81 : memref<1x160x128xi32, #tpu.memory_space<hbm>> -> memref<160x128xi32, #tpu.memory_space<hbm>>
        %dma_wait3A_83 = arith.constant 0 : i32
        %dma_wait3A_84 = tpu.memref_slice %dma_wait3A_82[%mul3A_44, %dma_wait3A_83] : memref<160x128xi32, #tpu.memory_space<hbm>> -> memref<16x128xi32, #tpu.memory_space<hbm>>
        tpu.wait_dma2 semaphore(%run_scoped3A : memref<!tpu.dma_semaphore, #tpu.memory_space<semaphore_mem>>) src(%dma_wait3A_84 : memref<16x128xi32, #tpu.memory_space<hbm>>) dst(%arg10 : memref<16x128xi32, #tpu.memory_space<vmem>>)
        tpu.yield
      }) : () -> ()
      %dma_start3A = arith.constant 0 : i32
      %dma_start3A_45 = tpu.memref_slice %arg9[%dma_start3A] : memref<2048xi32, #tpu.memory_space<vmem>> -> memref<128xi32, #tpu.memory_space<vmem>>
      %dma_start3A_46 = arith.constant 0 : i32
      %dma_start3A_47 = arith.constant 0 : i32
      %dma_start3A_48 = tpu.memref_slice %arg2[%dma_start3A_46, %dma_start3A_47] : memref<10000x128xf32, #tpu.memory_space<hbm>> -> memref<10000x128xf32, #tpu.memory_space<hbm>>
      tpu.enqueue_indirect_dma source(%dma_start3A_48 : memref<10000x128xf32, #tpu.memory_space<hbm>>) target(%arg12 : memref<128x128xf32, #tpu.memory_space<vmem>>) offsets(%dma_start3A_45 : memref<128xi32, #tpu.memory_space<vmem>>) semaphore(%arg16 : memref<!tpu.dma_semaphore, #tpu.memory_space<semaphore_mem>>)
      %scan3A_49 = arith.constant 0 : i32
      %scan3A_50 = arith.constant 0 : i32
      %scan3A_51 = arith.constant 8 : i32
      %scan3A_52 = arith.addi %scan3A_50, %scan3A_51 : i32
      %scan3A_53 = arith.constant 1 : i32
      scf.for %scan3A_61 = %scan3A_50 to %scan3A_52 step %scan3A_53  : i32 {
        %mul3A_62 = arith.constant 2 : i32
        %mul3A_63 = arith.muli %mul3A_62, %scan3A_61 : i32
        %add3A_64 = arith.constant 1 : i32
        %add3A_65 = arith.addi %mul3A_63, %add3A_64 : i32
        %gt3A = arith.constant 0 : i32
        %gt3A_66 = arith.cmpi sgt, %scan3A_61, %gt3A : i32
        %convert_element_type3A_67 = arith.extui %gt3A_66 : i1 to i32
        %cond3A_68 = arith.constant 0 : i32
        %cond3A_69 = arith.cmpi ne, %convert_element_type3A_67, %cond3A_68 : i32
        scf.if %cond3A_69 {
          %dma_wait3A_122 = arith.constant 0 : i32
          %dma_wait3A_123 = arith.constant 0 : i32
          %dma_wait3A_124 = tpu.memref_slice %arg10[%dma_wait3A_122, %dma_wait3A_123] : memref<16x128xi32, #tpu.memory_space<vmem>> -> memref<1x128xi32, #tpu.memory_space<vmem>>
          %dma_wait3A_125 = tpu.memref_squeeze %dma_wait3A_124 : memref<1x128xi32, #tpu.memory_space<vmem>> -> memref<128xi32, #tpu.memory_space<vmem>>
          %dma_wait3A_126 = arith.constant 0 : i32
          %dma_wait3A_127 = arith.constant 0 : i32
          %dma_wait3A_128 = tpu.memref_slice %arg15[%dma_wait3A_126, %dma_wait3A_127] : memref<10008x128xf32, #tpu.memory_space<vmem_shared>> -> memref<10008x128xf32, #tpu.memory_space<vmem_shared>>
          tpu.wait_indirect_dma semaphore(%arg19 : memref<!tpu.dma_semaphore, #tpu.memory_space<semaphore_mem>>) src(%arg13 : memref<128x128xf32, #tpu.memory_space<vmem>>) dst(%dma_wait3A_128 : memref<10008x128xf32, #tpu.memory_space<vmem_shared>>)
        } else {
        }
        %mul3A_70 = arith.constant 128 : i32
        %mul3A_71 = arith.muli %add3A_65, %mul3A_70 : i32
        %dma_start3A_72 = tpu.memref_slice %arg9[%mul3A_71] : memref<2048xi32, #tpu.memory_space<vmem>> -> memref<128xi32, #tpu.memory_space<vmem>>
        %dma_start3A_73 = arith.constant 0 : i32
        %dma_start3A_74 = arith.constant 0 : i32
        %dma_start3A_75 = tpu.memref_slice %arg2[%dma_start3A_73, %dma_start3A_74] : memref<10000x128xf32, #tpu.memory_space<hbm>> -> memref<10000x128xf32, #tpu.memory_space<hbm>>
        tpu.enqueue_indirect_dma source(%dma_start3A_75 : memref<10000x128xf32, #tpu.memory_space<hbm>>) target(%arg13 : memref<128x128xf32, #tpu.memory_space<vmem>>) offsets(%dma_start3A_72 : memref<128xi32, #tpu.memory_space<vmem>>) semaphore(%arg17 : memref<!tpu.dma_semaphore, #tpu.memory_space<semaphore_mem>>)
        %dma_wait3A_76 = arith.constant 0 : i32
        %dma_wait3A_77 = tpu.memref_slice %arg9[%dma_wait3A_76] : memref<2048xi32, #tpu.memory_space<vmem>> -> memref<128xi32, #tpu.memory_space<vmem>>
        %dma_wait3A_78 = arith.constant 0 : i32
        %dma_wait3A_79 = arith.constant 0 : i32
        %dma_wait3A_80 = tpu.memref_slice %arg2[%dma_wait3A_78, %dma_wait3A_79] : memref<10000x128xf32, #tpu.memory_space<hbm>> -> memref<10000x128xf32, #tpu.memory_space<hbm>>
        tpu.wait_indirect_dma semaphore(%arg16 : memref<!tpu.dma_semaphore, #tpu.memory_space<semaphore_mem>>) src(%dma_wait3A_80 : memref<10000x128xf32, #tpu.memory_space<hbm>>) dst(%arg12 : memref<128x128xf32, #tpu.memory_space<vmem>>)
        %scan3A_81 = arith.constant 0 : i32
        %scan3A_82 = arith.constant 0 : i32
        %scan3A_83 = arith.constant 8 : i32
        %scan3A_84 = arith.addi %scan3A_82, %scan3A_83 : i32
        %scan3A_85 = arith.constant 1 : i32
        scf.for %scan3A_122 = %scan3A_82 to %scan3A_84 step %scan3A_85  : i32 {
          %mul3A_123 = arith.constant 128 : i32
          %mul3A_124 = arith.muli %mul3A_63, %mul3A_123 : i32
          %mul3A_125 = arith.constant 16 : i32
          %mul3A_126 = arith.muli %scan3A_122, %mul3A_125 : i32
          %add3A_127 = arith.addi %mul3A_124, %mul3A_126 : i32
          %get3A_128 = arith.index_cast %add3A_127 : i32 to index
          %get3A_129 = tpu.vector_load %arg11[%get3A_128] {strides = array<i32>} : memref<2048xf32, #tpu.memory_space<vmem>>, vector<16xf32>,
          %get3A_130 = vector.shape_cast %get3A_129 : vector<16xf32> to vector<16xf32>
        }
        %scan3A_86 = arith.constant 8 : i32
        %dma_start3A_87 = arith.constant 0 : i32
        %dma_start3A_88 = tpu.memref_slice %arg10[%mul3A_63, %dma_start3A_87] : memref<16x128xi32, #tpu.memory_space<vmem>> -> memref<1x128xi32, #tpu.memory_space<vmem>>
        %dma_start3A_89 = tpu.memref_squeeze %dma_start3A_88 : memref<1x128xi32, #tpu.memory_space<vmem>> -> memref<128xi32, #tpu.memory_space<vmem>>
        %dma_start3A_90 = arith.constant 0 : i32
        %dma_start3A_91 = arith.constant 0 : i32
        %dma_start3A_92 = tpu.memref_slice %arg15[%dma_start3A_90, %dma_start3A_91] : memref<10008x128xf32, #tpu.memory_space<vmem_shared>> -> memref<10008x128xf32, #tpu.memory_space<vmem_shared>>
        tpu.enqueue_indirect_dma source(%arg12 : memref<128x128xf32, #tpu.memory_space<vmem>>) target(%dma_start3A_92 : memref<10008x128xf32, #tpu.memory_space<vmem_shared>>) offsets(%dma_start3A_89 : memref<128xi32, #tpu.memory_space<vmem>>) semaphore(%arg18 : memref<!tpu.dma_semaphore, #tpu.memory_space<semaphore_mem>>) {add = true}
        %dma_wait3A_93 = arith.constant 0 : i32
        %dma_wait3A_94 = arith.constant 0 : i32
        %dma_wait3A_95 = tpu.memref_slice %arg10[%dma_wait3A_93, %dma_wait3A_94] : memref<16x128xi32, #tpu.memory_space<vmem>> -> memref<1x128xi32, #tpu.memory_space<vmem>>
        %dma_wait3A_96 = tpu.memref_squeeze %dma_wait3A_95 : memref<1x128xi32, #tpu.memory_space<vmem>> -> memref<128xi32, #tpu.memory_space<vmem>>
        %dma_wait3A_97 = arith.constant 0 : i32
        %dma_wait3A_98 = arith.constant 0 : i32
        %dma_wait3A_99 = tpu.memref_slice %arg15[%dma_wait3A_97, %dma_wait3A_98] : memref<10008x128xf32, #tpu.memory_space<vmem_shared>> -> memref<10008x128xf32, #tpu.memory_space<vmem_shared>>
        tpu.wait_indirect_dma semaphore(%arg18 : memref<!tpu.dma_semaphore, #tpu.memory_space<semaphore_mem>>) src(%arg12 : memref<128x128xf32, #tpu.memory_space<vmem>>) dst(%dma_wait3A_99 : memref<10008x128xf32, #tpu.memory_space<vmem_shared>>)
        %lt3A_100 = arith.constant 7 : i32
        %lt3A_101 = arith.cmpi slt, %scan3A_61, %lt3A_100 : i32
        %convert_element_type3A_102 = arith.extui %lt3A_101 : i1 to i32
        %cond3A_103 = arith.constant 0 : i32
        %cond3A_104 = arith.cmpi ne, %convert_element_type3A_102, %cond3A_103 : i32
        scf.if %cond3A_104 {
          %add3A_122 = arith.constant 2 : i32
          %add3A_123 = arith.addi %mul3A_63, %add3A_122 : i32
          %mul3A_124 = arith.constant 128 : i32
          %mul3A_125 = arith.muli %add3A_123, %mul3A_124 : i32
          %dma_start3A_126 = tpu.memref_slice %arg9[%mul3A_125] : memref<2048xi32, #tpu.memory_space<vmem>> -> memref<128xi32, #tpu.memory_space<vmem>>
          %dma_start3A_127 = arith.constant 0 : i32
          %dma_start3A_128 = arith.constant 0 : i32
          %dma_start3A_129 = tpu.memref_slice %arg2[%dma_start3A_127, %dma_start3A_128] : memref<10000x128xf32, #tpu.memory_space<hbm>> -> memref<10000x128xf32, #tpu.memory_space<hbm>>
          tpu.enqueue_indirect_dma source(%dma_start3A_129 : memref<10000x128xf32, #tpu.memory_space<hbm>>) target(%arg12 : memref<128x128xf32, #tpu.memory_space<vmem>>) offsets(%dma_start3A_126 : memref<128xi32, #tpu.memory_space<vmem>>) semaphore(%arg16 : memref<!tpu.dma_semaphore, #tpu.memory_space<semaphore_mem>>)
        } else {
        }
        %dma_wait3A_105 = arith.constant 0 : i32
        %dma_wait3A_106 = tpu.memref_slice %arg9[%dma_wait3A_105] : memref<2048xi32, #tpu.memory_space<vmem>> -> memref<128xi32, #tpu.memory_space<vmem>>
        %dma_wait3A_107 = arith.constant 0 : i32
        %dma_wait3A_108 = arith.constant 0 : i32
        %dma_wait3A_109 = tpu.memref_slice %arg2[%dma_wait3A_107, %dma_wait3A_108] : memref<10000x128xf32, #tpu.memory_space<hbm>> -> memref<10000x128xf32, #tpu.memory_space<hbm>>
        tpu.wait_indirect_dma semaphore(%arg17 : memref<!tpu.dma_semaphore, #tpu.memory_space<semaphore_mem>>) src(%dma_wait3A_109 : memref<10000x128xf32, #tpu.memory_space<hbm>>) dst(%arg13 : memref<128x128xf32, #tpu.memory_space<vmem>>)
        %scan3A_110 = arith.constant 0 : i32
        %scan3A_111 = arith.constant 0 : i32
        %scan3A_112 = arith.constant 8 : i32
        %scan3A_113 = arith.addi %scan3A_111, %scan3A_112 : i32
        %scan3A_114 = arith.constant 1 : i32
        scf.for %scan3A_122 = %scan3A_111 to %scan3A_113 step %scan3A_114  : i32 {
          %mul3A_123 = arith.constant 128 : i32
          %mul3A_124 = arith.muli %add3A_65, %mul3A_123 : i32
          %mul3A_125 = arith.constant 16 : i32
          %mul3A_126 = arith.muli %scan3A_122, %mul3A_125 : i32
          %add3A_127 = arith.addi %mul3A_124, %mul3A_126 : i32
          %get3A_128 = arith.index_cast %add3A_127 : i32 to index
          %get3A_129 = tpu.vector_load %arg11[%get3A_128] {strides = array<i32>} : memref<2048xf32, #tpu.memory_space<vmem>>, vector<16xf32>,
          %get3A_130 = vector.shape_cast %get3A_129 : vector<16xf32> to vector<16xf32>
        }
        %scan3A_115 = arith.constant 8 : i32
        %dma_start3A_116 = arith.constant 0 : i32
        %dma_start3A_117 = tpu.memref_slice %arg10[%add3A_65, %dma_start3A_116] : memref<16x128xi32, #tpu.memory_space<vmem>> -> memref<1x128xi32, #tpu.memory_space<vmem>>
        %dma_start3A_118 = tpu.memref_squeeze %dma_start3A_117 : memref<1x128xi32, #tpu.memory_space<vmem>> -> memref<128xi32, #tpu.memory_space<vmem>>
        %dma_start3A_119 = arith.constant 0 : i32
        %dma_start3A_120 = arith.constant 0 : i32
        %dma_start3A_121 = tpu.memref_slice %arg15[%dma_start3A_119, %dma_start3A_120] : memref<10008x128xf32, #tpu.memory_space<vmem_shared>> -> memref<10008x128xf32, #tpu.memory_space<vmem_shared>>
        tpu.enqueue_indirect_dma source(%arg13 : memref<128x128xf32, #tpu.memory_space<vmem>>) target(%dma_start3A_121 : memref<10008x128xf32, #tpu.memory_space<vmem_shared>>) offsets(%dma_start3A_118 : memref<128xi32, #tpu.memory_space<vmem>>) semaphore(%arg19 : memref<!tpu.dma_semaphore, #tpu.memory_space<semaphore_mem>>) {add = true}
      }
      %scan3A_54 = arith.constant 8 : i32
      %dma_wait3A = arith.constant 0 : i32
      %dma_wait3A_55 = arith.constant 0 : i32
      %dma_wait3A_56 = tpu.memref_slice %arg10[%dma_wait3A, %dma_wait3A_55] : memref<16x128xi32, #tpu.memory_space<vmem>> -> memref<1x128xi32, #tpu.memory_space<vmem>>
      %dma_wait3A_57 = tpu.memref_squeeze %dma_wait3A_56 : memref<1x128xi32, #tpu.memory_space<vmem>> -> memref<128xi32, #tpu.memory_space<vmem>>
      %dma_wait3A_58 = arith.constant 0 : i32
      %dma_wait3A_59 = arith.constant 0 : i32
      %dma_wait3A_60 = tpu.memref_slice %arg15[%dma_wait3A_58, %dma_wait3A_59] : memref<10008x128xf32, #tpu.memory_space<vmem_shared>> -> memref<10008x128xf32, #tpu.memory_space<vmem_shared>>
      tpu.wait_indirect_dma semaphore(%arg19 : memref<!tpu.dma_semaphore, #tpu.memory_space<semaphore_mem>>) src(%arg13 : memref<128x128xf32, #tpu.memory_space<vmem>>) dst(%dma_wait3A_60 : memref<10008x128xf32, #tpu.memory_space<vmem_shared>>)
    }
    %scan3A_27 = arith.constant 10 : i32
    %barrier3A_28 = arith.constant 0 : index
    tpu.barrier barrier_id(%barrier3A_28)
    %lt3A_29 = arith.constant 15 : i32
    %lt3A_30 = arith.cmpi slt, %arg1, %lt3A_29 : i32
    %convert_element_type3A_31 = arith.extui %lt3A_30 : i1 to i32
    %cond3A_32 = arith.constant 0 : i32
    %cond3A_33 = arith.cmpi ne, %convert_element_type3A_31, %cond3A_32 : i32
    scf.if %cond3A_33 {
      %mul3A = arith.constant 624 : i32
      %mul3A_39 = arith.muli %arg1, %mul3A : i32
      %mul3A_40 = arith.constant 624 : i32
      %mul3A_41 = arith.muli %arg1, %mul3A_40 : i32
      "tpu.region"() ({
        %run_scoped3A = tpu.sem_alloc : memref<!tpu.dma_semaphore, #tpu.memory_space<semaphore_mem>>
        %dma_start3A = arith.constant 0 : i32
        %dma_start3A_42 = tpu.memref_slice %arg8[%mul3A_41, %dma_start3A] : memref<10000x128xf32, #tpu.memory_space<hbm>> -> memref<624x128xf32, #tpu.memory_space<hbm>>
        %dma_start3A_43 = arith.constant 0 : i32
        %dma_start3A_44 = tpu.memref_slice %arg15[%mul3A_39, %dma_start3A_43] : memref<10008x128xf32, #tpu.memory_space<vmem_shared>> -> memref<624x128xf32, #tpu.memory_space<vmem_shared>>
        tpu.enqueue_dma source(%dma_start3A_44 : memref<624x128xf32, #tpu.memory_space<vmem_shared>>) target(%dma_start3A_42 : memref<624x128xf32, #tpu.memory_space<hbm>>) target_semaphore(%run_scoped3A : memref<!tpu.dma_semaphore, #tpu.memory_space<semaphore_mem>>)
        %dma_wait3A = arith.constant 0 : i32
        %dma_wait3A_45 = tpu.memref_slice %arg8[%mul3A_41, %dma_wait3A] : memref<10000x128xf32, #tpu.memory_space<hbm>> -> memref<624x128xf32, #tpu.memory_space<hbm>>
        %dma_wait3A_46 = arith.constant 0 : i32
        %dma_wait3A_47 = tpu.memref_slice %arg15[%mul3A_39, %dma_wait3A_46] : memref<10008x128xf32, #tpu.memory_space<vmem_shared>> -> memref<624x128xf32, #tpu.memory_space<vmem_shared>>
        tpu.wait_dma2 semaphore(%run_scoped3A : memref<!tpu.dma_semaphore, #tpu.memory_space<semaphore_mem>>) src(%dma_wait3A_47 : memref<624x128xf32, #tpu.memory_space<vmem_shared>>) dst(%dma_wait3A_45 : memref<624x128xf32, #tpu.memory_space<hbm>>)
        tpu.yield
      }) : () -> ()
    } else {
    }
    %eq3A_34 = arith.constant 15 : i32
    %eq3A_35 = arith.cmpi eq, %arg1, %eq3A_34 : i32
    %convert_element_type3A_36 = arith.extui %eq3A_35 : i1 to i32
    %cond3A_37 = arith.constant 0 : i32
    %cond3A_38 = arith.cmpi ne, %convert_element_type3A_36, %cond3A_37 : i32
    scf.if %cond3A_38 {
      "tpu.region"() ({
        %run_scoped3A = tpu.sem_alloc : memref<!tpu.dma_semaphore, #tpu.memory_space<semaphore_mem>>
        %dma_start3A = arith.constant 9360 : i32
        %dma_start3A_39 = arith.constant 0 : i32
        %dma_start3A_40 = tpu.memref_slice %arg8[%dma_start3A, %dma_start3A_39] : memref<10000x128xf32, #tpu.memory_space<hbm>> -> memref<640x128xf32, #tpu.memory_space<hbm>>
        %dma_start3A_41 = arith.constant 9360 : i32
        %dma_start3A_42 = arith.constant 0 : i32
        %dma_start3A_43 = tpu.memref_slice %arg15[%dma_start3A_41, %dma_start3A_42] : memref<10008x128xf32, #tpu.memory_space<vmem_shared>> -> memref<640x128xf32, #tpu.memory_space<vmem_shared>>
        tpu.enqueue_dma source(%dma_start3A_43 : memref<640x128xf32, #tpu.memory_space<vmem_shared>>) target(%dma_start3A_40 : memref<640x128xf32, #tpu.memory_space<hbm>>) target_semaphore(%run_scoped3A : memref<!tpu.dma_semaphore, #tpu.memory_space<semaphore_mem>>)
        %dma_wait3A = arith.constant 9360 : i32
        %dma_wait3A_44 = arith.constant 0 : i32
        %dma_wait3A_45 = tpu.memref_slice %arg8[%dma_wait3A, %dma_wait3A_44] : memref<10000x128xf32, #tpu.memory_space<hbm>> -> memref<640x128xf32, #tpu.memory_space<hbm>>
        %dma_wait3A_46 = arith.constant 9360 : i32
        %dma_wait3A_47 = arith.constant 0 : i32
        %dma_wait3A_48 = tpu.memref_slice %arg15[%dma_wait3A_46, %dma_wait3A_47] : memref<10008x128xf32, #tpu.memory_space<vmem_shared>> -> memref<640x128xf32, #tpu.memory_space<vmem_shared>>
        tpu.wait_dma2 semaphore(%run_scoped3A : memref<!tpu.dma_semaphore, #tpu.memory_space<semaphore_mem>>) src(%dma_wait3A_48 : memref<640x128xf32, #tpu.memory_space<vmem_shared>>) dst(%dma_wait3A_45 : memref<640x128xf32, #tpu.memory_space<hbm>>)
        tpu.yield
      }) : () -> ()
    } else {
    }
    return
  }
}

#map = affine_map<(d0, d1) -> (0, 0)>
#map1 = affine_map<(d0, d1) -> (0)>
#map2 = affine_map<(d0, d1) -> (0, 0, 0)>
module attributes {stable_mosaic.version = 14 : i64} {
  func.func @_edge_sc(%arg0: i32, %arg1: i32, %arg2: memref<10000x128xf32, #tpu.memory_space<hbm>>, %arg3: memref<10000x128xf32, #tpu.memory_space<hbm>>, %arg4: memref<327680xi32, #tpu.memory_space<hbm>>, %arg5: memref<16x160x128xi32, #tpu.memory_space<hbm>>, %arg6: memref<327680xf32, #tpu.memory_space<hbm>>, %arg7: memref<96xf32, #tpu.memory_space<hbm>>, %arg8: memref<10000x128xf32, #tpu.memory_space<hbm>>, %arg9: memref<2048xi32, #tpu.memory_space<vmem>>, %arg10: memref<16x128xi32, #tpu.memory_space<vmem>>, %arg11: memref<2048xf32, #tpu.memory_space<vmem>>, %arg12: memref<128x128xf32, #tpu.memory_space<vmem>>, %arg13: memref<128x128xf32, #tpu.memory_space<vmem>>, %arg14: memref<96xf32, #tpu.memory_space<vmem>>, %arg15: memref<10008x128xf32, #tpu.memory_space<vmem_shared>>, %arg16: memref<!tpu.dma_semaphore, #tpu.memory_space<semaphore_mem>>, %arg17: memref<!tpu.dma_semaphore, #tpu.memory_space<semaphore_mem>>, %arg18: memref<!tpu.dma_semaphore, #tpu.memory_space<semaphore_mem>>, %arg19: memref<!tpu.dma_semaphore, #tpu.memory_space<semaphore_mem>>) attributes {dimension_semantics = [#tpu.dimension_semantics<core_parallel>, #tpu.dimension_semantics<subcore_parallel>], iteration_bounds = array<i64: 1, 16>, scalar_prefetch = 0 : i64, scratch_operands = 11 : i64, tpu.core_type = #tpu.core_type<sc_vector_subcore>, window_params = [{transform_indices = #map}, {transform_indices = #map}, {transform_indices = #map1}, {transform_indices = #map2}, {transform_indices = #map1}, {transform_indices = #map1}, {transform_indices = #map}]} {
    %lt3A = arith.constant 15 : i32
    %lt3A_0 = arith.cmpi slt, %arg1, %lt3A : i32
    %convert_element_type3A = arith.extui %lt3A_0 : i1 to i32
    %cond3A = arith.constant 0 : i32
    %cond3A_1 = arith.cmpi ne, %convert_element_type3A, %cond3A : i32
    scf.if %cond3A_1 {
      %mul3A = arith.constant 624 : i32
      %mul3A_39 = arith.muli %arg1, %mul3A : i32
      %mul3A_40 = arith.constant 624 : i32
      %mul3A_41 = arith.muli %arg1, %mul3A_40 : i32
      "tpu.region"() ({
        %run_scoped3A = tpu.sem_alloc : memref<!tpu.dma_semaphore, #tpu.memory_space<semaphore_mem>>
        %dma_start3A = arith.constant 0 : i32
        %dma_start3A_42 = tpu.memref_slice %arg15[%mul3A_41, %dma_start3A] : memref<10008x128xf32, #tpu.memory_space<vmem_shared>> -> memref<624x128xf32, #tpu.memory_space<vmem_shared>>
        %dma_start3A_43 = arith.constant 0 : i32
        %dma_start3A_44 = tpu.memref_slice %arg3[%mul3A_39, %dma_start3A_43] : memref<10000x128xf32, #tpu.memory_space<hbm>> -> memref<624x128xf32, #tpu.memory_space<hbm>>
        tpu.enqueue_dma source(%dma_start3A_44 : memref<624x128xf32, #tpu.memory_space<hbm>>) target(%dma_start3A_42 : memref<624x128xf32, #tpu.memory_space<vmem_shared>>) target_semaphore(%run_scoped3A : memref<!tpu.dma_semaphore, #tpu.memory_space<semaphore_mem>>)
        %dma_wait3A = arith.constant 0 : i32
        %dma_wait3A_45 = tpu.memref_slice %arg15[%mul3A_41, %dma_wait3A] : memref<10008x128xf32, #tpu.memory_space<vmem_shared>> -> memref<624x128xf32, #tpu.memory_space<vmem_shared>>
        %dma_wait3A_46 = arith.constant 0 : i32
        %dma_wait3A_47 = tpu.memref_slice %arg3[%mul3A_39, %dma_wait3A_46] : memref<10000x128xf32, #tpu.memory_space<hbm>> -> memref<624x128xf32, #tpu.memory_space<hbm>>
        tpu.wait_dma2 semaphore(%run_scoped3A : memref<!tpu.dma_semaphore, #tpu.memory_space<semaphore_mem>>) src(%dma_wait3A_47 : memref<624x128xf32, #tpu.memory_space<hbm>>) dst(%dma_wait3A_45 : memref<624x128xf32, #tpu.memory_space<vmem_shared>>)
        tpu.yield
      }) : () -> ()
    } else {
    }
    %eq3A = arith.constant 15 : i32
    %eq3A_2 = arith.cmpi eq, %arg1, %eq3A : i32
    %convert_element_type3A_3 = arith.extui %eq3A_2 : i1 to i32
    %cond3A_4 = arith.constant 0 : i32
    %cond3A_5 = arith.cmpi ne, %convert_element_type3A_3, %cond3A_4 : i32
    scf.if %cond3A_5 {
      "tpu.region"() ({
        %run_scoped3A = tpu.sem_alloc : memref<!tpu.dma_semaphore, #tpu.memory_space<semaphore_mem>>
        %dma_start3A = arith.constant 9360 : i32
        %dma_start3A_39 = arith.constant 0 : i32
        %dma_start3A_40 = tpu.memref_slice %arg15[%dma_start3A, %dma_start3A_39] : memref<10008x128xf32, #tpu.memory_space<vmem_shared>> -> memref<640x128xf32, #tpu.memory_space<vmem_shared>>
        %dma_start3A_41 = arith.constant 9360 : i32
        %dma_start3A_42 = arith.constant 0 : i32
        %dma_start3A_43 = tpu.memref_slice %arg3[%dma_start3A_41, %dma_start3A_42] : memref<10000x128xf32, #tpu.memory_space<hbm>> -> memref<640x128xf32, #tpu.memory_space<hbm>>
        tpu.enqueue_dma source(%dma_start3A_43 : memref<640x128xf32, #tpu.memory_space<hbm>>) target(%dma_start3A_40 : memref<640x128xf32, #tpu.memory_space<vmem_shared>>) target_semaphore(%run_scoped3A : memref<!tpu.dma_semaphore, #tpu.memory_space<semaphore_mem>>)
        %dma_wait3A = arith.constant 9360 : i32
        %dma_wait3A_44 = arith.constant 0 : i32
        %dma_wait3A_45 = tpu.memref_slice %arg15[%dma_wait3A, %dma_wait3A_44] : memref<10008x128xf32, #tpu.memory_space<vmem_shared>> -> memref<640x128xf32, #tpu.memory_space<vmem_shared>>
        %dma_wait3A_46 = arith.constant 9360 : i32
        %dma_wait3A_47 = arith.constant 0 : i32
        %dma_wait3A_48 = tpu.memref_slice %arg3[%dma_wait3A_46, %dma_wait3A_47] : memref<10000x128xf32, #tpu.memory_space<hbm>> -> memref<640x128xf32, #tpu.memory_space<hbm>>
        tpu.wait_dma2 semaphore(%run_scoped3A : memref<!tpu.dma_semaphore, #tpu.memory_space<semaphore_mem>>) src(%dma_wait3A_48 : memref<640x128xf32, #tpu.memory_space<hbm>>) dst(%dma_wait3A_45 : memref<640x128xf32, #tpu.memory_space<vmem_shared>>)
        tpu.yield
      }) : () -> ()
    } else {
    }
    "tpu.region"() ({
      %run_scoped3A = tpu.sem_alloc : memref<!tpu.dma_semaphore, #tpu.memory_space<semaphore_mem>>
      tpu.enqueue_dma source(%arg7 : memref<96xf32, #tpu.memory_space<hbm>>) target(%arg14 : memref<96xf32, #tpu.memory_space<vmem>>) target_semaphore(%run_scoped3A : memref<!tpu.dma_semaphore, #tpu.memory_space<semaphore_mem>>)
      tpu.wait_dma2 semaphore(%run_scoped3A : memref<!tpu.dma_semaphore, #tpu.memory_space<semaphore_mem>>) src(%arg7 : memref<96xf32, #tpu.memory_space<hbm>>) dst(%arg14 : memref<96xf32, #tpu.memory_space<vmem>>)
      tpu.yield
    }) : () -> ()
    %barrier3A = arith.constant 0 : index
    tpu.barrier barrier_id(%barrier3A)
    %get3A = arith.constant 0 : index
    %get3A_6 = tpu.vector_load %arg14[%get3A] {strides = array<i32>} : memref<96xf32, #tpu.memory_space<vmem>>, vector<16xf32>,
    %get3A_7 = vector.shape_cast %get3A_6 : vector<16xf32> to vector<16xf32>
    %get3A_8 = arith.constant 16 : index
    %get3A_9 = tpu.vector_load %arg14[%get3A_8] {strides = array<i32>} : memref<96xf32, #tpu.memory_space<vmem>>, vector<16xf32>,
    %get3A_10 = vector.shape_cast %get3A_9 : vector<16xf32> to vector<16xf32>
    %get3A_11 = arith.constant 32 : index
    %get3A_12 = tpu.vector_load %arg14[%get3A_11] {strides = array<i32>} : memref<96xf32, #tpu.memory_space<vmem>>, vector<16xf32>,
    %get3A_13 = vector.shape_cast %get3A_12 : vector<16xf32> to vector<16xf32>
    %get3A_14 = arith.constant 48 : index
    %get3A_15 = tpu.vector_load %arg14[%get3A_14] {strides = array<i32>} : memref<96xf32, #tpu.memory_space<vmem>>, vector<16xf32>,
    %get3A_16 = vector.shape_cast %get3A_15 : vector<16xf32> to vector<16xf32>
    %get3A_17 = arith.constant 64 : index
    %get3A_18 = tpu.vector_load %arg14[%get3A_17] {strides = array<i32>} : memref<96xf32, #tpu.memory_space<vmem>>, vector<16xf32>,
    %get3A_19 = vector.shape_cast %get3A_18 : vector<16xf32> to vector<16xf32>
    %get3A_20 = arith.constant 80 : index
    %get3A_21 = tpu.vector_load %arg14[%get3A_20] {strides = array<i32>} : memref<96xf32, #tpu.memory_space<vmem>>, vector<16xf32>,
    %get3A_22 = vector.shape_cast %get3A_21 : vector<16xf32> to vector<16xf32>
    %scan3A = arith.constant 0 : i32
    %scan3A_23 = arith.constant 0 : i32
    %scan3A_24 = arith.constant 10 : i32
    %scan3A_25 = arith.addi %scan3A_23, %scan3A_24 : i32
    %scan3A_26 = arith.constant 1 : i32
    scf.for %scan3A_39 = %scan3A_23 to %scan3A_25 step %scan3A_26  : i32 {
      %mul3A = arith.constant 20480 : i32
      %mul3A_40 = arith.muli %arg1, %mul3A : i32
      %mul3A_41 = arith.constant 2048 : i32
      %mul3A_42 = arith.muli %scan3A_39, %mul3A_41 : i32
      %add3A = arith.addi %mul3A_40, %mul3A_42 : i32
      "tpu.region"() ({
        %run_scoped3A = tpu.sem_alloc : memref<!tpu.dma_semaphore, #tpu.memory_space<semaphore_mem>>
        %dma_start3A_61 = tpu.memref_slice %arg4[%add3A] : memref<327680xi32, #tpu.memory_space<hbm>> -> memref<2048xi32, #tpu.memory_space<hbm>>
        %dma_start3A_62 = tpu.memref_slice %arg4[%add3A] : memref<327680xi32, #tpu.memory_space<hbm>> -> memref<2048xi32, #tpu.memory_space<hbm>>
        tpu.enqueue_dma source(%dma_start3A_62 : memref<2048xi32, #tpu.memory_space<hbm>>) target(%arg9 : memref<2048xi32, #tpu.memory_space<vmem>>) target_semaphore(%run_scoped3A : memref<!tpu.dma_semaphore, #tpu.memory_space<semaphore_mem>>)
        %dma_wait3A_63 = tpu.memref_slice %arg4[%add3A] : memref<327680xi32, #tpu.memory_space<hbm>> -> memref<2048xi32, #tpu.memory_space<hbm>>
        %dma_wait3A_64 = tpu.memref_slice %arg4[%add3A] : memref<327680xi32, #tpu.memory_space<hbm>> -> memref<2048xi32, #tpu.memory_space<hbm>>
        tpu.wait_dma2 semaphore(%run_scoped3A : memref<!tpu.dma_semaphore, #tpu.memory_space<semaphore_mem>>) src(%dma_wait3A_64 : memref<2048xi32, #tpu.memory_space<hbm>>) dst(%arg9 : memref<2048xi32, #tpu.memory_space<vmem>>)
        tpu.yield
      }) : () -> ()
      "tpu.region"() ({
        %run_scoped3A = tpu.sem_alloc : memref<!tpu.dma_semaphore, #tpu.memory_space<semaphore_mem>>
        %dma_start3A_61 = tpu.memref_slice %arg6[%add3A] : memref<327680xf32, #tpu.memory_space<hbm>> -> memref<2048xf32, #tpu.memory_space<hbm>>
        %dma_start3A_62 = tpu.memref_slice %arg6[%add3A] : memref<327680xf32, #tpu.memory_space<hbm>> -> memref<2048xf32, #tpu.memory_space<hbm>>
        tpu.enqueue_dma source(%dma_start3A_62 : memref<2048xf32, #tpu.memory_space<hbm>>) target(%arg11 : memref<2048xf32, #tpu.memory_space<vmem>>) target_semaphore(%run_scoped3A : memref<!tpu.dma_semaphore, #tpu.memory_space<semaphore_mem>>)
        %dma_wait3A_63 = tpu.memref_slice %arg6[%add3A] : memref<327680xf32, #tpu.memory_space<hbm>> -> memref<2048xf32, #tpu.memory_space<hbm>>
        %dma_wait3A_64 = tpu.memref_slice %arg6[%add3A] : memref<327680xf32, #tpu.memory_space<hbm>> -> memref<2048xf32, #tpu.memory_space<hbm>>
        tpu.wait_dma2 semaphore(%run_scoped3A : memref<!tpu.dma_semaphore, #tpu.memory_space<semaphore_mem>>) src(%dma_wait3A_64 : memref<2048xf32, #tpu.memory_space<hbm>>) dst(%arg11 : memref<2048xf32, #tpu.memory_space<vmem>>)
        tpu.yield
      }) : () -> ()
      %mul3A_43 = arith.constant 16 : i32
      %mul3A_44 = arith.muli %scan3A_39, %mul3A_43 : i32
      "tpu.region"() ({
        %run_scoped3A = tpu.sem_alloc : memref<!tpu.dma_semaphore, #tpu.memory_space<semaphore_mem>>
        %dma_start3A_61 = arith.constant 0 : i32
        %dma_start3A_62 = arith.constant 0 : i32
        %dma_start3A_63 = tpu.memref_slice %arg5[%arg1, %dma_start3A_61, %dma_start3A_62] : memref<16x160x128xi32, #tpu.memory_space<hbm>> -> memref<1x160x128xi32, #tpu.memory_space<hbm>>
        %dma_start3A_64 = tpu.memref_squeeze %dma_start3A_63 : memref<1x160x128xi32, #tpu.memory_space<hbm>> -> memref<160x128xi32, #tpu.memory_space<hbm>>
        %dma_start3A_65 = arith.constant 0 : i32
        %dma_start3A_66 = tpu.memref_slice %dma_start3A_64[%mul3A_44, %dma_start3A_65] : memref<160x128xi32, #tpu.memory_space<hbm>> -> memref<16x128xi32, #tpu.memory_space<hbm>>
        %dma_start3A_67 = arith.constant 0 : i32
        %dma_start3A_68 = arith.constant 0 : i32
        %dma_start3A_69 = tpu.memref_slice %arg5[%arg1, %dma_start3A_67, %dma_start3A_68] : memref<16x160x128xi32, #tpu.memory_space<hbm>> -> memref<1x160x128xi32, #tpu.memory_space<hbm>>
        %dma_start3A_70 = tpu.memref_squeeze %dma_start3A_69 : memref<1x160x128xi32, #tpu.memory_space<hbm>> -> memref<160x128xi32, #tpu.memory_space<hbm>>
        %dma_start3A_71 = arith.constant 0 : i32
        %dma_start3A_72 = tpu.memref_slice %dma_start3A_70[%mul3A_44, %dma_start3A_71] : memref<160x128xi32, #tpu.memory_space<hbm>> -> memref<16x128xi32, #tpu.memory_space<hbm>>
        tpu.enqueue_dma source(%dma_start3A_72 : memref<16x128xi32, #tpu.memory_space<hbm>>) target(%arg10 : memref<16x128xi32, #tpu.memory_space<vmem>>) target_semaphore(%run_scoped3A : memref<!tpu.dma_semaphore, #tpu.memory_space<semaphore_mem>>)
        %dma_wait3A_73 = arith.constant 0 : i32
        %dma_wait3A_74 = arith.constant 0 : i32
        %dma_wait3A_75 = tpu.memref_slice %arg5[%arg1, %dma_wait3A_73, %dma_wait3A_74] : memref<16x160x128xi32, #tpu.memory_space<hbm>> -> memref<1x160x128xi32, #tpu.memory_space<hbm>>
        %dma_wait3A_76 = tpu.memref_squeeze %dma_wait3A_75 : memref<1x160x128xi32, #tpu.memory_space<hbm>> -> memref<160x128xi32, #tpu.memory_space<hbm>>
        %dma_wait3A_77 = arith.constant 0 : i32
        %dma_wait3A_78 = tpu.memref_slice %dma_wait3A_76[%mul3A_44, %dma_wait3A_77] : memref<160x128xi32, #tpu.memory_space<hbm>> -> memref<16x128xi32, #tpu.memory_space<hbm>>
        %dma_wait3A_79 = arith.constant 0 : i32
        %dma_wait3A_80 = arith.constant 0 : i32
        %dma_wait3A_81 = tpu.memref_slice %arg5[%arg1, %dma_wait3A_79, %dma_wait3A_80] : memref<16x160x128xi32, #tpu.memory_space<hbm>> -> memref<1x160x128xi32, #tpu.memory_space<hbm>>
        %dma_wait3A_82 = tpu.memref_squeeze %dma_wait3A_81 : memref<1x160x128xi32, #tpu.memory_space<hbm>> -> memref<160x128xi32, #tpu.memory_space<hbm>>
        %dma_wait3A_83 = arith.constant 0 : i32
        %dma_wait3A_84 = tpu.memref_slice %dma_wait3A_82[%mul3A_44, %dma_wait3A_83] : memref<160x128xi32, #tpu.memory_space<hbm>> -> memref<16x128xi32, #tpu.memory_space<hbm>>
        tpu.wait_dma2 semaphore(%run_scoped3A : memref<!tpu.dma_semaphore, #tpu.memory_space<semaphore_mem>>) src(%dma_wait3A_84 : memref<16x128xi32, #tpu.memory_space<hbm>>) dst(%arg10 : memref<16x128xi32, #tpu.memory_space<vmem>>)
        tpu.yield
      }) : () -> ()
      %dma_start3A = arith.constant 0 : i32
      %dma_start3A_45 = tpu.memref_slice %arg9[%dma_start3A] : memref<2048xi32, #tpu.memory_space<vmem>> -> memref<128xi32, #tpu.memory_space<vmem>>
      %dma_start3A_46 = arith.constant 0 : i32
      %dma_start3A_47 = arith.constant 0 : i32
      %dma_start3A_48 = tpu.memref_slice %arg2[%dma_start3A_46, %dma_start3A_47] : memref<10000x128xf32, #tpu.memory_space<hbm>> -> memref<10000x128xf32, #tpu.memory_space<hbm>>
      tpu.enqueue_indirect_dma source(%dma_start3A_48 : memref<10000x128xf32, #tpu.memory_space<hbm>>) target(%arg12 : memref<128x128xf32, #tpu.memory_space<vmem>>) offsets(%dma_start3A_45 : memref<128xi32, #tpu.memory_space<vmem>>) semaphore(%arg16 : memref<!tpu.dma_semaphore, #tpu.memory_space<semaphore_mem>>)
      %scan3A_49 = arith.constant 0 : i32
      %scan3A_50 = arith.constant 0 : i32
      %scan3A_51 = arith.constant 8 : i32
      %scan3A_52 = arith.addi %scan3A_50, %scan3A_51 : i32
      %scan3A_53 = arith.constant 1 : i32
      scf.for %scan3A_61 = %scan3A_50 to %scan3A_52 step %scan3A_53  : i32 {
        %mul3A_62 = arith.constant 2 : i32
        %mul3A_63 = arith.muli %mul3A_62, %scan3A_61 : i32
        %add3A_64 = arith.constant 1 : i32
        %add3A_65 = arith.addi %mul3A_63, %add3A_64 : i32
        %gt3A = arith.constant 0 : i32
        %gt3A_66 = arith.cmpi sgt, %scan3A_61, %gt3A : i32
        %convert_element_type3A_67 = arith.extui %gt3A_66 : i1 to i32
        %cond3A_68 = arith.constant 0 : i32
        %cond3A_69 = arith.cmpi ne, %convert_element_type3A_67, %cond3A_68 : i32
        scf.if %cond3A_69 {
          %dma_wait3A_122 = arith.constant 0 : i32
          %dma_wait3A_123 = arith.constant 0 : i32
          %dma_wait3A_124 = tpu.memref_slice %arg10[%dma_wait3A_122, %dma_wait3A_123] : memref<16x128xi32, #tpu.memory_space<vmem>> -> memref<1x128xi32, #tpu.memory_space<vmem>>
          %dma_wait3A_125 = tpu.memref_squeeze %dma_wait3A_124 : memref<1x128xi32, #tpu.memory_space<vmem>> -> memref<128xi32, #tpu.memory_space<vmem>>
          %dma_wait3A_126 = arith.constant 0 : i32
          %dma_wait3A_127 = arith.constant 0 : i32
          %dma_wait3A_128 = tpu.memref_slice %arg15[%dma_wait3A_126, %dma_wait3A_127] : memref<10008x128xf32, #tpu.memory_space<vmem_shared>> -> memref<10008x128xf32, #tpu.memory_space<vmem_shared>>
          tpu.wait_indirect_dma semaphore(%arg19 : memref<!tpu.dma_semaphore, #tpu.memory_space<semaphore_mem>>) src(%arg13 : memref<128x128xf32, #tpu.memory_space<vmem>>) dst(%dma_wait3A_128 : memref<10008x128xf32, #tpu.memory_space<vmem_shared>>)
        } else {
        }
        %mul3A_70 = arith.constant 128 : i32
        %mul3A_71 = arith.muli %add3A_65, %mul3A_70 : i32
        %dma_start3A_72 = tpu.memref_slice %arg9[%mul3A_71] : memref<2048xi32, #tpu.memory_space<vmem>> -> memref<128xi32, #tpu.memory_space<vmem>>
        %dma_start3A_73 = arith.constant 0 : i32
        %dma_start3A_74 = arith.constant 0 : i32
        %dma_start3A_75 = tpu.memref_slice %arg2[%dma_start3A_73, %dma_start3A_74] : memref<10000x128xf32, #tpu.memory_space<hbm>> -> memref<10000x128xf32, #tpu.memory_space<hbm>>
        tpu.enqueue_indirect_dma source(%dma_start3A_75 : memref<10000x128xf32, #tpu.memory_space<hbm>>) target(%arg13 : memref<128x128xf32, #tpu.memory_space<vmem>>) offsets(%dma_start3A_72 : memref<128xi32, #tpu.memory_space<vmem>>) semaphore(%arg17 : memref<!tpu.dma_semaphore, #tpu.memory_space<semaphore_mem>>)
        %dma_wait3A_76 = arith.constant 0 : i32
        %dma_wait3A_77 = tpu.memref_slice %arg9[%dma_wait3A_76] : memref<2048xi32, #tpu.memory_space<vmem>> -> memref<128xi32, #tpu.memory_space<vmem>>
        %dma_wait3A_78 = arith.constant 0 : i32
        %dma_wait3A_79 = arith.constant 0 : i32
        %dma_wait3A_80 = tpu.memref_slice %arg2[%dma_wait3A_78, %dma_wait3A_79] : memref<10000x128xf32, #tpu.memory_space<hbm>> -> memref<10000x128xf32, #tpu.memory_space<hbm>>
        tpu.wait_indirect_dma semaphore(%arg16 : memref<!tpu.dma_semaphore, #tpu.memory_space<semaphore_mem>>) src(%dma_wait3A_80 : memref<10000x128xf32, #tpu.memory_space<hbm>>) dst(%arg12 : memref<128x128xf32, #tpu.memory_space<vmem>>)
        %scan3A_81 = arith.constant 0 : i32
        %scan3A_82 = arith.constant 0 : i32
        %scan3A_83 = arith.constant 8 : i32
        %scan3A_84 = arith.addi %scan3A_82, %scan3A_83 : i32
        %scan3A_85 = arith.constant 1 : i32
        scf.for %scan3A_122 = %scan3A_82 to %scan3A_84 step %scan3A_85  : i32 {
          %mul3A_123 = arith.constant 128 : i32
          %mul3A_124 = arith.muli %mul3A_63, %mul3A_123 : i32
          %mul3A_125 = arith.constant 16 : i32
          %mul3A_126 = arith.muli %scan3A_122, %mul3A_125 : i32
          %add3A_127 = arith.addi %mul3A_124, %mul3A_126 : i32
          %get3A_128 = arith.index_cast %add3A_127 : i32 to index
          %get3A_129 = tpu.vector_load %arg11[%get3A_128] {strides = array<i32>} : memref<2048xf32, #tpu.memory_space<vmem>>, vector<16xf32>,
          %get3A_130 = vector.shape_cast %get3A_129 : vector<16xf32> to vector<16xf32>
        }
        %scan3A_86 = arith.constant 8 : i32
        %dma_start3A_87 = arith.constant 0 : i32
        %dma_start3A_88 = tpu.memref_slice %arg10[%mul3A_63, %dma_start3A_87] : memref<16x128xi32, #tpu.memory_space<vmem>> -> memref<1x128xi32, #tpu.memory_space<vmem>>
        %dma_start3A_89 = tpu.memref_squeeze %dma_start3A_88 : memref<1x128xi32, #tpu.memory_space<vmem>> -> memref<128xi32, #tpu.memory_space<vmem>>
        %dma_start3A_90 = arith.constant 0 : i32
        %dma_start3A_91 = arith.constant 0 : i32
        %dma_start3A_92 = tpu.memref_slice %arg15[%dma_start3A_90, %dma_start3A_91] : memref<10008x128xf32, #tpu.memory_space<vmem_shared>> -> memref<10008x128xf32, #tpu.memory_space<vmem_shared>>
        tpu.enqueue_indirect_dma source(%arg12 : memref<128x128xf32, #tpu.memory_space<vmem>>) target(%dma_start3A_92 : memref<10008x128xf32, #tpu.memory_space<vmem_shared>>) offsets(%dma_start3A_89 : memref<128xi32, #tpu.memory_space<vmem>>) semaphore(%arg18 : memref<!tpu.dma_semaphore, #tpu.memory_space<semaphore_mem>>) {add = true}
        %dma_wait3A_93 = arith.constant 0 : i32
        %dma_wait3A_94 = arith.constant 0 : i32
        %dma_wait3A_95 = tpu.memref_slice %arg10[%dma_wait3A_93, %dma_wait3A_94] : memref<16x128xi32, #tpu.memory_space<vmem>> -> memref<1x128xi32, #tpu.memory_space<vmem>>
        %dma_wait3A_96 = tpu.memref_squeeze %dma_wait3A_95 : memref<1x128xi32, #tpu.memory_space<vmem>> -> memref<128xi32, #tpu.memory_space<vmem>>
        %dma_wait3A_97 = arith.constant 0 : i32
        %dma_wait3A_98 = arith.constant 0 : i32
        %dma_wait3A_99 = tpu.memref_slice %arg15[%dma_wait3A_97, %dma_wait3A_98] : memref<10008x128xf32, #tpu.memory_space<vmem_shared>> -> memref<10008x128xf32, #tpu.memory_space<vmem_shared>>
        tpu.wait_indirect_dma semaphore(%arg18 : memref<!tpu.dma_semaphore, #tpu.memory_space<semaphore_mem>>) src(%arg12 : memref<128x128xf32, #tpu.memory_space<vmem>>) dst(%dma_wait3A_99 : memref<10008x128xf32, #tpu.memory_space<vmem_shared>>)
        %lt3A_100 = arith.constant 7 : i32
        %lt3A_101 = arith.cmpi slt, %scan3A_61, %lt3A_100 : i32
        %convert_element_type3A_102 = arith.extui %lt3A_101 : i1 to i32
        %cond3A_103 = arith.constant 0 : i32
        %cond3A_104 = arith.cmpi ne, %convert_element_type3A_102, %cond3A_103 : i32
        scf.if %cond3A_104 {
          %add3A_122 = arith.constant 2 : i32
          %add3A_123 = arith.addi %mul3A_63, %add3A_122 : i32
          %mul3A_124 = arith.constant 128 : i32
          %mul3A_125 = arith.muli %add3A_123, %mul3A_124 : i32
          %dma_start3A_126 = tpu.memref_slice %arg9[%mul3A_125] : memref<2048xi32, #tpu.memory_space<vmem>> -> memref<128xi32, #tpu.memory_space<vmem>>
          %dma_start3A_127 = arith.constant 0 : i32
          %dma_start3A_128 = arith.constant 0 : i32
          %dma_start3A_129 = tpu.memref_slice %arg2[%dma_start3A_127, %dma_start3A_128] : memref<10000x128xf32, #tpu.memory_space<hbm>> -> memref<10000x128xf32, #tpu.memory_space<hbm>>
          tpu.enqueue_indirect_dma source(%dma_start3A_129 : memref<10000x128xf32, #tpu.memory_space<hbm>>) target(%arg12 : memref<128x128xf32, #tpu.memory_space<vmem>>) offsets(%dma_start3A_126 : memref<128xi32, #tpu.memory_space<vmem>>) semaphore(%arg16 : memref<!tpu.dma_semaphore, #tpu.memory_space<semaphore_mem>>)
        } else {
        }
        %dma_wait3A_105 = arith.constant 0 : i32
        %dma_wait3A_106 = tpu.memref_slice %arg9[%dma_wait3A_105] : memref<2048xi32, #tpu.memory_space<vmem>> -> memref<128xi32, #tpu.memory_space<vmem>>
        %dma_wait3A_107 = arith.constant 0 : i32
        %dma_wait3A_108 = arith.constant 0 : i32
        %dma_wait3A_109 = tpu.memref_slice %arg2[%dma_wait3A_107, %dma_wait3A_108] : memref<10000x128xf32, #tpu.memory_space<hbm>> -> memref<10000x128xf32, #tpu.memory_space<hbm>>
        tpu.wait_indirect_dma semaphore(%arg17 : memref<!tpu.dma_semaphore, #tpu.memory_space<semaphore_mem>>) src(%dma_wait3A_109 : memref<10000x128xf32, #tpu.memory_space<hbm>>) dst(%arg13 : memref<128x128xf32, #tpu.memory_space<vmem>>)
        %scan3A_110 = arith.constant 0 : i32
        %scan3A_111 = arith.constant 0 : i32
        %scan3A_112 = arith.constant 8 : i32
        %scan3A_113 = arith.addi %scan3A_111, %scan3A_112 : i32
        %scan3A_114 = arith.constant 1 : i32
        scf.for %scan3A_122 = %scan3A_111 to %scan3A_113 step %scan3A_114  : i32 {
          %mul3A_123 = arith.constant 128 : i32
          %mul3A_124 = arith.muli %add3A_65, %mul3A_123 : i32
          %mul3A_125 = arith.constant 16 : i32
          %mul3A_126 = arith.muli %scan3A_122, %mul3A_125 : i32
          %add3A_127 = arith.addi %mul3A_124, %mul3A_126 : i32
          %get3A_128 = arith.index_cast %add3A_127 : i32 to index
          %get3A_129 = tpu.vector_load %arg11[%get3A_128] {strides = array<i32>} : memref<2048xf32, #tpu.memory_space<vmem>>, vector<16xf32>,
          %get3A_130 = vector.shape_cast %get3A_129 : vector<16xf32> to vector<16xf32>
        }
        %scan3A_115 = arith.constant 8 : i32
        %dma_start3A_116 = arith.constant 0 : i32
        %dma_start3A_117 = tpu.memref_slice %arg10[%add3A_65, %dma_start3A_116] : memref<16x128xi32, #tpu.memory_space<vmem>> -> memref<1x128xi32, #tpu.memory_space<vmem>>
        %dma_start3A_118 = tpu.memref_squeeze %dma_start3A_117 : memref<1x128xi32, #tpu.memory_space<vmem>> -> memref<128xi32, #tpu.memory_space<vmem>>
        %dma_start3A_119 = arith.constant 0 : i32
        %dma_start3A_120 = arith.constant 0 : i32
        %dma_start3A_121 = tpu.memref_slice %arg15[%dma_start3A_119, %dma_start3A_120] : memref<10008x128xf32, #tpu.memory_space<vmem_shared>> -> memref<10008x128xf32, #tpu.memory_space<vmem_shared>>
        tpu.enqueue_indirect_dma source(%arg13 : memref<128x128xf32, #tpu.memory_space<vmem>>) target(%dma_start3A_121 : memref<10008x128xf32, #tpu.memory_space<vmem_shared>>) offsets(%dma_start3A_118 : memref<128xi32, #tpu.memory_space<vmem>>) semaphore(%arg19 : memref<!tpu.dma_semaphore, #tpu.memory_space<semaphore_mem>>) {add = true}
      }
      %scan3A_54 = arith.constant 8 : i32
      %dma_wait3A = arith.constant 0 : i32
      %dma_wait3A_55 = arith.constant 0 : i32
      %dma_wait3A_56 = tpu.memref_slice %arg10[%dma_wait3A, %dma_wait3A_55] : memref<16x128xi32, #tpu.memory_space<vmem>> -> memref<1x128xi32, #tpu.memory_space<vmem>>
      %dma_wait3A_57 = tpu.memref_squeeze %dma_wait3A_56 : memref<1x128xi32, #tpu.memory_space<vmem>> -> memref<128xi32, #tpu.memory_space<vmem>>
      %dma_wait3A_58 = arith.constant 0 : i32
      %dma_wait3A_59 = arith.constant 0 : i32
      %dma_wait3A_60 = tpu.memref_slice %arg15[%dma_wait3A_58, %dma_wait3A_59] : memref<10008x128xf32, #tpu.memory_space<vmem_shared>> -> memref<10008x128xf32, #tpu.memory_space<vmem_shared>>
      tpu.wait_indirect_dma semaphore(%arg19 : memref<!tpu.dma_semaphore, #tpu.memory_space<semaphore_mem>>) src(%arg13 : memref<128x128xf32, #tpu.memory_space<vmem>>) dst(%dma_wait3A_60 : memref<10008x128xf32, #tpu.memory_space<vmem_shared>>)
    }
    %scan3A_27 = arith.constant 10 : i32
    %barrier3A_28 = arith.constant 0 : index
    tpu.barrier barrier_id(%barrier3A_28)
    %lt3A_29 = arith.constant 15 : i32
    %lt3A_30 = arith.cmpi slt, %arg1, %lt3A_29 : i32
    %convert_element_type3A_31 = arith.extui %lt3A_30 : i1 to i32
    %cond3A_32 = arith.constant 0 : i32
    %cond3A_33 = arith.cmpi ne, %convert_element_type3A_31, %cond3A_32 : i32
    scf.if %cond3A_33 {
      %mul3A = arith.constant 624 : i32
      %mul3A_39 = arith.muli %arg1, %mul3A : i32
      %mul3A_40 = arith.constant 624 : i32
      %mul3A_41 = arith.muli %arg1, %mul3A_40 : i32
      "tpu.region"() ({
        %run_scoped3A = tpu.sem_alloc : memref<!tpu.dma_semaphore, #tpu.memory_space<semaphore_mem>>
        %dma_start3A = arith.constant 0 : i32
        %dma_start3A_42 = tpu.memref_slice %arg8[%mul3A_41, %dma_start3A] : memref<10000x128xf32, #tpu.memory_space<hbm>> -> memref<624x128xf32, #tpu.memory_space<hbm>>
        %dma_start3A_43 = arith.constant 0 : i32
        %dma_start3A_44 = tpu.memref_slice %arg15[%mul3A_39, %dma_start3A_43] : memref<10008x128xf32, #tpu.memory_space<vmem_shared>> -> memref<624x128xf32, #tpu.memory_space<vmem_shared>>
        tpu.enqueue_dma source(%dma_start3A_44 : memref<624x128xf32, #tpu.memory_space<vmem_shared>>) target(%dma_start3A_42 : memref<624x128xf32, #tpu.memory_space<hbm>>) target_semaphore(%run_scoped3A : memref<!tpu.dma_semaphore, #tpu.memory_space<semaphore_mem>>)
        %dma_wait3A = arith.constant 0 : i32
        %dma_wait3A_45 = tpu.memref_slice %arg8[%mul3A_41, %dma_wait3A] : memref<10000x128xf32, #tpu.memory_space<hbm>> -> memref<624x128xf32, #tpu.memory_space<hbm>>
        %dma_wait3A_46 = arith.constant 0 : i32
        %dma_wait3A_47 = tpu.memref_slice %arg15[%mul3A_39, %dma_wait3A_46] : memref<10008x128xf32, #tpu.memory_space<vmem_shared>> -> memref<624x128xf32, #tpu.memory_space<vmem_shared>>
        tpu.wait_dma2 semaphore(%run_scoped3A : memref<!tpu.dma_semaphore, #tpu.memory_space<semaphore_mem>>) src(%dma_wait3A_47 : memref<624x128xf32, #tpu.memory_space<vmem_shared>>) dst(%dma_wait3A_45 : memref<624x128xf32, #tpu.memory_space<hbm>>)
        tpu.yield
      }) : () -> ()
    } else {
    }
    %eq3A_34 = arith.constant 15 : i32
    %eq3A_35 = arith.cmpi eq, %arg1, %eq3A_34 : i32
    %convert_element_type3A_36 = arith.extui %eq3A_35 : i1 to i32
    %cond3A_37 = arith.constant 0 : i32
    %cond3A_38 = arith.cmpi ne, %convert_element_type3A_36, %cond3A_37 : i32
    scf.if %cond3A_38 {
      "tpu.region"() ({
        %run_scoped3A = tpu.sem_alloc : memref<!tpu.dma_semaphore, #tpu.memory_space<semaphore_mem>>
        %dma_start3A = arith.constant 9360 : i32
        %dma_start3A_39 = arith.constant 0 : i32
        %dma_start3A_40 = tpu.memref_slice %arg8[%dma_start3A, %dma_start3A_39] : memref<10000x128xf32, #tpu.memory_space<hbm>> -> memref<640x128xf32, #tpu.memory_space<hbm>>
        %dma_start3A_41 = arith.constant 9360 : i32
        %dma_start3A_42 = arith.constant 0 : i32
        %dma_start3A_43 = tpu.memref_slice %arg15[%dma_start3A_41, %dma_start3A_42] : memref<10008x128xf32, #tpu.memory_space<vmem_shared>> -> memref<640x128xf32, #tpu.memory_space<vmem_shared>>
        tpu.enqueue_dma source(%dma_start3A_43 : memref<640x128xf32, #tpu.memory_space<vmem_shared>>) target(%dma_start3A_40 : memref<640x128xf32, #tpu.memory_space<hbm>>) target_semaphore(%run_scoped3A : memref<!tpu.dma_semaphore, #tpu.memory_space<semaphore_mem>>)
        %dma_wait3A = arith.constant 9360 : i32
        %dma_wait3A_44 = arith.constant 0 : i32
        %dma_wait3A_45 = tpu.memref_slice %arg8[%dma_wait3A, %dma_wait3A_44] : memref<10000x128xf32, #tpu.memory_space<hbm>> -> memref<640x128xf32, #tpu.memory_space<hbm>>
        %dma_wait3A_46 = arith.constant 9360 : i32
        %dma_wait3A_47 = arith.constant 0 : i32
        %dma_wait3A_48 = tpu.memref_slice %arg15[%dma_wait3A_46, %dma_wait3A_47] : memref<10008x128xf32, #tpu.memory_space<vmem_shared>> -> memref<640x128xf32, #tpu.memory_space<vmem_shared>>
        tpu.wait_dma2 semaphore(%run_scoped3A : memref<!tpu.dma_semaphore, #tpu.memory_space<semaphore_mem>>) src(%dma_wait3A_48 : memref<640x128xf32, #tpu.memory_space<vmem_shared>>) dst(%dma_wait3A_45 : memref<640x128xf32, #tpu.memory_space<hbm>>)
        tpu.yield
      }) : () -> ()
    } else {
    }
    return
  }
}

#map = affine_map<(d0, d1) -> (0, 0)>
#map1 = affine_map<(d0, d1) -> (0)>
#map2 = affine_map<(d0, d1) -> (0, 0, 0)>
module attributes {stable_mosaic.version = 14 : i64} {
  func.func @_edge_sc(%arg0: i32, %arg1: i32, %arg2: memref<10000x128xf32, #tpu.memory_space<hbm>>, %arg3: memref<10000x128xf32, #tpu.memory_space<hbm>>, %arg4: memref<327680xi32, #tpu.memory_space<hbm>>, %arg5: memref<16x160x128xi32, #tpu.memory_space<hbm>>, %arg6: memref<327680xf32, #tpu.memory_space<hbm>>, %arg7: memref<96xf32, #tpu.memory_space<hbm>>, %arg8: memref<10000x128xf32, #tpu.memory_space<hbm>>, %arg9: memref<2048xi32, #tpu.memory_space<vmem>>, %arg10: memref<16x128xi32, #tpu.memory_space<vmem>>, %arg11: memref<2048xf32, #tpu.memory_space<vmem>>, %arg12: memref<128x128xf32, #tpu.memory_space<vmem>>, %arg13: memref<128x128xf32, #tpu.memory_space<vmem>>, %arg14: memref<96xf32, #tpu.memory_space<vmem>>, %arg15: memref<10008x128xf32, #tpu.memory_space<vmem_shared>>, %arg16: memref<!tpu.dma_semaphore, #tpu.memory_space<semaphore_mem>>, %arg17: memref<!tpu.dma_semaphore, #tpu.memory_space<semaphore_mem>>, %arg18: memref<!tpu.dma_semaphore, #tpu.memory_space<semaphore_mem>>, %arg19: memref<!tpu.dma_semaphore, #tpu.memory_space<semaphore_mem>>) attributes {dimension_semantics = [#tpu.dimension_semantics<core_parallel>, #tpu.dimension_semantics<subcore_parallel>], iteration_bounds = array<i64: 1, 16>, scalar_prefetch = 0 : i64, scratch_operands = 11 : i64, tpu.core_type = #tpu.core_type<sc_vector_subcore>, window_params = [{transform_indices = #map}, {transform_indices = #map}, {transform_indices = #map1}, {transform_indices = #map2}, {transform_indices = #map1}, {transform_indices = #map1}, {transform_indices = #map}]} {
    %lt3A = arith.constant 15 : i32
    %lt3A_0 = arith.cmpi slt, %arg1, %lt3A : i32
    %convert_element_type3A = arith.extui %lt3A_0 : i1 to i32
    %cond3A = arith.constant 0 : i32
    %cond3A_1 = arith.cmpi ne, %convert_element_type3A, %cond3A : i32
    scf.if %cond3A_1 {
      %mul3A = arith.constant 624 : i32
      %mul3A_39 = arith.muli %arg1, %mul3A : i32
      %mul3A_40 = arith.constant 624 : i32
      %mul3A_41 = arith.muli %arg1, %mul3A_40 : i32
      "tpu.region"() ({
        %run_scoped3A = tpu.sem_alloc : memref<!tpu.dma_semaphore, #tpu.memory_space<semaphore_mem>>
        %dma_start3A = arith.constant 0 : i32
        %dma_start3A_42 = tpu.memref_slice %arg15[%mul3A_41, %dma_start3A] : memref<10008x128xf32, #tpu.memory_space<vmem_shared>> -> memref<624x128xf32, #tpu.memory_space<vmem_shared>>
        %dma_start3A_43 = arith.constant 0 : i32
        %dma_start3A_44 = tpu.memref_slice %arg3[%mul3A_39, %dma_start3A_43] : memref<10000x128xf32, #tpu.memory_space<hbm>> -> memref<624x128xf32, #tpu.memory_space<hbm>>
        tpu.enqueue_dma source(%dma_start3A_44 : memref<624x128xf32, #tpu.memory_space<hbm>>) target(%dma_start3A_42 : memref<624x128xf32, #tpu.memory_space<vmem_shared>>) target_semaphore(%run_scoped3A : memref<!tpu.dma_semaphore, #tpu.memory_space<semaphore_mem>>)
        %dma_wait3A = arith.constant 0 : i32
        %dma_wait3A_45 = tpu.memref_slice %arg15[%mul3A_41, %dma_wait3A] : memref<10008x128xf32, #tpu.memory_space<vmem_shared>> -> memref<624x128xf32, #tpu.memory_space<vmem_shared>>
        %dma_wait3A_46 = arith.constant 0 : i32
        %dma_wait3A_47 = tpu.memref_slice %arg3[%mul3A_39, %dma_wait3A_46] : memref<10000x128xf32, #tpu.memory_space<hbm>> -> memref<624x128xf32, #tpu.memory_space<hbm>>
        tpu.wait_dma2 semaphore(%run_scoped3A : memref<!tpu.dma_semaphore, #tpu.memory_space<semaphore_mem>>) src(%dma_wait3A_47 : memref<624x128xf32, #tpu.memory_space<hbm>>) dst(%dma_wait3A_45 : memref<624x128xf32, #tpu.memory_space<vmem_shared>>)
        tpu.yield
      }) : () -> ()
    } else {
    }
    %eq3A = arith.constant 15 : i32
    %eq3A_2 = arith.cmpi eq, %arg1, %eq3A : i32
    %convert_element_type3A_3 = arith.extui %eq3A_2 : i1 to i32
    %cond3A_4 = arith.constant 0 : i32
    %cond3A_5 = arith.cmpi ne, %convert_element_type3A_3, %cond3A_4 : i32
    scf.if %cond3A_5 {
      "tpu.region"() ({
        %run_scoped3A = tpu.sem_alloc : memref<!tpu.dma_semaphore, #tpu.memory_space<semaphore_mem>>
        %dma_start3A = arith.constant 9360 : i32
        %dma_start3A_39 = arith.constant 0 : i32
        %dma_start3A_40 = tpu.memref_slice %arg15[%dma_start3A, %dma_start3A_39] : memref<10008x128xf32, #tpu.memory_space<vmem_shared>> -> memref<640x128xf32, #tpu.memory_space<vmem_shared>>
        %dma_start3A_41 = arith.constant 9360 : i32
        %dma_start3A_42 = arith.constant 0 : i32
        %dma_start3A_43 = tpu.memref_slice %arg3[%dma_start3A_41, %dma_start3A_42] : memref<10000x128xf32, #tpu.memory_space<hbm>> -> memref<640x128xf32, #tpu.memory_space<hbm>>
        tpu.enqueue_dma source(%dma_start3A_43 : memref<640x128xf32, #tpu.memory_space<hbm>>) target(%dma_start3A_40 : memref<640x128xf32, #tpu.memory_space<vmem_shared>>) target_semaphore(%run_scoped3A : memref<!tpu.dma_semaphore, #tpu.memory_space<semaphore_mem>>)
        %dma_wait3A = arith.constant 9360 : i32
        %dma_wait3A_44 = arith.constant 0 : i32
        %dma_wait3A_45 = tpu.memref_slice %arg15[%dma_wait3A, %dma_wait3A_44] : memref<10008x128xf32, #tpu.memory_space<vmem_shared>> -> memref<640x128xf32, #tpu.memory_space<vmem_shared>>
        %dma_wait3A_46 = arith.constant 9360 : i32
        %dma_wait3A_47 = arith.constant 0 : i32
        %dma_wait3A_48 = tpu.memref_slice %arg3[%dma_wait3A_46, %dma_wait3A_47] : memref<10000x128xf32, #tpu.memory_space<hbm>> -> memref<640x128xf32, #tpu.memory_space<hbm>>
        tpu.wait_dma2 semaphore(%run_scoped3A : memref<!tpu.dma_semaphore, #tpu.memory_space<semaphore_mem>>) src(%dma_wait3A_48 : memref<640x128xf32, #tpu.memory_space<hbm>>) dst(%dma_wait3A_45 : memref<640x128xf32, #tpu.memory_space<vmem_shared>>)
        tpu.yield
      }) : () -> ()
    } else {
    }
    "tpu.region"() ({
      %run_scoped3A = tpu.sem_alloc : memref<!tpu.dma_semaphore, #tpu.memory_space<semaphore_mem>>
      tpu.enqueue_dma source(%arg7 : memref<96xf32, #tpu.memory_space<hbm>>) target(%arg14 : memref<96xf32, #tpu.memory_space<vmem>>) target_semaphore(%run_scoped3A : memref<!tpu.dma_semaphore, #tpu.memory_space<semaphore_mem>>)
      tpu.wait_dma2 semaphore(%run_scoped3A : memref<!tpu.dma_semaphore, #tpu.memory_space<semaphore_mem>>) src(%arg7 : memref<96xf32, #tpu.memory_space<hbm>>) dst(%arg14 : memref<96xf32, #tpu.memory_space<vmem>>)
      tpu.yield
    }) : () -> ()
    %barrier3A = arith.constant 0 : index
    tpu.barrier barrier_id(%barrier3A)
    %get3A = arith.constant 0 : index
    %get3A_6 = tpu.vector_load %arg14[%get3A] {strides = array<i32>} : memref<96xf32, #tpu.memory_space<vmem>>, vector<16xf32>,
    %get3A_7 = vector.shape_cast %get3A_6 : vector<16xf32> to vector<16xf32>
    %get3A_8 = arith.constant 16 : index
    %get3A_9 = tpu.vector_load %arg14[%get3A_8] {strides = array<i32>} : memref<96xf32, #tpu.memory_space<vmem>>, vector<16xf32>,
    %get3A_10 = vector.shape_cast %get3A_9 : vector<16xf32> to vector<16xf32>
    %get3A_11 = arith.constant 32 : index
    %get3A_12 = tpu.vector_load %arg14[%get3A_11] {strides = array<i32>} : memref<96xf32, #tpu.memory_space<vmem>>, vector<16xf32>,
    %get3A_13 = vector.shape_cast %get3A_12 : vector<16xf32> to vector<16xf32>
    %get3A_14 = arith.constant 48 : index
    %get3A_15 = tpu.vector_load %arg14[%get3A_14] {strides = array<i32>} : memref<96xf32, #tpu.memory_space<vmem>>, vector<16xf32>,
    %get3A_16 = vector.shape_cast %get3A_15 : vector<16xf32> to vector<16xf32>
    %get3A_17 = arith.constant 64 : index
    %get3A_18 = tpu.vector_load %arg14[%get3A_17] {strides = array<i32>} : memref<96xf32, #tpu.memory_space<vmem>>, vector<16xf32>,
    %get3A_19 = vector.shape_cast %get3A_18 : vector<16xf32> to vector<16xf32>
    %get3A_20 = arith.constant 80 : index
    %get3A_21 = tpu.vector_load %arg14[%get3A_20] {strides = array<i32>} : memref<96xf32, #tpu.memory_space<vmem>>, vector<16xf32>,
    %get3A_22 = vector.shape_cast %get3A_21 : vector<16xf32> to vector<16xf32>
    %scan3A = arith.constant 0 : i32
    %scan3A_23 = arith.constant 0 : i32
    %scan3A_24 = arith.constant 10 : i32
    %scan3A_25 = arith.addi %scan3A_23, %scan3A_24 : i32
    %scan3A_26 = arith.constant 1 : i32
    scf.for %scan3A_39 = %scan3A_23 to %scan3A_25 step %scan3A_26  : i32 {
      %mul3A = arith.constant 20480 : i32
      %mul3A_40 = arith.muli %arg1, %mul3A : i32
      %mul3A_41 = arith.constant 2048 : i32
      %mul3A_42 = arith.muli %scan3A_39, %mul3A_41 : i32
      %add3A = arith.addi %mul3A_40, %mul3A_42 : i32
      "tpu.region"() ({
        %run_scoped3A = tpu.sem_alloc : memref<!tpu.dma_semaphore, #tpu.memory_space<semaphore_mem>>
        %dma_start3A_61 = tpu.memref_slice %arg4[%add3A] : memref<327680xi32, #tpu.memory_space<hbm>> -> memref<2048xi32, #tpu.memory_space<hbm>>
        %dma_start3A_62 = tpu.memref_slice %arg4[%add3A] : memref<327680xi32, #tpu.memory_space<hbm>> -> memref<2048xi32, #tpu.memory_space<hbm>>
        tpu.enqueue_dma source(%dma_start3A_62 : memref<2048xi32, #tpu.memory_space<hbm>>) target(%arg9 : memref<2048xi32, #tpu.memory_space<vmem>>) target_semaphore(%run_scoped3A : memref<!tpu.dma_semaphore, #tpu.memory_space<semaphore_mem>>)
        %dma_wait3A_63 = tpu.memref_slice %arg4[%add3A] : memref<327680xi32, #tpu.memory_space<hbm>> -> memref<2048xi32, #tpu.memory_space<hbm>>
        %dma_wait3A_64 = tpu.memref_slice %arg4[%add3A] : memref<327680xi32, #tpu.memory_space<hbm>> -> memref<2048xi32, #tpu.memory_space<hbm>>
        tpu.wait_dma2 semaphore(%run_scoped3A : memref<!tpu.dma_semaphore, #tpu.memory_space<semaphore_mem>>) src(%dma_wait3A_64 : memref<2048xi32, #tpu.memory_space<hbm>>) dst(%arg9 : memref<2048xi32, #tpu.memory_space<vmem>>)
        tpu.yield
      }) : () -> ()
      "tpu.region"() ({
        %run_scoped3A = tpu.sem_alloc : memref<!tpu.dma_semaphore, #tpu.memory_space<semaphore_mem>>
        %dma_start3A_61 = tpu.memref_slice %arg6[%add3A] : memref<327680xf32, #tpu.memory_space<hbm>> -> memref<2048xf32, #tpu.memory_space<hbm>>
        %dma_start3A_62 = tpu.memref_slice %arg6[%add3A] : memref<327680xf32, #tpu.memory_space<hbm>> -> memref<2048xf32, #tpu.memory_space<hbm>>
        tpu.enqueue_dma source(%dma_start3A_62 : memref<2048xf32, #tpu.memory_space<hbm>>) target(%arg11 : memref<2048xf32, #tpu.memory_space<vmem>>) target_semaphore(%run_scoped3A : memref<!tpu.dma_semaphore, #tpu.memory_space<semaphore_mem>>)
        %dma_wait3A_63 = tpu.memref_slice %arg6[%add3A] : memref<327680xf32, #tpu.memory_space<hbm>> -> memref<2048xf32, #tpu.memory_space<hbm>>
        %dma_wait3A_64 = tpu.memref_slice %arg6[%add3A] : memref<327680xf32, #tpu.memory_space<hbm>> -> memref<2048xf32, #tpu.memory_space<hbm>>
        tpu.wait_dma2 semaphore(%run_scoped3A : memref<!tpu.dma_semaphore, #tpu.memory_space<semaphore_mem>>) src(%dma_wait3A_64 : memref<2048xf32, #tpu.memory_space<hbm>>) dst(%arg11 : memref<2048xf32, #tpu.memory_space<vmem>>)
        tpu.yield
      }) : () -> ()
      %mul3A_43 = arith.constant 16 : i32
      %mul3A_44 = arith.muli %scan3A_39, %mul3A_43 : i32
      "tpu.region"() ({
        %run_scoped3A = tpu.sem_alloc : memref<!tpu.dma_semaphore, #tpu.memory_space<semaphore_mem>>
        %dma_start3A_61 = arith.constant 0 : i32
        %dma_start3A_62 = arith.constant 0 : i32
        %dma_start3A_63 = tpu.memref_slice %arg5[%arg1, %dma_start3A_61, %dma_start3A_62] : memref<16x160x128xi32, #tpu.memory_space<hbm>> -> memref<1x160x128xi32, #tpu.memory_space<hbm>>
        %dma_start3A_64 = tpu.memref_squeeze %dma_start3A_63 : memref<1x160x128xi32, #tpu.memory_space<hbm>> -> memref<160x128xi32, #tpu.memory_space<hbm>>
        %dma_start3A_65 = arith.constant 0 : i32
        %dma_start3A_66 = tpu.memref_slice %dma_start3A_64[%mul3A_44, %dma_start3A_65] : memref<160x128xi32, #tpu.memory_space<hbm>> -> memref<16x128xi32, #tpu.memory_space<hbm>>
        %dma_start3A_67 = arith.constant 0 : i32
        %dma_start3A_68 = arith.constant 0 : i32
        %dma_start3A_69 = tpu.memref_slice %arg5[%arg1, %dma_start3A_67, %dma_start3A_68] : memref<16x160x128xi32, #tpu.memory_space<hbm>> -> memref<1x160x128xi32, #tpu.memory_space<hbm>>
        %dma_start3A_70 = tpu.memref_squeeze %dma_start3A_69 : memref<1x160x128xi32, #tpu.memory_space<hbm>> -> memref<160x128xi32, #tpu.memory_space<hbm>>
        %dma_start3A_71 = arith.constant 0 : i32
        %dma_start3A_72 = tpu.memref_slice %dma_start3A_70[%mul3A_44, %dma_start3A_71] : memref<160x128xi32, #tpu.memory_space<hbm>> -> memref<16x128xi32, #tpu.memory_space<hbm>>
        tpu.enqueue_dma source(%dma_start3A_72 : memref<16x128xi32, #tpu.memory_space<hbm>>) target(%arg10 : memref<16x128xi32, #tpu.memory_space<vmem>>) target_semaphore(%run_scoped3A : memref<!tpu.dma_semaphore, #tpu.memory_space<semaphore_mem>>)
        %dma_wait3A_73 = arith.constant 0 : i32
        %dma_wait3A_74 = arith.constant 0 : i32
        %dma_wait3A_75 = tpu.memref_slice %arg5[%arg1, %dma_wait3A_73, %dma_wait3A_74] : memref<16x160x128xi32, #tpu.memory_space<hbm>> -> memref<1x160x128xi32, #tpu.memory_space<hbm>>
        %dma_wait3A_76 = tpu.memref_squeeze %dma_wait3A_75 : memref<1x160x128xi32, #tpu.memory_space<hbm>> -> memref<160x128xi32, #tpu.memory_space<hbm>>
        %dma_wait3A_77 = arith.constant 0 : i32
        %dma_wait3A_78 = tpu.memref_slice %dma_wait3A_76[%mul3A_44, %dma_wait3A_77] : memref<160x128xi32, #tpu.memory_space<hbm>> -> memref<16x128xi32, #tpu.memory_space<hbm>>
        %dma_wait3A_79 = arith.constant 0 : i32
        %dma_wait3A_80 = arith.constant 0 : i32
        %dma_wait3A_81 = tpu.memref_slice %arg5[%arg1, %dma_wait3A_79, %dma_wait3A_80] : memref<16x160x128xi32, #tpu.memory_space<hbm>> -> memref<1x160x128xi32, #tpu.memory_space<hbm>>
        %dma_wait3A_82 = tpu.memref_squeeze %dma_wait3A_81 : memref<1x160x128xi32, #tpu.memory_space<hbm>> -> memref<160x128xi32, #tpu.memory_space<hbm>>
        %dma_wait3A_83 = arith.constant 0 : i32
        %dma_wait3A_84 = tpu.memref_slice %dma_wait3A_82[%mul3A_44, %dma_wait3A_83] : memref<160x128xi32, #tpu.memory_space<hbm>> -> memref<16x128xi32, #tpu.memory_space<hbm>>
        tpu.wait_dma2 semaphore(%run_scoped3A : memref<!tpu.dma_semaphore, #tpu.memory_space<semaphore_mem>>) src(%dma_wait3A_84 : memref<16x128xi32, #tpu.memory_space<hbm>>) dst(%arg10 : memref<16x128xi32, #tpu.memory_space<vmem>>)
        tpu.yield
      }) : () -> ()
      %dma_start3A = arith.constant 0 : i32
      %dma_start3A_45 = tpu.memref_slice %arg9[%dma_start3A] : memref<2048xi32, #tpu.memory_space<vmem>> -> memref<128xi32, #tpu.memory_space<vmem>>
      %dma_start3A_46 = arith.constant 0 : i32
      %dma_start3A_47 = arith.constant 0 : i32
      %dma_start3A_48 = tpu.memref_slice %arg2[%dma_start3A_46, %dma_start3A_47] : memref<10000x128xf32, #tpu.memory_space<hbm>> -> memref<10000x128xf32, #tpu.memory_space<hbm>>
      tpu.enqueue_indirect_dma source(%dma_start3A_48 : memref<10000x128xf32, #tpu.memory_space<hbm>>) target(%arg12 : memref<128x128xf32, #tpu.memory_space<vmem>>) offsets(%dma_start3A_45 : memref<128xi32, #tpu.memory_space<vmem>>) semaphore(%arg16 : memref<!tpu.dma_semaphore, #tpu.memory_space<semaphore_mem>>)
      %scan3A_49 = arith.constant 0 : i32
      %scan3A_50 = arith.constant 0 : i32
      %scan3A_51 = arith.constant 8 : i32
      %scan3A_52 = arith.addi %scan3A_50, %scan3A_51 : i32
      %scan3A_53 = arith.constant 1 : i32
      scf.for %scan3A_61 = %scan3A_50 to %scan3A_52 step %scan3A_53  : i32 {
        %mul3A_62 = arith.constant 2 : i32
        %mul3A_63 = arith.muli %mul3A_62, %scan3A_61 : i32
        %add3A_64 = arith.constant 1 : i32
        %add3A_65 = arith.addi %mul3A_63, %add3A_64 : i32
        %gt3A = arith.constant 0 : i32
        %gt3A_66 = arith.cmpi sgt, %scan3A_61, %gt3A : i32
        %convert_element_type3A_67 = arith.extui %gt3A_66 : i1 to i32
        %cond3A_68 = arith.constant 0 : i32
        %cond3A_69 = arith.cmpi ne, %convert_element_type3A_67, %cond3A_68 : i32
        scf.if %cond3A_69 {
          %dma_wait3A_122 = arith.constant 0 : i32
          %dma_wait3A_123 = arith.constant 0 : i32
          %dma_wait3A_124 = tpu.memref_slice %arg10[%dma_wait3A_122, %dma_wait3A_123] : memref<16x128xi32, #tpu.memory_space<vmem>> -> memref<1x128xi32, #tpu.memory_space<vmem>>
          %dma_wait3A_125 = tpu.memref_squeeze %dma_wait3A_124 : memref<1x128xi32, #tpu.memory_space<vmem>> -> memref<128xi32, #tpu.memory_space<vmem>>
          %dma_wait3A_126 = arith.constant 0 : i32
          %dma_wait3A_127 = arith.constant 0 : i32
          %dma_wait3A_128 = tpu.memref_slice %arg15[%dma_wait3A_126, %dma_wait3A_127] : memref<10008x128xf32, #tpu.memory_space<vmem_shared>> -> memref<10008x128xf32, #tpu.memory_space<vmem_shared>>
          tpu.wait_indirect_dma semaphore(%arg19 : memref<!tpu.dma_semaphore, #tpu.memory_space<semaphore_mem>>) src(%arg13 : memref<128x128xf32, #tpu.memory_space<vmem>>) dst(%dma_wait3A_128 : memref<10008x128xf32, #tpu.memory_space<vmem_shared>>)
        } else {
        }
        %mul3A_70 = arith.constant 128 : i32
        %mul3A_71 = arith.muli %add3A_65, %mul3A_70 : i32
        %dma_start3A_72 = tpu.memref_slice %arg9[%mul3A_71] : memref<2048xi32, #tpu.memory_space<vmem>> -> memref<128xi32, #tpu.memory_space<vmem>>
        %dma_start3A_73 = arith.constant 0 : i32
        %dma_start3A_74 = arith.constant 0 : i32
        %dma_start3A_75 = tpu.memref_slice %arg2[%dma_start3A_73, %dma_start3A_74] : memref<10000x128xf32, #tpu.memory_space<hbm>> -> memref<10000x128xf32, #tpu.memory_space<hbm>>
        tpu.enqueue_indirect_dma source(%dma_start3A_75 : memref<10000x128xf32, #tpu.memory_space<hbm>>) target(%arg13 : memref<128x128xf32, #tpu.memory_space<vmem>>) offsets(%dma_start3A_72 : memref<128xi32, #tpu.memory_space<vmem>>) semaphore(%arg17 : memref<!tpu.dma_semaphore, #tpu.memory_space<semaphore_mem>>)
        %dma_wait3A_76 = arith.constant 0 : i32
        %dma_wait3A_77 = tpu.memref_slice %arg9[%dma_wait3A_76] : memref<2048xi32, #tpu.memory_space<vmem>> -> memref<128xi32, #tpu.memory_space<vmem>>
        %dma_wait3A_78 = arith.constant 0 : i32
        %dma_wait3A_79 = arith.constant 0 : i32
        %dma_wait3A_80 = tpu.memref_slice %arg2[%dma_wait3A_78, %dma_wait3A_79] : memref<10000x128xf32, #tpu.memory_space<hbm>> -> memref<10000x128xf32, #tpu.memory_space<hbm>>
        tpu.wait_indirect_dma semaphore(%arg16 : memref<!tpu.dma_semaphore, #tpu.memory_space<semaphore_mem>>) src(%dma_wait3A_80 : memref<10000x128xf32, #tpu.memory_space<hbm>>) dst(%arg12 : memref<128x128xf32, #tpu.memory_space<vmem>>)
        %scan3A_81 = arith.constant 0 : i32
        %scan3A_82 = arith.constant 0 : i32
        %scan3A_83 = arith.constant 8 : i32
        %scan3A_84 = arith.addi %scan3A_82, %scan3A_83 : i32
        %scan3A_85 = arith.constant 1 : i32
        scf.for %scan3A_122 = %scan3A_82 to %scan3A_84 step %scan3A_85  : i32 {
          %mul3A_123 = arith.constant 128 : i32
          %mul3A_124 = arith.muli %mul3A_63, %mul3A_123 : i32
          %mul3A_125 = arith.constant 16 : i32
          %mul3A_126 = arith.muli %scan3A_122, %mul3A_125 : i32
          %add3A_127 = arith.addi %mul3A_124, %mul3A_126 : i32
          %get3A_128 = arith.index_cast %add3A_127 : i32 to index
          %get3A_129 = tpu.vector_load %arg11[%get3A_128] {strides = array<i32>} : memref<2048xf32, #tpu.memory_space<vmem>>, vector<16xf32>,
          %get3A_130 = vector.shape_cast %get3A_129 : vector<16xf32> to vector<16xf32>
        }
        %scan3A_86 = arith.constant 8 : i32
        %dma_start3A_87 = arith.constant 0 : i32
        %dma_start3A_88 = tpu.memref_slice %arg10[%mul3A_63, %dma_start3A_87] : memref<16x128xi32, #tpu.memory_space<vmem>> -> memref<1x128xi32, #tpu.memory_space<vmem>>
        %dma_start3A_89 = tpu.memref_squeeze %dma_start3A_88 : memref<1x128xi32, #tpu.memory_space<vmem>> -> memref<128xi32, #tpu.memory_space<vmem>>
        %dma_start3A_90 = arith.constant 0 : i32
        %dma_start3A_91 = arith.constant 0 : i32
        %dma_start3A_92 = tpu.memref_slice %arg15[%dma_start3A_90, %dma_start3A_91] : memref<10008x128xf32, #tpu.memory_space<vmem_shared>> -> memref<10008x128xf32, #tpu.memory_space<vmem_shared>>
        tpu.enqueue_indirect_dma source(%arg12 : memref<128x128xf32, #tpu.memory_space<vmem>>) target(%dma_start3A_92 : memref<10008x128xf32, #tpu.memory_space<vmem_shared>>) offsets(%dma_start3A_89 : memref<128xi32, #tpu.memory_space<vmem>>) semaphore(%arg18 : memref<!tpu.dma_semaphore, #tpu.memory_space<semaphore_mem>>) {add = true}
        %dma_wait3A_93 = arith.constant 0 : i32
        %dma_wait3A_94 = arith.constant 0 : i32
        %dma_wait3A_95 = tpu.memref_slice %arg10[%dma_wait3A_93, %dma_wait3A_94] : memref<16x128xi32, #tpu.memory_space<vmem>> -> memref<1x128xi32, #tpu.memory_space<vmem>>
        %dma_wait3A_96 = tpu.memref_squeeze %dma_wait3A_95 : memref<1x128xi32, #tpu.memory_space<vmem>> -> memref<128xi32, #tpu.memory_space<vmem>>
        %dma_wait3A_97 = arith.constant 0 : i32
        %dma_wait3A_98 = arith.constant 0 : i32
        %dma_wait3A_99 = tpu.memref_slice %arg15[%dma_wait3A_97, %dma_wait3A_98] : memref<10008x128xf32, #tpu.memory_space<vmem_shared>> -> memref<10008x128xf32, #tpu.memory_space<vmem_shared>>
        tpu.wait_indirect_dma semaphore(%arg18 : memref<!tpu.dma_semaphore, #tpu.memory_space<semaphore_mem>>) src(%arg12 : memref<128x128xf32, #tpu.memory_space<vmem>>) dst(%dma_wait3A_99 : memref<10008x128xf32, #tpu.memory_space<vmem_shared>>)
        %lt3A_100 = arith.constant 7 : i32
        %lt3A_101 = arith.cmpi slt, %scan3A_61, %lt3A_100 : i32
        %convert_element_type3A_102 = arith.extui %lt3A_101 : i1 to i32
        %cond3A_103 = arith.constant 0 : i32
        %cond3A_104 = arith.cmpi ne, %convert_element_type3A_102, %cond3A_103 : i32
        scf.if %cond3A_104 {
          %add3A_122 = arith.constant 2 : i32
          %add3A_123 = arith.addi %mul3A_63, %add3A_122 : i32
          %mul3A_124 = arith.constant 128 : i32
          %mul3A_125 = arith.muli %add3A_123, %mul3A_124 : i32
          %dma_start3A_126 = tpu.memref_slice %arg9[%mul3A_125] : memref<2048xi32, #tpu.memory_space<vmem>> -> memref<128xi32, #tpu.memory_space<vmem>>
          %dma_start3A_127 = arith.constant 0 : i32
          %dma_start3A_128 = arith.constant 0 : i32
          %dma_start3A_129 = tpu.memref_slice %arg2[%dma_start3A_127, %dma_start3A_128] : memref<10000x128xf32, #tpu.memory_space<hbm>> -> memref<10000x128xf32, #tpu.memory_space<hbm>>
          tpu.enqueue_indirect_dma source(%dma_start3A_129 : memref<10000x128xf32, #tpu.memory_space<hbm>>) target(%arg12 : memref<128x128xf32, #tpu.memory_space<vmem>>) offsets(%dma_start3A_126 : memref<128xi32, #tpu.memory_space<vmem>>) semaphore(%arg16 : memref<!tpu.dma_semaphore, #tpu.memory_space<semaphore_mem>>)
        } else {
        }
        %dma_wait3A_105 = arith.constant 0 : i32
        %dma_wait3A_106 = tpu.memref_slice %arg9[%dma_wait3A_105] : memref<2048xi32, #tpu.memory_space<vmem>> -> memref<128xi32, #tpu.memory_space<vmem>>
        %dma_wait3A_107 = arith.constant 0 : i32
        %dma_wait3A_108 = arith.constant 0 : i32
        %dma_wait3A_109 = tpu.memref_slice %arg2[%dma_wait3A_107, %dma_wait3A_108] : memref<10000x128xf32, #tpu.memory_space<hbm>> -> memref<10000x128xf32, #tpu.memory_space<hbm>>
        tpu.wait_indirect_dma semaphore(%arg17 : memref<!tpu.dma_semaphore, #tpu.memory_space<semaphore_mem>>) src(%dma_wait3A_109 : memref<10000x128xf32, #tpu.memory_space<hbm>>) dst(%arg13 : memref<128x128xf32, #tpu.memory_space<vmem>>)
        %scan3A_110 = arith.constant 0 : i32
        %scan3A_111 = arith.constant 0 : i32
        %scan3A_112 = arith.constant 8 : i32
        %scan3A_113 = arith.addi %scan3A_111, %scan3A_112 : i32
        %scan3A_114 = arith.constant 1 : i32
        scf.for %scan3A_122 = %scan3A_111 to %scan3A_113 step %scan3A_114  : i32 {
          %mul3A_123 = arith.constant 128 : i32
          %mul3A_124 = arith.muli %add3A_65, %mul3A_123 : i32
          %mul3A_125 = arith.constant 16 : i32
          %mul3A_126 = arith.muli %scan3A_122, %mul3A_125 : i32
          %add3A_127 = arith.addi %mul3A_124, %mul3A_126 : i32
          %get3A_128 = arith.index_cast %add3A_127 : i32 to index
          %get3A_129 = tpu.vector_load %arg11[%get3A_128] {strides = array<i32>} : memref<2048xf32, #tpu.memory_space<vmem>>, vector<16xf32>,
          %get3A_130 = vector.shape_cast %get3A_129 : vector<16xf32> to vector<16xf32>
        }
        %scan3A_115 = arith.constant 8 : i32
        %dma_start3A_116 = arith.constant 0 : i32
        %dma_start3A_117 = tpu.memref_slice %arg10[%add3A_65, %dma_start3A_116] : memref<16x128xi32, #tpu.memory_space<vmem>> -> memref<1x128xi32, #tpu.memory_space<vmem>>
        %dma_start3A_118 = tpu.memref_squeeze %dma_start3A_117 : memref<1x128xi32, #tpu.memory_space<vmem>> -> memref<128xi32, #tpu.memory_space<vmem>>
        %dma_start3A_119 = arith.constant 0 : i32
        %dma_start3A_120 = arith.constant 0 : i32
        %dma_start3A_121 = tpu.memref_slice %arg15[%dma_start3A_119, %dma_start3A_120] : memref<10008x128xf32, #tpu.memory_space<vmem_shared>> -> memref<10008x128xf32, #tpu.memory_space<vmem_shared>>
        tpu.enqueue_indirect_dma source(%arg13 : memref<128x128xf32, #tpu.memory_space<vmem>>) target(%dma_start3A_121 : memref<10008x128xf32, #tpu.memory_space<vmem_shared>>) offsets(%dma_start3A_118 : memref<128xi32, #tpu.memory_space<vmem>>) semaphore(%arg19 : memref<!tpu.dma_semaphore, #tpu.memory_space<semaphore_mem>>) {add = true}
      }
      %scan3A_54 = arith.constant 8 : i32
      %dma_wait3A = arith.constant 0 : i32
      %dma_wait3A_55 = arith.constant 0 : i32
      %dma_wait3A_56 = tpu.memref_slice %arg10[%dma_wait3A, %dma_wait3A_55] : memref<16x128xi32, #tpu.memory_space<vmem>> -> memref<1x128xi32, #tpu.memory_space<vmem>>
      %dma_wait3A_57 = tpu.memref_squeeze %dma_wait3A_56 : memref<1x128xi32, #tpu.memory_space<vmem>> -> memref<128xi32, #tpu.memory_space<vmem>>
      %dma_wait3A_58 = arith.constant 0 : i32
      %dma_wait3A_59 = arith.constant 0 : i32
      %dma_wait3A_60 = tpu.memref_slice %arg15[%dma_wait3A_58, %dma_wait3A_59] : memref<10008x128xf32, #tpu.memory_space<vmem_shared>> -> memref<10008x128xf32, #tpu.memory_space<vmem_shared>>
      tpu.wait_indirect_dma semaphore(%arg19 : memref<!tpu.dma_semaphore, #tpu.memory_space<semaphore_mem>>) src(%arg13 : memref<128x128xf32, #tpu.memory_space<vmem>>) dst(%dma_wait3A_60 : memref<10008x128xf32, #tpu.memory_space<vmem_shared>>)
    }
    %scan3A_27 = arith.constant 10 : i32
    %barrier3A_28 = arith.constant 0 : index
    tpu.barrier barrier_id(%barrier3A_28)
    %lt3A_29 = arith.constant 15 : i32
    %lt3A_30 = arith.cmpi slt, %arg1, %lt3A_29 : i32
    %convert_element_type3A_31 = arith.extui %lt3A_30 : i1 to i32
    %cond3A_32 = arith.constant 0 : i32
    %cond3A_33 = arith.cmpi ne, %convert_element_type3A_31, %cond3A_32 : i32
    scf.if %cond3A_33 {
      %mul3A = arith.constant 624 : i32
      %mul3A_39 = arith.muli %arg1, %mul3A : i32
      %mul3A_40 = arith.constant 624 : i32
      %mul3A_41 = arith.muli %arg1, %mul3A_40 : i32
      "tpu.region"() ({
        %run_scoped3A = tpu.sem_alloc : memref<!tpu.dma_semaphore, #tpu.memory_space<semaphore_mem>>
        %dma_start3A = arith.constant 0 : i32
        %dma_start3A_42 = tpu.memref_slice %arg8[%mul3A_41, %dma_start3A] : memref<10000x128xf32, #tpu.memory_space<hbm>> -> memref<624x128xf32, #tpu.memory_space<hbm>>
        %dma_start3A_43 = arith.constant 0 : i32
        %dma_start3A_44 = tpu.memref_slice %arg15[%mul3A_39, %dma_start3A_43] : memref<10008x128xf32, #tpu.memory_space<vmem_shared>> -> memref<624x128xf32, #tpu.memory_space<vmem_shared>>
        tpu.enqueue_dma source(%dma_start3A_44 : memref<624x128xf32, #tpu.memory_space<vmem_shared>>) target(%dma_start3A_42 : memref<624x128xf32, #tpu.memory_space<hbm>>) target_semaphore(%run_scoped3A : memref<!tpu.dma_semaphore, #tpu.memory_space<semaphore_mem>>)
        %dma_wait3A = arith.constant 0 : i32
        %dma_wait3A_45 = tpu.memref_slice %arg8[%mul3A_41, %dma_wait3A] : memref<10000x128xf32, #tpu.memory_space<hbm>> -> memref<624x128xf32, #tpu.memory_space<hbm>>
        %dma_wait3A_46 = arith.constant 0 : i32
        %dma_wait3A_47 = tpu.memref_slice %arg15[%mul3A_39, %dma_wait3A_46] : memref<10008x128xf32, #tpu.memory_space<vmem_shared>> -> memref<624x128xf32, #tpu.memory_space<vmem_shared>>
        tpu.wait_dma2 semaphore(%run_scoped3A : memref<!tpu.dma_semaphore, #tpu.memory_space<semaphore_mem>>) src(%dma_wait3A_47 : memref<624x128xf32, #tpu.memory_space<vmem_shared>>) dst(%dma_wait3A_45 : memref<624x128xf32, #tpu.memory_space<hbm>>)
        tpu.yield
      }) : () -> ()
    } else {
    }
    %eq3A_34 = arith.constant 15 : i32
    %eq3A_35 = arith.cmpi eq, %arg1, %eq3A_34 : i32
    %convert_element_type3A_36 = arith.extui %eq3A_35 : i1 to i32
    %cond3A_37 = arith.constant 0 : i32
    %cond3A_38 = arith.cmpi ne, %convert_element_type3A_36, %cond3A_37 : i32
    scf.if %cond3A_38 {
      "tpu.region"() ({
        %run_scoped3A = tpu.sem_alloc : memref<!tpu.dma_semaphore, #tpu.memory_space<semaphore_mem>>
        %dma_start3A = arith.constant 9360 : i32
        %dma_start3A_39 = arith.constant 0 : i32
        %dma_start3A_40 = tpu.memref_slice %arg8[%dma_start3A, %dma_start3A_39] : memref<10000x128xf32, #tpu.memory_space<hbm>> -> memref<640x128xf32, #tpu.memory_space<hbm>>
        %dma_start3A_41 = arith.constant 9360 : i32
        %dma_start3A_42 = arith.constant 0 : i32
        %dma_start3A_43 = tpu.memref_slice %arg15[%dma_start3A_41, %dma_start3A_42] : memref<10008x128xf32, #tpu.memory_space<vmem_shared>> -> memref<640x128xf32, #tpu.memory_space<vmem_shared>>
        tpu.enqueue_dma source(%dma_start3A_43 : memref<640x128xf32, #tpu.memory_space<vmem_shared>>) target(%dma_start3A_40 : memref<640x128xf32, #tpu.memory_space<hbm>>) target_semaphore(%run_scoped3A : memref<!tpu.dma_semaphore, #tpu.memory_space<semaphore_mem>>)
        %dma_wait3A = arith.constant 9360 : i32
        %dma_wait3A_44 = arith.constant 0 : i32
        %dma_wait3A_45 = tpu.memref_slice %arg8[%dma_wait3A, %dma_wait3A_44] : memref<10000x128xf32, #tpu.memory_space<hbm>> -> memref<640x128xf32, #tpu.memory_space<hbm>>
        %dma_wait3A_46 = arith.constant 9360 : i32
        %dma_wait3A_47 = arith.constant 0 : i32
        %dma_wait3A_48 = tpu.memref_slice %arg15[%dma_wait3A_46, %dma_wait3A_47] : memref<10008x128xf32, #tpu.memory_space<vmem_shared>> -> memref<640x128xf32, #tpu.memory_space<vmem_shared>>
        tpu.wait_dma2 semaphore(%run_scoped3A : memref<!tpu.dma_semaphore, #tpu.memory_space<semaphore_mem>>) src(%dma_wait3A_48 : memref<640x128xf32, #tpu.memory_space<vmem_shared>>) dst(%dma_wait3A_45 : memref<640x128xf32, #tpu.memory_space<hbm>>)
        tpu.yield
      }) : () -> ()
    } else {
    }
    return
  }
}

#map = affine_map<(d0, d1) -> (0, 0)>
#map1 = affine_map<(d0, d1) -> (0)>
#map2 = affine_map<(d0, d1) -> (0, 0, 0)>
module attributes {stable_mosaic.version = 14 : i64} {
  func.func @_edge_sc(%arg0: i32, %arg1: i32, %arg2: memref<10000x128xf32, #tpu.memory_space<hbm>>, %arg3: memref<10000x128xf32, #tpu.memory_space<hbm>>, %arg4: memref<327680xi32, #tpu.memory_space<hbm>>, %arg5: memref<16x160x128xi32, #tpu.memory_space<hbm>>, %arg6: memref<327680xf32, #tpu.memory_space<hbm>>, %arg7: memref<96xf32, #tpu.memory_space<hbm>>, %arg8: memref<10000x128xf32, #tpu.memory_space<hbm>>, %arg9: memref<2048xi32, #tpu.memory_space<vmem>>, %arg10: memref<16x128xi32, #tpu.memory_space<vmem>>, %arg11: memref<2048xf32, #tpu.memory_space<vmem>>, %arg12: memref<128x128xf32, #tpu.memory_space<vmem>>, %arg13: memref<128x128xf32, #tpu.memory_space<vmem>>, %arg14: memref<96xf32, #tpu.memory_space<vmem>>, %arg15: memref<10008x128xf32, #tpu.memory_space<vmem_shared>>, %arg16: memref<!tpu.dma_semaphore, #tpu.memory_space<semaphore_mem>>, %arg17: memref<!tpu.dma_semaphore, #tpu.memory_space<semaphore_mem>>, %arg18: memref<!tpu.dma_semaphore, #tpu.memory_space<semaphore_mem>>, %arg19: memref<!tpu.dma_semaphore, #tpu.memory_space<semaphore_mem>>) attributes {dimension_semantics = [#tpu.dimension_semantics<core_parallel>, #tpu.dimension_semantics<subcore_parallel>], iteration_bounds = array<i64: 1, 16>, scalar_prefetch = 0 : i64, scratch_operands = 11 : i64, tpu.core_type = #tpu.core_type<sc_vector_subcore>, window_params = [{transform_indices = #map}, {transform_indices = #map}, {transform_indices = #map1}, {transform_indices = #map2}, {transform_indices = #map1}, {transform_indices = #map1}, {transform_indices = #map}]} {
    %lt3A = arith.constant 15 : i32
    %lt3A_0 = arith.cmpi slt, %arg1, %lt3A : i32
    %convert_element_type3A = arith.extui %lt3A_0 : i1 to i32
    %cond3A = arith.constant 0 : i32
    %cond3A_1 = arith.cmpi ne, %convert_element_type3A, %cond3A : i32
    scf.if %cond3A_1 {
      %mul3A = arith.constant 624 : i32
      %mul3A_39 = arith.muli %arg1, %mul3A : i32
      %mul3A_40 = arith.constant 624 : i32
      %mul3A_41 = arith.muli %arg1, %mul3A_40 : i32
      "tpu.region"() ({
        %run_scoped3A = tpu.sem_alloc : memref<!tpu.dma_semaphore, #tpu.memory_space<semaphore_mem>>
        %dma_start3A = arith.constant 0 : i32
        %dma_start3A_42 = tpu.memref_slice %arg15[%mul3A_41, %dma_start3A] : memref<10008x128xf32, #tpu.memory_space<vmem_shared>> -> memref<624x128xf32, #tpu.memory_space<vmem_shared>>
        %dma_start3A_43 = arith.constant 0 : i32
        %dma_start3A_44 = tpu.memref_slice %arg3[%mul3A_39, %dma_start3A_43] : memref<10000x128xf32, #tpu.memory_space<hbm>> -> memref<624x128xf32, #tpu.memory_space<hbm>>
        tpu.enqueue_dma source(%dma_start3A_44 : memref<624x128xf32, #tpu.memory_space<hbm>>) target(%dma_start3A_42 : memref<624x128xf32, #tpu.memory_space<vmem_shared>>) target_semaphore(%run_scoped3A : memref<!tpu.dma_semaphore, #tpu.memory_space<semaphore_mem>>)
        %dma_wait3A = arith.constant 0 : i32
        %dma_wait3A_45 = tpu.memref_slice %arg15[%mul3A_41, %dma_wait3A] : memref<10008x128xf32, #tpu.memory_space<vmem_shared>> -> memref<624x128xf32, #tpu.memory_space<vmem_shared>>
        %dma_wait3A_46 = arith.constant 0 : i32
        %dma_wait3A_47 = tpu.memref_slice %arg3[%mul3A_39, %dma_wait3A_46] : memref<10000x128xf32, #tpu.memory_space<hbm>> -> memref<624x128xf32, #tpu.memory_space<hbm>>
        tpu.wait_dma2 semaphore(%run_scoped3A : memref<!tpu.dma_semaphore, #tpu.memory_space<semaphore_mem>>) src(%dma_wait3A_47 : memref<624x128xf32, #tpu.memory_space<hbm>>) dst(%dma_wait3A_45 : memref<624x128xf32, #tpu.memory_space<vmem_shared>>)
        tpu.yield
      }) : () -> ()
    } else {
    }
    %eq3A = arith.constant 15 : i32
    %eq3A_2 = arith.cmpi eq, %arg1, %eq3A : i32
    %convert_element_type3A_3 = arith.extui %eq3A_2 : i1 to i32
    %cond3A_4 = arith.constant 0 : i32
    %cond3A_5 = arith.cmpi ne, %convert_element_type3A_3, %cond3A_4 : i32
    scf.if %cond3A_5 {
      "tpu.region"() ({
        %run_scoped3A = tpu.sem_alloc : memref<!tpu.dma_semaphore, #tpu.memory_space<semaphore_mem>>
        %dma_start3A = arith.constant 9360 : i32
        %dma_start3A_39 = arith.constant 0 : i32
        %dma_start3A_40 = tpu.memref_slice %arg15[%dma_start3A, %dma_start3A_39] : memref<10008x128xf32, #tpu.memory_space<vmem_shared>> -> memref<640x128xf32, #tpu.memory_space<vmem_shared>>
        %dma_start3A_41 = arith.constant 9360 : i32
        %dma_start3A_42 = arith.constant 0 : i32
        %dma_start3A_43 = tpu.memref_slice %arg3[%dma_start3A_41, %dma_start3A_42] : memref<10000x128xf32, #tpu.memory_space<hbm>> -> memref<640x128xf32, #tpu.memory_space<hbm>>
        tpu.enqueue_dma source(%dma_start3A_43 : memref<640x128xf32, #tpu.memory_space<hbm>>) target(%dma_start3A_40 : memref<640x128xf32, #tpu.memory_space<vmem_shared>>) target_semaphore(%run_scoped3A : memref<!tpu.dma_semaphore, #tpu.memory_space<semaphore_mem>>)
        %dma_wait3A = arith.constant 9360 : i32
        %dma_wait3A_44 = arith.constant 0 : i32
        %dma_wait3A_45 = tpu.memref_slice %arg15[%dma_wait3A, %dma_wait3A_44] : memref<10008x128xf32, #tpu.memory_space<vmem_shared>> -> memref<640x128xf32, #tpu.memory_space<vmem_shared>>
        %dma_wait3A_46 = arith.constant 9360 : i32
        %dma_wait3A_47 = arith.constant 0 : i32
        %dma_wait3A_48 = tpu.memref_slice %arg3[%dma_wait3A_46, %dma_wait3A_47] : memref<10000x128xf32, #tpu.memory_space<hbm>> -> memref<640x128xf32, #tpu.memory_space<hbm>>
        tpu.wait_dma2 semaphore(%run_scoped3A : memref<!tpu.dma_semaphore, #tpu.memory_space<semaphore_mem>>) src(%dma_wait3A_48 : memref<640x128xf32, #tpu.memory_space<hbm>>) dst(%dma_wait3A_45 : memref<640x128xf32, #tpu.memory_space<vmem_shared>>)
        tpu.yield
      }) : () -> ()
    } else {
    }
    "tpu.region"() ({
      %run_scoped3A = tpu.sem_alloc : memref<!tpu.dma_semaphore, #tpu.memory_space<semaphore_mem>>
      tpu.enqueue_dma source(%arg7 : memref<96xf32, #tpu.memory_space<hbm>>) target(%arg14 : memref<96xf32, #tpu.memory_space<vmem>>) target_semaphore(%run_scoped3A : memref<!tpu.dma_semaphore, #tpu.memory_space<semaphore_mem>>)
      tpu.wait_dma2 semaphore(%run_scoped3A : memref<!tpu.dma_semaphore, #tpu.memory_space<semaphore_mem>>) src(%arg7 : memref<96xf32, #tpu.memory_space<hbm>>) dst(%arg14 : memref<96xf32, #tpu.memory_space<vmem>>)
      tpu.yield
    }) : () -> ()
    %barrier3A = arith.constant 0 : index
    tpu.barrier barrier_id(%barrier3A)
    %get3A = arith.constant 0 : index
    %get3A_6 = tpu.vector_load %arg14[%get3A] {strides = array<i32>} : memref<96xf32, #tpu.memory_space<vmem>>, vector<16xf32>,
    %get3A_7 = vector.shape_cast %get3A_6 : vector<16xf32> to vector<16xf32>
    %get3A_8 = arith.constant 16 : index
    %get3A_9 = tpu.vector_load %arg14[%get3A_8] {strides = array<i32>} : memref<96xf32, #tpu.memory_space<vmem>>, vector<16xf32>,
    %get3A_10 = vector.shape_cast %get3A_9 : vector<16xf32> to vector<16xf32>
    %get3A_11 = arith.constant 32 : index
    %get3A_12 = tpu.vector_load %arg14[%get3A_11] {strides = array<i32>} : memref<96xf32, #tpu.memory_space<vmem>>, vector<16xf32>,
    %get3A_13 = vector.shape_cast %get3A_12 : vector<16xf32> to vector<16xf32>
    %get3A_14 = arith.constant 48 : index
    %get3A_15 = tpu.vector_load %arg14[%get3A_14] {strides = array<i32>} : memref<96xf32, #tpu.memory_space<vmem>>, vector<16xf32>,
    %get3A_16 = vector.shape_cast %get3A_15 : vector<16xf32> to vector<16xf32>
    %get3A_17 = arith.constant 64 : index
    %get3A_18 = tpu.vector_load %arg14[%get3A_17] {strides = array<i32>} : memref<96xf32, #tpu.memory_space<vmem>>, vector<16xf32>,
    %get3A_19 = vector.shape_cast %get3A_18 : vector<16xf32> to vector<16xf32>
    %get3A_20 = arith.constant 80 : index
    %get3A_21 = tpu.vector_load %arg14[%get3A_20] {strides = array<i32>} : memref<96xf32, #tpu.memory_space<vmem>>, vector<16xf32>,
    %get3A_22 = vector.shape_cast %get3A_21 : vector<16xf32> to vector<16xf32>
    %scan3A = arith.constant 0 : i32
    %scan3A_23 = arith.constant 0 : i32
    %scan3A_24 = arith.constant 10 : i32
    %scan3A_25 = arith.addi %scan3A_23, %scan3A_24 : i32
    %scan3A_26 = arith.constant 1 : i32
    scf.for %scan3A_39 = %scan3A_23 to %scan3A_25 step %scan3A_26  : i32 {
      %mul3A = arith.constant 20480 : i32
      %mul3A_40 = arith.muli %arg1, %mul3A : i32
      %mul3A_41 = arith.constant 2048 : i32
      %mul3A_42 = arith.muli %scan3A_39, %mul3A_41 : i32
      %add3A = arith.addi %mul3A_40, %mul3A_42 : i32
      "tpu.region"() ({
        %run_scoped3A = tpu.sem_alloc : memref<!tpu.dma_semaphore, #tpu.memory_space<semaphore_mem>>
        %dma_start3A_61 = tpu.memref_slice %arg4[%add3A] : memref<327680xi32, #tpu.memory_space<hbm>> -> memref<2048xi32, #tpu.memory_space<hbm>>
        %dma_start3A_62 = tpu.memref_slice %arg4[%add3A] : memref<327680xi32, #tpu.memory_space<hbm>> -> memref<2048xi32, #tpu.memory_space<hbm>>
        tpu.enqueue_dma source(%dma_start3A_62 : memref<2048xi32, #tpu.memory_space<hbm>>) target(%arg9 : memref<2048xi32, #tpu.memory_space<vmem>>) target_semaphore(%run_scoped3A : memref<!tpu.dma_semaphore, #tpu.memory_space<semaphore_mem>>)
        %dma_wait3A_63 = tpu.memref_slice %arg4[%add3A] : memref<327680xi32, #tpu.memory_space<hbm>> -> memref<2048xi32, #tpu.memory_space<hbm>>
        %dma_wait3A_64 = tpu.memref_slice %arg4[%add3A] : memref<327680xi32, #tpu.memory_space<hbm>> -> memref<2048xi32, #tpu.memory_space<hbm>>
        tpu.wait_dma2 semaphore(%run_scoped3A : memref<!tpu.dma_semaphore, #tpu.memory_space<semaphore_mem>>) src(%dma_wait3A_64 : memref<2048xi32, #tpu.memory_space<hbm>>) dst(%arg9 : memref<2048xi32, #tpu.memory_space<vmem>>)
        tpu.yield
      }) : () -> ()
      "tpu.region"() ({
        %run_scoped3A = tpu.sem_alloc : memref<!tpu.dma_semaphore, #tpu.memory_space<semaphore_mem>>
        %dma_start3A_61 = tpu.memref_slice %arg6[%add3A] : memref<327680xf32, #tpu.memory_space<hbm>> -> memref<2048xf32, #tpu.memory_space<hbm>>
        %dma_start3A_62 = tpu.memref_slice %arg6[%add3A] : memref<327680xf32, #tpu.memory_space<hbm>> -> memref<2048xf32, #tpu.memory_space<hbm>>
        tpu.enqueue_dma source(%dma_start3A_62 : memref<2048xf32, #tpu.memory_space<hbm>>) target(%arg11 : memref<2048xf32, #tpu.memory_space<vmem>>) target_semaphore(%run_scoped3A : memref<!tpu.dma_semaphore, #tpu.memory_space<semaphore_mem>>)
        %dma_wait3A_63 = tpu.memref_slice %arg6[%add3A] : memref<327680xf32, #tpu.memory_space<hbm>> -> memref<2048xf32, #tpu.memory_space<hbm>>
        %dma_wait3A_64 = tpu.memref_slice %arg6[%add3A] : memref<327680xf32, #tpu.memory_space<hbm>> -> memref<2048xf32, #tpu.memory_space<hbm>>
        tpu.wait_dma2 semaphore(%run_scoped3A : memref<!tpu.dma_semaphore, #tpu.memory_space<semaphore_mem>>) src(%dma_wait3A_64 : memref<2048xf32, #tpu.memory_space<hbm>>) dst(%arg11 : memref<2048xf32, #tpu.memory_space<vmem>>)
        tpu.yield
      }) : () -> ()
      %mul3A_43 = arith.constant 16 : i32
      %mul3A_44 = arith.muli %scan3A_39, %mul3A_43 : i32
      "tpu.region"() ({
        %run_scoped3A = tpu.sem_alloc : memref<!tpu.dma_semaphore, #tpu.memory_space<semaphore_mem>>
        %dma_start3A_61 = arith.constant 0 : i32
        %dma_start3A_62 = arith.constant 0 : i32
        %dma_start3A_63 = tpu.memref_slice %arg5[%arg1, %dma_start3A_61, %dma_start3A_62] : memref<16x160x128xi32, #tpu.memory_space<hbm>> -> memref<1x160x128xi32, #tpu.memory_space<hbm>>
        %dma_start3A_64 = tpu.memref_squeeze %dma_start3A_63 : memref<1x160x128xi32, #tpu.memory_space<hbm>> -> memref<160x128xi32, #tpu.memory_space<hbm>>
        %dma_start3A_65 = arith.constant 0 : i32
        %dma_start3A_66 = tpu.memref_slice %dma_start3A_64[%mul3A_44, %dma_start3A_65] : memref<160x128xi32, #tpu.memory_space<hbm>> -> memref<16x128xi32, #tpu.memory_space<hbm>>
        %dma_start3A_67 = arith.constant 0 : i32
        %dma_start3A_68 = arith.constant 0 : i32
        %dma_start3A_69 = tpu.memref_slice %arg5[%arg1, %dma_start3A_67, %dma_start3A_68] : memref<16x160x128xi32, #tpu.memory_space<hbm>> -> memref<1x160x128xi32, #tpu.memory_space<hbm>>
        %dma_start3A_70 = tpu.memref_squeeze %dma_start3A_69 : memref<1x160x128xi32, #tpu.memory_space<hbm>> -> memref<160x128xi32, #tpu.memory_space<hbm>>
        %dma_start3A_71 = arith.constant 0 : i32
        %dma_start3A_72 = tpu.memref_slice %dma_start3A_70[%mul3A_44, %dma_start3A_71] : memref<160x128xi32, #tpu.memory_space<hbm>> -> memref<16x128xi32, #tpu.memory_space<hbm>>
        tpu.enqueue_dma source(%dma_start3A_72 : memref<16x128xi32, #tpu.memory_space<hbm>>) target(%arg10 : memref<16x128xi32, #tpu.memory_space<vmem>>) target_semaphore(%run_scoped3A : memref<!tpu.dma_semaphore, #tpu.memory_space<semaphore_mem>>)
        %dma_wait3A_73 = arith.constant 0 : i32
        %dma_wait3A_74 = arith.constant 0 : i32
        %dma_wait3A_75 = tpu.memref_slice %arg5[%arg1, %dma_wait3A_73, %dma_wait3A_74] : memref<16x160x128xi32, #tpu.memory_space<hbm>> -> memref<1x160x128xi32, #tpu.memory_space<hbm>>
        %dma_wait3A_76 = tpu.memref_squeeze %dma_wait3A_75 : memref<1x160x128xi32, #tpu.memory_space<hbm>> -> memref<160x128xi32, #tpu.memory_space<hbm>>
        %dma_wait3A_77 = arith.constant 0 : i32
        %dma_wait3A_78 = tpu.memref_slice %dma_wait3A_76[%mul3A_44, %dma_wait3A_77] : memref<160x128xi32, #tpu.memory_space<hbm>> -> memref<16x128xi32, #tpu.memory_space<hbm>>
        %dma_wait3A_79 = arith.constant 0 : i32
        %dma_wait3A_80 = arith.constant 0 : i32
        %dma_wait3A_81 = tpu.memref_slice %arg5[%arg1, %dma_wait3A_79, %dma_wait3A_80] : memref<16x160x128xi32, #tpu.memory_space<hbm>> -> memref<1x160x128xi32, #tpu.memory_space<hbm>>
        %dma_wait3A_82 = tpu.memref_squeeze %dma_wait3A_81 : memref<1x160x128xi32, #tpu.memory_space<hbm>> -> memref<160x128xi32, #tpu.memory_space<hbm>>
        %dma_wait3A_83 = arith.constant 0 : i32
        %dma_wait3A_84 = tpu.memref_slice %dma_wait3A_82[%mul3A_44, %dma_wait3A_83] : memref<160x128xi32, #tpu.memory_space<hbm>> -> memref<16x128xi32, #tpu.memory_space<hbm>>
        tpu.wait_dma2 semaphore(%run_scoped3A : memref<!tpu.dma_semaphore, #tpu.memory_space<semaphore_mem>>) src(%dma_wait3A_84 : memref<16x128xi32, #tpu.memory_space<hbm>>) dst(%arg10 : memref<16x128xi32, #tpu.memory_space<vmem>>)
        tpu.yield
      }) : () -> ()
      %dma_start3A = arith.constant 0 : i32
      %dma_start3A_45 = tpu.memref_slice %arg9[%dma_start3A] : memref<2048xi32, #tpu.memory_space<vmem>> -> memref<128xi32, #tpu.memory_space<vmem>>
      %dma_start3A_46 = arith.constant 0 : i32
      %dma_start3A_47 = arith.constant 0 : i32
      %dma_start3A_48 = tpu.memref_slice %arg2[%dma_start3A_46, %dma_start3A_47] : memref<10000x128xf32, #tpu.memory_space<hbm>> -> memref<10000x128xf32, #tpu.memory_space<hbm>>
      tpu.enqueue_indirect_dma source(%dma_start3A_48 : memref<10000x128xf32, #tpu.memory_space<hbm>>) target(%arg12 : memref<128x128xf32, #tpu.memory_space<vmem>>) offsets(%dma_start3A_45 : memref<128xi32, #tpu.memory_space<vmem>>) semaphore(%arg16 : memref<!tpu.dma_semaphore, #tpu.memory_space<semaphore_mem>>)
      %scan3A_49 = arith.constant 0 : i32
      %scan3A_50 = arith.constant 0 : i32
      %scan3A_51 = arith.constant 8 : i32
      %scan3A_52 = arith.addi %scan3A_50, %scan3A_51 : i32
      %scan3A_53 = arith.constant 1 : i32
      scf.for %scan3A_61 = %scan3A_50 to %scan3A_52 step %scan3A_53  : i32 {
        %mul3A_62 = arith.constant 2 : i32
        %mul3A_63 = arith.muli %mul3A_62, %scan3A_61 : i32
        %add3A_64 = arith.constant 1 : i32
        %add3A_65 = arith.addi %mul3A_63, %add3A_64 : i32
        %gt3A = arith.constant 0 : i32
        %gt3A_66 = arith.cmpi sgt, %scan3A_61, %gt3A : i32
        %convert_element_type3A_67 = arith.extui %gt3A_66 : i1 to i32
        %cond3A_68 = arith.constant 0 : i32
        %cond3A_69 = arith.cmpi ne, %convert_element_type3A_67, %cond3A_68 : i32
        scf.if %cond3A_69 {
          %dma_wait3A_122 = arith.constant 0 : i32
          %dma_wait3A_123 = arith.constant 0 : i32
          %dma_wait3A_124 = tpu.memref_slice %arg10[%dma_wait3A_122, %dma_wait3A_123] : memref<16x128xi32, #tpu.memory_space<vmem>> -> memref<1x128xi32, #tpu.memory_space<vmem>>
          %dma_wait3A_125 = tpu.memref_squeeze %dma_wait3A_124 : memref<1x128xi32, #tpu.memory_space<vmem>> -> memref<128xi32, #tpu.memory_space<vmem>>
          %dma_wait3A_126 = arith.constant 0 : i32
          %dma_wait3A_127 = arith.constant 0 : i32
          %dma_wait3A_128 = tpu.memref_slice %arg15[%dma_wait3A_126, %dma_wait3A_127] : memref<10008x128xf32, #tpu.memory_space<vmem_shared>> -> memref<10008x128xf32, #tpu.memory_space<vmem_shared>>
          tpu.wait_indirect_dma semaphore(%arg19 : memref<!tpu.dma_semaphore, #tpu.memory_space<semaphore_mem>>) src(%arg13 : memref<128x128xf32, #tpu.memory_space<vmem>>) dst(%dma_wait3A_128 : memref<10008x128xf32, #tpu.memory_space<vmem_shared>>)
        } else {
        }
        %mul3A_70 = arith.constant 128 : i32
        %mul3A_71 = arith.muli %add3A_65, %mul3A_70 : i32
        %dma_start3A_72 = tpu.memref_slice %arg9[%mul3A_71] : memref<2048xi32, #tpu.memory_space<vmem>> -> memref<128xi32, #tpu.memory_space<vmem>>
        %dma_start3A_73 = arith.constant 0 : i32
        %dma_start3A_74 = arith.constant 0 : i32
        %dma_start3A_75 = tpu.memref_slice %arg2[%dma_start3A_73, %dma_start3A_74] : memref<10000x128xf32, #tpu.memory_space<hbm>> -> memref<10000x128xf32, #tpu.memory_space<hbm>>
        tpu.enqueue_indirect_dma source(%dma_start3A_75 : memref<10000x128xf32, #tpu.memory_space<hbm>>) target(%arg13 : memref<128x128xf32, #tpu.memory_space<vmem>>) offsets(%dma_start3A_72 : memref<128xi32, #tpu.memory_space<vmem>>) semaphore(%arg17 : memref<!tpu.dma_semaphore, #tpu.memory_space<semaphore_mem>>)
        %dma_wait3A_76 = arith.constant 0 : i32
        %dma_wait3A_77 = tpu.memref_slice %arg9[%dma_wait3A_76] : memref<2048xi32, #tpu.memory_space<vmem>> -> memref<128xi32, #tpu.memory_space<vmem>>
        %dma_wait3A_78 = arith.constant 0 : i32
        %dma_wait3A_79 = arith.constant 0 : i32
        %dma_wait3A_80 = tpu.memref_slice %arg2[%dma_wait3A_78, %dma_wait3A_79] : memref<10000x128xf32, #tpu.memory_space<hbm>> -> memref<10000x128xf32, #tpu.memory_space<hbm>>
        tpu.wait_indirect_dma semaphore(%arg16 : memref<!tpu.dma_semaphore, #tpu.memory_space<semaphore_mem>>) src(%dma_wait3A_80 : memref<10000x128xf32, #tpu.memory_space<hbm>>) dst(%arg12 : memref<128x128xf32, #tpu.memory_space<vmem>>)
        %scan3A_81 = arith.constant 0 : i32
        %scan3A_82 = arith.constant 0 : i32
        %scan3A_83 = arith.constant 8 : i32
        %scan3A_84 = arith.addi %scan3A_82, %scan3A_83 : i32
        %scan3A_85 = arith.constant 1 : i32
        scf.for %scan3A_122 = %scan3A_82 to %scan3A_84 step %scan3A_85  : i32 {
          %mul3A_123 = arith.constant 128 : i32
          %mul3A_124 = arith.muli %mul3A_63, %mul3A_123 : i32
          %mul3A_125 = arith.constant 16 : i32
          %mul3A_126 = arith.muli %scan3A_122, %mul3A_125 : i32
          %add3A_127 = arith.addi %mul3A_124, %mul3A_126 : i32
          %get3A_128 = arith.index_cast %add3A_127 : i32 to index
          %get3A_129 = tpu.vector_load %arg11[%get3A_128] {strides = array<i32>} : memref<2048xf32, #tpu.memory_space<vmem>>, vector<16xf32>,
          %get3A_130 = vector.shape_cast %get3A_129 : vector<16xf32> to vector<16xf32>
        }
        %scan3A_86 = arith.constant 8 : i32
        %dma_start3A_87 = arith.constant 0 : i32
        %dma_start3A_88 = tpu.memref_slice %arg10[%mul3A_63, %dma_start3A_87] : memref<16x128xi32, #tpu.memory_space<vmem>> -> memref<1x128xi32, #tpu.memory_space<vmem>>
        %dma_start3A_89 = tpu.memref_squeeze %dma_start3A_88 : memref<1x128xi32, #tpu.memory_space<vmem>> -> memref<128xi32, #tpu.memory_space<vmem>>
        %dma_start3A_90 = arith.constant 0 : i32
        %dma_start3A_91 = arith.constant 0 : i32
        %dma_start3A_92 = tpu.memref_slice %arg15[%dma_start3A_90, %dma_start3A_91] : memref<10008x128xf32, #tpu.memory_space<vmem_shared>> -> memref<10008x128xf32, #tpu.memory_space<vmem_shared>>
        tpu.enqueue_indirect_dma source(%arg12 : memref<128x128xf32, #tpu.memory_space<vmem>>) target(%dma_start3A_92 : memref<10008x128xf32, #tpu.memory_space<vmem_shared>>) offsets(%dma_start3A_89 : memref<128xi32, #tpu.memory_space<vmem>>) semaphore(%arg18 : memref<!tpu.dma_semaphore, #tpu.memory_space<semaphore_mem>>) {add = true}
        %dma_wait3A_93 = arith.constant 0 : i32
        %dma_wait3A_94 = arith.constant 0 : i32
        %dma_wait3A_95 = tpu.memref_slice %arg10[%dma_wait3A_93, %dma_wait3A_94] : memref<16x128xi32, #tpu.memory_space<vmem>> -> memref<1x128xi32, #tpu.memory_space<vmem>>
        %dma_wait3A_96 = tpu.memref_squeeze %dma_wait3A_95 : memref<1x128xi32, #tpu.memory_space<vmem>> -> memref<128xi32, #tpu.memory_space<vmem>>
        %dma_wait3A_97 = arith.constant 0 : i32
        %dma_wait3A_98 = arith.constant 0 : i32
        %dma_wait3A_99 = tpu.memref_slice %arg15[%dma_wait3A_97, %dma_wait3A_98] : memref<10008x128xf32, #tpu.memory_space<vmem_shared>> -> memref<10008x128xf32, #tpu.memory_space<vmem_shared>>
        tpu.wait_indirect_dma semaphore(%arg18 : memref<!tpu.dma_semaphore, #tpu.memory_space<semaphore_mem>>) src(%arg12 : memref<128x128xf32, #tpu.memory_space<vmem>>) dst(%dma_wait3A_99 : memref<10008x128xf32, #tpu.memory_space<vmem_shared>>)
        %lt3A_100 = arith.constant 7 : i32
        %lt3A_101 = arith.cmpi slt, %scan3A_61, %lt3A_100 : i32
        %convert_element_type3A_102 = arith.extui %lt3A_101 : i1 to i32
        %cond3A_103 = arith.constant 0 : i32
        %cond3A_104 = arith.cmpi ne, %convert_element_type3A_102, %cond3A_103 : i32
        scf.if %cond3A_104 {
          %add3A_122 = arith.constant 2 : i32
          %add3A_123 = arith.addi %mul3A_63, %add3A_122 : i32
          %mul3A_124 = arith.constant 128 : i32
          %mul3A_125 = arith.muli %add3A_123, %mul3A_124 : i32
          %dma_start3A_126 = tpu.memref_slice %arg9[%mul3A_125] : memref<2048xi32, #tpu.memory_space<vmem>> -> memref<128xi32, #tpu.memory_space<vmem>>
          %dma_start3A_127 = arith.constant 0 : i32
          %dma_start3A_128 = arith.constant 0 : i32
          %dma_start3A_129 = tpu.memref_slice %arg2[%dma_start3A_127, %dma_start3A_128] : memref<10000x128xf32, #tpu.memory_space<hbm>> -> memref<10000x128xf32, #tpu.memory_space<hbm>>
          tpu.enqueue_indirect_dma source(%dma_start3A_129 : memref<10000x128xf32, #tpu.memory_space<hbm>>) target(%arg12 : memref<128x128xf32, #tpu.memory_space<vmem>>) offsets(%dma_start3A_126 : memref<128xi32, #tpu.memory_space<vmem>>) semaphore(%arg16 : memref<!tpu.dma_semaphore, #tpu.memory_space<semaphore_mem>>)
        } else {
        }
        %dma_wait3A_105 = arith.constant 0 : i32
        %dma_wait3A_106 = tpu.memref_slice %arg9[%dma_wait3A_105] : memref<2048xi32, #tpu.memory_space<vmem>> -> memref<128xi32, #tpu.memory_space<vmem>>
        %dma_wait3A_107 = arith.constant 0 : i32
        %dma_wait3A_108 = arith.constant 0 : i32
        %dma_wait3A_109 = tpu.memref_slice %arg2[%dma_wait3A_107, %dma_wait3A_108] : memref<10000x128xf32, #tpu.memory_space<hbm>> -> memref<10000x128xf32, #tpu.memory_space<hbm>>
        tpu.wait_indirect_dma semaphore(%arg17 : memref<!tpu.dma_semaphore, #tpu.memory_space<semaphore_mem>>) src(%dma_wait3A_109 : memref<10000x128xf32, #tpu.memory_space<hbm>>) dst(%arg13 : memref<128x128xf32, #tpu.memory_space<vmem>>)
        %scan3A_110 = arith.constant 0 : i32
        %scan3A_111 = arith.constant 0 : i32
        %scan3A_112 = arith.constant 8 : i32
        %scan3A_113 = arith.addi %scan3A_111, %scan3A_112 : i32
        %scan3A_114 = arith.constant 1 : i32
        scf.for %scan3A_122 = %scan3A_111 to %scan3A_113 step %scan3A_114  : i32 {
          %mul3A_123 = arith.constant 128 : i32
          %mul3A_124 = arith.muli %add3A_65, %mul3A_123 : i32
          %mul3A_125 = arith.constant 16 : i32
          %mul3A_126 = arith.muli %scan3A_122, %mul3A_125 : i32
          %add3A_127 = arith.addi %mul3A_124, %mul3A_126 : i32
          %get3A_128 = arith.index_cast %add3A_127 : i32 to index
          %get3A_129 = tpu.vector_load %arg11[%get3A_128] {strides = array<i32>} : memref<2048xf32, #tpu.memory_space<vmem>>, vector<16xf32>,
          %get3A_130 = vector.shape_cast %get3A_129 : vector<16xf32> to vector<16xf32>
        }
        %scan3A_115 = arith.constant 8 : i32
        %dma_start3A_116 = arith.constant 0 : i32
        %dma_start3A_117 = tpu.memref_slice %arg10[%add3A_65, %dma_start3A_116] : memref<16x128xi32, #tpu.memory_space<vmem>> -> memref<1x128xi32, #tpu.memory_space<vmem>>
        %dma_start3A_118 = tpu.memref_squeeze %dma_start3A_117 : memref<1x128xi32, #tpu.memory_space<vmem>> -> memref<128xi32, #tpu.memory_space<vmem>>
        %dma_start3A_119 = arith.constant 0 : i32
        %dma_start3A_120 = arith.constant 0 : i32
        %dma_start3A_121 = tpu.memref_slice %arg15[%dma_start3A_119, %dma_start3A_120] : memref<10008x128xf32, #tpu.memory_space<vmem_shared>> -> memref<10008x128xf32, #tpu.memory_space<vmem_shared>>
        tpu.enqueue_indirect_dma source(%arg13 : memref<128x128xf32, #tpu.memory_space<vmem>>) target(%dma_start3A_121 : memref<10008x128xf32, #tpu.memory_space<vmem_shared>>) offsets(%dma_start3A_118 : memref<128xi32, #tpu.memory_space<vmem>>) semaphore(%arg19 : memref<!tpu.dma_semaphore, #tpu.memory_space<semaphore_mem>>) {add = true}
      }
      %scan3A_54 = arith.constant 8 : i32
      %dma_wait3A = arith.constant 0 : i32
      %dma_wait3A_55 = arith.constant 0 : i32
      %dma_wait3A_56 = tpu.memref_slice %arg10[%dma_wait3A, %dma_wait3A_55] : memref<16x128xi32, #tpu.memory_space<vmem>> -> memref<1x128xi32, #tpu.memory_space<vmem>>
      %dma_wait3A_57 = tpu.memref_squeeze %dma_wait3A_56 : memref<1x128xi32, #tpu.memory_space<vmem>> -> memref<128xi32, #tpu.memory_space<vmem>>
      %dma_wait3A_58 = arith.constant 0 : i32
      %dma_wait3A_59 = arith.constant 0 : i32
      %dma_wait3A_60 = tpu.memref_slice %arg15[%dma_wait3A_58, %dma_wait3A_59] : memref<10008x128xf32, #tpu.memory_space<vmem_shared>> -> memref<10008x128xf32, #tpu.memory_space<vmem_shared>>
      tpu.wait_indirect_dma semaphore(%arg19 : memref<!tpu.dma_semaphore, #tpu.memory_space<semaphore_mem>>) src(%arg13 : memref<128x128xf32, #tpu.memory_space<vmem>>) dst(%dma_wait3A_60 : memref<10008x128xf32, #tpu.memory_space<vmem_shared>>)
    }
    %scan3A_27 = arith.constant 10 : i32
    %barrier3A_28 = arith.constant 0 : index
    tpu.barrier barrier_id(%barrier3A_28)
    %lt3A_29 = arith.constant 15 : i32
    %lt3A_30 = arith.cmpi slt, %arg1, %lt3A_29 : i32
    %convert_element_type3A_31 = arith.extui %lt3A_30 : i1 to i32
    %cond3A_32 = arith.constant 0 : i32
    %cond3A_33 = arith.cmpi ne, %convert_element_type3A_31, %cond3A_32 : i32
    scf.if %cond3A_33 {
      %mul3A = arith.constant 624 : i32
      %mul3A_39 = arith.muli %arg1, %mul3A : i32
      %mul3A_40 = arith.constant 624 : i32
      %mul3A_41 = arith.muli %arg1, %mul3A_40 : i32
      "tpu.region"() ({
        %run_scoped3A = tpu.sem_alloc : memref<!tpu.dma_semaphore, #tpu.memory_space<semaphore_mem>>
        %dma_start3A = arith.constant 0 : i32
        %dma_start3A_42 = tpu.memref_slice %arg8[%mul3A_41, %dma_start3A] : memref<10000x128xf32, #tpu.memory_space<hbm>> -> memref<624x128xf32, #tpu.memory_space<hbm>>
        %dma_start3A_43 = arith.constant 0 : i32
        %dma_start3A_44 = tpu.memref_slice %arg15[%mul3A_39, %dma_start3A_43] : memref<10008x128xf32, #tpu.memory_space<vmem_shared>> -> memref<624x128xf32, #tpu.memory_space<vmem_shared>>
        tpu.enqueue_dma source(%dma_start3A_44 : memref<624x128xf32, #tpu.memory_space<vmem_shared>>) target(%dma_start3A_42 : memref<624x128xf32, #tpu.memory_space<hbm>>) target_semaphore(%run_scoped3A : memref<!tpu.dma_semaphore, #tpu.memory_space<semaphore_mem>>)
        %dma_wait3A = arith.constant 0 : i32
        %dma_wait3A_45 = tpu.memref_slice %arg8[%mul3A_41, %dma_wait3A] : memref<10000x128xf32, #tpu.memory_space<hbm>> -> memref<624x128xf32, #tpu.memory_space<hbm>>
        %dma_wait3A_46 = arith.constant 0 : i32
        %dma_wait3A_47 = tpu.memref_slice %arg15[%mul3A_39, %dma_wait3A_46] : memref<10008x128xf32, #tpu.memory_space<vmem_shared>> -> memref<624x128xf32, #tpu.memory_space<vmem_shared>>
        tpu.wait_dma2 semaphore(%run_scoped3A : memref<!tpu.dma_semaphore, #tpu.memory_space<semaphore_mem>>) src(%dma_wait3A_47 : memref<624x128xf32, #tpu.memory_space<vmem_shared>>) dst(%dma_wait3A_45 : memref<624x128xf32, #tpu.memory_space<hbm>>)
        tpu.yield
      }) : () -> ()
    } else {
    }
    %eq3A_34 = arith.constant 15 : i32
    %eq3A_35 = arith.cmpi eq, %arg1, %eq3A_34 : i32
    %convert_element_type3A_36 = arith.extui %eq3A_35 : i1 to i32
    %cond3A_37 = arith.constant 0 : i32
    %cond3A_38 = arith.cmpi ne, %convert_element_type3A_36, %cond3A_37 : i32
    scf.if %cond3A_38 {
      "tpu.region"() ({
        %run_scoped3A = tpu.sem_alloc : memref<!tpu.dma_semaphore, #tpu.memory_space<semaphore_mem>>
        %dma_start3A = arith.constant 9360 : i32
        %dma_start3A_39 = arith.constant 0 : i32
        %dma_start3A_40 = tpu.memref_slice %arg8[%dma_start3A, %dma_start3A_39] : memref<10000x128xf32, #tpu.memory_space<hbm>> -> memref<640x128xf32, #tpu.memory_space<hbm>>
        %dma_start3A_41 = arith.constant 9360 : i32
        %dma_start3A_42 = arith.constant 0 : i32
        %dma_start3A_43 = tpu.memref_slice %arg15[%dma_start3A_41, %dma_start3A_42] : memref<10008x128xf32, #tpu.memory_space<vmem_shared>> -> memref<640x128xf32, #tpu.memory_space<vmem_shared>>
        tpu.enqueue_dma source(%dma_start3A_43 : memref<640x128xf32, #tpu.memory_space<vmem_shared>>) target(%dma_start3A_40 : memref<640x128xf32, #tpu.memory_space<hbm>>) target_semaphore(%run_scoped3A : memref<!tpu.dma_semaphore, #tpu.memory_space<semaphore_mem>>)
        %dma_wait3A = arith.constant 9360 : i32
        %dma_wait3A_44 = arith.constant 0 : i32
        %dma_wait3A_45 = tpu.memref_slice %arg8[%dma_wait3A, %dma_wait3A_44] : memref<10000x128xf32, #tpu.memory_space<hbm>> -> memref<640x128xf32, #tpu.memory_space<hbm>>
        %dma_wait3A_46 = arith.constant 9360 : i32
        %dma_wait3A_47 = arith.constant 0 : i32
        %dma_wait3A_48 = tpu.memref_slice %arg15[%dma_wait3A_46, %dma_wait3A_47] : memref<10008x128xf32, #tpu.memory_space<vmem_shared>> -> memref<640x128xf32, #tpu.memory_space<vmem_shared>>
        tpu.wait_dma2 semaphore(%run_scoped3A : memref<!tpu.dma_semaphore, #tpu.memory_space<semaphore_mem>>) src(%dma_wait3A_48 : memref<640x128xf32, #tpu.memory_space<vmem_shared>>) dst(%dma_wait3A_45 : memref<640x128xf32, #tpu.memory_space<hbm>>)
        tpu.yield
      }) : () -> ()
    } else {
    }
    return
  }
}

module attributes {stable_mosaic.version = 14 : i64} {
  func.func @_dense_pre_body(%arg0: i32, %arg1: memref<2000x128xf32, #tpu.memory_space<vmem>>, %arg2: memref<128x64xf32, #tpu.memory_space<vmem>>, %arg3: memref<1x64xf32, #tpu.memory_space<vmem>>, %arg4: memref<1x192xf32, #tpu.memory_space<vmem>>, %arg5: memref<2000x64xf32, #tpu.memory_space<vmem>>, %arg6: memref<2000x128xf32, #tpu.memory_space<vmem>>, %arg7: memref<2000x128xf32, #tpu.memory_space<vmem>>) attributes {dimension_semantics = [#tpu.dimension_semantics<arbitrary>], iteration_bounds = array<i64: 5>, scalar_prefetch = 0 : i64, scratch_operands = 0 : i64, tpu.core_type = #tpu.core_type<tc>, window_params = [{transform_indices = @transform_0, window_bounds = array<i64: 2000, 128>}, {pipeline_mode = #tpu.pipeline_mode<synchronous>, transform_indices = @transform_1, window_bounds = array<i64: 128, 64>}, {pipeline_mode = #tpu.pipeline_mode<synchronous>, transform_indices = @transform_2, window_bounds = array<i64: 1, 64>}, {pipeline_mode = #tpu.pipeline_mode<synchronous>, transform_indices = @transform_3, window_bounds = array<i64: 1, 192>}, {transform_indices = @transform_4, window_bounds = array<i64: 2000, 64>}, {transform_indices = @transform_5, window_bounds = array<i64: 2000, 128>}, {transform_indices = @transform_6, window_bounds = array<i64: 2000, 128>}]} {
    %get3A = arith.constant 0 : index
    %get3A_0 = arith.constant 0 : index
    %get3A_1 = vector.load %arg1[%get3A, %get3A_0] : memref<2000x128xf32, #tpu.memory_space<vmem>>, vector<2000x128xf32>
    %get3A_2 = arith.constant 0 : index
    %get3A_3 = arith.constant 0 : index
    %get3A_4 = vector.load %arg2[%get3A_2, %get3A_3] : memref<128x64xf32, #tpu.memory_space<vmem>>, vector<128x64xf32>
    %dot_general3A = arith.constant dense<0.000000e+00> : vector<2000x64xf32>
    %dot_general3A_5 = tpu.matmul %get3A_1, %get3A_4, %dot_general3A {dimension_numbers = #tpu.dot_dimension_numbers<[1], [0], [0], [1], [0, 0, 1, 1], [], []>, transpose_lhs_hint = false} : vector<2000x128xf32>, vector<128x64xf32>, vector<2000x64xf32> -> vector<2000x64xf32>
    %get3A_6 = arith.constant 0 : index
    %get3A_7 = arith.constant 0 : index
    %get3A_8 = vector.load %arg3[%get3A_6, %get3A_7] : memref<1x64xf32, #tpu.memory_space<vmem>>, vector<1x64xf32>
    %add3A = vector.broadcast %get3A_8 : vector<1x64xf32> to vector<2000x64xf32>
    %add3A_9 = arith.addf %dot_general3A_5, %add3A : vector<2000x64xf32>
    %swap3A = arith.constant 0 : index
    %swap3A_10 = arith.constant 0 : index
    %swap3A_11 = vector.load %arg5[%swap3A, %swap3A_10] : memref<2000x64xf32, #tpu.memory_space<vmem>>, vector<2000x64xf32>
    tpu.vector_store %arg5[%swap3A, %swap3A_10], %add3A_9 {strides = array<i32>} : memref<2000x64xf32, #tpu.memory_space<vmem>>, vector<2000x64xf32>,
    %get3A_12 = arith.constant 0 : index
    %get3A_13 = arith.constant 0 : index
    %get3A_14 = vector.load %arg4[%get3A_12, %get3A_13] : memref<1x192xf32, #tpu.memory_space<vmem>>, vector<1x192xf32>
    %broadcast_in_dim3A = arith.constant 0.000000e+00 : f32
    %broadcast_in_dim3A_15 = vector.broadcast %broadcast_in_dim3A : f32 to vector<2000x32xf32>
    %slice3A = vector.extract_strided_slice %get3A_1 {offsets = [0, 0], sizes = [2000, 96], strides = [1, 1]} : vector<2000x128xf32> to vector<2000x96xf32>
    %slice3A_16 = vector.extract_strided_slice %get3A_14 {offsets = [0, 0], sizes = [1, 96], strides = [1, 1]} : vector<1x192xf32> to vector<1x96xf32>
    %add3A_17 = vector.broadcast %slice3A_16 : vector<1x96xf32> to vector<2000x96xf32>
    %add3A_18 = arith.addf %slice3A, %add3A_17 : vector<2000x96xf32>
    %concatenate3A = tpu.concatenate %add3A_18, %broadcast_in_dim3A_15 in 1 : vector<2000x96xf32>, vector<2000x32xf32> -> vector<2000x128xf32>
    %swap3A_19 = arith.constant 0 : index
    %swap3A_20 = arith.constant 0 : index
    %swap3A_21 = vector.load %arg6[%swap3A_19, %swap3A_20] : memref<2000x128xf32, #tpu.memory_space<vmem>>, vector<2000x128xf32>
    tpu.vector_store %arg6[%swap3A_19, %swap3A_20], %concatenate3A {strides = array<i32>} : memref<2000x128xf32, #tpu.memory_space<vmem>>, vector<2000x128xf32>,
    %slice3A_22 = vector.extract_strided_slice %get3A_1 {offsets = [0, 96], sizes = [2000, 32], strides = [1, 1]} : vector<2000x128xf32> to vector<2000x32xf32>
    %concatenate3A_23 = tpu.concatenate %slice3A_22, %add3A_9 in 1 : vector<2000x32xf32>, vector<2000x64xf32> -> vector<2000x96xf32>
    %slice3A_24 = vector.extract_strided_slice %get3A_14 {offsets = [0, 96], sizes = [1, 96], strides = [1, 1]} : vector<1x192xf32> to vector<1x96xf32>
    %add3A_25 = vector.broadcast %slice3A_24 : vector<1x96xf32> to vector<2000x96xf32>
    %add3A_26 = arith.addf %concatenate3A_23, %add3A_25 : vector<2000x96xf32>
    %concatenate3A_27 = tpu.concatenate %add3A_26, %broadcast_in_dim3A_15 in 1 : vector<2000x96xf32>, vector<2000x32xf32> -> vector<2000x128xf32>
    %swap3A_28 = arith.constant 0 : index
    %swap3A_29 = arith.constant 0 : index
    %swap3A_30 = vector.load %arg7[%swap3A_28, %swap3A_29] : memref<2000x128xf32, #tpu.memory_space<vmem>>, vector<2000x128xf32>
    tpu.vector_store %arg7[%swap3A_28, %swap3A_29], %concatenate3A_27 {strides = array<i32>} : memref<2000x128xf32, #tpu.memory_space<vmem>>, vector<2000x128xf32>,
    return
  }
  func.func @transform_0(%arg0: i32) -> (i32, i32) {
    %c0_i32 = arith.constant 0 : i32
    %c0_i32_0 = arith.constant 0 : i32
    return %arg0, %c0_i32 : i32, i32
  }
  func.func @transform_1(%arg0: i32) -> (i32, i32) {
    %c0_i32 = arith.constant 0 : i32
    %c0_i32_0 = arith.constant 0 : i32
    %c0_i32_1 = arith.constant 0 : i32
    return %c0_i32, %c0_i32_0 : i32, i32
  }
  func.func @transform_2(%arg0: i32) -> (i32, i32) {
    %c0_i32 = arith.constant 0 : i32
    %c0_i32_0 = arith.constant 0 : i32
    %c0_i32_1 = arith.constant 0 : i32
    return %c0_i32, %c0_i32_0 : i32, i32
  }
  func.func @transform_3(%arg0: i32) -> (i32, i32) {
    %c0_i32 = arith.constant 0 : i32
    %c0_i32_0 = arith.constant 0 : i32
    %c0_i32_1 = arith.constant 0 : i32
    return %c0_i32, %c0_i32_0 : i32, i32
  }
  func.func @transform_4(%arg0: i32) -> (i32, i32) {
    %c0_i32 = arith.constant 0 : i32
    %c0_i32_0 = arith.constant 0 : i32
    return %arg0, %c0_i32 : i32, i32
  }
  func.func @transform_5(%arg0: i32) -> (i32, i32) {
    %c0_i32 = arith.constant 0 : i32
    %c0_i32_0 = arith.constant 0 : i32
    return %arg0, %c0_i32 : i32, i32
  }
  func.func @transform_6(%arg0: i32) -> (i32, i32) {
    %c0_i32 = arith.constant 0 : i32
    %c0_i32_0 = arith.constant 0 : i32
    return %arg0, %c0_i32 : i32, i32
  }
}

module attributes {stable_mosaic.version = 14 : i64} {
  func.func @_dense_mid_body(%arg0: i32, %arg1: memref<2000x128xf32, #tpu.memory_space<vmem>>, %arg2: memref<2000x64xf32, #tpu.memory_space<vmem>>, %arg3: memref<2000x128xf32, #tpu.memory_space<vmem>>, %arg4: memref<2000x128xf32, #tpu.memory_space<vmem>>, %arg5: memref<192x128xf32, #tpu.memory_space<vmem>>, %arg6: memref<1x128xf32, #tpu.memory_space<vmem>>, %arg7: memref<1x128xf32, #tpu.memory_space<vmem>>, %arg8: memref<1x128xf32, #tpu.memory_space<vmem>>, %arg9: memref<128x128xf32, #tpu.memory_space<vmem>>, %arg10: memref<1x128xf32, #tpu.memory_space<vmem>>, %arg11: memref<128x64xf32, #tpu.memory_space<vmem>>, %arg12: memref<1x64xf32, #tpu.memory_space<vmem>>, %arg13: memref<1x192xf32, #tpu.memory_space<vmem>>, %arg14: memref<2000x64xf32, #tpu.memory_space<vmem>>, %arg15: memref<2000x128xf32, #tpu.memory_space<vmem>>, %arg16: memref<2000x128xf32, #tpu.memory_space<vmem>>) attributes {dimension_semantics = [#tpu.dimension_semantics<arbitrary>], iteration_bounds = array<i64: 5>, scalar_prefetch = 0 : i64, scratch_operands = 0 : i64, tpu.core_type = #tpu.core_type<tc>, window_params = [{transform_indices = @transform_0, window_bounds = array<i64: 2000, 128>}, {transform_indices = @transform_1, window_bounds = array<i64: 2000, 64>}, {transform_indices = @transform_2, window_bounds = array<i64: 2000, 128>}, {transform_indices = @transform_3, window_bounds = array<i64: 2000, 128>}, {pipeline_mode = #tpu.pipeline_mode<synchronous>, transform_indices = @transform_4, window_bounds = array<i64: 192, 128>}, {pipeline_mode = #tpu.pipeline_mode<synchronous>, transform_indices = @transform_5, window_bounds = array<i64: 1, 128>}, {pipeline_mode = #tpu.pipeline_mode<synchronous>, transform_indices = @transform_6, window_bounds = array<i64: 1, 128>}, {pipeline_mode = #tpu.pipeline_mode<synchronous>, transform_indices = @transform_7, window_bounds = array<i64: 1, 128>}, {pipeline_mode = #tpu.pipeline_mode<synchronous>, transform_indices = @transform_8, window_bounds = array<i64: 128, 128>}, {pipeline_mode = #tpu.pipeline_mode<synchronous>, transform_indices = @transform_9, window_bounds = array<i64: 1, 128>}, {pipeline_mode = #tpu.pipeline_mode<synchronous>, transform_indices = @transform_10, window_bounds = array<i64: 128, 64>}, {pipeline_mode = #tpu.pipeline_mode<synchronous>, transform_indices = @transform_11, window_bounds = array<i64: 1, 64>}, {pipeline_mode = #tpu.pipeline_mode<synchronous>, transform_indices = @transform_12, window_bounds = array<i64: 1, 192>}, {transform_indices = @transform_13, window_bounds = array<i64: 2000, 64>}, {transform_indices = @transform_14, window_bounds = array<i64: 2000, 128>}, {transform_indices = @transform_15, window_bounds = array<i64: 2000, 128>}]} {
    %get3A = arith.constant 0 : index
    %get3A_0 = arith.constant 0 : index
    %get3A_1 = vector.load %arg1[%get3A, %get3A_0] : memref<2000x128xf32, #tpu.memory_space<vmem>>, vector<2000x128xf32>
    %get3A_2 = arith.constant 0 : index
    %get3A_3 = arith.constant 0 : index
    %get3A_4 = vector.load %arg2[%get3A_2, %get3A_3] : memref<2000x64xf32, #tpu.memory_space<vmem>>, vector<2000x64xf32>
    %concatenate3A = tpu.concatenate %get3A_1, %get3A_4 in 1 : vector<2000x128xf32>, vector<2000x64xf32> -> vector<2000x192xf32>
    %get3A_5 = arith.constant 0 : index
    %get3A_6 = arith.constant 0 : index
    %get3A_7 = vector.load %arg3[%get3A_5, %get3A_6] : memref<2000x128xf32, #tpu.memory_space<vmem>>, vector<2000x96xf32>
    %get3A_8 = arith.constant 0 : index
    %get3A_9 = arith.constant 0 : index
    %get3A_10 = vector.load %arg4[%get3A_8, %get3A_9] : memref<2000x128xf32, #tpu.memory_space<vmem>>, vector<2000x96xf32>
    %concatenate3A_11 = tpu.concatenate %get3A_7, %get3A_10 in 1 : vector<2000x96xf32>, vector<2000x96xf32> -> vector<2000x192xf32>
    %add3A = arith.addf %concatenate3A, %concatenate3A_11 : vector<2000x192xf32>
    %get3A_12 = arith.constant 0 : index
    %get3A_13 = arith.constant 0 : index
    %get3A_14 = vector.load %arg5[%get3A_12, %get3A_13] : memref<192x128xf32, #tpu.memory_space<vmem>>, vector<192x128xf32>
    %get3A_15 = arith.constant 0 : index
    %get3A_16 = arith.constant 0 : index
    %get3A_17 = vector.load %arg6[%get3A_15, %get3A_16] : memref<1x128xf32, #tpu.memory_space<vmem>>, vector<1x128xf32>
    %get3A_18 = arith.constant 0 : index
    %get3A_19 = arith.constant 0 : index
    %get3A_20 = vector.load %arg7[%get3A_18, %get3A_19] : memref<1x128xf32, #tpu.memory_space<vmem>>, vector<1x128xf32>
    %get3A_21 = arith.constant 0 : index
    %get3A_22 = arith.constant 0 : index
    %get3A_23 = vector.load %arg8[%get3A_21, %get3A_22] : memref<1x128xf32, #tpu.memory_space<vmem>>, vector<1x128xf32>
    %get3A_24 = arith.constant 0 : index
    %get3A_25 = arith.constant 0 : index
    %get3A_26 = vector.load %arg9[%get3A_24, %get3A_25] : memref<128x128xf32, #tpu.memory_space<vmem>>, vector<128x128xf32>
    %get3A_27 = arith.constant 0 : index
    %get3A_28 = arith.constant 0 : index
    %get3A_29 = vector.load %arg10[%get3A_27, %get3A_28] : memref<1x128xf32, #tpu.memory_space<vmem>>, vector<1x128xf32>
    %get3A_30 = arith.constant 0 : index
    %get3A_31 = arith.constant 0 : index
    %get3A_32 = vector.load %arg11[%get3A_30, %get3A_31] : memref<128x64xf32, #tpu.memory_space<vmem>>, vector<128x64xf32>
    %get3A_33 = arith.constant 0 : index
    %get3A_34 = arith.constant 0 : index
    %get3A_35 = vector.load %arg12[%get3A_33, %get3A_34] : memref<1x64xf32, #tpu.memory_space<vmem>>, vector<1x64xf32>
    %dot_general3A = arith.constant dense<0.000000e+00> : vector<2000x128xf32>
    %dot_general3A_36 = tpu.matmul %add3A, %get3A_14, %dot_general3A {dimension_numbers = #tpu.dot_dimension_numbers<[1], [0], [0], [1], [0, 0, 1, 1], [], []>, transpose_lhs_hint = false} : vector<2000x192xf32>, vector<192x128xf32>, vector<2000x128xf32> -> vector<2000x128xf32>
    %add3A_37 = vector.broadcast %get3A_17 : vector<1x128xf32> to vector<2000x128xf32>
    %add3A_38 = arith.addf %dot_general3A_36, %add3A_37 : vector<2000x128xf32>
    %reduce_sum3A = arith.constant dense<0.000000e+00> : vector<2000xf32>
    %reduce_sum3A_39 = vector.multi_reduction <add>, %add3A_38, %reduce_sum3A [1] : vector<2000x128xf32> to vector<2000xf32>
    %broadcast_in_dim3A = vector.shape_cast %reduce_sum3A_39 : vector<2000xf32> to vector<2000x1xf32>
    %div3A = arith.constant 1.280000e+02 : f32
    %div3A_40 = vector.broadcast %div3A : f32 to vector<2000x1xf32>
    %div3A_41 = arith.divf %broadcast_in_dim3A, %div3A_40 : vector<2000x1xf32>
    %sub3A = vector.broadcast %div3A_41 : vector<2000x1xf32> to vector<2000x128xf32>
    %sub3A_42 = arith.subf %add3A_38, %sub3A : vector<2000x128xf32>
    %integer_pow3A = arith.mulf %sub3A_42, %sub3A_42 : vector<2000x128xf32>
    %reduce_sum3A_43 = arith.constant dense<0.000000e+00> : vector<2000xf32>
    %reduce_sum3A_44 = vector.multi_reduction <add>, %integer_pow3A, %reduce_sum3A_43 [1] : vector<2000x128xf32> to vector<2000xf32>
    %broadcast_in_dim3A_45 = vector.shape_cast %reduce_sum3A_44 : vector<2000xf32> to vector<2000x1xf32>
    %div3A_46 = arith.constant 1.280000e+02 : f32
    %div3A_47 = vector.broadcast %div3A_46 : f32 to vector<2000x1xf32>
    %div3A_48 = arith.divf %broadcast_in_dim3A_45, %div3A_47 : vector<2000x1xf32>
    %sub3A_49 = vector.broadcast %div3A_41 : vector<2000x1xf32> to vector<2000x128xf32>
    %sub3A_50 = arith.subf %add3A_38, %sub3A_49 : vector<2000x128xf32>
    %add3A_51 = arith.constant 9.99999974E-6 : f32
    %add3A_52 = vector.broadcast %add3A_51 : f32 to vector<2000x1xf32>
    %add3A_53 = arith.addf %div3A_48, %add3A_52 : vector<2000x1xf32>
    %sqrt3A = math.sqrt %add3A_53 : vector<2000x1xf32>
    %div3A_54 = vector.broadcast %sqrt3A : vector<2000x1xf32> to vector<2000x128xf32>
    %div3A_55 = arith.divf %sub3A_50, %div3A_54 : vector<2000x128xf32>
    %mul3A = vector.broadcast %get3A_20 : vector<1x128xf32> to vector<2000x128xf32>
    %mul3A_56 = arith.mulf %div3A_55, %mul3A : vector<2000x128xf32>
    %add3A_57 = vector.broadcast %get3A_23 : vector<1x128xf32> to vector<2000x128xf32>
    %add3A_58 = arith.addf %mul3A_56, %add3A_57 : vector<2000x128xf32>
    %ge3A = arith.constant 0.000000e+00 : f32
    %ge3A_59 = vector.broadcast %ge3A : f32 to vector<2000x128xf32>
    %ge3A_60 = arith.cmpf oge, %add3A_58, %ge3A_59 : vector<2000x128xf32>
    %mul3A_61 = arith.constant 1.000000e-01 : f32
    %mul3A_62 = vector.broadcast %mul3A_61 : f32 to vector<2000x128xf32>
    %mul3A_63 = arith.mulf %mul3A_62, %add3A_58 : vector<2000x128xf32>
    %select_n3A = arith.select %ge3A_60, %add3A_58, %mul3A_63 : vector<2000x128xi1>, vector<2000x128xf32>
    %dot_general3A_64 = arith.constant dense<0.000000e+00> : vector<2000x128xf32>
    %dot_general3A_65 = tpu.matmul %select_n3A, %get3A_26, %dot_general3A_64 {dimension_numbers = #tpu.dot_dimension_numbers<[1], [0], [0], [1], [0, 0, 1, 1], [], []>, transpose_lhs_hint = false} : vector<2000x128xf32>, vector<128x128xf32>, vector<2000x128xf32> -> vector<2000x128xf32>
    %add3A_66 = vector.broadcast %get3A_29 : vector<1x128xf32> to vector<2000x128xf32>
    %add3A_67 = arith.addf %dot_general3A_65, %add3A_66 : vector<2000x128xf32>
    %ge3A_68 = arith.constant 0.000000e+00 : f32
    %ge3A_69 = vector.broadcast %ge3A_68 : f32 to vector<2000x128xf32>
    %ge3A_70 = arith.cmpf oge, %add3A_67, %ge3A_69 : vector<2000x128xf32>
    %mul3A_71 = arith.constant 1.000000e-01 : f32
    %mul3A_72 = vector.broadcast %mul3A_71 : f32 to vector<2000x128xf32>
    %mul3A_73 = arith.mulf %mul3A_72, %add3A_67 : vector<2000x128xf32>
    %select_n3A_74 = arith.select %ge3A_70, %add3A_67, %mul3A_73 : vector<2000x128xi1>, vector<2000x128xf32>
    %dot_general3A_75 = arith.constant dense<0.000000e+00> : vector<2000x64xf32>
    %dot_general3A_76 = tpu.matmul %select_n3A_74, %get3A_32, %dot_general3A_75 {dimension_numbers = #tpu.dot_dimension_numbers<[1], [0], [0], [1], [0, 0, 1, 1], [], []>, transpose_lhs_hint = false} : vector<2000x128xf32>, vector<128x64xf32>, vector<2000x64xf32> -> vector<2000x64xf32>
    %add3A_77 = vector.broadcast %get3A_35 : vector<1x64xf32> to vector<2000x64xf32>
    %add3A_78 = arith.addf %dot_general3A_76, %add3A_77 : vector<2000x64xf32>
    %swap3A = arith.constant 0 : index
    %swap3A_79 = arith.constant 0 : index
    %swap3A_80 = vector.load %arg14[%swap3A, %swap3A_79] : memref<2000x64xf32, #tpu.memory_space<vmem>>, vector<2000x64xf32>
    tpu.vector_store %arg14[%swap3A, %swap3A_79], %add3A_78 {strides = array<i32>} : memref<2000x64xf32, #tpu.memory_space<vmem>>, vector<2000x64xf32>,
    %get3A_81 = arith.constant 0 : index
    %get3A_82 = arith.constant 0 : index
    %get3A_83 = vector.load %arg13[%get3A_81, %get3A_82] : memref<1x192xf32, #tpu.memory_space<vmem>>, vector<1x192xf32>
    %broadcast_in_dim3A_84 = arith.constant 0.000000e+00 : f32
    %broadcast_in_dim3A_85 = vector.broadcast %broadcast_in_dim3A_84 : f32 to vector<2000x32xf32>
    %slice3A = vector.extract_strided_slice %get3A_1 {offsets = [0, 0], sizes = [2000, 96], strides = [1, 1]} : vector<2000x128xf32> to vector<2000x96xf32>
    %slice3A_86 = vector.extract_strided_slice %get3A_83 {offsets = [0, 0], sizes = [1, 96], strides = [1, 1]} : vector<1x192xf32> to vector<1x96xf32>
    %add3A_87 = vector.broadcast %slice3A_86 : vector<1x96xf32> to vector<2000x96xf32>
    %add3A_88 = arith.addf %slice3A, %add3A_87 : vector<2000x96xf32>
    %concatenate3A_89 = tpu.concatenate %add3A_88, %broadcast_in_dim3A_85 in 1 : vector<2000x96xf32>, vector<2000x32xf32> -> vector<2000x128xf32>
    %swap3A_90 = arith.constant 0 : index
    %swap3A_91 = arith.constant 0 : index
    %swap3A_92 = vector.load %arg15[%swap3A_90, %swap3A_91] : memref<2000x128xf32, #tpu.memory_space<vmem>>, vector<2000x128xf32>
    tpu.vector_store %arg15[%swap3A_90, %swap3A_91], %concatenate3A_89 {strides = array<i32>} : memref<2000x128xf32, #tpu.memory_space<vmem>>, vector<2000x128xf32>,
    %slice3A_93 = vector.extract_strided_slice %get3A_1 {offsets = [0, 96], sizes = [2000, 32], strides = [1, 1]} : vector<2000x128xf32> to vector<2000x32xf32>
    %concatenate3A_94 = tpu.concatenate %slice3A_93, %add3A_78 in 1 : vector<2000x32xf32>, vector<2000x64xf32> -> vector<2000x96xf32>
    %slice3A_95 = vector.extract_strided_slice %get3A_83 {offsets = [0, 96], sizes = [1, 96], strides = [1, 1]} : vector<1x192xf32> to vector<1x96xf32>
    %add3A_96 = vector.broadcast %slice3A_95 : vector<1x96xf32> to vector<2000x96xf32>
    %add3A_97 = arith.addf %concatenate3A_94, %add3A_96 : vector<2000x96xf32>
    %concatenate3A_98 = tpu.concatenate %add3A_97, %broadcast_in_dim3A_85 in 1 : vector<2000x96xf32>, vector<2000x32xf32> -> vector<2000x128xf32>
    %swap3A_99 = arith.constant 0 : index
    %swap3A_100 = arith.constant 0 : index
    %swap3A_101 = vector.load %arg16[%swap3A_99, %swap3A_100] : memref<2000x128xf32, #tpu.memory_space<vmem>>, vector<2000x128xf32>
    tpu.vector_store %arg16[%swap3A_99, %swap3A_100], %concatenate3A_98 {strides = array<i32>} : memref<2000x128xf32, #tpu.memory_space<vmem>>, vector<2000x128xf32>,
    return
  }
  func.func @transform_0(%arg0: i32) -> (i32, i32) {
    %c0_i32 = arith.constant 0 : i32
    %c0_i32_0 = arith.constant 0 : i32
    return %arg0, %c0_i32 : i32, i32
  }
  func.func @transform_1(%arg0: i32) -> (i32, i32) {
    %c0_i32 = arith.constant 0 : i32
    %c0_i32_0 = arith.constant 0 : i32
    return %arg0, %c0_i32 : i32, i32
  }
  func.func @transform_2(%arg0: i32) -> (i32, i32) {
    %c0_i32 = arith.constant 0 : i32
    %c0_i32_0 = arith.constant 0 : i32
    return %arg0, %c0_i32 : i32, i32
  }
  func.func @transform_3(%arg0: i32) -> (i32, i32) {
    %c0_i32 = arith.constant 0 : i32
    %c0_i32_0 = arith.constant 0 : i32
    return %arg0, %c0_i32 : i32, i32
  }
  func.func @transform_4(%arg0: i32) -> (i32, i32) {
    %c0_i32 = arith.constant 0 : i32
    %c0_i32_0 = arith.constant 0 : i32
    %c0_i32_1 = arith.constant 0 : i32
    return %c0_i32, %c0_i32_0 : i32, i32
  }
  func.func @transform_5(%arg0: i32) -> (i32, i32) {
    %c0_i32 = arith.constant 0 : i32
    %c0_i32_0 = arith.constant 0 : i32
    %c0_i32_1 = arith.constant 0 : i32
    return %c0_i32, %c0_i32_0 : i32, i32
  }
  func.func @transform_6(%arg0: i32) -> (i32, i32) {
    %c0_i32 = arith.constant 0 : i32
    %c0_i32_0 = arith.constant 0 : i32
    %c0_i32_1 = arith.constant 0 : i32
    return %c0_i32, %c0_i32_0 : i32, i32
  }
  func.func @transform_7(%arg0: i32) -> (i32, i32) {
    %c0_i32 = arith.constant 0 : i32
    %c0_i32_0 = arith.constant 0 : i32
    %c0_i32_1 = arith.constant 0 : i32
    return %c0_i32, %c0_i32_0 : i32, i32
  }
  func.func @transform_8(%arg0: i32) -> (i32, i32) {
    %c0_i32 = arith.constant 0 : i32
    %c0_i32_0 = arith.constant 0 : i32
    %c0_i32_1 = arith.constant 0 : i32
    return %c0_i32, %c0_i32_0 : i32, i32
  }
  func.func @transform_9(%arg0: i32) -> (i32, i32) {
    %c0_i32 = arith.constant 0 : i32
    %c0_i32_0 = arith.constant 0 : i32
    %c0_i32_1 = arith.constant 0 : i32
    return %c0_i32, %c0_i32_0 : i32, i32
  }
  func.func @transform_10(%arg0: i32) -> (i32, i32) {
    %c0_i32 = arith.constant 0 : i32
    %c0_i32_0 = arith.constant 0 : i32
    %c0_i32_1 = arith.constant 0 : i32
    return %c0_i32, %c0_i32_0 : i32, i32
  }
  func.func @transform_11(%arg0: i32) -> (i32, i32) {
    %c0_i32 = arith.constant 0 : i32
    %c0_i32_0 = arith.constant 0 : i32
    %c0_i32_1 = arith.constant 0 : i32
    return %c0_i32, %c0_i32_0 : i32, i32
  }
  func.func @transform_12(%arg0: i32) -> (i32, i32) {
    %c0_i32 = arith.constant 0 : i32
    %c0_i32_0 = arith.constant 0 : i32
    %c0_i32_1 = arith.constant 0 : i32
    return %c0_i32, %c0_i32_0 : i32, i32
  }
  func.func @transform_13(%arg0: i32) -> (i32, i32) {
    %c0_i32 = arith.constant 0 : i32
    %c0_i32_0 = arith.constant 0 : i32
    return %arg0, %c0_i32 : i32, i32
  }
  func.func @transform_14(%arg0: i32) -> (i32, i32) {
    %c0_i32 = arith.constant 0 : i32
    %c0_i32_0 = arith.constant 0 : i32
    return %arg0, %c0_i32 : i32, i32
  }
  func.func @transform_15(%arg0: i32) -> (i32, i32) {
    %c0_i32 = arith.constant 0 : i32
    %c0_i32_0 = arith.constant 0 : i32
    return %arg0, %c0_i32 : i32, i32
  }
}

module attributes {stable_mosaic.version = 14 : i64} {
  func.func @_dense_final_body(%arg0: i32, %arg1: memref<2000x128xf32, #tpu.memory_space<vmem>>, %arg2: memref<2000x64xf32, #tpu.memory_space<vmem>>, %arg3: memref<2000x64xf32, #tpu.memory_space<vmem>>, %arg4: memref<2000x128xf32, #tpu.memory_space<vmem>>, %arg5: memref<2000x128xf32, #tpu.memory_space<vmem>>, %arg6: memref<192x128xf32, #tpu.memory_space<vmem>>, %arg7: memref<1x128xf32, #tpu.memory_space<vmem>>, %arg8: memref<1x128xf32, #tpu.memory_space<vmem>>, %arg9: memref<1x128xf32, #tpu.memory_space<vmem>>, %arg10: memref<128x128xf32, #tpu.memory_space<vmem>>, %arg11: memref<1x128xf32, #tpu.memory_space<vmem>>, %arg12: memref<128x64xf32, #tpu.memory_space<vmem>>, %arg13: memref<1x64xf32, #tpu.memory_space<vmem>>, %arg14: memref<192x64xf32, #tpu.memory_space<vmem>>, %arg15: memref<1x64xf32, #tpu.memory_space<vmem>>, %arg16: memref<2000x64xf32, #tpu.memory_space<vmem>>) attributes {dimension_semantics = [#tpu.dimension_semantics<arbitrary>], iteration_bounds = array<i64: 5>, scalar_prefetch = 0 : i64, scratch_operands = 0 : i64, tpu.core_type = #tpu.core_type<tc>, window_params = [{transform_indices = @transform_0, window_bounds = array<i64: 2000, 128>}, {transform_indices = @transform_1, window_bounds = array<i64: 2000, 64>}, {transform_indices = @transform_2, window_bounds = array<i64: 2000, 64>}, {transform_indices = @transform_3, window_bounds = array<i64: 2000, 128>}, {transform_indices = @transform_4, window_bounds = array<i64: 2000, 128>}, {pipeline_mode = #tpu.pipeline_mode<synchronous>, transform_indices = @transform_5, window_bounds = array<i64: 192, 128>}, {pipeline_mode = #tpu.pipeline_mode<synchronous>, transform_indices = @transform_6, window_bounds = array<i64: 1, 128>}, {pipeline_mode = #tpu.pipeline_mode<synchronous>, transform_indices = @transform_7, window_bounds = array<i64: 1, 128>}, {pipeline_mode = #tpu.pipeline_mode<synchronous>, transform_indices = @transform_8, window_bounds = array<i64: 1, 128>}, {pipeline_mode = #tpu.pipeline_mode<synchronous>, transform_indices = @transform_9, window_bounds = array<i64: 128, 128>}, {pipeline_mode = #tpu.pipeline_mode<synchronous>, transform_indices = @transform_10, window_bounds = array<i64: 1, 128>}, {pipeline_mode = #tpu.pipeline_mode<synchronous>, transform_indices = @transform_11, window_bounds = array<i64: 128, 64>}, {pipeline_mode = #tpu.pipeline_mode<synchronous>, transform_indices = @transform_12, window_bounds = array<i64: 1, 64>}, {pipeline_mode = #tpu.pipeline_mode<synchronous>, transform_indices = @transform_13, window_bounds = array<i64: 192, 64>}, {pipeline_mode = #tpu.pipeline_mode<synchronous>, transform_indices = @transform_14, window_bounds = array<i64: 1, 64>}, {transform_indices = @transform_15, window_bounds = array<i64: 2000, 64>}]} {
    %get3A = arith.constant 0 : index
    %get3A_0 = arith.constant 0 : index
    %get3A_1 = vector.load %arg3[%get3A, %get3A_0] : memref<2000x64xf32, #tpu.memory_space<vmem>>, vector<2000x64xf32>
    %get3A_2 = arith.constant 0 : index
    %get3A_3 = arith.constant 0 : index
    %get3A_4 = vector.load %arg1[%get3A_2, %get3A_3] : memref<2000x128xf32, #tpu.memory_space<vmem>>, vector<2000x128xf32>
    %concatenate3A = tpu.concatenate %get3A_4, %get3A_1 in 1 : vector<2000x128xf32>, vector<2000x64xf32> -> vector<2000x192xf32>
    %get3A_5 = arith.constant 0 : index
    %get3A_6 = arith.constant 0 : index
    %get3A_7 = vector.load %arg4[%get3A_5, %get3A_6] : memref<2000x128xf32, #tpu.memory_space<vmem>>, vector<2000x96xf32>
    %get3A_8 = arith.constant 0 : index
    %get3A_9 = arith.constant 0 : index
    %get3A_10 = vector.load %arg5[%get3A_8, %get3A_9] : memref<2000x128xf32, #tpu.memory_space<vmem>>, vector<2000x96xf32>
    %concatenate3A_11 = tpu.concatenate %get3A_7, %get3A_10 in 1 : vector<2000x96xf32>, vector<2000x96xf32> -> vector<2000x192xf32>
    %add3A = arith.addf %concatenate3A, %concatenate3A_11 : vector<2000x192xf32>
    %get3A_12 = arith.constant 0 : index
    %get3A_13 = arith.constant 0 : index
    %get3A_14 = vector.load %arg6[%get3A_12, %get3A_13] : memref<192x128xf32, #tpu.memory_space<vmem>>, vector<192x128xf32>
    %get3A_15 = arith.constant 0 : index
    %get3A_16 = arith.constant 0 : index
    %get3A_17 = vector.load %arg7[%get3A_15, %get3A_16] : memref<1x128xf32, #tpu.memory_space<vmem>>, vector<1x128xf32>
    %get3A_18 = arith.constant 0 : index
    %get3A_19 = arith.constant 0 : index
    %get3A_20 = vector.load %arg8[%get3A_18, %get3A_19] : memref<1x128xf32, #tpu.memory_space<vmem>>, vector<1x128xf32>
    %get3A_21 = arith.constant 0 : index
    %get3A_22 = arith.constant 0 : index
    %get3A_23 = vector.load %arg9[%get3A_21, %get3A_22] : memref<1x128xf32, #tpu.memory_space<vmem>>, vector<1x128xf32>
    %get3A_24 = arith.constant 0 : index
    %get3A_25 = arith.constant 0 : index
    %get3A_26 = vector.load %arg10[%get3A_24, %get3A_25] : memref<128x128xf32, #tpu.memory_space<vmem>>, vector<128x128xf32>
    %get3A_27 = arith.constant 0 : index
    %get3A_28 = arith.constant 0 : index
    %get3A_29 = vector.load %arg11[%get3A_27, %get3A_28] : memref<1x128xf32, #tpu.memory_space<vmem>>, vector<1x128xf32>
    %get3A_30 = arith.constant 0 : index
    %get3A_31 = arith.constant 0 : index
    %get3A_32 = vector.load %arg12[%get3A_30, %get3A_31] : memref<128x64xf32, #tpu.memory_space<vmem>>, vector<128x64xf32>
    %get3A_33 = arith.constant 0 : index
    %get3A_34 = arith.constant 0 : index
    %get3A_35 = vector.load %arg13[%get3A_33, %get3A_34] : memref<1x64xf32, #tpu.memory_space<vmem>>, vector<1x64xf32>
    %dot_general3A = arith.constant dense<0.000000e+00> : vector<2000x128xf32>
    %dot_general3A_36 = tpu.matmul %add3A, %get3A_14, %dot_general3A {dimension_numbers = #tpu.dot_dimension_numbers<[1], [0], [0], [1], [0, 0, 1, 1], [], []>, transpose_lhs_hint = false} : vector<2000x192xf32>, vector<192x128xf32>, vector<2000x128xf32> -> vector<2000x128xf32>
    %add3A_37 = vector.broadcast %get3A_17 : vector<1x128xf32> to vector<2000x128xf32>
    %add3A_38 = arith.addf %dot_general3A_36, %add3A_37 : vector<2000x128xf32>
    %reduce_sum3A = arith.constant dense<0.000000e+00> : vector<2000xf32>
    %reduce_sum3A_39 = vector.multi_reduction <add>, %add3A_38, %reduce_sum3A [1] : vector<2000x128xf32> to vector<2000xf32>
    %broadcast_in_dim3A = vector.shape_cast %reduce_sum3A_39 : vector<2000xf32> to vector<2000x1xf32>
    %div3A = arith.constant 1.280000e+02 : f32
    %div3A_40 = vector.broadcast %div3A : f32 to vector<2000x1xf32>
    %div3A_41 = arith.divf %broadcast_in_dim3A, %div3A_40 : vector<2000x1xf32>
    %sub3A = vector.broadcast %div3A_41 : vector<2000x1xf32> to vector<2000x128xf32>
    %sub3A_42 = arith.subf %add3A_38, %sub3A : vector<2000x128xf32>
    %integer_pow3A = arith.mulf %sub3A_42, %sub3A_42 : vector<2000x128xf32>
    %reduce_sum3A_43 = arith.constant dense<0.000000e+00> : vector<2000xf32>
    %reduce_sum3A_44 = vector.multi_reduction <add>, %integer_pow3A, %reduce_sum3A_43 [1] : vector<2000x128xf32> to vector<2000xf32>
    %broadcast_in_dim3A_45 = vector.shape_cast %reduce_sum3A_44 : vector<2000xf32> to vector<2000x1xf32>
    %div3A_46 = arith.constant 1.280000e+02 : f32
    %div3A_47 = vector.broadcast %div3A_46 : f32 to vector<2000x1xf32>
    %div3A_48 = arith.divf %broadcast_in_dim3A_45, %div3A_47 : vector<2000x1xf32>
    %sub3A_49 = vector.broadcast %div3A_41 : vector<2000x1xf32> to vector<2000x128xf32>
    %sub3A_50 = arith.subf %add3A_38, %sub3A_49 : vector<2000x128xf32>
    %add3A_51 = arith.constant 9.99999974E-6 : f32
    %add3A_52 = vector.broadcast %add3A_51 : f32 to vector<2000x1xf32>
    %add3A_53 = arith.addf %div3A_48, %add3A_52 : vector<2000x1xf32>
    %sqrt3A = math.sqrt %add3A_53 : vector<2000x1xf32>
    %div3A_54 = vector.broadcast %sqrt3A : vector<2000x1xf32> to vector<2000x128xf32>
    %div3A_55 = arith.divf %sub3A_50, %div3A_54 : vector<2000x128xf32>
    %mul3A = vector.broadcast %get3A_20 : vector<1x128xf32> to vector<2000x128xf32>
    %mul3A_56 = arith.mulf %div3A_55, %mul3A : vector<2000x128xf32>
    %add3A_57 = vector.broadcast %get3A_23 : vector<1x128xf32> to vector<2000x128xf32>
    %add3A_58 = arith.addf %mul3A_56, %add3A_57 : vector<2000x128xf32>
    %ge3A = arith.constant 0.000000e+00 : f32
    %ge3A_59 = vector.broadcast %ge3A : f32 to vector<2000x128xf32>
    %ge3A_60 = arith.cmpf oge, %add3A_58, %ge3A_59 : vector<2000x128xf32>
    %mul3A_61 = arith.constant 1.000000e-01 : f32
    %mul3A_62 = vector.broadcast %mul3A_61 : f32 to vector<2000x128xf32>
    %mul3A_63 = arith.mulf %mul3A_62, %add3A_58 : vector<2000x128xf32>
    %select_n3A = arith.select %ge3A_60, %add3A_58, %mul3A_63 : vector<2000x128xi1>, vector<2000x128xf32>
    %dot_general3A_64 = arith.constant dense<0.000000e+00> : vector<2000x128xf32>
    %dot_general3A_65 = tpu.matmul %select_n3A, %get3A_26, %dot_general3A_64 {dimension_numbers = #tpu.dot_dimension_numbers<[1], [0], [0], [1], [0, 0, 1, 1], [], []>, transpose_lhs_hint = false} : vector<2000x128xf32>, vector<128x128xf32>, vector<2000x128xf32> -> vector<2000x128xf32>
    %add3A_66 = vector.broadcast %get3A_29 : vector<1x128xf32> to vector<2000x128xf32>
    %add3A_67 = arith.addf %dot_general3A_65, %add3A_66 : vector<2000x128xf32>
    %ge3A_68 = arith.constant 0.000000e+00 : f32
    %ge3A_69 = vector.broadcast %ge3A_68 : f32 to vector<2000x128xf32>
    %ge3A_70 = arith.cmpf oge, %add3A_67, %ge3A_69 : vector<2000x128xf32>
    %mul3A_71 = arith.constant 1.000000e-01 : f32
    %mul3A_72 = vector.broadcast %mul3A_71 : f32 to vector<2000x128xf32>
    %mul3A_73 = arith.mulf %mul3A_72, %add3A_67 : vector<2000x128xf32>
    %select_n3A_74 = arith.select %ge3A_70, %add3A_67, %mul3A_73 : vector<2000x128xi1>, vector<2000x128xf32>
    %dot_general3A_75 = arith.constant dense<0.000000e+00> : vector<2000x64xf32>
    %dot_general3A_76 = tpu.matmul %select_n3A_74, %get3A_32, %dot_general3A_75 {dimension_numbers = #tpu.dot_dimension_numbers<[1], [0], [0], [1], [0, 0, 1, 1], [], []>, transpose_lhs_hint = false} : vector<2000x128xf32>, vector<128x64xf32>, vector<2000x64xf32> -> vector<2000x64xf32>
    %add3A_77 = vector.broadcast %get3A_35 : vector<1x64xf32> to vector<2000x64xf32>
    %add3A_78 = arith.addf %dot_general3A_76, %add3A_77 : vector<2000x64xf32>
    %get3A_79 = arith.constant 0 : index
    %get3A_80 = arith.constant 0 : index
    %get3A_81 = vector.load %arg2[%get3A_79, %get3A_80] : memref<2000x64xf32, #tpu.memory_space<vmem>>, vector<2000x64xf32>
    %concatenate3A_82 = tpu.concatenate %get3A_81, %get3A_1, %add3A_78 in 1 : vector<2000x64xf32>, vector<2000x64xf32>, vector<2000x64xf32> -> vector<2000x192xf32>
    %get3A_83 = arith.constant 0 : index
    %get3A_84 = arith.constant 0 : index
    %get3A_85 = vector.load %arg14[%get3A_83, %get3A_84] : memref<192x64xf32, #tpu.memory_space<vmem>>, vector<192x64xf32>
    %dot_general3A_86 = arith.constant dense<0.000000e+00> : vector<2000x64xf32>
    %dot_general3A_87 = tpu.matmul %concatenate3A_82, %get3A_85, %dot_general3A_86 {dimension_numbers = #tpu.dot_dimension_numbers<[1], [0], [0], [1], [0, 0, 1, 1], [], []>, transpose_lhs_hint = false} : vector<2000x192xf32>, vector<192x64xf32>, vector<2000x64xf32> -> vector<2000x64xf32>
    %get3A_88 = arith.constant 0 : index
    %get3A_89 = arith.constant 0 : index
    %get3A_90 = vector.load %arg15[%get3A_88, %get3A_89] : memref<1x64xf32, #tpu.memory_space<vmem>>, vector<1x64xf32>
    %add3A_91 = vector.broadcast %get3A_90 : vector<1x64xf32> to vector<2000x64xf32>
    %add3A_92 = arith.addf %dot_general3A_87, %add3A_91 : vector<2000x64xf32>
    %swap3A = arith.constant 0 : index
    %swap3A_93 = arith.constant 0 : index
    %swap3A_94 = vector.load %arg16[%swap3A, %swap3A_93] : memref<2000x64xf32, #tpu.memory_space<vmem>>, vector<2000x64xf32>
    tpu.vector_store %arg16[%swap3A, %swap3A_93], %add3A_92 {strides = array<i32>} : memref<2000x64xf32, #tpu.memory_space<vmem>>, vector<2000x64xf32>,
    return
  }
  func.func @transform_0(%arg0: i32) -> (i32, i32) {
    %c0_i32 = arith.constant 0 : i32
    %c0_i32_0 = arith.constant 0 : i32
    return %arg0, %c0_i32 : i32, i32
  }
  func.func @transform_1(%arg0: i32) -> (i32, i32) {
    %c0_i32 = arith.constant 0 : i32
    %c0_i32_0 = arith.constant 0 : i32
    return %arg0, %c0_i32 : i32, i32
  }
  func.func @transform_2(%arg0: i32) -> (i32, i32) {
    %c0_i32 = arith.constant 0 : i32
    %c0_i32_0 = arith.constant 0 : i32
    return %arg0, %c0_i32 : i32, i32
  }
  func.func @transform_3(%arg0: i32) -> (i32, i32) {
    %c0_i32 = arith.constant 0 : i32
    %c0_i32_0 = arith.constant 0 : i32
    return %arg0, %c0_i32 : i32, i32
  }
  func.func @transform_4(%arg0: i32) -> (i32, i32) {
    %c0_i32 = arith.constant 0 : i32
    %c0_i32_0 = arith.constant 0 : i32
    return %arg0, %c0_i32 : i32, i32
  }
  func.func @transform_5(%arg0: i32) -> (i32, i32) {
    %c0_i32 = arith.constant 0 : i32
    %c0_i32_0 = arith.constant 0 : i32
    %c0_i32_1 = arith.constant 0 : i32
    return %c0_i32, %c0_i32_0 : i32, i32
  }
  func.func @transform_6(%arg0: i32) -> (i32, i32) {
    %c0_i32 = arith.constant 0 : i32
    %c0_i32_0 = arith.constant 0 : i32
    %c0_i32_1 = arith.constant 0 : i32
    return %c0_i32, %c0_i32_0 : i32, i32
  }
  func.func @transform_7(%arg0: i32) -> (i32, i32) {
    %c0_i32 = arith.constant 0 : i32
    %c0_i32_0 = arith.constant 0 : i32
    %c0_i32_1 = arith.constant 0 : i32
    return %c0_i32, %c0_i32_0 : i32, i32
  }
  func.func @transform_8(%arg0: i32) -> (i32, i32) {
    %c0_i32 = arith.constant 0 : i32
    %c0_i32_0 = arith.constant 0 : i32
    %c0_i32_1 = arith.constant 0 : i32
    return %c0_i32, %c0_i32_0 : i32, i32
  }
  func.func @transform_9(%arg0: i32) -> (i32, i32) {
    %c0_i32 = arith.constant 0 : i32
    %c0_i32_0 = arith.constant 0 : i32
    %c0_i32_1 = arith.constant 0 : i32
    return %c0_i32, %c0_i32_0 : i32, i32
  }
  func.func @transform_10(%arg0: i32) -> (i32, i32) {
    %c0_i32 = arith.constant 0 : i32
    %c0_i32_0 = arith.constant 0 : i32
    %c0_i32_1 = arith.constant 0 : i32
    return %c0_i32, %c0_i32_0 : i32, i32
  }
  func.func @transform_11(%arg0: i32) -> (i32, i32) {
    %c0_i32 = arith.constant 0 : i32
    %c0_i32_0 = arith.constant 0 : i32
    %c0_i32_1 = arith.constant 0 : i32
    return %c0_i32, %c0_i32_0 : i32, i32
  }
  func.func @transform_12(%arg0: i32) -> (i32, i32) {
    %c0_i32 = arith.constant 0 : i32
    %c0_i32_0 = arith.constant 0 : i32
    %c0_i32_1 = arith.constant 0 : i32
    return %c0_i32, %c0_i32_0 : i32, i32
  }
  func.func @transform_13(%arg0: i32) -> (i32, i32) {
    %c0_i32 = arith.constant 0 : i32
    %c0_i32_0 = arith.constant 0 : i32
    %c0_i32_1 = arith.constant 0 : i32
    return %c0_i32, %c0_i32_0 : i32, i32
  }
  func.func @transform_14(%arg0: i32) -> (i32, i32) {
    %c0_i32 = arith.constant 0 : i32
    %c0_i32_0 = arith.constant 0 : i32
    %c0_i32_1 = arith.constant 0 : i32
    return %c0_i32, %c0_i32_0 : i32, i32
  }
  func.func @transform_15(%arg0: i32) -> (i32, i32) {
    %c0_i32 = arith.constant 0 : i32
    %c0_i32_0 = arith.constant 0 : i32
    return %arg0, %c0_i32 : i32, i32
  }
}

</mosaic_0001>

<sc_bundles>
// kernel: kernel.12.cloned.1.call-start
scs
__scs_entry_jumppad:
0x0: {  	(pc) =	sbr.rel $0x88, $3  }
0x1: {  	(tag) =	ssettag $0x0;
	lr =	simm.s32 $0x1  }
0x2: {  	[smem:$0x3F86] =	sst lr;
	_ =	strace $0xD0000000  }
0x3: {  	_ = 	snop  }
0x4: {  	_ = 	snop  }
0x5: {  	_ = 	snop  }
0x6: {  	_ = 	snop  }
0x7: {  	_ = 	snop  }
__scs_overlays_trampoline_lowered:
0x8: {  	[smem:$0x3F95] =	sst s0  }
0x9: {  	[smem:$0x3F96] =	sst s1  }
0xa: {  	[smem:$0x3F97] =	sst s2  }
0xb: {  	[smem:$0x3F98] =	sst s3  }
0xc: {  	[smem:$0x3F99] =	sst s4  }
0xd: {  	[smem:$0x3F9A] =	sst s5  }
0xe: {  	[smem:$0x3F9B] =	sst s6  }
0xf: {  	[smem:$0x3F9C] =	sst s7  }
0x10: {  	[smem:$0x3F9D] =	sst s8  }
0x11: {  	[smem:$0x3F9E] =	sst s9;
	s0 =	simm.s32 @!p0 $0x0  }
0x12: {  	s1 =	sld [smem:$0x3F84];
	s0 =	simm.s32 @p0 $0x1  }
0x13: {  	[smem:$0x3F9F] =	sst s0;
	s0 =	simm.s32 @!p1 $0x0  }
0x14: {  	s2 =	sld [smem:$0x3F83];
	s0 =	simm.s32 @p1 $0x1  }
0x15: {  	[smem:$0x3FA0] =	sst s0;
	s0 =	simm.s32 @!p2 $0x0  }
0x16: {  	s3 =	sld [smem:$0x3FDB];
	s0 =	simm.s32 @p2 $0x1  }
0x17: {  	s4 =	simm.s32 $0x1BF5;
	[smem:$0x3FA2] =	sst s0  }
0x18: {  	s0 =	sld [smem:$0x3F85];
	_ =	swait.ge [sflag:s4], $0x0  }
0x19: {  	s7 =	sld [smem:$0x3F86]  }
0x1a: {  	s8 =	sadd.s32 $0xFFFFE003, lr  }
0x1b: {  	s9 =	sadd.s32 $0xFFFFFEF7, lr;
	s5 =	simm.s32 $0xFFFFFFFF;
	p2 =	slt.u32 s8, $0xFFFFF086  }
0x1c: {  	p1 =	slt.u32 s9, $0xF7A;
	s5 =	simm.s32 @!p2 $0x0  }
0x1d: {  	s5 =	simm.s32 @p1 $0x1;
	p0 =	seq.s32 s7, s2  }
0x1e: {  	s7 =	smul.u32 @!p0 $0xF7A, s2;
	p2 =	seq.s32 @!p0 s5, $0x0  }
0x1f: {  	s9 =	smul.u32 $0xF7A, s1;
	s8 =	simm.s32 @!p0 $0x1BF5;
	p2 =	por !p2, p0  }
0x20: {  	[sflag:s8] =	ssyncset.s32 @!p0 $0xFFFFF086;
	s6 =	sadd.s32 @!p0 s3, s7;
	s7 =	simm.s32 @!p0 $0x108  }
0x21: {  	s3 =	sadd.s32 s3, s9;
	s6 =	sadd.s32 @!p0 $0x88, s6;
	s7 =	simm.s32 @p2 $0x1082  }
0x22: {  	[simem:s7], [sflag:s8] =	dma.local @!p0 [hbm:s6], $0xF7A  }
0x23: {  	s9 =	sor.u32 $0xD0000000, s2;
	s6 =	simm.s32 $0x108;
	_ =	swait.ge @!p0 [sflag:s8], $0x0  }
0x24: {  	s3 =	sadd.s32 $0x88, s3;
	s6 =	simm.s32 @!p1 $0x1082;
	[sflag:s4] =	ssyncset.s32 $0xFFFFF086  }
0x25: {  	[simem:s6], [sflag:s4] =	dma.local [hbm:s3], $0xF7A  }
0x26: {  	[smem:$0x3F86] =	sst s1;
	(tag) =	ssettag s2;
	_ =	strace s9  }
0x27: {  	s1 =	sld [smem:$0x3F96]  }
0x28: {  	s2 =	sld [smem:$0x3F97]  }
0x29: {  	s4 =	sld [smem:$0x3F99]  }
0x2a: {  	p0 =	seq.s32 s5, $0x0;
	s5 =	sld [smem:$0x3F9A]  }
0x2b: {  	s6 =	sld [smem:$0x3F9B]  }
0x2c: {  	s7 =	sld [smem:$0x3F9C]  }
0x2d: {  	s3 =	simm.s32 $0x108;
	s8 =	sld [smem:$0x3F9D]  }
0x2e: {  	s3 =	simm.s32 @!p0 $0x1082;
	s9 =	sld [smem:$0x3F9E]  }
0x2f: {  	lr =	sadd.s32 s0, s3;
	s0 =	sld [smem:$0x3F95]  }
0x30: {  	s3 =	sld [smem:$0x3F98]  }
0x31: {  	[smem:$0x3FA1] =	sst s10  }
0x32: {  	s10 =	sld [smem:$0x3F9F];
	_ =	sdelay $0x3  }
0x33: {  	p0 =	seq.s32 s10, $0x1;
	s10 =	sld [smem:$0x3FA1];
	_ =	sdelay $0x3  }
0x34: {  	[smem:$0x3FA1] =	sst s10  }
0x35: {  	s10 =	sld [smem:$0x3FA0];
	_ =	sdelay $0x3  }
0x36: {  	p1 =	seq.s32 s10, $0x1;
	s10 =	sld [smem:$0x3FA1];
	_ =	sdelay $0x3  }
0x37: {  	[smem:$0x3FA1] =	sst s10  }
0x38: {  	s10 =	sld [smem:$0x3FA2]  }
0x39: {  	_ = 	snop;
	(pc) =	sbr.ind lr, $3  }
0x3a: {  	_ = 	snop  }
0x3b: {  	_ = 	snop  }
0x3c: {  	p2 =	seq.s32 s10, $0x1;
	s10 =	sld [smem:$0x3FA1]  }
0x3d: {  	_ =	shalt  }
0x3e: {  	_ =	shalt  }
0x3f: {  	_ =	shalt  }
0x40: {  	_ =	shalt  }
0x41: {  	_ =	shalt  }
0x42: {  	_ =	shalt  }
0x43: {  	_ =	shalt  }
0x44: {  	_ =	shalt  }
0x45: {  	_ =	shalt  }
0x46: {  	_ =	shalt  }
0x47: {  	_ =	shalt  }
0x48: {  	_ =	shalt  }
0x49: {  	_ =	shalt  }
0x4a: {  	_ =	shalt  }
0x4b: {  	_ =	shalt  }
0x4c: {  	_ =	shalt  }
0x4d: {  	_ =	shalt  }
0x4e: {  	_ =	shalt  }
0x4f: {  	_ =	shalt  }
0x50: {  	_ =	shalt  }
0x51: {  	_ =	shalt  }
0x52: {  	_ =	shalt  }
0x53: {  	_ =	shalt  }
0x54: {  	_ =	shalt  }
0x55: {  	_ =	shalt  }
0x56: {  	_ =	shalt  }
0x57: {  	_ =	shalt  }
0x58: {  	_ =	shalt  }
0x59: {  	_ =	shalt  }
0x5a: {  	_ =	shalt  }
0x5b: {  	_ =	shalt  }
0x5c: {  	_ =	shalt  }
0x5d: {  	_ =	shalt  }
0x5e: {  	_ =	shalt  }
0x5f: {  	_ =	shalt  }
0x60: {  	_ =	shalt  }
0x61: {  	_ =	shalt  }
0x62: {  	_ =	shalt  }
0x63: {  	_ =	shalt  }
0x64: {  	_ =	shalt  }
0x65: {  	_ =	shalt  }
0x66: {  	_ =	shalt  }
0x67: {  	_ =	shalt  }
0x68: {  	_ =	shalt  }
0x69: {  	_ =	shalt  }
0x6a: {  	_ =	shalt  }
0x6b: {  	_ =	shalt  }
0x6c: {  	_ =	shalt  }
0x6d: {  	_ =	shalt  }
0x6e: {  	_ =	shalt  }
0x6f: {  	_ =	shalt  }
0x70: {  	_ =	shalt  }
0x71: {  	_ =	shalt  }
0x72: {  	_ =	shalt  }
0x73: {  	_ =	shalt  }
0x74: {  	_ =	shalt  }
0x75: {  	_ =	shalt  }
0x76: {  	_ =	shalt  }
0x77: {  	_ =	shalt  }
0x78: {  	_ =	shalt  }
0x79: {  	_ =	shalt  }
0x7a: {  	_ =	shalt  }
0x7b: {  	_ =	shalt  }
0x7c: {  	_ =	shalt  }
0x7d: {  	_ =	shalt  }
0x7e: {  	_ =	shalt  }
0x7f: {  	_ =	shalt  }
0x80: {  	_ =	shalt  }
0x81: {  	_ =	shalt  }
0x82: {  	_ =	shalt  }
0x83: {  	_ =	shalt  }
0x84: {  	_ =	shalt  }
0x85: {  	_ =	shalt  }
0x86: {  	_ =	shalt  }
0x87: {  	_ =	shalt  }
.Lfunc_end0:
.L_simem_size_0:
called_computation.1_lowered:
.L_overlay_start_0:
0x88: {  	s0 =	sld [smem:$0x3FD9]  }
0x89: {  	s1 =	sld [smem:$0x3FFE];
	_ =	sdelay $0x3  }
0x8a: {  	s0 =	sadd.s32 s1, s0  }
0x8b: {  	[smem:$0x3FAD] =	sst s0  }
0x8c: {  	_ = 	snop  }
0x8d: {  	s0 =	sld [smem:$0x3FD0];
	(tm) =	ssettm $0x1  }
0x8e: {  	s16 =	sld [smem:$0x3FFB];
	_ =	sdelay $0x3  }
0x8f: {  	_ =	strace s16  }
0x90: {  	s1 =	sld [smem:$0x3FFC];
	_ =	sdelay $0x3  }
0x91: {  	_ =	strace s1  }
0x92: {  	s1 =	sld [smem:$0x3FFD];
	_ =	sdelay $0x3  }
0x93: {  	_ =	strace s1  }
0x94: {  	_ =	strace $0x8FFFFFFF  }
0x95: {  	s17 =	sld [smem:$0x3FDB];
	_ =	sdelay $0x1  }
0x96: {  	s2 =	simm.s32 $_scs_section_size  }
0x97: {  	s3 =	simm.s32 $_size__tile_overlayer_lowered;
	s4 =	simm.s32 $_tile_overlayer_lowered  }
0x98: {  	s20 =	simm.s32 $0x1BFF;
	s19 =	sshll.u32 s4, $0x1;
	s1 =	sadd.s32 s2, s17  }
0x99: {  	s5 =	simm.s32 $0x0;
	s18 =	sshll.u32 s3, $0x1;
	s3 =	sadd.s32 s19, s1  }
0x9a: {  	[timem:s5], [sflag:s20] =	dma.local [hbm:s3], s18  }
0x9b: {  	_ =	swait.ge [sflag:s20], s18  }
0x9c: {  	s2 =	ssub.s32 $0x0, s18;
	[sflag:s20] =	ssyncset.done $0x0  }
0x9d: {  	[sflag:s20] =	ssyncadd.s32 s2;
	_ =	sdelay $0x1  }
0x9e: {  	s21 =	simm.s32 $0x1B8B  }
0x9f: {  	_ =	swait.ge [sflag:s21], $0x1  }
0xa0: {  	[sflag:s21] =	ssyncset.done $0x0  }
0xa1: {  	s23 =	simm.s32 $0x1B8E;
	s22 =	sld [smem:$0x3FFE];
	[sflag:s21] =	ssyncadd.s32 $0xFFFFFFFF  }
0xa2: {  	s24 =	simm.s32 $execute0_lowered;
	[smem:$0x3FD2] =	sst s23  }
0xa3: {  	s3 =	sshll.u32 s24, $0x1;
	_ =	strace $0x80000046;
	[dreg:$0x1] =	wrdreg $0xFFFFFFFF  }
0xa4: {  	s25 =	simm.s32 $_size_execute0_lowered;
	s1 =	sadd.s32 s1, s3;
	[dreg:$0x0] =	wrdreg $0x0  }
0xa5: {  	s3 =	sshll.u32 s25, $0x1;
	[dreg:$0x2] =	wrdreg s1  }
0xa6: {  	[dreg:$0x3] =	wrdreg s3  }
0xa7: {  	[dreg:$0x4] =	wrdreg $0xC0  }
0xa8: {  	_ =	task [dreg:s5], $0x5FFFF  }
0xa9: {  	[dreg:$0x1] =	wrdreg $0xFFFFFFFF  }
0xaa: {  	[dreg:$0x0] =	wrdreg $0x60  }
0xab: {  	[dreg:$0x2] =	wrdreg s22  }
0xac: {  	[dreg:$0x3] =	wrdreg s0  }
0xad: {  	[dreg:$0x4] =	wrdreg $0x98800  }
0xae: {  	[dreg:$0x5] =	wrdreg $0xA  }
0xaf: {  	_ =	task.clear_ibuf [dreg:s5], $0x6FFFF;
	_ =	strace $0x90000046  }
0xb0: {  	s26 =	simm.s32 $0xA;
	_ =	strace $0x80000048  }
0xb1: {  	_ =	swait.ge [sflag:s26], $0x1  }
0xb2: {  	[sflag:s26] =	ssyncadd.s32 $0xFFFFFFFF  }
0xb3: {  	_ =	strace $0x90000048  }
0xb4: {  	_ =	sfence  }
0xb5: {  	s28 =	sld [smem:$0x0];
	_ =	sdelay $0x1  }
0xb6: {  	s29 =	srdreg.scid  }
0xb7: {  	s30 =	sshll.u32 s29, $0xD;
	s31 =	sshrl.u32 s29, $0x2  }
0xb8: {  	s2 =	sand.u32 $0x4000, s30;
	s1 =	sand.u32 $0x1, s29;
	s0 =	sadd.s32 s31, s28  }
0xb9: {  	s1 =	sor.u32 s2, s1;
	s0 =	sshll.u32 s0, $0x11  }
0xba: {  	s0 =	sor.u32 s0, s1  }
0xbb: {  	s0 =	sadd.s32 $0x8F2B, s0  }
0xbc: {  	[sflag:s0] =	ssyncadd.remote.s32 $0x1  }
0xbd: {  	_ =	sfence.sel $0xFFFF  }
0xbe: {  	[dreg:$0x0] =	wrdreg $0xFFFFFFFF;
	(pc) =	sbr.abs _section_cstart, $3  }
0xbf: {  	[dreg:$0x1] =	wrdreg $0xFFFFFFFF  }
0xc0: {  	_ =	task.clear_ibuf [dreg:s5], $0x2FFFF;
	_ =	strace $0x9FFFFFFF  }
0xc1: {  	(tm) =	ssettm $0x7FFFFFFF  }
tec
execute0_lowered:
.L_overlay_start_1:
0x0: {  	(tag) =	ssettag $0x1  }
0x1: {  	s0 =	stileid.u32  }
0x2: {  	s4 =	smul.u32 $0x5000, s0  }
0x3: {  	s3 =	rddreg [dreg:$0x0]  }
0x4: {  	s1 =	rddreg [dreg:$0x1];
	s4 =	sshrl.u32 s4, $0x3  }
0x5: {  	s2 =	rddreg [dreg:$0x2];
	s14 =	simm.s32 $0x0;
	s4 =	sadd.s32 s4, s3  }
0x6: {  	[smem:$0x7FF] =	sst s14;
	p0 =	seq.s32 s0, $0xF;
	s4 =	sadd.s32 $0x4600, s4  }
0x7: {  	_ =	strace $0x80000047;
	[dreg:$0x4] =	wrdreg s4;
	s4 =	sadd.s32 $0x124800, s2  }
0x8: {  	s5 =	sadd.s32 $0x8E000, s3;
	s21 =	smul.u32 $0x4E000, s0;
	s7 =	sshrl.u32 @p0 s4, $0x3  }
0x9: {  	s6 =	sadd.s32 @p0 $0x24900, s5;
	s4 =	simm.s32 @p0 $0x1FC5;
	[dreg:$0x17] =	wrdreg s7  }
0xa: {  	[spmem:s7], [sflag:s4] =	dma.local @p0 [hbm:s6], $0x2800  }
0xb: {  	s6 =	simm.s32 @p0 $0x5  }
0xc: {  	s4 =	sshrl.u32 s21, $0x2;
	_ =	swait.ge @p0 [sflag:s6], $0x2800  }
0xd: {  	s31 =	smul.u32 $0x2700, s0;
	s4 =	sadd.s32 s4, s2;
	[sflag:s6] =	ssyncset.done @p0 $0x0  }
0xe: {  	s4 =	sshrl.u32 @!p0 s4, $0x3;
	[sflag:s6] =	ssyncadd.s32 @p0 $0xFFFFD800;
	s6 =	sshll.u32 @!p0 s0, $0x6  }
0xf: {  	s7 =	sadd.s32 @!p0 s5, s31;
	[dreg:$0x19] =	wrdreg s4;
	s5 =	sor.u32 @!p0 $0x1C05, s6  }
0x10: {  	[dreg:$0x18] =	wrdreg s5  }
0x11: {  	[spmem:s4], [sflag:s5] =	dma.local @!p0 [hbm:s7], $0x2700  }
0x12: {  	s4 =	simm.s32 @!p0 $0x5  }
0x13: {  	_ =	swait.ge @!p0 [sflag:s4], $0x2700  }
0x14: {  	s23 =	simm.s32 $0x9800;
	[sflag:s4] =	ssyncset.done @!p0 $0x0  }
0x15: {  	s15 =	simm.s32 $0x5;
	s22 =	sadd.s32 $0x18800, s3;
	[sflag:s4] =	ssyncadd.s32 @!p0 $0xFFFFD900  }
0x16: {  	[tilespmem:s23], [sflag:$0x5] =	stream.linear.gather [hbm4b:s22+s14], $0x80, $0x38;
	[tilespmem:$0x1D140] =	vst v63  }
0x17: {  	_ =	swait.ge [sflag:s15], $0x80  }
0x18: {  	s24 =	smul.u32 $0xA00, s0;
	[sflag:s15] =	ssyncset.done $0x0  }
0x19: {  	s25 =	sadd.s32 $0xE600, s3;
	[sflag:s15] =	ssyncadd.s32 $0xFFFFFF80  }
0x1a: {  	s6 =	sadd.s32 s24, s25;
	[bflag:$0x0] =	sbarrier.arrive $0xFFFF  }
0x1b: {  	s1 =	sadd.s32 s24, s1;
	[dreg:$0x5] =	wrdreg s6  }
0x1c: {  	s26 =	simm.s32 $0x1000;
	[dreg:$0x6] =	wrdreg s1  }
0x1d: {  	s0 =	simm.s32 $0x100;
	[dreg:$0x7] =	wrdreg s26  }
0x1e: {  	s4 =	simm.s32 $0x880;
	[dreg:$0x8] =	wrdreg s0  }
0x1f: {  	s5 =	simm.s32 $0x180;
	[dreg:$0x9] =	wrdreg s4  }
0x20: {  	s7 =	simm.s32 $0x200;
	[dreg:$0xa] =	wrdreg s5  }
0x21: {  	s8 =	simm.s32 $0x980;
	[dreg:$0xc] =	wrdreg s7  }
0x22: {  	s9 =	simm.s32 $0x280;
	[dreg:$0xd] =	wrdreg s8  }
0x23: {  	s10 =	simm.s32 $0xA00;
	[dreg:$0xe] =	wrdreg s9  }
0x24: {  	s11 =	simm.s32 $0x300;
	[dreg:$0xf] =	wrdreg s10  }
0x25: {  	s12 =	simm.s32 $0xA80;
	[dreg:$0x10] =	wrdreg s11  }
0x26: {  	s13 =	simm.s32 $0x380;
	[dreg:$0x11] =	wrdreg s12  }
0x27: {  	s16 =	simm.s32 $0xB00;
	[dreg:$0x12] =	wrdreg s13  }
0x28: {  	s17 =	simm.s32 $0x400;
	[dreg:$0x13] =	wrdreg s16  }
0x29: {  	s19 =	simm.s32 $0xB80;
	[dreg:$0x14] =	wrdreg s17  }
0x2a: {  	s20 =	simm.s32 $0x480;
	[dreg:$0x15] =	wrdreg s19  }
0x2b: {  	[dreg:$0x16] =	wrdreg s20  }
0x2c: {  	s6 =	simm.s32 $0x900;
	s18 =	rddreg [dreg:$0x6]  }
0x2d: {  	[dreg:$0xb] =	wrdreg s6;
	s21 =	sadd.s32 $0x0, s18  }
0x2e: {  	[tilespmem:s14], [sflag:$0x5] =	stream.linear.gather [hbm4b:s21+s14], $0x800, $0x38;
	[tilespmem:$0x1D140] =	vst v63  }
0x2f: {  	_ =	swait.ge [sflag:s15], $0x800  }
0x30: {  	s22 =	rddreg [dreg:$0x5];
	[sflag:s15] =	ssyncset.done $0x0  }
0x31: {  	s23 =	rddreg [dreg:$0x7];
	[sflag:s15] =	ssyncadd.s32 $0xFFFFF800;
	s1 =	sadd.s32 $0x0, s22  }
0x32: {  	[tilespmem:s23], [sflag:$0x5] =	stream.linear.gather [hbm4b:s1+s14], $0x800, $0x38;
	[tilespmem:$0x1D140] =	vst v63  }
0x33: {  	_ =	swait.ge [sflag:s15], $0x800  }
0x34: {  	s24 =	rddreg [dreg:$0x4];
	[sflag:s15] =	ssyncset.done $0x0  }
0x35: {  	s16 =	simm.s32 $0x800;
	[sflag:s15] =	ssyncadd.s32 $0xFFFFF800;
	s1 =	sadd.s32 $0x0, s24  }
0x36: {  	[tilespmem:s16], [sflag:$0x5] =	stream.linear.gather [hbm4b:s1+s14], $0x800, $0x38;
	[tilespmem:$0x1D140] =	vst v63  }
0x37: {  	_ =	swait.ge [sflag:s15], $0x800  }
0x38: {  	s9 =	sadd.s32 $0x18A00, s3;
	[sflag:s15] =	ssyncset.done $0x0  }
0x39: {  	s8 =	simm.s32 $0x1800;
	s6 =	simm.s32 $0x80;
	[sflag:s15] =	ssyncadd.s32 $0xFFFFF800  }
0x3a: {  	[tilespmem:s8], [sflag:$0x1] =	stream.indirect.gather [hbm4b:s9+s6], $0x80, s14, s6, $0xb8;
	[tilespmem:$0x1D140] =	vst v63  }
0x3b: {  	s7 =	simm.s32 $0x5800;
	s10 =	simm.s32 $0x1  }
0x3c: {  	[tilespmem:s7], [sflag:$0x2] =	stream.indirect.gather [hbm4b:s9+s6], $0x80, s6, s6, $0xb8;
	[tilespmem:$0x1D140] =	vst v63  }
0x3d: {  	_ =	swait.ge [sflag:s10], $0x4000  }
0x3e: {  	[sflag:s10] =	ssyncset.done $0x0  }
0x3f: {  	s11 =	simm.s32 $0x3;
	[sflag:s10] =	ssyncadd.s32 $0xFFFFC000  }
0x40: {  	[spmem:s2] =	stream.indirect.scatter.add.f32 [tilespmem:s8], [sflag:$0x3], $0x80, s16, s6, $0xb8;
	[tilespmem:$0x1D140] =	vst v63  }
0x41: {  	_ =	swait.ge [sflag:s11], $0x4000  }
0x42: {  	[sflag:s11] =	ssyncset.done $0x0  }
0x43: {  	s12 =	simm.s32 $0x2;
	s25 =	rddreg [dreg:$0x8];
	[sflag:s11] =	ssyncadd.s32 $0xFFFFC000  }
0x44: {  	[tilespmem:s8], [sflag:$0x1] =	stream.indirect.gather [hbm4b:s9+s6], $0x80, s25, s6, $0xb8;
	[tilespmem:$0x1D140] =	vst v63  }
0x45: {  	_ =	swait.ge [sflag:s12], $0x4000  }
0x46: {  	[sflag:s12] =	ssyncset.done $0x0  }
0x47: {  	s13 =	simm.s32 $0x4;
	s26 =	rddreg [dreg:$0x9];
	[sflag:s12] =	ssyncadd.s32 $0xFFFFC000  }
0x48: {  	[spmem:s2] =	stream.indirect.scatter.add.f32 [tilespmem:s7], [sflag:$0x4], $0x80, s26, s6, $0xb8;
	[tilespmem:$0x1D140] =	vst v63  }
0x49: {  	_ =	swait.ge [sflag:s13], $0x4000  }
0x4a: {  	[sflag:s13] =	ssyncset.done $0x0  }
0x4b: {  	s0 =	rddreg [dreg:$0xa];
	[sflag:s13] =	ssyncadd.s32 $0xFFFFC000  }
0x4c: {  	[tilespmem:s7], [sflag:$0x2] =	stream.indirect.gather [hbm4b:s9+s6], $0x80, s0, s6, $0xb8;
	[tilespmem:$0x1D140] =	vst v63  }
0x4d: {  	_ =	swait.ge [sflag:s10], $0x4000  }
0x4e: {  	[sflag:s10] =	ssyncset.done $0x0  }
0x4f: {  	s4 =	rddreg [dreg:$0xb];
	[sflag:s10] =	ssyncadd.s32 $0xFFFFC000  }
0x50: {  	[spmem:s2] =	stream.indirect.scatter.add.f32 [tilespmem:s8], [sflag:$0x3], $0x80, s4, s6, $0xb8;
	[tilespmem:$0x1D140] =	vst v63  }
0x51: {  	_ =	swait.ge [sflag:s11], $0x4000  }
0x52: {  	[sflag:s11] =	ssyncset.done $0x0  }
0x53: {  	s5 =	rddreg [dreg:$0xc];
	[sflag:s11] =	ssyncadd.s32 $0xFFFFC000  }
0x54: {  	[tilespmem:s8], [sflag:$0x1] =	stream.indirect.gather [hbm4b:s9+s6], $0x80, s5, s6, $0xb8;
	[tilespmem:$0x1D140] =	vst v63  }
0x55: {  	_ =	swait.ge [sflag:s12], $0x4000  }
0x56: {  	[sflag:s12] =	ssyncset.done $0x0  }
0x57: {  	s17 =	rddreg [dreg:$0xd];
	[sflag:s12] =	ssyncadd.s32 $0xFFFFC000  }
0x58: {  	[spmem:s2] =	stream.indirect.scatter.add.f32 [tilespmem:s7], [sflag:$0x4], $0x80, s17, s6, $0xb8;
	[tilespmem:$0x1D140] =	vst v63  }
0x59: {  	_ =	swait.ge [sflag:s13], $0x4000  }
0x5a: {  	[sflag:s13] =	ssyncset.done $0x0  }
0x5b: {  	s18 =	rddreg [dreg:$0xe];
	[sflag:s13] =	ssyncadd.s32 $0xFFFFC000  }
0x5c: {  	[tilespmem:s7], [sflag:$0x2] =	stream.indirect.gather [hbm4b:s9+s6], $0x80, s18, s6, $0xb8;
	[tilespmem:$0x1D140] =	vst v63  }
0x5d: {  	_ =	swait.ge [sflag:s10], $0x4000  }
0x5e: {  	[sflag:s10] =	ssyncset.done $0x0  }
0x5f: {  	s19 =	rddreg [dreg:$0xf];
	[sflag:s10] =	ssyncadd.s32 $0xFFFFC000  }
0x60: {  	[spmem:s2] =	stream.indirect.scatter.add.f32 [tilespmem:s8], [sflag:$0x3], $0x80, s19, s6, $0xb8;
	[tilespmem:$0x1D140] =	vst v63  }
0x61: {  	_ =	swait.ge [sflag:s11], $0x4000  }
0x62: {  	[sflag:s11] =	ssyncset.done $0x0  }
0x63: {  	s20 =	rddreg [dreg:$0x10];
	[sflag:s11] =	ssyncadd.s32 $0xFFFFC000  }
0x64: {  	[tilespmem:s8], [sflag:$0x1] =	stream.indirect.gather [hbm4b:s9+s6], $0x80, s20, s6, $0xb8;
	[tilespmem:$0x1D140] =	vst v63  }
0x65: {  	_ =	swait.ge [sflag:s12], $0x4000  }
0x66: {  	[sflag:s12] =	ssyncset.done $0x0  }
0x67: {  	s21 =	rddreg [dreg:$0x11];
	[sflag:s12] =	ssyncadd.s32 $0xFFFFC000  }
0x68: {  	[spmem:s2] =	stream.indirect.scatter.add.f32 [tilespmem:s7], [sflag:$0x4], $0x80, s21, s6, $0xb8;
	[tilespmem:$0x1D140] =	vst v63  }
0x69: {  	_ =	swait.ge [sflag:s13], $0x4000  }
0x6a: {  	[sflag:s13] =	ssyncset.done $0x0  }
0x6b: {  	s22 =	rddreg [dreg:$0x12];
	[sflag:s13] =	ssyncadd.s32 $0xFFFFC000  }
0x6c: {  	[tilespmem:s7], [sflag:$0x2] =	stream.indirect.gather [hbm4b:s9+s6], $0x80, s22, s6, $0xb8;
	[tilespmem:$0x1D140] =	vst v63  }
0x6d: {  	_ =	swait.ge [sflag:s10], $0x4000  }
0x6e: {  	[sflag:s10] =	ssyncset.done $0x0  }
0x6f: {  	s23 =	rddreg [dreg:$0x13];
	[sflag:s10] =	ssyncadd.s32 $0xFFFFC000  }
0x70: {  	[spmem:s2] =	stream.indirect.scatter.add.f32 [tilespmem:s8], [sflag:$0x3], $0x80, s23, s6, $0xb8;
	[tilespmem:$0x1D140] =	vst v63  }
0x71: {  	_ =	swait.ge [sflag:s11], $0x4000  }
0x72: {  	[sflag:s11] =	ssyncset.done $0x0  }
0x73: {  	s24 =	rddreg [dreg:$0x14];
	[sflag:s11] =	ssyncadd.s32 $0xFFFFC000  }
0x74: {  	[tilespmem:s8], [sflag:$0x1] =	stream.indirect.gather [hbm4b:s9+s6], $0x80, s24, s6, $0xb8;
	[tilespmem:$0x1D140] =	vst v63  }
0x75: {  	_ =	swait.ge [sflag:s12], $0x4000  }
0x76: {  	[sflag:s12] =	ssyncset.done $0x0  }
0x77: {  	s25 =	rddreg [dreg:$0x15];
	[sflag:s12] =	ssyncadd.s32 $0xFFFFC000  }
0x78: {  	[spmem:s2] =	stream.indirect.scatter.add.f32 [tilespmem:s7], [sflag:$0x4], $0x80, s25, s6, $0xb8;
	[tilespmem:$0x1D140] =	vst v63  }
0x79: {  	_ =	swait.ge [sflag:s13], $0x4000  }
0x7a: {  	[sflag:s13] =	ssyncset.done $0x0  }
0x7b: {  	s26 =	rddreg [dreg:$0x16];
	[sflag:s13] =	ssyncadd.s32 $0xFFFFC000  }
0x7c: {  	[tilespmem:s7], [sflag:$0x2] =	stream.indirect.gather [hbm4b:s9+s6], $0x80, s26, s6, $0xb8;
	[tilespmem:$0x1D140] =	vst v63  }
0x7d: {  	_ =	swait.ge [sflag:s10], $0x4000  }
0x7e: {  	[sflag:s10] =	ssyncset.done $0x0  }
0x7f: {  	s17 =	simm.s32 $0xC00;
	[sflag:s10] =	ssyncadd.s32 $0xFFFFC000  }
0x80: {  	[spmem:s2] =	stream.indirect.scatter.add.f32 [tilespmem:s8], [sflag:$0x3], $0x80, s17, s6, $0xb8;
	[tilespmem:$0x1D140] =	vst v63  }
0x81: {  	_ =	swait.ge [sflag:s11], $0x4000  }
0x82: {  	[sflag:s11] =	ssyncset.done $0x0  }
0x83: {  	s18 =	simm.s32 $0x500;
	[sflag:s11] =	ssyncadd.s32 $0xFFFFC000  }
0x84: {  	[tilespmem:s8], [sflag:$0x1] =	stream.indirect.gather [hbm4b:s9+s6], $0x80, s18, s6, $0xb8;
	[tilespmem:$0x1D140] =	vst v63  }
0x85: {  	_ =	swait.ge [sflag:s12], $0x4000  }
0x86: {  	[sflag:s12] =	ssyncset.done $0x0  }
0x87: {  	s19 =	simm.s32 $0xC80;
	[sflag:s12] =	ssyncadd.s32 $0xFFFFC000  }
0x88: {  	[spmem:s2] =	stream.indirect.scatter.add.f32 [tilespmem:s7], [sflag:$0x4], $0x80, s19, s6, $0xb8;
	[tilespmem:$0x1D140] =	vst v63  }
0x89: {  	_ =	swait.ge [sflag:s13], $0x4000  }
0x8a: {  	[sflag:s13] =	ssyncset.done $0x0  }
0x8b: {  	s20 =	simm.s32 $0x580;
	[sflag:s13] =	ssyncadd.s32 $0xFFFFC000  }
0x8c: {  	[tilespmem:s7], [sflag:$0x2] =	stream.indirect.gather [hbm4b:s9+s6], $0x80, s20, s6, $0xb8;
	[tilespmem:$0x1D140] =	vst v63  }
0x8d: {  	_ =	swait.ge [sflag:s10], $0x4000  }
0x8e: {  	[sflag:s10] =	ssyncset.done $0x0  }
0x8f: {  	s21 =	simm.s32 $0xD00;
	[sflag:s10] =	ssyncadd.s32 $0xFFFFC000  }
0x90: {  	[spmem:s2] =	stream.indirect.scatter.add.f32 [tilespmem:s8], [sflag:$0x3], $0x80, s21, s6, $0xb8;
	[tilespmem:$0x1D140] =	vst v63  }
0x91: {  	_ =	swait.ge [sflag:s11], $0x4000  }
0x92: {  	[sflag:s11] =	ssyncset.done $0x0  }
0x93: {  	s22 =	simm.s32 $0x600;
	[sflag:s11] =	ssyncadd.s32 $0xFFFFC000  }
0x94: {  	[tilespmem:s8], [sflag:$0x1] =	stream.indirect.gather [hbm4b:s9+s6], $0x80, s22, s6, $0xb8;
	[tilespmem:$0x1D140] =	vst v63  }
0x95: {  	_ =	swait.ge [sflag:s12], $0x4000  }
0x96: {  	[sflag:s12] =	ssyncset.done $0x0  }
0x97: {  	s23 =	simm.s32 $0xD80;
	[sflag:s12] =	ssyncadd.s32 $0xFFFFC000  }
0x98: {  	[spmem:s2] =	stream.indirect.scatter.add.f32 [tilespmem:s7], [sflag:$0x4], $0x80, s23, s6, $0xb8;
	[tilespmem:$0x1D140] =	vst v63  }
0x99: {  	_ =	swait.ge [sflag:s13], $0x4000  }
0x9a: {  	[sflag:s13] =	ssyncset.done $0x0  }
0x9b: {  	s25 =	simm.s32 $0x680;
	[sflag:s13] =	ssyncadd.s32 $0xFFFFC000  }
0x9c: {  	[tilespmem:s7], [sflag:$0x2] =	stream.indirect.gather [hbm4b:s9+s6], $0x80, s25, s6, $0xb8;
	[tilespmem:$0x1D140] =	vst v63  }
0x9d: {  	_ =	swait.ge [sflag:s10], $0x4000  }
0x9e: {  	[sflag:s10] =	ssyncset.done $0x0  }
0x9f: {  	s26 =	simm.s32 $0xE00;
	[sflag:s10] =	ssyncadd.s32 $0xFFFFC000  }
0xa0: {  	[spmem:s2] =	stream.indirect.scatter.add.f32 [tilespmem:s8], [sflag:$0x3], $0x80, s26, s6, $0xb8;
	[tilespmem:$0x1D140] =	vst v63  }
0xa1: {  	_ =	swait.ge [sflag:s11], $0x4000  }
0xa2: {  	[sflag:s11] =	ssyncset.done $0x0  }
0xa3: {  	s28 =	simm.s32 $0x700;
	[sflag:s11] =	ssyncadd.s32 $0xFFFFC000  }
0xa4: {  	[tilespmem:s8], [sflag:$0x1] =	stream.indirect.gather [hbm4b:s9+s6], $0x80, s28, s6, $0xb8;
	[tilespmem:$0x1D140] =	vst v63  }
0xa5: {  	_ =	swait.ge [sflag:s12], $0x4000  }
0xa6: {  	[sflag:s12] =	ssyncset.done $0x0  }
0xa7: {  	s29 =	simm.s32 $0xE80;
	[sflag:s12] =	ssyncadd.s32 $0xFFFFC000  }
0xa8: {  	[spmem:s2] =	stream.indirect.scatter.add.f32 [tilespmem:s7], [sflag:$0x4], $0x80, s29, s6, $0xb8;
	[tilespmem:$0x1D140] =	vst v63  }
0xa9: {  	_ =	swait.ge [sflag:s13], $0x4000  }
0xaa: {  	[sflag:s13] =	ssyncset.done $0x0  }
0xab: {  	s30 =	simm.s32 $0x780;
	[sflag:s13] =	ssyncadd.s32 $0xFFFFC000  }
0xac: {  	[tilespmem:s7], [sflag:$0x2] =	stream.indirect.gather [hbm4b:s9+s6], $0x80, s30, s6, $0xb8;
	[tilespmem:$0x1D140] =	vst v63  }
0xad: {  	_ =	swait.ge [sflag:s10], $0x4000  }
0xae: {  	[sflag:s10] =	ssyncset.done $0x0  }
0xaf: {  	s1 =	simm.s32 $0xF00;
	[sflag:s10] =	ssyncadd.s32 $0xFFFFC000  }
0xb0: {  	[spmem:s2] =	stream.indirect.scatter.add.f32 [tilespmem:s8], [sflag:$0x3], $0x80, s1, s6, $0xb8;
	[tilespmem:$0x1D140] =	vst v63  }
0xb1: {  	_ =	swait.ge [sflag:s11], $0x4000  }
0xb2: {  	[sflag:s11] =	ssyncset.done $0x0  }
0xb3: {  	[sflag:s11] =	ssyncadd.s32 $0xFFFFC000  }
0xb4: {  	_ =	swait.ge [sflag:s12], $0x4000  }
0xb5: {  	s0 =	sadd.s32 s31, s3;
	[sflag:s12] =	ssyncset.done $0x0  }
0xb6: {  	s4 =	sadd.s32 $0xB5200, s0;
	s24 =	simm.s32 $0xF80;
	[sflag:s12] =	ssyncadd.s32 $0xFFFFC000  }
0xb7: {  	[spmem:s2] =	stream.indirect.scatter.add.f32 [tilespmem:s7], [sflag:$0x4], $0x80, s24, s6, $0xb8;
	[tilespmem:$0x1D140] =	vst v63  }
0xb8: {  	s5 =	sadd.s32 $0xD9B00, s3;
	_ =	swait.ge [sflag:s13], $0x4000;
	[dreg:$0x1a] =	wrdreg s4  }
0xb9: {  	s31 =	simm.s32 $0x100;
	[dreg:$0x1b] =	wrdreg s5  }
0xba: {  	s3 =	simm.s32 $0x200;
	[sflag:s13] =	ssyncset.done $0x0;
	s4 =	rddreg [dreg:$0x6]  }
.LBB2_1:
0xbb: {  	[sflag:s13] =	ssyncadd.s32 $0xFFFFC000;
	s4 =	sadd.s32 s31, s4  }
0xbc: {  	[tilespmem:s14], [sflag:$0x5] =	stream.linear.gather [hbm4b:s4+s14], $0x800, $0x38;
	[tilespmem:$0x1D140] =	vst v63  }
0xbd: {  	_ =	swait.ge [sflag:s15], $0x800  }
0xbe: {  	s4 =	rddreg [dreg:$0x5];
	[sflag:s15] =	ssyncset.done $0x0  }
0xbf: {  	s0 =	rddreg [dreg:$0x7];
	[sflag:s15] =	ssyncadd.s32 $0xFFFFF800;
	s4 =	sadd.s32 s31, s4  }
0xc0: {  	[tilespmem:s0], [sflag:$0x5] =	stream.linear.gather [hbm4b:s4+s14], $0x800, $0x38;
	[tilespmem:$0x1D140] =	vst v63  }
0xc1: {  	_ =	swait.ge [sflag:s15], $0x800  }
0xc2: {  	s4 =	rddreg [dreg:$0x4];
	[sflag:s15] =	ssyncset.done $0x0  }
0xc3: {  	[sflag:s15] =	ssyncadd.s32 $0xFFFFF800;
	s0 =	sadd.s32 s31, s4  }
0xc4: {  	[tilespmem:s16], [sflag:$0x5] =	stream.linear.gather [hbm4b:s0+s14], $0x800, $0x38;
	[tilespmem:$0x1D140] =	vst v63  }
0xc5: {  	_ =	swait.ge [sflag:s15], $0x800  }
0xc6: {  	[sflag:s15] =	ssyncset.done $0x0  }
0xc7: {  	[sflag:s15] =	ssyncadd.s32 $0xFFFFF800  }
0xc8: {  	[tilespmem:s8], [sflag:$0x1] =	stream.indirect.gather [hbm4b:s9+s6], $0x80, s14, s6, $0xb8;
	[tilespmem:$0x1D140] =	vst v63  }
0xc9: {  	_ = 	snop  }
0xca: {  	[tilespmem:s7], [sflag:$0x2] =	stream.indirect.gather [hbm4b:s9+s6], $0x80, s6, s6, $0xb8;
	[tilespmem:$0x1D140] =	vst v63  }
0xcb: {  	_ =	swait.ge [sflag:s10], $0x4000  }
0xcc: {  	[sflag:s10] =	ssyncset.done $0x0  }
0xcd: {  	[sflag:s10] =	ssyncadd.s32 $0xFFFFC000  }
0xce: {  	[spmem:s2] =	stream.indirect.scatter.add.f32 [tilespmem:s8], [sflag:$0x3], $0x80, s16, s6, $0xb8;
	[tilespmem:$0x1D140] =	vst v63  }
0xcf: {  	_ =	swait.ge [sflag:s11], $0x4000  }
0xd0: {  	s5 =	smov.u32 s3;
	[sflag:s11] =	ssyncset.done $0x0  }
0xd1: {  	s31 =	smov.u32 s5;
	s5 =	rddreg [dreg:$0x8];
	[sflag:s11] =	ssyncadd.s32 $0xFFFFC000  }
0xd2: {  	[tilespmem:s8], [sflag:$0x1] =	stream.indirect.gather [hbm4b:s9+s6], $0x80, s5, s6, $0xb8;
	[tilespmem:$0x1D140] =	vst v63  }
0xd3: {  	_ =	swait.ge [sflag:s12], $0x4000  }
0xd4: {  	[sflag:s12] =	ssyncset.done $0x0  }
0xd5: {  	s4 =	rddreg [dreg:$0x9];
	[sflag:s12] =	ssyncadd.s32 $0xFFFFC000  }
0xd6: {  	[spmem:s2] =	stream.indirect.scatter.add.f32 [tilespmem:s7], [sflag:$0x4], $0x80, s4, s6, $0xb8;
	[tilespmem:$0x1D140] =	vst v63  }
0xd7: {  	_ =	swait.ge [sflag:s13], $0x4000  }
0xd8: {  	[sflag:s13] =	ssyncset.done $0x0  }
0xd9: {  	s5 =	rddreg [dreg:$0xa];
	[sflag:s13] =	ssyncadd.s32 $0xFFFFC000  }
0xda: {  	[tilespmem:s7], [sflag:$0x2] =	stream.indirect.gather [hbm4b:s9+s6], $0x80, s5, s6, $0xb8;
	[tilespmem:$0x1D140] =	vst v63  }
0xdb: {  	_ =	swait.ge [sflag:s10], $0x4000  }
0xdc: {  	[sflag:s10] =	ssyncset.done $0x0  }
0xdd: {  	s4 =	rddreg [dreg:$0xb];
	[sflag:s10] =	ssyncadd.s32 $0xFFFFC000  }
0xde: {  	[spmem:s2] =	stream.indirect.scatter.add.f32 [tilespmem:s8], [sflag:$0x3], $0x80, s4, s6, $0xb8;
	[tilespmem:$0x1D140] =	vst v63  }
0xdf: {  	_ =	swait.ge [sflag:s11], $0x4000  }
0xe0: {  	[sflag:s11] =	ssyncset.done $0x0  }
0xe1: {  	s5 =	rddreg [dreg:$0xc];
	[sflag:s11] =	ssyncadd.s32 $0xFFFFC000  }
0xe2: {  	[tilespmem:s8], [sflag:$0x1] =	stream.indirect.gather [hbm4b:s9+s6], $0x80, s5, s6, $0xb8;
	[tilespmem:$0x1D140] =	vst v63  }
0xe3: {  	_ =	swait.ge [sflag:s12], $0x4000  }
0xe4: {  	[sflag:s12] =	ssyncset.done $0x0  }
0xe5: {  	s4 =	rddreg [dreg:$0xd];
	[sflag:s12] =	ssyncadd.s32 $0xFFFFC000  }
0xe6: {  	[spmem:s2] =	stream.indirect.scatter.add.f32 [tilespmem:s7], [sflag:$0x4], $0x80, s4, s6, $0xb8;
	[tilespmem:$0x1D140] =	vst v63  }
0xe7: {  	_ =	swait.ge [sflag:s13], $0x4000  }
0xe8: {  	[sflag:s13] =	ssyncset.done $0x0  }
0xe9: {  	s5 =	rddreg [dreg:$0xe];
	[sflag:s13] =	ssyncadd.s32 $0xFFFFC000  }
0xea: {  	[tilespmem:s7], [sflag:$0x2] =	stream.indirect.gather [hbm4b:s9+s6], $0x80, s5, s6, $0xb8;
	[tilespmem:$0x1D140] =	vst v63  }
0xeb: {  	_ =	swait.ge [sflag:s10], $0x4000  }
0xec: {  	[sflag:s10] =	ssyncset.done $0x0  }
0xed: {  	s4 =	rddreg [dreg:$0xf];
	[sflag:s10] =	ssyncadd.s32 $0xFFFFC000  }
0xee: {  	[spmem:s2] =	stream.indirect.scatter.add.f32 [tilespmem:s8], [sflag:$0x3], $0x80, s4, s6, $0xb8;
	[tilespmem:$0x1D140] =	vst v63  }
0xef: {  	_ =	swait.ge [sflag:s11], $0x4000  }
0xf0: {  	[sflag:s11] =	ssyncset.done $0x0  }
0xf1: {  	s5 =	rddreg [dreg:$0x10];
	[sflag:s11] =	ssyncadd.s32 $0xFFFFC000  }
0xf2: {  	[tilespmem:s8], [sflag:$0x1] =	stream.indirect.gather [hbm4b:s9+s6], $0x80, s5, s6, $0xb8;
	[tilespmem:$0x1D140] =	vst v63  }
0xf3: {  	_ =	swait.ge [sflag:s12], $0x4000  }
0xf4: {  	[sflag:s12] =	ssyncset.done $0x0  }
0xf5: {  	s4 =	rddreg [dreg:$0x11];
	[sflag:s12] =	ssyncadd.s32 $0xFFFFC000  }
0xf6: {  	[spmem:s2] =	stream.indirect.scatter.add.f32 [tilespmem:s7], [sflag:$0x4], $0x80, s4, s6, $0xb8;
	[tilespmem:$0x1D140] =	vst v63  }
0xf7: {  	_ =	swait.ge [sflag:s13], $0x4000  }
0xf8: {  	[sflag:s13] =	ssyncset.done $0x0  }
0xf9: {  	s5 =	rddreg [dreg:$0x12];
	[sflag:s13] =	ssyncadd.s32 $0xFFFFC000  }
0xfa: {  	[tilespmem:s7], [sflag:$0x2] =	stream.indirect.gather [hbm4b:s9+s6], $0x80, s5, s6, $0xb8;
	[tilespmem:$0x1D140] =	vst v63  }
0xfb: {  	_ =	swait.ge [sflag:s10], $0x4000  }
0xfc: {  	[sflag:s10] =	ssyncset.done $0x0  }
0xfd: {  	s4 =	rddreg [dreg:$0x13];
	[sflag:s10] =	ssyncadd.s32 $0xFFFFC000  }
0xfe: {  	[spmem:s2] =	stream.indirect.scatter.add.f32 [tilespmem:s8], [sflag:$0x3], $0x80, s4, s6, $0xb8;
	[tilespmem:$0x1D140] =	vst v63  }
0xff: {  	_ =	swait.ge [sflag:s11], $0x4000  }
0x100: {  	[sflag:s11] =	ssyncset.done $0x0  }
0x101: {  	s5 =	rddreg [dreg:$0x14];
	[sflag:s11] =	ssyncadd.s32 $0xFFFFC000  }
0x102: {  	[tilespmem:s8], [sflag:$0x1] =	stream.indirect.gather [hbm4b:s9+s6], $0x80, s5, s6, $0xb8;
	[tilespmem:$0x1D140] =	vst v63  }
0x103: {  	_ =	swait.ge [sflag:s12], $0x4000  }
0x104: {  	[sflag:s12] =	ssyncset.done $0x0  }
0x105: {  	s4 =	rddreg [dreg:$0x15];
	[sflag:s12] =	ssyncadd.s32 $0xFFFFC000  }
0x106: {  	[spmem:s2] =	stream.indirect.scatter.add.f32 [tilespmem:s7], [sflag:$0x4], $0x80, s4, s6, $0xb8;
	[tilespmem:$0x1D140] =	vst v63  }
0x107: {  	_ =	swait.ge [sflag:s13], $0x4000  }
0x108: {  	[sflag:s13] =	ssyncset.done $0x0  }
0x109: {  	s5 =	rddreg [dreg:$0x16];
	[sflag:s13] =	ssyncadd.s32 $0xFFFFC000  }
0x10a: {  	[tilespmem:s7], [sflag:$0x2] =	stream.indirect.gather [hbm4b:s9+s6], $0x80, s5, s6, $0xb8;
	[tilespmem:$0x1D140] =	vst v63  }
0x10b: {  	_ =	swait.ge [sflag:s10], $0x4000  }
0x10c: {  	[sflag:s10] =	ssyncset.done $0x0  }
0x10d: {  	[sflag:s10] =	ssyncadd.s32 $0xFFFFC000  }
0x10e: {  	[spmem:s2] =	stream.indirect.scatter.add.f32 [tilespmem:s8], [sflag:$0x3], $0x80, s17, s6, $0xb8;
	[tilespmem:$0x1D140] =	vst v63  }
0x10f: {  	_ =	swait.ge [sflag:s11], $0x4000  }
0x110: {  	[sflag:s11] =	ssyncset.done $0x0  }
0x111: {  	[sflag:s11] =	ssyncadd.s32 $0xFFFFC000  }
0x112: {  	[tilespmem:s8], [sflag:$0x1] =	stream.indirect.gather [hbm4b:s9+s6], $0x80, s18, s6, $0xb8;
	[tilespmem:$0x1D140] =	vst v63  }
0x113: {  	_ =	swait.ge [sflag:s12], $0x4000  }
0x114: {  	[sflag:s12] =	ssyncset.done $0x0  }
0x115: {  	[sflag:s12] =	ssyncadd.s32 $0xFFFFC000  }
0x116: {  	[spmem:s2] =	stream.indirect.scatter.add.f32 [tilespmem:s7], [sflag:$0x4], $0x80, s19, s6, $0xb8;
	[tilespmem:$0x1D140] =	vst v63  }
0x117: {  	_ =	swait.ge [sflag:s13], $0x4000  }
0x118: {  	[sflag:s13] =	ssyncset.done $0x0  }
0x119: {  	[sflag:s13] =	ssyncadd.s32 $0xFFFFC000  }
0x11a: {  	[tilespmem:s7], [sflag:$0x2] =	stream.indirect.gather [hbm4b:s9+s6], $0x80, s20, s6, $0xb8;
	[tilespmem:$0x1D140] =	vst v63  }
0x11b: {  	_ =	swait.ge [sflag:s10], $0x4000  }
0x11c: {  	[sflag:s10] =	ssyncset.done $0x0  }
0x11d: {  	[sflag:s10] =	ssyncadd.s32 $0xFFFFC000  }
0x11e: {  	[spmem:s2] =	stream.indirect.scatter.add.f32 [tilespmem:s8], [sflag:$0x3], $0x80, s21, s6, $0xb8;
	[tilespmem:$0x1D140] =	vst v63  }
0x11f: {  	_ =	swait.ge [sflag:s11], $0x4000  }
0x120: {  	[sflag:s11] =	ssyncset.done $0x0  }
0x121: {  	[sflag:s11] =	ssyncadd.s32 $0xFFFFC000  }
0x122: {  	[tilespmem:s8], [sflag:$0x1] =	stream.indirect.gather [hbm4b:s9+s6], $0x80, s22, s6, $0xb8;
	[tilespmem:$0x1D140] =	vst v63  }
0x123: {  	_ =	swait.ge [sflag:s12], $0x4000  }
0x124: {  	[sflag:s12] =	ssyncset.done $0x0  }
0x125: {  	[sflag:s12] =	ssyncadd.s32 $0xFFFFC000  }
0x126: {  	[spmem:s2] =	stream.indirect.scatter.add.f32 [tilespmem:s7], [sflag:$0x4], $0x80, s23, s6, $0xb8;
	[tilespmem:$0x1D140] =	vst v63  }
0x127: {  	_ =	swait.ge [sflag:s13], $0x4000  }
0x128: {  	[sflag:s13] =	ssyncset.done $0x0  }
0x129: {  	[sflag:s13] =	ssyncadd.s32 $0xFFFFC000  }
0x12a: {  	[tilespmem:s7], [sflag:$0x2] =	stream.indirect.gather [hbm4b:s9+s6], $0x80, s25, s6, $0xb8;
	[tilespmem:$0x1D140] =	vst v63  }
0x12b: {  	_ =	swait.ge [sflag:s10], $0x4000  }
0x12c: {  	[sflag:s10] =	ssyncset.done $0x0  }
0x12d: {  	[sflag:s10] =	ssyncadd.s32 $0xFFFFC000  }
0x12e: {  	[spmem:s2] =	stream.indirect.scatter.add.f32 [tilespmem:s8], [sflag:$0x3], $0x80, s26, s6, $0xb8;
	[tilespmem:$0x1D140] =	vst v63  }
0x12f: {  	_ =	swait.ge [sflag:s11], $0x4000  }
0x130: {  	[sflag:s11] =	ssyncset.done $0x0  }
0x131: {  	[sflag:s11] =	ssyncadd.s32 $0xFFFFC000  }
0x132: {  	[tilespmem:s8], [sflag:$0x1] =	stream.indirect.gather [hbm4b:s9+s6], $0x80, s28, s6, $0xb8;
	[tilespmem:$0x1D140] =	vst v63  }
0x133: {  	_ =	swait.ge [sflag:s12], $0x4000  }
0x134: {  	[sflag:s12] =	ssyncset.done $0x0  }
0x135: {  	[sflag:s12] =	ssyncadd.s32 $0xFFFFC000  }
0x136: {  	[spmem:s2] =	stream.indirect.scatter.add.f32 [tilespmem:s7], [sflag:$0x4], $0x80, s29, s6, $0xb8;
	[tilespmem:$0x1D140] =	vst v63  }
0x137: {  	_ =	swait.ge [sflag:s13], $0x4000  }
0x138: {  	[sflag:s13] =	ssyncset.done $0x0  }
0x139: {  	[sflag:s13] =	ssyncadd.s32 $0xFFFFC000  }
0x13a: {  	[tilespmem:s7], [sflag:$0x2] =	stream.indirect.gather [hbm4b:s9+s6], $0x80, s30, s6, $0xb8;
	[tilespmem:$0x1D140] =	vst v63  }
0x13b: {  	_ =	swait.ge [sflag:s10], $0x4000  }
0x13c: {  	[sflag:s10] =	ssyncset.done $0x0  }
0x13d: {  	[sflag:s10] =	ssyncadd.s32 $0xFFFFC000  }
0x13e: {  	[spmem:s2] =	stream.indirect.scatter.add.f32 [tilespmem:s8], [sflag:$0x3], $0x80, s1, s6, $0xb8;
	[tilespmem:$0x1D140] =	vst v63  }
0x13f: {  	_ =	swait.ge [sflag:s11], $0x4000  }
0x140: {  	[sflag:s11] =	ssyncset.done $0x0  }
0x141: {  	[sflag:s11] =	ssyncadd.s32 $0xFFFFC000  }
0x142: {  	p1 =	sne.s32 s3, $0x900;
	_ =	swait.ge [sflag:s12], $0x4000  }
.Ltmp0:
0x143: {  	[sflag:s12] =	ssyncset.done $0x0;
	(pc) =	sbr.rel @p1 .LBB2_1-.Ltmp0, $4  }
0x144: {  	[sflag:s12] =	ssyncadd.s32 $0xFFFFC000  }
0x145: {  	[spmem:s2] =	stream.indirect.scatter.add.f32 [tilespmem:s7], [sflag:$0x4], $0x80, s24, s6, $0xb8;
	[tilespmem:$0x1D140] =	vst v63  }
0x146: {  	_ =	swait.ge [sflag:s13], $0x4000  }
0x147: {  	s3 =	sadd.s32 $0x100, s3;
	s4 =	rddreg [dreg:$0x6];
	[sflag:s13] =	ssyncset.done $0x0  }
0x148: {  	[sflag:s13] =	ssyncadd.s32 $0xFFFFC000;
	s0 =	sadd.s32 s31, s4  }
0x149: {  	[tilespmem:s14], [sflag:$0x5] =	stream.linear.gather [hbm4b:s0+s14], $0x800, $0x38;
	[tilespmem:$0x1D140] =	vst v63  }
0x14a: {  	_ =	swait.ge [sflag:s15], $0x800  }
0x14b: {  	s4 =	rddreg [dreg:$0x5];
	[sflag:s15] =	ssyncset.done $0x0  }
0x14c: {  	s3 =	rddreg [dreg:$0x7];
	[sflag:s15] =	ssyncadd.s32 $0xFFFFF800;
	s0 =	sadd.s32 s31, s4  }
0x14d: {  	[tilespmem:s3], [sflag:$0x5] =	stream.linear.gather [hbm4b:s0+s14], $0x800, $0x38;
	[tilespmem:$0x1D140] =	vst v63  }
0x14e: {  	_ =	swait.ge [sflag:s15], $0x800  }
0x14f: {  	s5 =	rddreg [dreg:$0x4];
	[sflag:s15] =	ssyncset.done $0x0  }
0x150: {  	s0 =	sadd.s32 s31, s5;
	[sflag:s15] =	ssyncadd.s32 $0xFFFFF800  }
0x151: {  	[tilespmem:s16], [sflag:$0x5] =	stream.linear.gather [hbm4b:s0+s14], $0x800, $0x38;
	[tilespmem:$0x1D140] =	vst v63  }
0x152: {  	_ =	swait.ge [sflag:s15], $0x800  }
0x153: {  	[sflag:s15] =	ssyncset.done $0x0  }
0x154: {  	[sflag:s15] =	ssyncadd.s32 $0xFFFFF800  }
0x155: {  	[tilespmem:s8], [sflag:$0x1] =	stream.indirect.gather [hbm4b:s9+s6], $0x80, s14, s6, $0xb8;
	[tilespmem:$0x1D140] =	vst v63  }
0x156: {  	_ = 	snop  }
0x157: {  	[tilespmem:s7], [sflag:$0x2] =	stream.indirect.gather [hbm4b:s9+s6], $0x80, s6, s6, $0xb8;
	[tilespmem:$0x1D140] =	vst v63  }
0x158: {  	_ =	swait.ge [sflag:s10], $0x4000  }
0x159: {  	[sflag:s10] =	ssyncset.done $0x0  }
0x15a: {  	[sflag:s10] =	ssyncadd.s32 $0xFFFFC000  }
0x15b: {  	[spmem:s2] =	stream.indirect.scatter.add.f32 [tilespmem:s8], [sflag:$0x3], $0x80, s16, s6, $0xb8;
	[tilespmem:$0x1D140] =	vst v63  }
0x15c: {  	_ =	swait.ge [sflag:s11], $0x4000  }
0x15d: {  	[sflag:s11] =	ssyncset.done $0x0  }
0x15e: {  	s16 =	rddreg [dreg:$0x8];
	[sflag:s11] =	ssyncadd.s32 $0xFFFFC000  }
0x15f: {  	[tilespmem:s8], [sflag:$0x1] =	stream.indirect.gather [hbm4b:s9+s6], $0x80, s16, s6, $0xb8;
	[tilespmem:$0x1D140] =	vst v63  }
0x160: {  	_ =	swait.ge [sflag:s12], $0x4000  }
0x161: {  	[sflag:s12] =	ssyncset.done $0x0  }
0x162: {  	s31 =	rddreg [dreg:$0x9];
	[sflag:s12] =	ssyncadd.s32 $0xFFFFC000  }
0x163: {  	[spmem:s2] =	stream.indirect.scatter.add.f32 [tilespmem:s7], [sflag:$0x4], $0x80, s31, s6, $0xb8;
	[tilespmem:$0x1D140] =	vst v63  }
0x164: {  	_ =	swait.ge [sflag:s13], $0x4000  }
0x165: {  	[sflag:s13] =	ssyncset.done $0x0  }
0x166: {  	s3 =	rddreg [dreg:$0xa];
	[sflag:s13] =	ssyncadd.s32 $0xFFFFC000  }
0x167: {  	[tilespmem:s7], [sflag:$0x2] =	stream.indirect.gather [hbm4b:s9+s6], $0x80, s3, s6, $0xb8;
	[tilespmem:$0x1D140] =	vst v63  }
0x168: {  	_ =	swait.ge [sflag:s10], $0x4000  }
0x169: {  	[sflag:s10] =	ssyncset.done $0x0  }
0x16a: {  	s4 =	rddreg [dreg:$0xb];
	[sflag:s10] =	ssyncadd.s32 $0xFFFFC000  }
0x16b: {  	[spmem:s2] =	stream.indirect.scatter.add.f32 [tilespmem:s8], [sflag:$0x3], $0x80, s4, s6, $0xb8;
	[tilespmem:$0x1D140] =	vst v63  }
0x16c: {  	_ =	swait.ge [sflag:s11], $0x4000  }
0x16d: {  	[sflag:s11] =	ssyncset.done $0x0  }
0x16e: {  	s5 =	rddreg [dreg:$0xc];
	[sflag:s11] =	ssyncadd.s32 $0xFFFFC000  }
0x16f: {  	[tilespmem:s8], [sflag:$0x1] =	stream.indirect.gather [hbm4b:s9+s6], $0x80, s5, s6, $0xb8;
	[tilespmem:$0x1D140] =	vst v63  }
0x170: {  	_ =	swait.ge [sflag:s12], $0x4000  }
0x171: {  	[sflag:s12] =	ssyncset.done $0x0  }
0x172: {  	s14 =	rddreg [dreg:$0xd];
	[sflag:s12] =	ssyncadd.s32 $0xFFFFC000  }
0x173: {  	[spmem:s2] =	stream.indirect.scatter.add.f32 [tilespmem:s7], [sflag:$0x4], $0x80, s14, s6, $0xb8;
	[tilespmem:$0x1D140] =	vst v63  }
0x174: {  	_ =	swait.ge [sflag:s13], $0x4000  }
0x175: {  	[sflag:s13] =	ssyncset.done $0x0  }
0x176: {  	s15 =	rddreg [dreg:$0xe];
	[sflag:s13] =	ssyncadd.s32 $0xFFFFC000  }
0x177: {  	[tilespmem:s7], [sflag:$0x2] =	stream.indirect.gather [hbm4b:s9+s6], $0x80, s15, s6, $0xb8;
	[tilespmem:$0x1D140] =	vst v63  }
0x178: {  	_ =	swait.ge [sflag:s10], $0x4000  }
0x179: {  	[sflag:s10] =	ssyncset.done $0x0  }
0x17a: {  	s16 =	rddreg [dreg:$0xf];
	[sflag:s10] =	ssyncadd.s32 $0xFFFFC000  }
0x17b: {  	[spmem:s2] =	stream.indirect.scatter.add.f32 [tilespmem:s8], [sflag:$0x3], $0x80, s16, s6, $0xb8;
	[tilespmem:$0x1D140] =	vst v63  }
0x17c: {  	_ =	swait.ge [sflag:s11], $0x4000  }
0x17d: {  	[sflag:s11] =	ssyncset.done $0x0  }
0x17e: {  	s31 =	rddreg [dreg:$0x10];
	[sflag:s11] =	ssyncadd.s32 $0xFFFFC000  }
0x17f: {  	[tilespmem:s8], [sflag:$0x1] =	stream.indirect.gather [hbm4b:s9+s6], $0x80, s31, s6, $0xb8;
	[tilespmem:$0x1D140] =	vst v63  }
0x180: {  	_ =	swait.ge [sflag:s12], $0x4000  }
0x181: {  	[sflag:s12] =	ssyncset.done $0x0  }
0x182: {  	s3 =	rddreg [dreg:$0x11];
	[sflag:s12] =	ssyncadd.s32 $0xFFFFC000  }
0x183: {  	[spmem:s2] =	stream.indirect.scatter.add.f32 [tilespmem:s7], [sflag:$0x4], $0x80, s3, s6, $0xb8;
	[tilespmem:$0x1D140] =	vst v63  }
0x184: {  	_ =	swait.ge [sflag:s13], $0x4000  }
0x185: {  	[sflag:s13] =	ssyncset.done $0x0  }
0x186: {  	s4 =	rddreg [dreg:$0x12];
	[sflag:s13] =	ssyncadd.s32 $0xFFFFC000  }
0x187: {  	[tilespmem:s7], [sflag:$0x2] =	stream.indirect.gather [hbm4b:s9+s6], $0x80, s4, s6, $0xb8;
	[tilespmem:$0x1D140] =	vst v63  }
0x188: {  	_ =	swait.ge [sflag:s10], $0x4000  }
0x189: {  	[sflag:s10] =	ssyncset.done $0x0  }
0x18a: {  	s5 =	rddreg [dreg:$0x13];
	[sflag:s10] =	ssyncadd.s32 $0xFFFFC000  }
0x18b: {  	[spmem:s2] =	stream.indirect.scatter.add.f32 [tilespmem:s8], [sflag:$0x3], $0x80, s5, s6, $0xb8;
	[tilespmem:$0x1D140] =	vst v63  }
0x18c: {  	_ =	swait.ge [sflag:s11], $0x4000  }
0x18d: {  	[sflag:s11] =	ssyncset.done $0x0  }
0x18e: {  	s14 =	rddreg [dreg:$0x14];
	[sflag:s11] =	ssyncadd.s32 $0xFFFFC000  }
0x18f: {  	[tilespmem:s8], [sflag:$0x1] =	stream.indirect.gather [hbm4b:s9+s6], $0x80, s14, s6, $0xb8;
	[tilespmem:$0x1D140] =	vst v63  }
0x190: {  	_ =	swait.ge [sflag:s12], $0x4000  }
0x191: {  	[sflag:s12] =	ssyncset.done $0x0  }
0x192: {  	s15 =	rddreg [dreg:$0x15];
	[sflag:s12] =	ssyncadd.s32 $0xFFFFC000  }
0x193: {  	[spmem:s2] =	stream.indirect.scatter.add.f32 [tilespmem:s7], [sflag:$0x4], $0x80, s15, s6, $0xb8;
	[tilespmem:$0x1D140] =	vst v63  }
0x194: {  	_ =	swait.ge [sflag:s13], $0x4000  }
0x195: {  	[sflag:s13] =	ssyncset.done $0x0  }
0x196: {  	s16 =	rddreg [dreg:$0x16];
	[sflag:s13] =	ssyncadd.s32 $0xFFFFC000  }
0x197: {  	[tilespmem:s7], [sflag:$0x2] =	stream.indirect.gather [hbm4b:s9+s6], $0x80, s16, s6, $0xb8;
	[tilespmem:$0x1D140] =	vst v63  }
0x198: {  	_ =	swait.ge [sflag:s10], $0x4000  }
0x199: {  	[sflag:s10] =	ssyncset.done $0x0  }
0x19a: {  	[sflag:s10] =	ssyncadd.s32 $0xFFFFC000  }
0x19b: {  	[spmem:s2] =	stream.indirect.scatter.add.f32 [tilespmem:s8], [sflag:$0x3], $0x80, s17, s6, $0xb8;
	[tilespmem:$0x1D140] =	vst v63  }
0x19c: {  	_ =	swait.ge [sflag:s11], $0x4000  }
0x19d: {  	[sflag:s11] =	ssyncset.done $0x0  }
0x19e: {  	[sflag:s11] =	ssyncadd.s32 $0xFFFFC000  }
0x19f: {  	[tilespmem:s8], [sflag:$0x1] =	stream.indirect.gather [hbm4b:s9+s6], $0x80, s18, s6, $0xb8;
	[tilespmem:$0x1D140] =	vst v63  }
0x1a0: {  	_ =	swait.ge [sflag:s12], $0x4000  }
0x1a1: {  	[sflag:s12] =	ssyncset.done $0x0  }
0x1a2: {  	[sflag:s12] =	ssyncadd.s32 $0xFFFFC000  }
0x1a3: {  	[spmem:s2] =	stream.indirect.scatter.add.f32 [tilespmem:s7], [sflag:$0x4], $0x80, s19, s6, $0xb8;
	[tilespmem:$0x1D140] =	vst v63  }
0x1a4: {  	_ =	swait.ge [sflag:s13], $0x4000  }
0x1a5: {  	[sflag:s13] =	ssyncset.done $0x0  }
0x1a6: {  	[sflag:s13] =	ssyncadd.s32 $0xFFFFC000  }
0x1a7: {  	[tilespmem:s7], [sflag:$0x2] =	stream.indirect.gather [hbm4b:s9+s6], $0x80, s20, s6, $0xb8;
	[tilespmem:$0x1D140] =	vst v63  }
0x1a8: {  	_ =	swait.ge [sflag:s10], $0x4000  }
0x1a9: {  	[sflag:s10] =	ssyncset.done $0x0  }
0x1aa: {  	[sflag:s10] =	ssyncadd.s32 $0xFFFFC000  }
0x1ab: {  	[spmem:s2] =	stream.indirect.scatter.add.f32 [tilespmem:s8], [sflag:$0x3], $0x80, s21, s6, $0xb8;
	[tilespmem:$0x1D140] =	vst v63  }
0x1ac: {  	_ =	swait.ge [sflag:s11], $0x4000  }
0x1ad: {  	[sflag:s11] =	ssyncset.done $0x0  }
0x1ae: {  	[sflag:s11] =	ssyncadd.s32 $0xFFFFC000  }
0x1af: {  	[tilespmem:s8], [sflag:$0x1] =	stream.indirect.gather [hbm4b:s9+s6], $0x80, s22, s6, $0xb8;
	[tilespmem:$0x1D140] =	vst v63  }
0x1b0: {  	_ =	swait.ge [sflag:s12], $0x4000  }
0x1b1: {  	[sflag:s12] =	ssyncset.done $0x0  }
0x1b2: {  	[sflag:s12] =	ssyncadd.s32 $0xFFFFC000  }
0x1b3: {  	[spmem:s2] =	stream.indirect.scatter.add.f32 [tilespmem:s7], [sflag:$0x4], $0x80, s23, s6, $0xb8;
	[tilespmem:$0x1D140] =	vst v63  }
0x1b4: {  	_ =	swait.ge [sflag:s13], $0x4000  }
0x1b5: {  	[sflag:s13] =	ssyncset.done $0x0  }
0x1b6: {  	[sflag:s13] =	ssyncadd.s32 $0xFFFFC000  }
0x1b7: {  	[tilespmem:s7], [sflag:$0x2] =	stream.indirect.gather [hbm4b:s9+s6], $0x80, s25, s6, $0xb8;
	[tilespmem:$0x1D140] =	vst v63  }
0x1b8: {  	_ =	swait.ge [sflag:s10], $0x4000  }
0x1b9: {  	[sflag:s10] =	ssyncset.done $0x0  }
0x1ba: {  	[sflag:s10] =	ssyncadd.s32 $0xFFFFC000  }
0x1bb: {  	[spmem:s2] =	stream.indirect.scatter.add.f32 [tilespmem:s8], [sflag:$0x3], $0x80, s26, s6, $0xb8;
	[tilespmem:$0x1D140] =	vst v63  }
0x1bc: {  	_ =	swait.ge [sflag:s11], $0x4000  }
0x1bd: {  	[sflag:s11] =	ssyncset.done $0x0  }
0x1be: {  	[sflag:s11] =	ssyncadd.s32 $0xFFFFC000  }
0x1bf: {  	[tilespmem:s8], [sflag:$0x1] =	stream.indirect.gather [hbm4b:s9+s6], $0x80, s28, s6, $0xb8;
	[tilespmem:$0x1D140] =	vst v63  }
0x1c0: {  	_ =	swait.ge [sflag:s12], $0x4000  }
0x1c1: {  	[sflag:s12] =	ssyncset.done $0x0  }
0x1c2: {  	[sflag:s12] =	ssyncadd.s32 $0xFFFFC000  }
0x1c3: {  	[spmem:s2] =	stream.indirect.scatter.add.f32 [tilespmem:s7], [sflag:$0x4], $0x80, s29, s6, $0xb8;
	[tilespmem:$0x1D140] =	vst v63  }
0x1c4: {  	_ =	swait.ge [sflag:s13], $0x4000  }
0x1c5: {  	[sflag:s13] =	ssyncset.done $0x0  }
0x1c6: {  	[sflag:s13] =	ssyncadd.s32 $0xFFFFC000  }
0x1c7: {  	[tilespmem:s7], [sflag:$0x2] =	stream.indirect.gather [hbm4b:s9+s6], $0x80, s30, s6, $0xb8;
	[tilespmem:$0x1D140] =	vst v63  }
0x1c8: {  	_ =	swait.ge [sflag:s10], $0x4000  }
0x1c9: {  	[sflag:s10] =	ssyncset.done $0x0  }
0x1ca: {  	[sflag:s10] =	ssyncadd.s32 $0xFFFFC000  }
0x1cb: {  	[spmem:s2] =	stream.indirect.scatter.add.f32 [tilespmem:s8], [sflag:$0x3], $0x80, s1, s6, $0xb8;
	[tilespmem:$0x1D140] =	vst v63  }
0x1cc: {  	_ =	swait.ge [sflag:s11], $0x4000  }
0x1cd: {  	[sflag:s11] =	ssyncset.done $0x0  }
0x1ce: {  	[sflag:s11] =	ssyncadd.s32 $0xFFFFC000  }
0x1cf: {  	_ =	swait.ge [sflag:s12], $0x4000  }
0x1d0: {  	[sflag:s12] =	ssyncset.done $0x0  }
0x1d1: {  	[sflag:s12] =	ssyncadd.s32 $0xFFFFC000  }
0x1d2: {  	[spmem:s2] =	stream.indirect.scatter.add.f32 [tilespmem:s7], [sflag:$0x4], $0x80, s24, s6, $0xb8;
	[tilespmem:$0x1D140] =	vst v63  }
0x1d3: {  	_ =	swait.ge [sflag:s13], $0x4000  }
0x1d4: {  	[sflag:s13] =	ssyncset.done $0x0  }
0x1d5: {  	[sflag:s13] =	ssyncadd.s32 $0xFFFFC000  }
0x1d6: {  	[bflag:$0x0] =	sbarrier.arrive $0xFFFF  }
0x1d7: {  	s1 =	rddreg [dreg:$0x17]  }
0x1d8: {  	s0 =	simm.s32 @p0 $0x1FC5;
	s2 =	rddreg [dreg:$0x1b]  }
0x1d9: {  	[hbm:s2], [sflag:s0] =	dma.local @p0 [spmem:s1], $0x2800  }
0x1da: {  	s0 =	simm.s32 @p0 $0x5  }
0x1db: {  	_ =	swait.ge @p0 [sflag:s0], $0x2800  }
0x1dc: {  	s1 =	rddreg [dreg:$0x19]  }
0x1dd: {  	[sflag:s0] =	ssyncset.done @p0 $0x0;
	s2 =	rddreg [dreg:$0x1a]  }
0x1de: {  	[sflag:s0] =	ssyncadd.s32 @p0 $0xFFFFD800;
	s0 =	rddreg [dreg:$0x18]  }
0x1df: {  	[hbm:s2], [sflag:s0] =	dma.local @!p0 [spmem:s1], $0x2700  }
0x1e0: {  	s0 =	simm.s32 @!p0 $0x5  }
0x1e1: {  	_ =	swait.ge @!p0 [sflag:s0], $0x2700  }
0x1e2: {  	[sflag:s0] =	ssyncset.done @!p0 $0x0  }
0x1e3: {  	[sflag:s0] =	ssyncadd.s32 @!p0 $0xFFFFD900  }
0x1e4: {  	_ =	sfence.sel $0x180000  }
0x1e5: {  	[bflag:$0x0] =	sbarrier.arrive $0xFFFF  }
0x1e6: {  	_ =	strace $0x90000047  }
0x1e7: {  	s31 =	stileid.u32;
	[bflag:$0x2] =	sbarrier.arrive $0xFFFF  }
0x1e8: {  	p0 =	sne.s32 s31, $0x0;
	s0 =	rddreg [dreg:$0x3]  }
0x1e9: {  	s0 =	sadd.s32 @!p0 $0x100000, s0  }
0x1ea: {  	[sflag:s0] =	ssyncadd.tile.s32 @!p0 $0x1;
	_ =	shalt  }
.Lfunc_end2:
_tile_overlayer_lowered:
.L_overlay_start_2:
0x1eb: {  	(tag) =	ssettag $0x2  }
0x1ec: {  	s0 =	rddreg [dreg:$0x0];
	s2 =	stileid.u32  }
0x1ed: {  	s1 =	rddreg [dreg:$0x1];
	p0 =	sne.s32 s2, $0x0  }
0x1ee: {  	s3 =	rddreg [dreg:$0x2];
	[bflag:$0x3] =	sbarrier.arrive $0xFFFF;
	s2 =	simm.s32 @!p0 $0x1C05  }
0x1ef: {  	[timem:s3], [sflag:s2] =	dma.local @!p0 [hbm:s0], s1  }
0x1f0: {  	s0 =	simm.s32 @!p0 $0x5  }
0x1f1: {  	_ =	swait.ge @!p0 [sflag:s0], s1  }
0x1f2: {  	s1 =	ssub.s32 @!p0 $0x0, s1;
	[sflag:s0] =	ssyncset.done @!p0 $0x0  }
0x1f3: {  	[sflag:s0] =	ssyncadd.s32 @!p0 s1  }
0x1f4: {  	[bflag:$0x3] =	sbarrier.arrive $0xFFFF  }
0x1f5: {  	_ =	shalt  }

// kernel: kernel.15.cloned.1.call-start
scs
__scs_entry_jumppad:
0x0: {  	(pc) =	sbr.rel $0x88, $3  }
0x1: {  	(tag) =	ssettag $0x0;
	lr =	simm.s32 $0x1  }
0x2: {  	[smem:$0x3F86] =	sst lr;
	_ =	strace $0xD0000000  }
0x3: {  	_ = 	snop  }
0x4: {  	_ = 	snop  }
0x5: {  	_ = 	snop  }
0x6: {  	_ = 	snop  }
0x7: {  	_ = 	snop  }
__scs_overlays_trampoline_lowered:
0x8: {  	[smem:$0x3F95] =	sst s0  }
0x9: {  	[smem:$0x3F96] =	sst s1  }
0xa: {  	[smem:$0x3F97] =	sst s2  }
0xb: {  	[smem:$0x3F98] =	sst s3  }
0xc: {  	[smem:$0x3F99] =	sst s4  }
0xd: {  	[smem:$0x3F9A] =	sst s5  }
0xe: {  	[smem:$0x3F9B] =	sst s6  }
0xf: {  	[smem:$0x3F9C] =	sst s7  }
0x10: {  	[smem:$0x3F9D] =	sst s8  }
0x11: {  	[smem:$0x3F9E] =	sst s9;
	s0 =	simm.s32 @!p0 $0x0  }
0x12: {  	s1 =	sld [smem:$0x3F84];
	s0 =	simm.s32 @p0 $0x1  }
0x13: {  	[smem:$0x3F9F] =	sst s0;
	s0 =	simm.s32 @!p1 $0x0  }
0x14: {  	s2 =	sld [smem:$0x3F83];
	s0 =	simm.s32 @p1 $0x1  }
0x15: {  	[smem:$0x3FA0] =	sst s0;
	s0 =	simm.s32 @!p2 $0x0  }
0x16: {  	s3 =	sld [smem:$0x3FDB];
	s0 =	simm.s32 @p2 $0x1  }
0x17: {  	s4 =	simm.s32 $0x1BF5;
	[smem:$0x3FA2] =	sst s0  }
0x18: {  	s0 =	sld [smem:$0x3F85];
	_ =	swait.ge [sflag:s4], $0x0  }
0x19: {  	s7 =	sld [smem:$0x3F86]  }
0x1a: {  	s8 =	sadd.s32 $0xFFFFE003, lr  }
0x1b: {  	s9 =	sadd.s32 $0xFFFFFEF7, lr;
	s5 =	simm.s32 $0xFFFFFFFF;
	p2 =	slt.u32 s8, $0xFFFFF086  }
0x1c: {  	p1 =	slt.u32 s9, $0xF7A;
	s5 =	simm.s32 @!p2 $0x0  }
0x1d: {  	s5 =	simm.s32 @p1 $0x1;
	p0 =	seq.s32 s7, s2  }
0x1e: {  	s7 =	smul.u32 @!p0 $0xF7A, s2;
	p2 =	seq.s32 @!p0 s5, $0x0  }
0x1f: {  	s9 =	smul.u32 $0xF7A, s1;
	s8 =	simm.s32 @!p0 $0x1BF5;
	p2 =	por !p2, p0  }
0x20: {  	[sflag:s8] =	ssyncset.s32 @!p0 $0xFFFFF086;
	s6 =	sadd.s32 @!p0 s3, s7;
	s7 =	simm.s32 @!p0 $0x108  }
0x21: {  	s3 =	sadd.s32 s3, s9;
	s6 =	sadd.s32 @!p0 $0x88, s6;
	s7 =	simm.s32 @p2 $0x1082  }
0x22: {  	[simem:s7], [sflag:s8] =	dma.local @!p0 [hbm:s6], $0xF7A  }
0x23: {  	s9 =	sor.u32 $0xD0000000, s2;
	s6 =	simm.s32 $0x108;
	_ =	swait.ge @!p0 [sflag:s8], $0x0  }
0x24: {  	s3 =	sadd.s32 $0x88, s3;
	s6 =	simm.s32 @!p1 $0x1082;
	[sflag:s4] =	ssyncset.s32 $0xFFFFF086  }
0x25: {  	[simem:s6], [sflag:s4] =	dma.local [hbm:s3], $0xF7A  }
0x26: {  	[smem:$0x3F86] =	sst s1;
	(tag) =	ssettag s2;
	_ =	strace s9  }
0x27: {  	s1 =	sld [smem:$0x3F96]  }
0x28: {  	s2 =	sld [smem:$0x3F97]  }
0x29: {  	s4 =	sld [smem:$0x3F99]  }
0x2a: {  	p0 =	seq.s32 s5, $0x0;
	s5 =	sld [smem:$0x3F9A]  }
0x2b: {  	s6 =	sld [smem:$0x3F9B]  }
0x2c: {  	s7 =	sld [smem:$0x3F9C]  }
0x2d: {  	s3 =	simm.s32 $0x108;
	s8 =	sld [smem:$0x3F9D]  }
0x2e: {  	s3 =	simm.s32 @!p0 $0x1082;
	s9 =	sld [smem:$0x3F9E]  }
0x2f: {  	lr =	sadd.s32 s0, s3;
	s0 =	sld [smem:$0x3F95]  }
0x30: {  	s3 =	sld [smem:$0x3F98]  }
0x31: {  	[smem:$0x3FA1] =	sst s10  }
0x32: {  	s10 =	sld [smem:$0x3F9F];
	_ =	sdelay $0x3  }
0x33: {  	p0 =	seq.s32 s10, $0x1;
	s10 =	sld [smem:$0x3FA1];
	_ =	sdelay $0x3  }
0x34: {  	[smem:$0x3FA1] =	sst s10  }
0x35: {  	s10 =	sld [smem:$0x3FA0];
	_ =	sdelay $0x3  }
0x36: {  	p1 =	seq.s32 s10, $0x1;
	s10 =	sld [smem:$0x3FA1];
	_ =	sdelay $0x3  }
0x37: {  	[smem:$0x3FA1] =	sst s10  }
0x38: {  	s10 =	sld [smem:$0x3FA2]  }
0x39: {  	_ = 	snop;
	(pc) =	sbr.ind lr, $3  }
0x3a: {  	_ = 	snop  }
0x3b: {  	_ = 	snop  }
0x3c: {  	p2 =	seq.s32 s10, $0x1;
	s10 =	sld [smem:$0x3FA1]  }
0x3d: {  	_ =	shalt  }
0x3e: {  	_ =	shalt  }
0x3f: {  	_ =	shalt  }
0x40: {  	_ =	shalt  }
0x41: {  	_ =	shalt  }
0x42: {  	_ =	shalt  }
0x43: {  	_ =	shalt  }
0x44: {  	_ =	shalt  }
0x45: {  	_ =	shalt  }
0x46: {  	_ =	shalt  }
0x47: {  	_ =	shalt  }
0x48: {  	_ =	shalt  }
0x49: {  	_ =	shalt  }
0x4a: {  	_ =	shalt  }
0x4b: {  	_ =	shalt  }
0x4c: {  	_ =	shalt  }
0x4d: {  	_ =	shalt  }
0x4e: {  	_ =	shalt  }
0x4f: {  	_ =	shalt  }
0x50: {  	_ =	shalt  }
0x51: {  	_ =	shalt  }
0x52: {  	_ =	shalt  }
0x53: {  	_ =	shalt  }
0x54: {  	_ =	shalt  }
0x55: {  	_ =	shalt  }
0x56: {  	_ =	shalt  }
0x57: {  	_ =	shalt  }
0x58: {  	_ =	shalt  }
0x59: {  	_ =	shalt  }
0x5a: {  	_ =	shalt  }
0x5b: {  	_ =	shalt  }
0x5c: {  	_ =	shalt  }
0x5d: {  	_ =	shalt  }
0x5e: {  	_ =	shalt  }
0x5f: {  	_ =	shalt  }
0x60: {  	_ =	shalt  }
0x61: {  	_ =	shalt  }
0x62: {  	_ =	shalt  }
0x63: {  	_ =	shalt  }
0x64: {  	_ =	shalt  }
0x65: {  	_ =	shalt  }
0x66: {  	_ =	shalt  }
0x67: {  	_ =	shalt  }
0x68: {  	_ =	shalt  }
0x69: {  	_ =	shalt  }
0x6a: {  	_ =	shalt  }
0x6b: {  	_ =	shalt  }
0x6c: {  	_ =	shalt  }
0x6d: {  	_ =	shalt  }
0x6e: {  	_ =	shalt  }
0x6f: {  	_ =	shalt  }
0x70: {  	_ =	shalt  }
0x71: {  	_ =	shalt  }
0x72: {  	_ =	shalt  }
0x73: {  	_ =	shalt  }
0x74: {  	_ =	shalt  }
0x75: {  	_ =	shalt  }
0x76: {  	_ =	shalt  }
0x77: {  	_ =	shalt  }
0x78: {  	_ =	shalt  }
0x79: {  	_ =	shalt  }
0x7a: {  	_ =	shalt  }
0x7b: {  	_ =	shalt  }
0x7c: {  	_ =	shalt  }
0x7d: {  	_ =	shalt  }
0x7e: {  	_ =	shalt  }
0x7f: {  	_ =	shalt  }
0x80: {  	_ =	shalt  }
0x81: {  	_ =	shalt  }
0x82: {  	_ =	shalt  }
0x83: {  	_ =	shalt  }
0x84: {  	_ =	shalt  }
0x85: {  	_ =	shalt  }
0x86: {  	_ =	shalt  }
0x87: {  	_ =	shalt  }
.Lfunc_end0:
.L_simem_size_0:
called_computation.2_lowered:
.L_overlay_start_0:
0x88: {  	s0 =	sld [smem:$0x3FD9]  }
0x89: {  	s1 =	sld [smem:$0x3FFE];
	_ =	sdelay $0x3  }
0x8a: {  	s0 =	sadd.s32 s1, s0  }
0x8b: {  	[smem:$0x3FAD] =	sst s0  }
0x8c: {  	_ = 	snop  }
0x8d: {  	s0 =	sld [smem:$0x3FD0];
	(tm) =	ssettm $0x1  }
0x8e: {  	s16 =	sld [smem:$0x3FFB];
	_ =	sdelay $0x3  }
0x8f: {  	_ =	strace s16  }
0x90: {  	s1 =	sld [smem:$0x3FFC];
	_ =	sdelay $0x3  }
0x91: {  	_ =	strace s1  }
0x92: {  	s1 =	sld [smem:$0x3FFD];
	_ =	sdelay $0x3  }
0x93: {  	_ =	strace s1  }
0x94: {  	_ =	strace $0x8FFFFFFF  }
0x95: {  	s17 =	sld [smem:$0x3FDB];
	_ =	sdelay $0x1  }
0x96: {  	s2 =	simm.s32 $_scs_section_size  }
0x97: {  	s3 =	simm.s32 $_size__tile_overlayer_lowered;
	s4 =	simm.s32 $_tile_overlayer_lowered  }
0x98: {  	s20 =	simm.s32 $0x1BFF;
	s19 =	sshll.u32 s4, $0x1;
	s1 =	sadd.s32 s2, s17  }
0x99: {  	s5 =	simm.s32 $0x0;
	s18 =	sshll.u32 s3, $0x1;
	s3 =	sadd.s32 s19, s1  }
0x9a: {  	[timem:s5], [sflag:s20] =	dma.local [hbm:s3], s18  }
0x9b: {  	_ =	swait.ge [sflag:s20], s18  }
0x9c: {  	s2 =	ssub.s32 $0x0, s18;
	[sflag:s20] =	ssyncset.done $0x0  }
0x9d: {  	[sflag:s20] =	ssyncadd.s32 s2;
	_ =	sdelay $0x1  }
0x9e: {  	s21 =	simm.s32 $0x1B8B  }
0x9f: {  	_ =	swait.ge [sflag:s21], $0x1  }
0xa0: {  	[sflag:s21] =	ssyncset.done $0x0  }
0xa1: {  	s23 =	simm.s32 $0x1B8E;
	s22 =	sld [smem:$0x3FFE];
	[sflag:s21] =	ssyncadd.s32 $0xFFFFFFFF  }
0xa2: {  	s24 =	simm.s32 $execute0_lowered;
	[smem:$0x3FD2] =	sst s23  }
0xa3: {  	s3 =	sshll.u32 s24, $0x1;
	_ =	strace $0x8000004F;
	[dreg:$0x1] =	wrdreg $0xFFFFFFFF  }
0xa4: {  	s25 =	simm.s32 $_size_execute0_lowered;
	s1 =	sadd.s32 s1, s3;
	[dreg:$0x0] =	wrdreg $0x0  }
0xa5: {  	s3 =	sshll.u32 s25, $0x1;
	[dreg:$0x2] =	wrdreg s1  }
0xa6: {  	[dreg:$0x3] =	wrdreg s3  }
0xa7: {  	[dreg:$0x4] =	wrdreg $0xC0  }
0xa8: {  	_ =	task [dreg:s5], $0x5FFFF  }
0xa9: {  	[dreg:$0x1] =	wrdreg $0xFFFFFFFF  }
0xaa: {  	[dreg:$0x0] =	wrdreg $0x60  }
0xab: {  	[dreg:$0x2] =	wrdreg s22  }
0xac: {  	[dreg:$0x3] =	wrdreg s0  }
0xad: {  	[dreg:$0x4] =	wrdreg $0x98800  }
0xae: {  	[dreg:$0x5] =	wrdreg $0x9  }
0xaf: {  	_ =	task.clear_ibuf [dreg:s5], $0x6FFFF;
	_ =	strace $0x9000004F  }
0xb0: {  	s26 =	simm.s32 $0x9;
	_ =	strace $0x80000051  }
0xb1: {  	_ =	swait.ge [sflag:s26], $0x1  }
0xb2: {  	[sflag:s26] =	ssyncadd.s32 $0xFFFFFFFF  }
0xb3: {  	_ =	strace $0x90000051  }
0xb4: {  	_ =	sfence  }
0xb5: {  	s28 =	sld [smem:$0x0];
	_ =	sdelay $0x1  }
0xb6: {  	s29 =	srdreg.scid  }
0xb7: {  	s30 =	sshll.u32 s29, $0xD;
	s31 =	sshrl.u32 s29, $0x2  }
0xb8: {  	s2 =	sand.u32 $0x4000, s30;
	s1 =	sand.u32 $0x1, s29;
	s0 =	sadd.s32 s31, s28  }
0xb9: {  	s1 =	sor.u32 s2, s1;
	s0 =	sshll.u32 s0, $0x11  }
0xba: {  	s0 =	sor.u32 s0, s1  }
0xbb: {  	s0 =	sadd.s32 $0x8F2B, s0  }
0xbc: {  	[sflag:s0] =	ssyncadd.remote.s32 $0x1  }
0xbd: {  	_ =	sfence.sel $0xFFFF  }
0xbe: {  	[dreg:$0x0] =	wrdreg $0xFFFFFFFF;
	(pc) =	sbr.abs _section_cstart, $3  }
0xbf: {  	[dreg:$0x1] =	wrdreg $0xFFFFFFFF  }
0xc0: {  	_ =	task.clear_ibuf [dreg:s5], $0x2FFFF;
	_ =	strace $0x9FFFFFFF  }
0xc1: {  	(tm) =	ssettm $0x7FFFFFFF  }
tec
execute0_lowered:
.L_overlay_start_1:
0x0: {  	(tag) =	ssettag $0x1  }
0x1: {  	s0 =	stileid.u32  }
0x2: {  	s4 =	smul.u32 $0x5000, s0  }
0x3: {  	s3 =	rddreg [dreg:$0x0]  }
0x4: {  	s1 =	rddreg [dreg:$0x1];
	s4 =	sshrl.u32 s4, $0x3  }
0x5: {  	s2 =	rddreg [dreg:$0x2];
	s14 =	simm.s32 $0x0;
	s4 =	sadd.s32 s4, s3  }
0x6: {  	[smem:$0x7FF] =	sst s14;
	p0 =	seq.s32 s0, $0xF;
	s4 =	sadd.s32 $0x4600, s4  }
0x7: {  	_ =	strace $0x80000050;
	[dreg:$0x4] =	wrdreg s4;
	s4 =	sadd.s32 $0x124800, s2  }
0x8: {  	s5 =	sadd.s32 $0x8E000, s3;
	s21 =	smul.u32 $0x4E000, s0;
	s7 =	sshrl.u32 @p0 s4, $0x3  }
0x9: {  	s6 =	sadd.s32 @p0 $0x24900, s5;
	s4 =	simm.s32 @p0 $0x1FC5;
	[dreg:$0x17] =	wrdreg s7  }
0xa: {  	[spmem:s7], [sflag:s4] =	dma.local @p0 [hbm:s6], $0x2800  }
0xb: {  	s6 =	simm.s32 @p0 $0x5  }
0xc: {  	s4 =	sshrl.u32 s21, $0x2;
	_ =	swait.ge @p0 [sflag:s6], $0x2800  }
0xd: {  	s31 =	smul.u32 $0x2700, s0;
	s4 =	sadd.s32 s4, s2;
	[sflag:s6] =	ssyncset.done @p0 $0x0  }
0xe: {  	s4 =	sshrl.u32 @!p0 s4, $0x3;
	[sflag:s6] =	ssyncadd.s32 @p0 $0xFFFFD800;
	s6 =	sshll.u32 @!p0 s0, $0x6  }
0xf: {  	s7 =	sadd.s32 @!p0 s5, s31;
	[dreg:$0x19] =	wrdreg s4;
	s5 =	sor.u32 @!p0 $0x1C05, s6  }
0x10: {  	[dreg:$0x18] =	wrdreg s5  }
0x11: {  	[spmem:s4], [sflag:s5] =	dma.local @!p0 [hbm:s7], $0x2700  }
0x12: {  	s4 =	simm.s32 @!p0 $0x5  }
0x13: {  	_ =	swait.ge @!p0 [sflag:s4], $0x2700  }
0x14: {  	s23 =	simm.s32 $0x9800;
	[sflag:s4] =	ssyncset.done @!p0 $0x0  }
0x15: {  	s15 =	simm.s32 $0x5;
	s22 =	sadd.s32 $0x3FA00, s3;
	[sflag:s4] =	ssyncadd.s32 @!p0 $0xFFFFD900  }
0x16: {  	[tilespmem:s23], [sflag:$0x5] =	stream.linear.gather [hbm4b:s22+s14], $0x80, $0x38;
	[tilespmem:$0x1D140] =	vst v63  }
0x17: {  	_ =	swait.ge [sflag:s15], $0x80  }
0x18: {  	s24 =	smul.u32 $0xA00, s0;
	[sflag:s15] =	ssyncset.done $0x0  }
0x19: {  	s25 =	sadd.s32 $0xE600, s3;
	[sflag:s15] =	ssyncadd.s32 $0xFFFFFF80  }
0x1a: {  	s6 =	sadd.s32 s24, s25;
	[bflag:$0x0] =	sbarrier.arrive $0xFFFF  }
0x1b: {  	s1 =	sadd.s32 s24, s1;
	[dreg:$0x5] =	wrdreg s6  }
0x1c: {  	s26 =	simm.s32 $0x1000;
	[dreg:$0x6] =	wrdreg s1  }
0x1d: {  	s0 =	simm.s32 $0x100;
	[dreg:$0x7] =	wrdreg s26  }
0x1e: {  	s4 =	simm.s32 $0x880;
	[dreg:$0x8] =	wrdreg s0  }
0x1f: {  	s5 =	simm.s32 $0x180;
	[dreg:$0x9] =	wrdreg s4  }
0x20: {  	s7 =	simm.s32 $0x200;
	[dreg:$0xa] =	wrdreg s5  }
0x21: {  	s8 =	simm.s32 $0x980;
	[dreg:$0xc] =	wrdreg s7  }
0x22: {  	s9 =	simm.s32 $0x280;
	[dreg:$0xd] =	wrdreg s8  }
0x23: {  	s10 =	simm.s32 $0xA00;
	[dreg:$0xe] =	wrdreg s9  }
0x24: {  	s11 =	simm.s32 $0x300;
	[dreg:$0xf] =	wrdreg s10  }
0x25: {  	s12 =	simm.s32 $0xA80;
	[dreg:$0x10] =	wrdreg s11  }
0x26: {  	s13 =	simm.s32 $0x380;
	[dreg:$0x11] =	wrdreg s12  }
0x27: {  	s16 =	simm.s32 $0xB00;
	[dreg:$0x12] =	wrdreg s13  }
0x28: {  	s17 =	simm.s32 $0x400;
	[dreg:$0x13] =	wrdreg s16  }
0x29: {  	s19 =	simm.s32 $0xB80;
	[dreg:$0x14] =	wrdreg s17  }
0x2a: {  	s20 =	simm.s32 $0x480;
	[dreg:$0x15] =	wrdreg s19  }
0x2b: {  	[dreg:$0x16] =	wrdreg s20  }
0x2c: {  	s6 =	simm.s32 $0x900;
	s18 =	rddreg [dreg:$0x6]  }
0x2d: {  	[dreg:$0xb] =	wrdreg s6;
	s21 =	sadd.s32 $0x0, s18  }
0x2e: {  	[tilespmem:s14], [sflag:$0x5] =	stream.linear.gather [hbm4b:s21+s14], $0x800, $0x38;
	[tilespmem:$0x1D140] =	vst v63  }
0x2f: {  	_ =	swait.ge [sflag:s15], $0x800  }
0x30: {  	s22 =	rddreg [dreg:$0x5];
	[sflag:s15] =	ssyncset.done $0x0  }
0x31: {  	s23 =	rddreg [dreg:$0x7];
	[sflag:s15] =	ssyncadd.s32 $0xFFFFF800;
	s1 =	sadd.s32 $0x0, s22  }
0x32: {  	[tilespmem:s23], [sflag:$0x5] =	stream.linear.gather [hbm4b:s1+s14], $0x800, $0x38;
	[tilespmem:$0x1D140] =	vst v63  }
0x33: {  	_ =	swait.ge [sflag:s15], $0x800  }
0x34: {  	s24 =	rddreg [dreg:$0x4];
	[sflag:s15] =	ssyncset.done $0x0  }
0x35: {  	s16 =	simm.s32 $0x800;
	[sflag:s15] =	ssyncadd.s32 $0xFFFFF800;
	s1 =	sadd.s32 $0x0, s24  }
0x36: {  	[tilespmem:s16], [sflag:$0x5] =	stream.linear.gather [hbm4b:s1+s14], $0x800, $0x38;
	[tilespmem:$0x1D140] =	vst v63  }
0x37: {  	_ =	swait.ge [sflag:s15], $0x800  }
0x38: {  	s9 =	sadd.s32 $0x18800, s3;
	[sflag:s15] =	ssyncset.done $0x0  }
0x39: {  	s8 =	simm.s32 $0x1800;
	s6 =	simm.s32 $0x80;
	[sflag:s15] =	ssyncadd.s32 $0xFFFFF800  }
0x3a: {  	[tilespmem:s8], [sflag:$0x1] =	stream.indirect.gather [hbm4b:s9+s6], $0x80, s14, s6, $0xb8;
	[tilespmem:$0x1D140] =	vst v63  }
0x3b: {  	s7 =	simm.s32 $0x5800;
	s10 =	simm.s32 $0x1  }
0x3c: {  	[tilespmem:s7], [sflag:$0x2] =	stream.indirect.gather [hbm4b:s9+s6], $0x80, s6, s6, $0xb8;
	[tilespmem:$0x1D140] =	vst v63  }
0x3d: {  	_ =	swait.ge [sflag:s10], $0x4000  }
0x3e: {  	[sflag:s10] =	ssyncset.done $0x0  }
0x3f: {  	s11 =	simm.s32 $0x3;
	[sflag:s10] =	ssyncadd.s32 $0xFFFFC000  }
0x40: {  	[spmem:s2] =	stream.indirect.scatter.add.f32 [tilespmem:s8], [sflag:$0x3], $0x80, s16, s6, $0xb8;
	[tilespmem:$0x1D140] =	vst v63  }
0x41: {  	_ =	swait.ge [sflag:s11], $0x4000  }
0x42: {  	[sflag:s11] =	ssyncset.done $0x0  }
0x43: {  	s12 =	simm.s32 $0x2;
	s25 =	rddreg [dreg:$0x8];
	[sflag:s11] =	ssyncadd.s32 $0xFFFFC000  }
0x44: {  	[tilespmem:s8], [sflag:$0x1] =	stream.indirect.gather [hbm4b:s9+s6], $0x80, s25, s6, $0xb8;
	[tilespmem:$0x1D140] =	vst v63  }
0x45: {  	_ =	swait.ge [sflag:s12], $0x4000  }
0x46: {  	[sflag:s12] =	ssyncset.done $0x0  }
0x47: {  	s13 =	simm.s32 $0x4;
	s26 =	rddreg [dreg:$0x9];
	[sflag:s12] =	ssyncadd.s32 $0xFFFFC000  }
0x48: {  	[spmem:s2] =	stream.indirect.scatter.add.f32 [tilespmem:s7], [sflag:$0x4], $0x80, s26, s6, $0xb8;
	[tilespmem:$0x1D140] =	vst v63  }
0x49: {  	_ =	swait.ge [sflag:s13], $0x4000  }
0x4a: {  	[sflag:s13] =	ssyncset.done $0x0  }
0x4b: {  	s0 =	rddreg [dreg:$0xa];
	[sflag:s13] =	ssyncadd.s32 $0xFFFFC000  }
0x4c: {  	[tilespmem:s7], [sflag:$0x2] =	stream.indirect.gather [hbm4b:s9+s6], $0x80, s0, s6, $0xb8;
	[tilespmem:$0x1D140] =	vst v63  }
0x4d: {  	_ =	swait.ge [sflag:s10], $0x4000  }
0x4e: {  	[sflag:s10] =	ssyncset.done $0x0  }
0x4f: {  	s4 =	rddreg [dreg:$0xb];
	[sflag:s10] =	ssyncadd.s32 $0xFFFFC000  }
0x50: {  	[spmem:s2] =	stream.indirect.scatter.add.f32 [tilespmem:s8], [sflag:$0x3], $0x80, s4, s6, $0xb8;
	[tilespmem:$0x1D140] =	vst v63  }
0x51: {  	_ =	swait.ge [sflag:s11], $0x4000  }
0x52: {  	[sflag:s11] =	ssyncset.done $0x0  }
0x53: {  	s5 =	rddreg [dreg:$0xc];
	[sflag:s11] =	ssyncadd.s32 $0xFFFFC000  }
0x54: {  	[tilespmem:s8], [sflag:$0x1] =	stream.indirect.gather [hbm4b:s9+s6], $0x80, s5, s6, $0xb8;
	[tilespmem:$0x1D140] =	vst v63  }
0x55: {  	_ =	swait.ge [sflag:s12], $0x4000  }
0x56: {  	[sflag:s12] =	ssyncset.done $0x0  }
0x57: {  	s17 =	rddreg [dreg:$0xd];
	[sflag:s12] =	ssyncadd.s32 $0xFFFFC000  }
0x58: {  	[spmem:s2] =	stream.indirect.scatter.add.f32 [tilespmem:s7], [sflag:$0x4], $0x80, s17, s6, $0xb8;
	[tilespmem:$0x1D140] =	vst v63  }
0x59: {  	_ =	swait.ge [sflag:s13], $0x4000  }
0x5a: {  	[sflag:s13] =	ssyncset.done $0x0  }
0x5b: {  	s18 =	rddreg [dreg:$0xe];
	[sflag:s13] =	ssyncadd.s32 $0xFFFFC000  }
0x5c: {  	[tilespmem:s7], [sflag:$0x2] =	stream.indirect.gather [hbm4b:s9+s6], $0x80, s18, s6, $0xb8;
	[tilespmem:$0x1D140] =	vst v63  }
0x5d: {  	_ =	swait.ge [sflag:s10], $0x4000  }
0x5e: {  	[sflag:s10] =	ssyncset.done $0x0  }
0x5f: {  	s19 =	rddreg [dreg:$0xf];
	[sflag:s10] =	ssyncadd.s32 $0xFFFFC000  }
0x60: {  	[spmem:s2] =	stream.indirect.scatter.add.f32 [tilespmem:s8], [sflag:$0x3], $0x80, s19, s6, $0xb8;
	[tilespmem:$0x1D140] =	vst v63  }
0x61: {  	_ =	swait.ge [sflag:s11], $0x4000  }
0x62: {  	[sflag:s11] =	ssyncset.done $0x0  }
0x63: {  	s20 =	rddreg [dreg:$0x10];
	[sflag:s11] =	ssyncadd.s32 $0xFFFFC000  }
0x64: {  	[tilespmem:s8], [sflag:$0x1] =	stream.indirect.gather [hbm4b:s9+s6], $0x80, s20, s6, $0xb8;
	[tilespmem:$0x1D140] =	vst v63  }
0x65: {  	_ =	swait.ge [sflag:s12], $0x4000  }
0x66: {  	[sflag:s12] =	ssyncset.done $0x0  }
0x67: {  	s21 =	rddreg [dreg:$0x11];
	[sflag:s12] =	ssyncadd.s32 $0xFFFFC000  }
0x68: {  	[spmem:s2] =	stream.indirect.scatter.add.f32 [tilespmem:s7], [sflag:$0x4], $0x80, s21, s6, $0xb8;
	[tilespmem:$0x1D140] =	vst v63  }
0x69: {  	_ =	swait.ge [sflag:s13], $0x4000  }
0x6a: {  	[sflag:s13] =	ssyncset.done $0x0  }
0x6b: {  	s22 =	rddreg [dreg:$0x12];
	[sflag:s13] =	ssyncadd.s32 $0xFFFFC000  }
0x6c: {  	[tilespmem:s7], [sflag:$0x2] =	stream.indirect.gather [hbm4b:s9+s6], $0x80, s22, s6, $0xb8;
	[tilespmem:$0x1D140] =	vst v63  }
0x6d: {  	_ =	swait.ge [sflag:s10], $0x4000  }
0x6e: {  	[sflag:s10] =	ssyncset.done $0x0  }
0x6f: {  	s23 =	rddreg [dreg:$0x13];
	[sflag:s10] =	ssyncadd.s32 $0xFFFFC000  }
0x70: {  	[spmem:s2] =	stream.indirect.scatter.add.f32 [tilespmem:s8], [sflag:$0x3], $0x80, s23, s6, $0xb8;
	[tilespmem:$0x1D140] =	vst v63  }
0x71: {  	_ =	swait.ge [sflag:s11], $0x4000  }
0x72: {  	[sflag:s11] =	ssyncset.done $0x0  }
0x73: {  	s24 =	rddreg [dreg:$0x14];
	[sflag:s11] =	ssyncadd.s32 $0xFFFFC000  }
0x74: {  	[tilespmem:s8], [sflag:$0x1] =	stream.indirect.gather [hbm4b:s9+s6], $0x80, s24, s6, $0xb8;
	[tilespmem:$0x1D140] =	vst v63  }
0x75: {  	_ =	swait.ge [sflag:s12], $0x4000  }
0x76: {  	[sflag:s12] =	ssyncset.done $0x0  }
0x77: {  	s25 =	rddreg [dreg:$0x15];
	[sflag:s12] =	ssyncadd.s32 $0xFFFFC000  }
0x78: {  	[spmem:s2] =	stream.indirect.scatter.add.f32 [tilespmem:s7], [sflag:$0x4], $0x80, s25, s6, $0xb8;
	[tilespmem:$0x1D140] =	vst v63  }
0x79: {  	_ =	swait.ge [sflag:s13], $0x4000  }
0x7a: {  	[sflag:s13] =	ssyncset.done $0x0  }
0x7b: {  	s26 =	rddreg [dreg:$0x16];
	[sflag:s13] =	ssyncadd.s32 $0xFFFFC000  }
0x7c: {  	[tilespmem:s7], [sflag:$0x2] =	stream.indirect.gather [hbm4b:s9+s6], $0x80, s26, s6, $0xb8;
	[tilespmem:$0x1D140] =	vst v63  }
0x7d: {  	_ =	swait.ge [sflag:s10], $0x4000  }
0x7e: {  	[sflag:s10] =	ssyncset.done $0x0  }
0x7f: {  	s17 =	simm.s32 $0xC00;
	[sflag:s10] =	ssyncadd.s32 $0xFFFFC000  }
0x80: {  	[spmem:s2] =	stream.indirect.scatter.add.f32 [tilespmem:s8], [sflag:$0x3], $0x80, s17, s6, $0xb8;
	[tilespmem:$0x1D140] =	vst v63  }
0x81: {  	_ =	swait.ge [sflag:s11], $0x4000  }
0x82: {  	[sflag:s11] =	ssyncset.done $0x0  }
0x83: {  	s18 =	simm.s32 $0x500;
	[sflag:s11] =	ssyncadd.s32 $0xFFFFC000  }
0x84: {  	[tilespmem:s8], [sflag:$0x1] =	stream.indirect.gather [hbm4b:s9+s6], $0x80, s18, s6, $0xb8;
	[tilespmem:$0x1D140] =	vst v63  }
0x85: {  	_ =	swait.ge [sflag:s12], $0x4000  }
0x86: {  	[sflag:s12] =	ssyncset.done $0x0  }
0x87: {  	s19 =	simm.s32 $0xC80;
	[sflag:s12] =	ssyncadd.s32 $0xFFFFC000  }
0x88: {  	[spmem:s2] =	stream.indirect.scatter.add.f32 [tilespmem:s7], [sflag:$0x4], $0x80, s19, s6, $0xb8;
	[tilespmem:$0x1D140] =	vst v63  }
0x89: {  	_ =	swait.ge [sflag:s13], $0x4000  }
0x8a: {  	[sflag:s13] =	ssyncset.done $0x0  }
0x8b: {  	s20 =	simm.s32 $0x580;
	[sflag:s13] =	ssyncadd.s32 $0xFFFFC000  }
0x8c: {  	[tilespmem:s7], [sflag:$0x2] =	stream.indirect.gather [hbm4b:s9+s6], $0x80, s20, s6, $0xb8;
	[tilespmem:$0x1D140] =	vst v63  }
0x8d: {  	_ =	swait.ge [sflag:s10], $0x4000  }
0x8e: {  	[sflag:s10] =	ssyncset.done $0x0  }
0x8f: {  	s21 =	simm.s32 $0xD00;
	[sflag:s10] =	ssyncadd.s32 $0xFFFFC000  }
0x90: {  	[spmem:s2] =	stream.indirect.scatter.add.f32 [tilespmem:s8], [sflag:$0x3], $0x80, s21, s6, $0xb8;
	[tilespmem:$0x1D140] =	vst v63  }
0x91: {  	_ =	swait.ge [sflag:s11], $0x4000  }
0x92: {  	[sflag:s11] =	ssyncset.done $0x0  }
0x93: {  	s22 =	simm.s32 $0x600;
	[sflag:s11] =	ssyncadd.s32 $0xFFFFC000  }
0x94: {  	[tilespmem:s8], [sflag:$0x1] =	stream.indirect.gather [hbm4b:s9+s6], $0x80, s22, s6, $0xb8;
	[tilespmem:$0x1D140] =	vst v63  }
0x95: {  	_ =	swait.ge [sflag:s12], $0x4000  }
0x96: {  	[sflag:s12] =	ssyncset.done $0x0  }
0x97: {  	s23 =	simm.s32 $0xD80;
	[sflag:s12] =	ssyncadd.s32 $0xFFFFC000  }
0x98: {  	[spmem:s2] =	stream.indirect.scatter.add.f32 [tilespmem:s7], [sflag:$0x4], $0x80, s23, s6, $0xb8;
	[tilespmem:$0x1D140] =	vst v63  }
0x99: {  	_ =	swait.ge [sflag:s13], $0x4000  }
0x9a: {  	[sflag:s13] =	ssyncset.done $0x0  }
0x9b: {  	s25 =	simm.s32 $0x680;
	[sflag:s13] =	ssyncadd.s32 $0xFFFFC000  }
0x9c: {  	[tilespmem:s7], [sflag:$0x2] =	stream.indirect.gather [hbm4b:s9+s6], $0x80, s25, s6, $0xb8;
	[tilespmem:$0x1D140] =	vst v63  }
0x9d: {  	_ =	swait.ge [sflag:s10], $0x4000  }
0x9e: {  	[sflag:s10] =	ssyncset.done $0x0  }
0x9f: {  	s26 =	simm.s32 $0xE00;
	[sflag:s10] =	ssyncadd.s32 $0xFFFFC000  }
0xa0: {  	[spmem:s2] =	stream.indirect.scatter.add.f32 [tilespmem:s8], [sflag:$0x3], $0x80, s26, s6, $0xb8;
	[tilespmem:$0x1D140] =	vst v63  }
0xa1: {  	_ =	swait.ge [sflag:s11], $0x4000  }
0xa2: {  	[sflag:s11] =	ssyncset.done $0x0  }
0xa3: {  	s28 =	simm.s32 $0x700;
	[sflag:s11] =	ssyncadd.s32 $0xFFFFC000  }
0xa4: {  	[tilespmem:s8], [sflag:$0x1] =	stream.indirect.gather [hbm4b:s9+s6], $0x80, s28, s6, $0xb8;
	[tilespmem:$0x1D140] =	vst v63  }
0xa5: {  	_ =	swait.ge [sflag:s12], $0x4000  }
0xa6: {  	[sflag:s12] =	ssyncset.done $0x0  }
0xa7: {  	s29 =	simm.s32 $0xE80;
	[sflag:s12] =	ssyncadd.s32 $0xFFFFC000  }
0xa8: {  	[spmem:s2] =	stream.indirect.scatter.add.f32 [tilespmem:s7], [sflag:$0x4], $0x80, s29, s6, $0xb8;
	[tilespmem:$0x1D140] =	vst v63  }
0xa9: {  	_ =	swait.ge [sflag:s13], $0x4000  }
0xaa: {  	[sflag:s13] =	ssyncset.done $0x0  }
0xab: {  	s30 =	simm.s32 $0x780;
	[sflag:s13] =	ssyncadd.s32 $0xFFFFC000  }
0xac: {  	[tilespmem:s7], [sflag:$0x2] =	stream.indirect.gather [hbm4b:s9+s6], $0x80, s30, s6, $0xb8;
	[tilespmem:$0x1D140] =	vst v63  }
0xad: {  	_ =	swait.ge [sflag:s10], $0x4000  }
0xae: {  	[sflag:s10] =	ssyncset.done $0x0  }
0xaf: {  	s1 =	simm.s32 $0xF00;
	[sflag:s10] =	ssyncadd.s32 $0xFFFFC000  }
0xb0: {  	[spmem:s2] =	stream.indirect.scatter.add.f32 [tilespmem:s8], [sflag:$0x3], $0x80, s1, s6, $0xb8;
	[tilespmem:$0x1D140] =	vst v63  }
0xb1: {  	_ =	swait.ge [sflag:s11], $0x4000  }
0xb2: {  	[sflag:s11] =	ssyncset.done $0x0  }
0xb3: {  	[sflag:s11] =	ssyncadd.s32 $0xFFFFC000  }
0xb4: {  	_ =	swait.ge [sflag:s12], $0x4000  }
0xb5: {  	s0 =	sadd.s32 s31, s3;
	[sflag:s12] =	ssyncset.done $0x0  }
0xb6: {  	s4 =	sadd.s32 $0xDC400, s0;
	s24 =	simm.s32 $0xF80;
	[sflag:s12] =	ssyncadd.s32 $0xFFFFC000  }
0xb7: {  	[spmem:s2] =	stream.indirect.scatter.add.f32 [tilespmem:s7], [sflag:$0x4], $0x80, s24, s6, $0xb8;
	[tilespmem:$0x1D140] =	vst v63  }
0xb8: {  	s5 =	sadd.s32 $0x100D00, s3;
	_ =	swait.ge [sflag:s13], $0x4000;
	[dreg:$0x1a] =	wrdreg s4  }
0xb9: {  	s31 =	simm.s32 $0x100;
	[dreg:$0x1b] =	wrdreg s5  }
0xba: {  	s3 =	simm.s32 $0x200;
	[sflag:s13] =	ssyncset.done $0x0;
	s4 =	rddreg [dreg:$0x6]  }
.LBB2_1:
0xbb: {  	[sflag:s13] =	ssyncadd.s32 $0xFFFFC000;
	s4 =	sadd.s32 s31, s4  }
0xbc: {  	[tilespmem:s14], [sflag:$0x5] =	stream.linear.gather [hbm4b:s4+s14], $0x800, $0x38;
	[tilespmem:$0x1D140] =	vst v63  }
0xbd: {  	_ =	swait.ge [sflag:s15], $0x800  }
0xbe: {  	s4 =	rddreg [dreg:$0x5];
	[sflag:s15] =	ssyncset.done $0x0  }
0xbf: {  	s0 =	rddreg [dreg:$0x7];
	[sflag:s15] =	ssyncadd.s32 $0xFFFFF800;
	s4 =	sadd.s32 s31, s4  }
0xc0: {  	[tilespmem:s0], [sflag:$0x5] =	stream.linear.gather [hbm4b:s4+s14], $0x800, $0x38;
	[tilespmem:$0x1D140] =	vst v63  }
0xc1: {  	_ =	swait.ge [sflag:s15], $0x800  }
0xc2: {  	s4 =	rddreg [dreg:$0x4];
	[sflag:s15] =	ssyncset.done $0x0  }
0xc3: {  	[sflag:s15] =	ssyncadd.s32 $0xFFFFF800;
	s0 =	sadd.s32 s31, s4  }
0xc4: {  	[tilespmem:s16], [sflag:$0x5] =	stream.linear.gather [hbm4b:s0+s14], $0x800, $0x38;
	[tilespmem:$0x1D140] =	vst v63  }
0xc5: {  	_ =	swait.ge [sflag:s15], $0x800  }
0xc6: {  	[sflag:s15] =	ssyncset.done $0x0  }
0xc7: {  	[sflag:s15] =	ssyncadd.s32 $0xFFFFF800  }
0xc8: {  	[tilespmem:s8], [sflag:$0x1] =	stream.indirect.gather [hbm4b:s9+s6], $0x80, s14, s6, $0xb8;
	[tilespmem:$0x1D140] =	vst v63  }
0xc9: {  	_ = 	snop  }
0xca: {  	[tilespmem:s7], [sflag:$0x2] =	stream.indirect.gather [hbm4b:s9+s6], $0x80, s6, s6, $0xb8;
	[tilespmem:$0x1D140] =	vst v63  }
0xcb: {  	_ =	swait.ge [sflag:s10], $0x4000  }
0xcc: {  	[sflag:s10] =	ssyncset.done $0x0  }
0xcd: {  	[sflag:s10] =	ssyncadd.s32 $0xFFFFC000  }
0xce: {  	[spmem:s2] =	stream.indirect.scatter.add.f32 [tilespmem:s8], [sflag:$0x3], $0x80, s16, s6, $0xb8;
	[tilespmem:$0x1D140] =	vst v63  }
0xcf: {  	_ =	swait.ge [sflag:s11], $0x4000  }
0xd0: {  	s5 =	smov.u32 s3;
	[sflag:s11] =	ssyncset.done $0x0  }
0xd1: {  	s31 =	smov.u32 s5;
	s5 =	rddreg [dreg:$0x8];
	[sflag:s11] =	ssyncadd.s32 $0xFFFFC000  }
0xd2: {  	[tilespmem:s8], [sflag:$0x1] =	stream.indirect.gather [hbm4b:s9+s6], $0x80, s5, s6, $0xb8;
	[tilespmem:$0x1D140] =	vst v63  }
0xd3: {  	_ =	swait.ge [sflag:s12], $0x4000  }
0xd4: {  	[sflag:s12] =	ssyncset.done $0x0  }
0xd5: {  	s4 =	rddreg [dreg:$0x9];
	[sflag:s12] =	ssyncadd.s32 $0xFFFFC000  }
0xd6: {  	[spmem:s2] =	stream.indirect.scatter.add.f32 [tilespmem:s7], [sflag:$0x4], $0x80, s4, s6, $0xb8;
	[tilespmem:$0x1D140] =	vst v63  }
0xd7: {  	_ =	swait.ge [sflag:s13], $0x4000  }
0xd8: {  	[sflag:s13] =	ssyncset.done $0x0  }
0xd9: {  	s5 =	rddreg [dreg:$0xa];
	[sflag:s13] =	ssyncadd.s32 $0xFFFFC000  }
0xda: {  	[tilespmem:s7], [sflag:$0x2] =	stream.indirect.gather [hbm4b:s9+s6], $0x80, s5, s6, $0xb8;
	[tilespmem:$0x1D140] =	vst v63  }
0xdb: {  	_ =	swait.ge [sflag:s10], $0x4000  }
0xdc: {  	[sflag:s10] =	ssyncset.done $0x0  }
0xdd: {  	s4 =	rddreg [dreg:$0xb];
	[sflag:s10] =	ssyncadd.s32 $0xFFFFC000  }
0xde: {  	[spmem:s2] =	stream.indirect.scatter.add.f32 [tilespmem:s8], [sflag:$0x3], $0x80, s4, s6, $0xb8;
	[tilespmem:$0x1D140] =	vst v63  }
0xdf: {  	_ =	swait.ge [sflag:s11], $0x4000  }
0xe0: {  	[sflag:s11] =	ssyncset.done $0x0  }
0xe1: {  	s5 =	rddreg [dreg:$0xc];
	[sflag:s11] =	ssyncadd.s32 $0xFFFFC000  }
0xe2: {  	[tilespmem:s8], [sflag:$0x1] =	stream.indirect.gather [hbm4b:s9+s6], $0x80, s5, s6, $0xb8;
	[tilespmem:$0x1D140] =	vst v63  }
0xe3: {  	_ =	swait.ge [sflag:s12], $0x4000  }
0xe4: {  	[sflag:s12] =	ssyncset.done $0x0  }
0xe5: {  	s4 =	rddreg [dreg:$0xd];
	[sflag:s12] =	ssyncadd.s32 $0xFFFFC000  }
0xe6: {  	[spmem:s2] =	stream.indirect.scatter.add.f32 [tilespmem:s7], [sflag:$0x4], $0x80, s4, s6, $0xb8;
	[tilespmem:$0x1D140] =	vst v63  }
0xe7: {  	_ =	swait.ge [sflag:s13], $0x4000  }
0xe8: {  	[sflag:s13] =	ssyncset.done $0x0  }
0xe9: {  	s5 =	rddreg [dreg:$0xe];
	[sflag:s13] =	ssyncadd.s32 $0xFFFFC000  }
0xea: {  	[tilespmem:s7], [sflag:$0x2] =	stream.indirect.gather [hbm4b:s9+s6], $0x80, s5, s6, $0xb8;
	[tilespmem:$0x1D140] =	vst v63  }
0xeb: {  	_ =	swait.ge [sflag:s10], $0x4000  }
0xec: {  	[sflag:s10] =	ssyncset.done $0x0  }
0xed: {  	s4 =	rddreg [dreg:$0xf];
	[sflag:s10] =	ssyncadd.s32 $0xFFFFC000  }
0xee: {  	[spmem:s2] =	stream.indirect.scatter.add.f32 [tilespmem:s8], [sflag:$0x3], $0x80, s4, s6, $0xb8;
	[tilespmem:$0x1D140] =	vst v63  }
0xef: {  	_ =	swait.ge [sflag:s11], $0x4000  }
0xf0: {  	[sflag:s11] =	ssyncset.done $0x0  }
0xf1: {  	s5 =	rddreg [dreg:$0x10];
	[sflag:s11] =	ssyncadd.s32 $0xFFFFC000  }
0xf2: {  	[tilespmem:s8], [sflag:$0x1] =	stream.indirect.gather [hbm4b:s9+s6], $0x80, s5, s6, $0xb8;
	[tilespmem:$0x1D140] =	vst v63  }
0xf3: {  	_ =	swait.ge [sflag:s12], $0x4000  }
0xf4: {  	[sflag:s12] =	ssyncset.done $0x0  }
0xf5: {  	s4 =	rddreg [dreg:$0x11];
	[sflag:s12] =	ssyncadd.s32 $0xFFFFC000  }
0xf6: {  	[spmem:s2] =	stream.indirect.scatter.add.f32 [tilespmem:s7], [sflag:$0x4], $0x80, s4, s6, $0xb8;
	[tilespmem:$0x1D140] =	vst v63  }
0xf7: {  	_ =	swait.ge [sflag:s13], $0x4000  }
0xf8: {  	[sflag:s13] =	ssyncset.done $0x0  }
0xf9: {  	s5 =	rddreg [dreg:$0x12];
	[sflag:s13] =	ssyncadd.s32 $0xFFFFC000  }
0xfa: {  	[tilespmem:s7], [sflag:$0x2] =	stream.indirect.gather [hbm4b:s9+s6], $0x80, s5, s6, $0xb8;
	[tilespmem:$0x1D140] =	vst v63  }
0xfb: {  	_ =	swait.ge [sflag:s10], $0x4000  }
0xfc: {  	[sflag:s10] =	ssyncset.done $0x0  }
0xfd: {  	s4 =	rddreg [dreg:$0x13];
	[sflag:s10] =	ssyncadd.s32 $0xFFFFC000  }
0xfe: {  	[spmem:s2] =	stream.indirect.scatter.add.f32 [tilespmem:s8], [sflag:$0x3], $0x80, s4, s6, $0xb8;
	[tilespmem:$0x1D140] =	vst v63  }
0xff: {  	_ =	swait.ge [sflag:s11], $0x4000  }
0x100: {  	[sflag:s11] =	ssyncset.done $0x0  }
0x101: {  	s5 =	rddreg [dreg:$0x14];
	[sflag:s11] =	ssyncadd.s32 $0xFFFFC000  }
0x102: {  	[tilespmem:s8], [sflag:$0x1] =	stream.indirect.gather [hbm4b:s9+s6], $0x80, s5, s6, $0xb8;
	[tilespmem:$0x1D140] =	vst v63  }
0x103: {  	_ =	swait.ge [sflag:s12], $0x4000  }
0x104: {  	[sflag:s12] =	ssyncset.done $0x0  }
0x105: {  	s4 =	rddreg [dreg:$0x15];
	[sflag:s12] =	ssyncadd.s32 $0xFFFFC000  }
0x106: {  	[spmem:s2] =	stream.indirect.scatter.add.f32 [tilespmem:s7], [sflag:$0x4], $0x80, s4, s6, $0xb8;
	[tilespmem:$0x1D140] =	vst v63  }
0x107: {  	_ =	swait.ge [sflag:s13], $0x4000  }
0x108: {  	[sflag:s13] =	ssyncset.done $0x0  }
0x109: {  	s5 =	rddreg [dreg:$0x16];
	[sflag:s13] =	ssyncadd.s32 $0xFFFFC000  }
0x10a: {  	[tilespmem:s7], [sflag:$0x2] =	stream.indirect.gather [hbm4b:s9+s6], $0x80, s5, s6, $0xb8;
	[tilespmem:$0x1D140] =	vst v63  }
0x10b: {  	_ =	swait.ge [sflag:s10], $0x4000  }
0x10c: {  	[sflag:s10] =	ssyncset.done $0x0  }
0x10d: {  	[sflag:s10] =	ssyncadd.s32 $0xFFFFC000  }
0x10e: {  	[spmem:s2] =	stream.indirect.scatter.add.f32 [tilespmem:s8], [sflag:$0x3], $0x80, s17, s6, $0xb8;
	[tilespmem:$0x1D140] =	vst v63  }
0x10f: {  	_ =	swait.ge [sflag:s11], $0x4000  }
0x110: {  	[sflag:s11] =	ssyncset.done $0x0  }
0x111: {  	[sflag:s11] =	ssyncadd.s32 $0xFFFFC000  }
0x112: {  	[tilespmem:s8], [sflag:$0x1] =	stream.indirect.gather [hbm4b:s9+s6], $0x80, s18, s6, $0xb8;
	[tilespmem:$0x1D140] =	vst v63  }
0x113: {  	_ =	swait.ge [sflag:s12], $0x4000  }
0x114: {  	[sflag:s12] =	ssyncset.done $0x0  }
0x115: {  	[sflag:s12] =	ssyncadd.s32 $0xFFFFC000  }
0x116: {  	[spmem:s2] =	stream.indirect.scatter.add.f32 [tilespmem:s7], [sflag:$0x4], $0x80, s19, s6, $0xb8;
	[tilespmem:$0x1D140] =	vst v63  }
0x117: {  	_ =	swait.ge [sflag:s13], $0x4000  }
0x118: {  	[sflag:s13] =	ssyncset.done $0x0  }
0x119: {  	[sflag:s13] =	ssyncadd.s32 $0xFFFFC000  }
0x11a: {  	[tilespmem:s7], [sflag:$0x2] =	stream.indirect.gather [hbm4b:s9+s6], $0x80, s20, s6, $0xb8;
	[tilespmem:$0x1D140] =	vst v63  }
0x11b: {  	_ =	swait.ge [sflag:s10], $0x4000  }
0x11c: {  	[sflag:s10] =	ssyncset.done $0x0  }
0x11d: {  	[sflag:s10] =	ssyncadd.s32 $0xFFFFC000  }
0x11e: {  	[spmem:s2] =	stream.indirect.scatter.add.f32 [tilespmem:s8], [sflag:$0x3], $0x80, s21, s6, $0xb8;
	[tilespmem:$0x1D140] =	vst v63  }
0x11f: {  	_ =	swait.ge [sflag:s11], $0x4000  }
0x120: {  	[sflag:s11] =	ssyncset.done $0x0  }
0x121: {  	[sflag:s11] =	ssyncadd.s32 $0xFFFFC000  }
0x122: {  	[tilespmem:s8], [sflag:$0x1] =	stream.indirect.gather [hbm4b:s9+s6], $0x80, s22, s6, $0xb8;
	[tilespmem:$0x1D140] =	vst v63  }
0x123: {  	_ =	swait.ge [sflag:s12], $0x4000  }
0x124: {  	[sflag:s12] =	ssyncset.done $0x0  }
0x125: {  	[sflag:s12] =	ssyncadd.s32 $0xFFFFC000  }
0x126: {  	[spmem:s2] =	stream.indirect.scatter.add.f32 [tilespmem:s7], [sflag:$0x4], $0x80, s23, s6, $0xb8;
	[tilespmem:$0x1D140] =	vst v63  }
0x127: {  	_ =	swait.ge [sflag:s13], $0x4000  }
0x128: {  	[sflag:s13] =	ssyncset.done $0x0  }
0x129: {  	[sflag:s13] =	ssyncadd.s32 $0xFFFFC000  }
0x12a: {  	[tilespmem:s7], [sflag:$0x2] =	stream.indirect.gather [hbm4b:s9+s6], $0x80, s25, s6, $0xb8;
	[tilespmem:$0x1D140] =	vst v63  }
0x12b: {  	_ =	swait.ge [sflag:s10], $0x4000  }
0x12c: {  	[sflag:s10] =	ssyncset.done $0x0  }
0x12d: {  	[sflag:s10] =	ssyncadd.s32 $0xFFFFC000  }
0x12e: {  	[spmem:s2] =	stream.indirect.scatter.add.f32 [tilespmem:s8], [sflag:$0x3], $0x80, s26, s6, $0xb8;
	[tilespmem:$0x1D140] =	vst v63  }
0x12f: {  	_ =	swait.ge [sflag:s11], $0x4000  }
0x130: {  	[sflag:s11] =	ssyncset.done $0x0  }
0x131: {  	[sflag:s11] =	ssyncadd.s32 $0xFFFFC000  }
0x132: {  	[tilespmem:s8], [sflag:$0x1] =	stream.indirect.gather [hbm4b:s9+s6], $0x80, s28, s6, $0xb8;
	[tilespmem:$0x1D140] =	vst v63  }
0x133: {  	_ =	swait.ge [sflag:s12], $0x4000  }
0x134: {  	[sflag:s12] =	ssyncset.done $0x0  }
0x135: {  	[sflag:s12] =	ssyncadd.s32 $0xFFFFC000  }
0x136: {  	[spmem:s2] =	stream.indirect.scatter.add.f32 [tilespmem:s7], [sflag:$0x4], $0x80, s29, s6, $0xb8;
	[tilespmem:$0x1D140] =	vst v63  }
0x137: {  	_ =	swait.ge [sflag:s13], $0x4000  }
0x138: {  	[sflag:s13] =	ssyncset.done $0x0  }
0x139: {  	[sflag:s13] =	ssyncadd.s32 $0xFFFFC000  }
0x13a: {  	[tilespmem:s7], [sflag:$0x2] =	stream.indirect.gather [hbm4b:s9+s6], $0x80, s30, s6, $0xb8;
	[tilespmem:$0x1D140] =	vst v63  }
0x13b: {  	_ =	swait.ge [sflag:s10], $0x4000  }
0x13c: {  	[sflag:s10] =	ssyncset.done $0x0  }
0x13d: {  	[sflag:s10] =	ssyncadd.s32 $0xFFFFC000  }
0x13e: {  	[spmem:s2] =	stream.indirect.scatter.add.f32 [tilespmem:s8], [sflag:$0x3], $0x80, s1, s6, $0xb8;
	[tilespmem:$0x1D140] =	vst v63  }
0x13f: {  	_ =	swait.ge [sflag:s11], $0x4000  }
0x140: {  	[sflag:s11] =	ssyncset.done $0x0  }
0x141: {  	[sflag:s11] =	ssyncadd.s32 $0xFFFFC000  }
0x142: {  	p1 =	sne.s32 s3, $0x900;
	_ =	swait.ge [sflag:s12], $0x4000  }
.Ltmp0:
0x143: {  	[sflag:s12] =	ssyncset.done $0x0;
	(pc) =	sbr.rel @p1 .LBB2_1-.Ltmp0, $4  }
0x144: {  	[sflag:s12] =	ssyncadd.s32 $0xFFFFC000  }
0x145: {  	[spmem:s2] =	stream.indirect.scatter.add.f32 [tilespmem:s7], [sflag:$0x4], $0x80, s24, s6, $0xb8;
	[tilespmem:$0x1D140] =	vst v63  }
0x146: {  	_ =	swait.ge [sflag:s13], $0x4000  }
0x147: {  	s3 =	sadd.s32 $0x100, s3;
	s4 =	rddreg [dreg:$0x6];
	[sflag:s13] =	ssyncset.done $0x0  }
0x148: {  	[sflag:s13] =	ssyncadd.s32 $0xFFFFC000;
	s0 =	sadd.s32 s31, s4  }
0x149: {  	[tilespmem:s14], [sflag:$0x5] =	stream.linear.gather [hbm4b:s0+s14], $0x800, $0x38;
	[tilespmem:$0x1D140] =	vst v63  }
0x14a: {  	_ =	swait.ge [sflag:s15], $0x800  }
0x14b: {  	s4 =	rddreg [dreg:$0x5];
	[sflag:s15] =	ssyncset.done $0x0  }
0x14c: {  	s3 =	rddreg [dreg:$0x7];
	[sflag:s15] =	ssyncadd.s32 $0xFFFFF800;
	s0 =	sadd.s32 s31, s4  }
0x14d: {  	[tilespmem:s3], [sflag:$0x5] =	stream.linear.gather [hbm4b:s0+s14], $0x800, $0x38;
	[tilespmem:$0x1D140] =	vst v63  }
0x14e: {  	_ =	swait.ge [sflag:s15], $0x800  }
0x14f: {  	s5 =	rddreg [dreg:$0x4];
	[sflag:s15] =	ssyncset.done $0x0  }
0x150: {  	s0 =	sadd.s32 s31, s5;
	[sflag:s15] =	ssyncadd.s32 $0xFFFFF800  }
0x151: {  	[tilespmem:s16], [sflag:$0x5] =	stream.linear.gather [hbm4b:s0+s14], $0x800, $0x38;
	[tilespmem:$0x1D140] =	vst v63  }
0x152: {  	_ =	swait.ge [sflag:s15], $0x800  }
0x153: {  	[sflag:s15] =	ssyncset.done $0x0  }
0x154: {  	[sflag:s15] =	ssyncadd.s32 $0xFFFFF800  }
0x155: {  	[tilespmem:s8], [sflag:$0x1] =	stream.indirect.gather [hbm4b:s9+s6], $0x80, s14, s6, $0xb8;
	[tilespmem:$0x1D140] =	vst v63  }
0x156: {  	_ = 	snop  }
0x157: {  	[tilespmem:s7], [sflag:$0x2] =	stream.indirect.gather [hbm4b:s9+s6], $0x80, s6, s6, $0xb8;
	[tilespmem:$0x1D140] =	vst v63  }
0x158: {  	_ =	swait.ge [sflag:s10], $0x4000  }
0x159: {  	[sflag:s10] =	ssyncset.done $0x0  }
0x15a: {  	[sflag:s10] =	ssyncadd.s32 $0xFFFFC000  }
0x15b: {  	[spmem:s2] =	stream.indirect.scatter.add.f32 [tilespmem:s8], [sflag:$0x3], $0x80, s16, s6, $0xb8;
	[tilespmem:$0x1D140] =	vst v63  }
0x15c: {  	_ =	swait.ge [sflag:s11], $0x4000  }
0x15d: {  	[sflag:s11] =	ssyncset.done $0x0  }
0x15e: {  	s16 =	rddreg [dreg:$0x8];
	[sflag:s11] =	ssyncadd.s32 $0xFFFFC000  }
0x15f: {  	[tilespmem:s8], [sflag:$0x1] =	stream.indirect.gather [hbm4b:s9+s6], $0x80, s16, s6, $0xb8;
	[tilespmem:$0x1D140] =	vst v63  }
0x160: {  	_ =	swait.ge [sflag:s12], $0x4000  }
0x161: {  	[sflag:s12] =	ssyncset.done $0x0  }
0x162: {  	s31 =	rddreg [dreg:$0x9];
	[sflag:s12] =	ssyncadd.s32 $0xFFFFC000  }
0x163: {  	[spmem:s2] =	stream.indirect.scatter.add.f32 [tilespmem:s7], [sflag:$0x4], $0x80, s31, s6, $0xb8;
	[tilespmem:$0x1D140] =	vst v63  }
0x164: {  	_ =	swait.ge [sflag:s13], $0x4000  }
0x165: {  	[sflag:s13] =	ssyncset.done $0x0  }
0x166: {  	s3 =	rddreg [dreg:$0xa];
	[sflag:s13] =	ssyncadd.s32 $0xFFFFC000  }
0x167: {  	[tilespmem:s7], [sflag:$0x2] =	stream.indirect.gather [hbm4b:s9+s6], $0x80, s3, s6, $0xb8;
	[tilespmem:$0x1D140] =	vst v63  }
0x168: {  	_ =	swait.ge [sflag:s10], $0x4000  }
0x169: {  	[sflag:s10] =	ssyncset.done $0x0  }
0x16a: {  	s4 =	rddreg [dreg:$0xb];
	[sflag:s10] =	ssyncadd.s32 $0xFFFFC000  }
0x16b: {  	[spmem:s2] =	stream.indirect.scatter.add.f32 [tilespmem:s8], [sflag:$0x3], $0x80, s4, s6, $0xb8;
	[tilespmem:$0x1D140] =	vst v63  }
0x16c: {  	_ =	swait.ge [sflag:s11], $0x4000  }
0x16d: {  	[sflag:s11] =	ssyncset.done $0x0  }
0x16e: {  	s5 =	rddreg [dreg:$0xc];
	[sflag:s11] =	ssyncadd.s32 $0xFFFFC000  }
0x16f: {  	[tilespmem:s8], [sflag:$0x1] =	stream.indirect.gather [hbm4b:s9+s6], $0x80, s5, s6, $0xb8;
	[tilespmem:$0x1D140] =	vst v63  }
0x170: {  	_ =	swait.ge [sflag:s12], $0x4000  }
0x171: {  	[sflag:s12] =	ssyncset.done $0x0  }
0x172: {  	s14 =	rddreg [dreg:$0xd];
	[sflag:s12] =	ssyncadd.s32 $0xFFFFC000  }
0x173: {  	[spmem:s2] =	stream.indirect.scatter.add.f32 [tilespmem:s7], [sflag:$0x4], $0x80, s14, s6, $0xb8;
	[tilespmem:$0x1D140] =	vst v63  }
0x174: {  	_ =	swait.ge [sflag:s13], $0x4000  }
0x175: {  	[sflag:s13] =	ssyncset.done $0x0  }
0x176: {  	s15 =	rddreg [dreg:$0xe];
	[sflag:s13] =	ssyncadd.s32 $0xFFFFC000  }
0x177: {  	[tilespmem:s7], [sflag:$0x2] =	stream.indirect.gather [hbm4b:s9+s6], $0x80, s15, s6, $0xb8;
	[tilespmem:$0x1D140] =	vst v63  }
0x178: {  	_ =	swait.ge [sflag:s10], $0x4000  }
0x179: {  	[sflag:s10] =	ssyncset.done $0x0  }
0x17a: {  	s16 =	rddreg [dreg:$0xf];
	[sflag:s10] =	ssyncadd.s32 $0xFFFFC000  }
0x17b: {  	[spmem:s2] =	stream.indirect.scatter.add.f32 [tilespmem:s8], [sflag:$0x3], $0x80, s16, s6, $0xb8;
	[tilespmem:$0x1D140] =	vst v63  }
0x17c: {  	_ =	swait.ge [sflag:s11], $0x4000  }
0x17d: {  	[sflag:s11] =	ssyncset.done $0x0  }
0x17e: {  	s31 =	rddreg [dreg:$0x10];
	[sflag:s11] =	ssyncadd.s32 $0xFFFFC000  }
0x17f: {  	[tilespmem:s8], [sflag:$0x1] =	stream.indirect.gather [hbm4b:s9+s6], $0x80, s31, s6, $0xb8;
	[tilespmem:$0x1D140] =	vst v63  }
0x180: {  	_ =	swait.ge [sflag:s12], $0x4000  }
0x181: {  	[sflag:s12] =	ssyncset.done $0x0  }
0x182: {  	s3 =	rddreg [dreg:$0x11];
	[sflag:s12] =	ssyncadd.s32 $0xFFFFC000  }
0x183: {  	[spmem:s2] =	stream.indirect.scatter.add.f32 [tilespmem:s7], [sflag:$0x4], $0x80, s3, s6, $0xb8;
	[tilespmem:$0x1D140] =	vst v63  }
0x184: {  	_ =	swait.ge [sflag:s13], $0x4000  }
0x185: {  	[sflag:s13] =	ssyncset.done $0x0  }
0x186: {  	s4 =	rddreg [dreg:$0x12];
	[sflag:s13] =	ssyncadd.s32 $0xFFFFC000  }
0x187: {  	[tilespmem:s7], [sflag:$0x2] =	stream.indirect.gather [hbm4b:s9+s6], $0x80, s4, s6, $0xb8;
	[tilespmem:$0x1D140] =	vst v63  }
0x188: {  	_ =	swait.ge [sflag:s10], $0x4000  }
0x189: {  	[sflag:s10] =	ssyncset.done $0x0  }
0x18a: {  	s5 =	rddreg [dreg:$0x13];
	[sflag:s10] =	ssyncadd.s32 $0xFFFFC000  }
0x18b: {  	[spmem:s2] =	stream.indirect.scatter.add.f32 [tilespmem:s8], [sflag:$0x3], $0x80, s5, s6, $0xb8;
	[tilespmem:$0x1D140] =	vst v63  }
0x18c: {  	_ =	swait.ge [sflag:s11], $0x4000  }
0x18d: {  	[sflag:s11] =	ssyncset.done $0x0  }
0x18e: {  	s14 =	rddreg [dreg:$0x14];
	[sflag:s11] =	ssyncadd.s32 $0xFFFFC000  }
0x18f: {  	[tilespmem:s8], [sflag:$0x1] =	stream.indirect.gather [hbm4b:s9+s6], $0x80, s14, s6, $0xb8;
	[tilespmem:$0x1D140] =	vst v63  }
0x190: {  	_ =	swait.ge [sflag:s12], $0x4000  }
0x191: {  	[sflag:s12] =	ssyncset.done $0x0  }
0x192: {  	s15 =	rddreg [dreg:$0x15];
	[sflag:s12] =	ssyncadd.s32 $0xFFFFC000  }
0x193: {  	[spmem:s2] =	stream.indirect.scatter.add.f32 [tilespmem:s7], [sflag:$0x4], $0x80, s15, s6, $0xb8;
	[tilespmem:$0x1D140] =	vst v63  }
0x194: {  	_ =	swait.ge [sflag:s13], $0x4000  }
0x195: {  	[sflag:s13] =	ssyncset.done $0x0  }
0x196: {  	s16 =	rddreg [dreg:$0x16];
	[sflag:s13] =	ssyncadd.s32 $0xFFFFC000  }
0x197: {  	[tilespmem:s7], [sflag:$0x2] =	stream.indirect.gather [hbm4b:s9+s6], $0x80, s16, s6, $0xb8;
	[tilespmem:$0x1D140] =	vst v63  }
0x198: {  	_ =	swait.ge [sflag:s10], $0x4000  }
0x199: {  	[sflag:s10] =	ssyncset.done $0x0  }
0x19a: {  	[sflag:s10] =	ssyncadd.s32 $0xFFFFC000  }
0x19b: {  	[spmem:s2] =	stream.indirect.scatter.add.f32 [tilespmem:s8], [sflag:$0x3], $0x80, s17, s6, $0xb8;
	[tilespmem:$0x1D140] =	vst v63  }
0x19c: {  	_ =	swait.ge [sflag:s11], $0x4000  }
0x19d: {  	[sflag:s11] =	ssyncset.done $0x0  }
0x19e: {  	[sflag:s11] =	ssyncadd.s32 $0xFFFFC000  }
0x19f: {  	[tilespmem:s8], [sflag:$0x1] =	stream.indirect.gather [hbm4b:s9+s6], $0x80, s18, s6, $0xb8;
	[tilespmem:$0x1D140] =	vst v63  }
0x1a0: {  	_ =	swait.ge [sflag:s12], $0x4000  }
0x1a1: {  	[sflag:s12] =	ssyncset.done $0x0  }
0x1a2: {  	[sflag:s12] =	ssyncadd.s32 $0xFFFFC000  }
0x1a3: {  	[spmem:s2] =	stream.indirect.scatter.add.f32 [tilespmem:s7], [sflag:$0x4], $0x80, s19, s6, $0xb8;
	[tilespmem:$0x1D140] =	vst v63  }
0x1a4: {  	_ =	swait.ge [sflag:s13], $0x4000  }
0x1a5: {  	[sflag:s13] =	ssyncset.done $0x0  }
0x1a6: {  	[sflag:s13] =	ssyncadd.s32 $0xFFFFC000  }
0x1a7: {  	[tilespmem:s7], [sflag:$0x2] =	stream.indirect.gather [hbm4b:s9+s6], $0x80, s20, s6, $0xb8;
	[tilespmem:$0x1D140] =	vst v63  }
0x1a8: {  	_ =	swait.ge [sflag:s10], $0x4000  }
0x1a9: {  	[sflag:s10] =	ssyncset.done $0x0  }
0x1aa: {  	[sflag:s10] =	ssyncadd.s32 $0xFFFFC000  }
0x1ab: {  	[spmem:s2] =	stream.indirect.scatter.add.f32 [tilespmem:s8], [sflag:$0x3], $0x80, s21, s6, $0xb8;
	[tilespmem:$0x1D140] =	vst v63  }
0x1ac: {  	_ =	swait.ge [sflag:s11], $0x4000  }
0x1ad: {  	[sflag:s11] =	ssyncset.done $0x0  }
0x1ae: {  	[sflag:s11] =	ssyncadd.s32 $0xFFFFC000  }
0x1af: {  	[tilespmem:s8], [sflag:$0x1] =	stream.indirect.gather [hbm4b:s9+s6], $0x80, s22, s6, $0xb8;
	[tilespmem:$0x1D140] =	vst v63  }
0x1b0: {  	_ =	swait.ge [sflag:s12], $0x4000  }
0x1b1: {  	[sflag:s12] =	ssyncset.done $0x0  }
0x1b2: {  	[sflag:s12] =	ssyncadd.s32 $0xFFFFC000  }
0x1b3: {  	[spmem:s2] =	stream.indirect.scatter.add.f32 [tilespmem:s7], [sflag:$0x4], $0x80, s23, s6, $0xb8;
	[tilespmem:$0x1D140] =	vst v63  }
0x1b4: {  	_ =	swait.ge [sflag:s13], $0x4000  }
0x1b5: {  	[sflag:s13] =	ssyncset.done $0x0  }
0x1b6: {  	[sflag:s13] =	ssyncadd.s32 $0xFFFFC000  }
0x1b7: {  	[tilespmem:s7], [sflag:$0x2] =	stream.indirect.gather [hbm4b:s9+s6], $0x80, s25, s6, $0xb8;
	[tilespmem:$0x1D140] =	vst v63  }
0x1b8: {  	_ =	swait.ge [sflag:s10], $0x4000  }
0x1b9: {  	[sflag:s10] =	ssyncset.done $0x0  }
0x1ba: {  	[sflag:s10] =	ssyncadd.s32 $0xFFFFC000  }
0x1bb: {  	[spmem:s2] =	stream.indirect.scatter.add.f32 [tilespmem:s8], [sflag:$0x3], $0x80, s26, s6, $0xb8;
	[tilespmem:$0x1D140] =	vst v63  }
0x1bc: {  	_ =	swait.ge [sflag:s11], $0x4000  }
0x1bd: {  	[sflag:s11] =	ssyncset.done $0x0  }
0x1be: {  	[sflag:s11] =	ssyncadd.s32 $0xFFFFC000  }
0x1bf: {  	[tilespmem:s8], [sflag:$0x1] =	stream.indirect.gather [hbm4b:s9+s6], $0x80, s28, s6, $0xb8;
	[tilespmem:$0x1D140] =	vst v63  }
0x1c0: {  	_ =	swait.ge [sflag:s12], $0x4000  }
0x1c1: {  	[sflag:s12] =	ssyncset.done $0x0  }
0x1c2: {  	[sflag:s12] =	ssyncadd.s32 $0xFFFFC000  }
0x1c3: {  	[spmem:s2] =	stream.indirect.scatter.add.f32 [tilespmem:s7], [sflag:$0x4], $0x80, s29, s6, $0xb8;
	[tilespmem:$0x1D140] =	vst v63  }
0x1c4: {  	_ =	swait.ge [sflag:s13], $0x4000  }
0x1c5: {  	[sflag:s13] =	ssyncset.done $0x0  }
0x1c6: {  	[sflag:s13] =	ssyncadd.s32 $0xFFFFC000  }
0x1c7: {  	[tilespmem:s7], [sflag:$0x2] =	stream.indirect.gather [hbm4b:s9+s6], $0x80, s30, s6, $0xb8;
	[tilespmem:$0x1D140] =	vst v63  }
0x1c8: {  	_ =	swait.ge [sflag:s10], $0x4000  }
0x1c9: {  	[sflag:s10] =	ssyncset.done $0x0  }
0x1ca: {  	[sflag:s10] =	ssyncadd.s32 $0xFFFFC000  }
0x1cb: {  	[spmem:s2] =	stream.indirect.scatter.add.f32 [tilespmem:s8], [sflag:$0x3], $0x80, s1, s6, $0xb8;
	[tilespmem:$0x1D140] =	vst v63  }
0x1cc: {  	_ =	swait.ge [sflag:s11], $0x4000  }
0x1cd: {  	[sflag:s11] =	ssyncset.done $0x0  }
0x1ce: {  	[sflag:s11] =	ssyncadd.s32 $0xFFFFC000  }
0x1cf: {  	_ =	swait.ge [sflag:s12], $0x4000  }
0x1d0: {  	[sflag:s12] =	ssyncset.done $0x0  }
0x1d1: {  	[sflag:s12] =	ssyncadd.s32 $0xFFFFC000  }
0x1d2: {  	[spmem:s2] =	stream.indirect.scatter.add.f32 [tilespmem:s7], [sflag:$0x4], $0x80, s24, s6, $0xb8;
	[tilespmem:$0x1D140] =	vst v63  }
0x1d3: {  	_ =	swait.ge [sflag:s13], $0x4000  }
0x1d4: {  	[sflag:s13] =	ssyncset.done $0x0  }
0x1d5: {  	[sflag:s13] =	ssyncadd.s32 $0xFFFFC000  }
0x1d6: {  	[bflag:$0x0] =	sbarrier.arrive $0xFFFF  }
0x1d7: {  	s1 =	rddreg [dreg:$0x17]  }
0x1d8: {  	s0 =	simm.s32 @p0 $0x1FC5;
	s2 =	rddreg [dreg:$0x1b]  }
0x1d9: {  	[hbm:s2], [sflag:s0] =	dma.local @p0 [spmem:s1], $0x2800  }
0x1da: {  	s0 =	simm.s32 @p0 $0x5  }
0x1db: {  	_ =	swait.ge @p0 [sflag:s0], $0x2800  }
0x1dc: {  	s1 =	rddreg [dreg:$0x19]  }
0x1dd: {  	[sflag:s0] =	ssyncset.done @p0 $0x0;
	s2 =	rddreg [dreg:$0x1a]  }
0x1de: {  	[sflag:s0] =	ssyncadd.s32 @p0 $0xFFFFD800;
	s0 =	rddreg [dreg:$0x18]  }
0x1df: {  	[hbm:s2], [sflag:s0] =	dma.local @!p0 [spmem:s1], $0x2700  }
0x1e0: {  	s0 =	simm.s32 @!p0 $0x5  }
0x1e1: {  	_ =	swait.ge @!p0 [sflag:s0], $0x2700  }
0x1e2: {  	[sflag:s0] =	ssyncset.done @!p0 $0x0  }
0x1e3: {  	[sflag:s0] =	ssyncadd.s32 @!p0 $0xFFFFD900  }
0x1e4: {  	_ =	sfence.sel $0x180000  }
0x1e5: {  	[bflag:$0x0] =	sbarrier.arrive $0xFFFF  }
0x1e6: {  	_ =	strace $0x90000050  }
0x1e7: {  	s31 =	stileid.u32;
	[bflag:$0x2] =	sbarrier.arrive $0xFFFF  }
0x1e8: {  	p0 =	sne.s32 s31, $0x0;
	s0 =	rddreg [dreg:$0x3]  }
0x1e9: {  	s0 =	sadd.s32 @!p0 $0x100000, s0  }
0x1ea: {  	[sflag:s0] =	ssyncadd.tile.s32 @!p0 $0x1;
	_ =	shalt  }
.Lfunc_end2:
_tile_overlayer_lowered:
.L_overlay_start_2:
0x1eb: {  	(tag) =	ssettag $0x2  }
0x1ec: {  	s0 =	rddreg [dreg:$0x0];
	s2 =	stileid.u32  }
0x1ed: {  	s1 =	rddreg [dreg:$0x1];
	p0 =	sne.s32 s2, $0x0  }
0x1ee: {  	s3 =	rddreg [dreg:$0x2];
	[bflag:$0x3] =	sbarrier.arrive $0xFFFF;
	s2 =	simm.s32 @!p0 $0x1C05  }
0x1ef: {  	[timem:s3], [sflag:s2] =	dma.local @!p0 [hbm:s0], s1  }
0x1f0: {  	s0 =	simm.s32 @!p0 $0x5  }
0x1f1: {  	_ =	swait.ge @!p0 [sflag:s0], s1  }
0x1f2: {  	s1 =	ssub.s32 @!p0 $0x0, s1;
	[sflag:s0] =	ssyncset.done @!p0 $0x0  }
0x1f3: {  	[sflag:s0] =	ssyncadd.s32 @!p0 s1  }
0x1f4: {  	[bflag:$0x3] =	sbarrier.arrive $0xFFFF  }
0x1f5: {  	_ =	shalt  }

// kernel: kernel.18.cloned.1.call-start
scs
__scs_entry_jumppad:
0x0: {  	(pc) =	sbr.rel $0x88, $3  }
0x1: {  	(tag) =	ssettag $0x0;
	lr =	simm.s32 $0x1  }
0x2: {  	[smem:$0x3F86] =	sst lr;
	_ =	strace $0xD0000000  }
0x3: {  	_ = 	snop  }
0x4: {  	_ = 	snop  }
0x5: {  	_ = 	snop  }
0x6: {  	_ = 	snop  }
0x7: {  	_ = 	snop  }
__scs_overlays_trampoline_lowered:
0x8: {  	[smem:$0x3F95] =	sst s0  }
0x9: {  	[smem:$0x3F96] =	sst s1  }
0xa: {  	[smem:$0x3F97] =	sst s2  }
0xb: {  	[smem:$0x3F98] =	sst s3  }
0xc: {  	[smem:$0x3F99] =	sst s4  }
0xd: {  	[smem:$0x3F9A] =	sst s5  }
0xe: {  	[smem:$0x3F9B] =	sst s6  }
0xf: {  	[smem:$0x3F9C] =	sst s7  }
0x10: {  	[smem:$0x3F9D] =	sst s8  }
0x11: {  	[smem:$0x3F9E] =	sst s9;
	s0 =	simm.s32 @!p0 $0x0  }
0x12: {  	s1 =	sld [smem:$0x3F84];
	s0 =	simm.s32 @p0 $0x1  }
0x13: {  	[smem:$0x3F9F] =	sst s0;
	s0 =	simm.s32 @!p1 $0x0  }
0x14: {  	s2 =	sld [smem:$0x3F83];
	s0 =	simm.s32 @p1 $0x1  }
0x15: {  	[smem:$0x3FA0] =	sst s0;
	s0 =	simm.s32 @!p2 $0x0  }
0x16: {  	s3 =	sld [smem:$0x3FDB];
	s0 =	simm.s32 @p2 $0x1  }
0x17: {  	s4 =	simm.s32 $0x1BF5;
	[smem:$0x3FA2] =	sst s0  }
0x18: {  	s0 =	sld [smem:$0x3F85];
	_ =	swait.ge [sflag:s4], $0x0  }
0x19: {  	s7 =	sld [smem:$0x3F86]  }
0x1a: {  	s8 =	sadd.s32 $0xFFFFE003, lr  }
0x1b: {  	s9 =	sadd.s32 $0xFFFFFEF7, lr;
	s5 =	simm.s32 $0xFFFFFFFF;
	p2 =	slt.u32 s8, $0xFFFFF086  }
0x1c: {  	p1 =	slt.u32 s9, $0xF7A;
	s5 =	simm.s32 @!p2 $0x0  }
0x1d: {  	s5 =	simm.s32 @p1 $0x1;
	p0 =	seq.s32 s7, s2  }
0x1e: {  	s7 =	smul.u32 @!p0 $0xF7A, s2;
	p2 =	seq.s32 @!p0 s5, $0x0  }
0x1f: {  	s9 =	smul.u32 $0xF7A, s1;
	s8 =	simm.s32 @!p0 $0x1BF5;
	p2 =	por !p2, p0  }
0x20: {  	[sflag:s8] =	ssyncset.s32 @!p0 $0xFFFFF086;
	s6 =	sadd.s32 @!p0 s3, s7;
	s7 =	simm.s32 @!p0 $0x108  }
0x21: {  	s3 =	sadd.s32 s3, s9;
	s6 =	sadd.s32 @!p0 $0x88, s6;
	s7 =	simm.s32 @p2 $0x1082  }
0x22: {  	[simem:s7], [sflag:s8] =	dma.local @!p0 [hbm:s6], $0xF7A  }
0x23: {  	s9 =	sor.u32 $0xD0000000, s2;
	s6 =	simm.s32 $0x108;
	_ =	swait.ge @!p0 [sflag:s8], $0x0  }
0x24: {  	s3 =	sadd.s32 $0x88, s3;
	s6 =	simm.s32 @!p1 $0x1082;
	[sflag:s4] =	ssyncset.s32 $0xFFFFF086  }
0x25: {  	[simem:s6], [sflag:s4] =	dma.local [hbm:s3], $0xF7A  }
0x26: {  	[smem:$0x3F86] =	sst s1;
	(tag) =	ssettag s2;
	_ =	strace s9  }
0x27: {  	s1 =	sld [smem:$0x3F96]  }
0x28: {  	s2 =	sld [smem:$0x3F97]  }
0x29: {  	s4 =	sld [smem:$0x3F99]  }
0x2a: {  	p0 =	seq.s32 s5, $0x0;
	s5 =	sld [smem:$0x3F9A]  }
0x2b: {  	s6 =	sld [smem:$0x3F9B]  }
0x2c: {  	s7 =	sld [smem:$0x3F9C]  }
0x2d: {  	s3 =	simm.s32 $0x108;
	s8 =	sld [smem:$0x3F9D]  }
0x2e: {  	s3 =	simm.s32 @!p0 $0x1082;
	s9 =	sld [smem:$0x3F9E]  }
0x2f: {  	lr =	sadd.s32 s0, s3;
	s0 =	sld [smem:$0x3F95]  }
0x30: {  	s3 =	sld [smem:$0x3F98]  }
0x31: {  	[smem:$0x3FA1] =	sst s10  }
0x32: {  	s10 =	sld [smem:$0x3F9F];
	_ =	sdelay $0x3  }
0x33: {  	p0 =	seq.s32 s10, $0x1;
	s10 =	sld [smem:$0x3FA1];
	_ =	sdelay $0x3  }
0x34: {  	[smem:$0x3FA1] =	sst s10  }
0x35: {  	s10 =	sld [smem:$0x3FA0];
	_ =	sdelay $0x3  }
0x36: {  	p1 =	seq.s32 s10, $0x1;
	s10 =	sld [smem:$0x3FA1];
	_ =	sdelay $0x3  }
0x37: {  	[smem:$0x3FA1] =	sst s10  }
0x38: {  	s10 =	sld [smem:$0x3FA2]  }
0x39: {  	_ = 	snop;
	(pc) =	sbr.ind lr, $3  }
0x3a: {  	_ = 	snop  }
0x3b: {  	_ = 	snop  }
0x3c: {  	p2 =	seq.s32 s10, $0x1;
	s10 =	sld [smem:$0x3FA1]  }
0x3d: {  	_ =	shalt  }
0x3e: {  	_ =	shalt  }
0x3f: {  	_ =	shalt  }
0x40: {  	_ =	shalt  }
0x41: {  	_ =	shalt  }
0x42: {  	_ =	shalt  }
0x43: {  	_ =	shalt  }
0x44: {  	_ =	shalt  }
0x45: {  	_ =	shalt  }
0x46: {  	_ =	shalt  }
0x47: {  	_ =	shalt  }
0x48: {  	_ =	shalt  }
0x49: {  	_ =	shalt  }
0x4a: {  	_ =	shalt  }
0x4b: {  	_ =	shalt  }
0x4c: {  	_ =	shalt  }
0x4d: {  	_ =	shalt  }
0x4e: {  	_ =	shalt  }
0x4f: {  	_ =	shalt  }
0x50: {  	_ =	shalt  }
0x51: {  	_ =	shalt  }
0x52: {  	_ =	shalt  }
0x53: {  	_ =	shalt  }
0x54: {  	_ =	shalt  }
0x55: {  	_ =	shalt  }
0x56: {  	_ =	shalt  }
0x57: {  	_ =	shalt  }
0x58: {  	_ =	shalt  }
0x59: {  	_ =	shalt  }
0x5a: {  	_ =	shalt  }
0x5b: {  	_ =	shalt  }
0x5c: {  	_ =	shalt  }
0x5d: {  	_ =	shalt  }
0x5e: {  	_ =	shalt  }
0x5f: {  	_ =	shalt  }
0x60: {  	_ =	shalt  }
0x61: {  	_ =	shalt  }
0x62: {  	_ =	shalt  }
0x63: {  	_ =	shalt  }
0x64: {  	_ =	shalt  }
0x65: {  	_ =	shalt  }
0x66: {  	_ =	shalt  }
0x67: {  	_ =	shalt  }
0x68: {  	_ =	shalt  }
0x69: {  	_ =	shalt  }
0x6a: {  	_ =	shalt  }
0x6b: {  	_ =	shalt  }
0x6c: {  	_ =	shalt  }
0x6d: {  	_ =	shalt  }
0x6e: {  	_ =	shalt  }
0x6f: {  	_ =	shalt  }
0x70: {  	_ =	shalt  }
0x71: {  	_ =	shalt  }
0x72: {  	_ =	shalt  }
0x73: {  	_ =	shalt  }
0x74: {  	_ =	shalt  }
0x75: {  	_ =	shalt  }
0x76: {  	_ =	shalt  }
0x77: {  	_ =	shalt  }
0x78: {  	_ =	shalt  }
0x79: {  	_ =	shalt  }
0x7a: {  	_ =	shalt  }
0x7b: {  	_ =	shalt  }
0x7c: {  	_ =	shalt  }
0x7d: {  	_ =	shalt  }
0x7e: {  	_ =	shalt  }
0x7f: {  	_ =	shalt  }
0x80: {  	_ =	shalt  }
0x81: {  	_ =	shalt  }
0x82: {  	_ =	shalt  }
0x83: {  	_ =	shalt  }
0x84: {  	_ =	shalt  }
0x85: {  	_ =	shalt  }
0x86: {  	_ =	shalt  }
0x87: {  	_ =	shalt  }
.Lfunc_end0:
.L_simem_size_0:
called_computation.3_lowered:
.L_overlay_start_0:
0x88: {  	s0 =	sld [smem:$0x3FD9]  }
0x89: {  	s1 =	sld [smem:$0x3FFE];
	_ =	sdelay $0x3  }
0x8a: {  	s0 =	sadd.s32 s1, s0  }
0x8b: {  	[smem:$0x3FAD] =	sst s0  }
0x8c: {  	_ = 	snop  }
0x8d: {  	s0 =	sld [smem:$0x3FD0];
	(tm) =	ssettm $0x1  }
0x8e: {  	s16 =	sld [smem:$0x3FFB];
	_ =	sdelay $0x3  }
0x8f: {  	_ =	strace s16  }
0x90: {  	s1 =	sld [smem:$0x3FFC];
	_ =	sdelay $0x3  }
0x91: {  	_ =	strace s1  }
0x92: {  	s1 =	sld [smem:$0x3FFD];
	_ =	sdelay $0x3  }
0x93: {  	_ =	strace s1  }
0x94: {  	_ =	strace $0x8FFFFFFF  }
0x95: {  	s17 =	sld [smem:$0x3FDB];
	_ =	sdelay $0x1  }
0x96: {  	s2 =	simm.s32 $_scs_section_size  }
0x97: {  	s3 =	simm.s32 $_size__tile_overlayer_lowered;
	s4 =	simm.s32 $_tile_overlayer_lowered  }
0x98: {  	s20 =	simm.s32 $0x1BFF;
	s19 =	sshll.u32 s4, $0x1;
	s1 =	sadd.s32 s2, s17  }
0x99: {  	s5 =	simm.s32 $0x0;
	s18 =	sshll.u32 s3, $0x1;
	s3 =	sadd.s32 s19, s1  }
0x9a: {  	[timem:s5], [sflag:s20] =	dma.local [hbm:s3], s18  }
0x9b: {  	_ =	swait.ge [sflag:s20], s18  }
0x9c: {  	s2 =	ssub.s32 $0x0, s18;
	[sflag:s20] =	ssyncset.done $0x0  }
0x9d: {  	[sflag:s20] =	ssyncadd.s32 s2;
	_ =	sdelay $0x1  }
0x9e: {  	s21 =	simm.s32 $0x1B8B  }
0x9f: {  	_ =	swait.ge [sflag:s21], $0x1  }
0xa0: {  	[sflag:s21] =	ssyncset.done $0x0  }
0xa1: {  	s23 =	simm.s32 $0x1B8E;
	s22 =	sld [smem:$0x3FFE];
	[sflag:s21] =	ssyncadd.s32 $0xFFFFFFFF  }
0xa2: {  	s24 =	simm.s32 $execute0_lowered;
	[smem:$0x3FD2] =	sst s23  }
0xa3: {  	s3 =	sshll.u32 s24, $0x1;
	_ =	strace $0x8000004C;
	[dreg:$0x1] =	wrdreg $0xFFFFFFFF  }
0xa4: {  	s25 =	simm.s32 $_size_execute0_lowered;
	s1 =	sadd.s32 s1, s3;
	[dreg:$0x0] =	wrdreg $0x0  }
0xa5: {  	s3 =	sshll.u32 s25, $0x1;
	[dreg:$0x2] =	wrdreg s1  }
0xa6: {  	[dreg:$0x3] =	wrdreg s3  }
0xa7: {  	[dreg:$0x4] =	wrdreg $0xC0  }
0xa8: {  	_ =	task [dreg:s5], $0x5FFFF  }
0xa9: {  	[dreg:$0x1] =	wrdreg $0xFFFFFFFF  }
0xaa: {  	[dreg:$0x0] =	wrdreg $0x60  }
0xab: {  	[dreg:$0x2] =	wrdreg s22  }
0xac: {  	[dreg:$0x3] =	wrdreg s0  }
0xad: {  	[dreg:$0x4] =	wrdreg $0x98800  }
0xae: {  	[dreg:$0x5] =	wrdreg $0xA  }
0xaf: {  	_ =	task.clear_ibuf [dreg:s5], $0x6FFFF;
	_ =	strace $0x9000004C  }
0xb0: {  	s26 =	simm.s32 $0xA;
	_ =	strace $0x8000004E  }
0xb1: {  	_ =	swait.ge [sflag:s26], $0x1  }
0xb2: {  	[sflag:s26] =	ssyncadd.s32 $0xFFFFFFFF  }
0xb3: {  	_ =	strace $0x9000004E  }
0xb4: {  	_ =	sfence  }
0xb5: {  	s28 =	sld [smem:$0x0];
	_ =	sdelay $0x1  }
0xb6: {  	s29 =	srdreg.scid  }
0xb7: {  	s30 =	sshll.u32 s29, $0xD;
	s31 =	sshrl.u32 s29, $0x2  }
0xb8: {  	s2 =	sand.u32 $0x4000, s30;
	s1 =	sand.u32 $0x1, s29;
	s0 =	sadd.s32 s31, s28  }
0xb9: {  	s1 =	sor.u32 s2, s1;
	s0 =	sshll.u32 s0, $0x11  }
0xba: {  	s0 =	sor.u32 s0, s1  }
0xbb: {  	s0 =	sadd.s32 $0x8F2B, s0  }
0xbc: {  	[sflag:s0] =	ssyncadd.remote.s32 $0x1  }
0xbd: {  	_ =	sfence.sel $0xFFFF  }
0xbe: {  	[dreg:$0x0] =	wrdreg $0xFFFFFFFF;
	(pc) =	sbr.abs _section_cstart, $3  }
0xbf: {  	[dreg:$0x1] =	wrdreg $0xFFFFFFFF  }
0xc0: {  	_ =	task.clear_ibuf [dreg:s5], $0x2FFFF;
	_ =	strace $0x9FFFFFFF  }
0xc1: {  	(tm) =	ssettm $0x7FFFFFFF  }
tec
execute0_lowered:
.L_overlay_start_1:
0x0: {  	(tag) =	ssettag $0x1  }
0x1: {  	s0 =	stileid.u32  }
0x2: {  	s4 =	smul.u32 $0x5000, s0  }
0x3: {  	s3 =	rddreg [dreg:$0x0]  }
0x4: {  	s1 =	rddreg [dreg:$0x1];
	s4 =	sshrl.u32 s4, $0x3  }
0x5: {  	s2 =	rddreg [dreg:$0x2];
	s14 =	simm.s32 $0x0;
	s4 =	sadd.s32 s4, s3  }
0x6: {  	[smem:$0x7FF] =	sst s14;
	p0 =	seq.s32 s0, $0xF;
	s4 =	sadd.s32 $0x4600, s4  }
0x7: {  	_ =	strace $0x8000004D;
	[dreg:$0x4] =	wrdreg s4;
	s4 =	sadd.s32 $0x124800, s2  }
0x8: {  	s5 =	sadd.s32 $0x8E000, s3;
	s21 =	smul.u32 $0x4E000, s0;
	s7 =	sshrl.u32 @p0 s4, $0x3  }
0x9: {  	s6 =	sadd.s32 @p0 $0x24900, s5;
	s4 =	simm.s32 @p0 $0x1FC5;
	[dreg:$0x17] =	wrdreg s7  }
0xa: {  	[spmem:s7], [sflag:s4] =	dma.local @p0 [hbm:s6], $0x2800  }
0xb: {  	s6 =	simm.s32 @p0 $0x5  }
0xc: {  	s4 =	sshrl.u32 s21, $0x2;
	_ =	swait.ge @p0 [sflag:s6], $0x2800  }
0xd: {  	s31 =	smul.u32 $0x2700, s0;
	s4 =	sadd.s32 s4, s2;
	[sflag:s6] =	ssyncset.done @p0 $0x0  }
0xe: {  	s4 =	sshrl.u32 @!p0 s4, $0x3;
	[sflag:s6] =	ssyncadd.s32 @p0 $0xFFFFD800;
	s6 =	sshll.u32 @!p0 s0, $0x6  }
0xf: {  	s7 =	sadd.s32 @!p0 s5, s31;
	[dreg:$0x19] =	wrdreg s4;
	s5 =	sor.u32 @!p0 $0x1C05, s6  }
0x10: {  	[dreg:$0x18] =	wrdreg s5  }
0x11: {  	[spmem:s4], [sflag:s5] =	dma.local @!p0 [hbm:s7], $0x2700  }
0x12: {  	s4 =	simm.s32 @!p0 $0x5  }
0x13: {  	_ =	swait.ge @!p0 [sflag:s4], $0x2700  }
0x14: {  	s23 =	simm.s32 $0x9800;
	[sflag:s4] =	ssyncset.done @!p0 $0x0  }
0x15: {  	s15 =	simm.s32 $0x5;
	s22 =	sadd.s32 $0x18600, s3;
	[sflag:s4] =	ssyncadd.s32 @!p0 $0xFFFFD900  }
0x16: {  	[tilespmem:s23], [sflag:$0x5] =	stream.linear.gather [hbm4b:s22+s14], $0x80, $0x38;
	[tilespmem:$0x1D140] =	vst v63  }
0x17: {  	_ =	swait.ge [sflag:s15], $0x80  }
0x18: {  	s24 =	smul.u32 $0xA00, s0;
	[sflag:s15] =	ssyncset.done $0x0  }
0x19: {  	s25 =	sadd.s32 $0xE600, s3;
	[sflag:s15] =	ssyncadd.s32 $0xFFFFFF80  }
0x1a: {  	s6 =	sadd.s32 s24, s25;
	[bflag:$0x0] =	sbarrier.arrive $0xFFFF  }
0x1b: {  	s1 =	sadd.s32 s24, s1;
	[dreg:$0x5] =	wrdreg s6  }
0x1c: {  	s26 =	simm.s32 $0x1000;
	[dreg:$0x6] =	wrdreg s1  }
0x1d: {  	s0 =	simm.s32 $0x100;
	[dreg:$0x7] =	wrdreg s26  }
0x1e: {  	s4 =	simm.s32 $0x880;
	[dreg:$0x8] =	wrdreg s0  }
0x1f: {  	s5 =	simm.s32 $0x180;
	[dreg:$0x9] =	wrdreg s4  }
0x20: {  	s7 =	simm.s32 $0x200;
	[dreg:$0xa] =	wrdreg s5  }
0x21: {  	s8 =	simm.s32 $0x980;
	[dreg:$0xc] =	wrdreg s7  }
0x22: {  	s9 =	simm.s32 $0x280;
	[dreg:$0xd] =	wrdreg s8  }
0x23: {  	s10 =	simm.s32 $0xA00;
	[dreg:$0xe] =	wrdreg s9  }
0x24: {  	s11 =	simm.s32 $0x300;
	[dreg:$0xf] =	wrdreg s10  }
0x25: {  	s12 =	simm.s32 $0xA80;
	[dreg:$0x10] =	wrdreg s11  }
0x26: {  	s13 =	simm.s32 $0x380;
	[dreg:$0x11] =	wrdreg s12  }
0x27: {  	s16 =	simm.s32 $0xB00;
	[dreg:$0x12] =	wrdreg s13  }
0x28: {  	s17 =	simm.s32 $0x400;
	[dreg:$0x13] =	wrdreg s16  }
0x29: {  	s19 =	simm.s32 $0xB80;
	[dreg:$0x14] =	wrdreg s17  }
0x2a: {  	s20 =	simm.s32 $0x480;
	[dreg:$0x15] =	wrdreg s19  }
0x2b: {  	[dreg:$0x16] =	wrdreg s20  }
0x2c: {  	s6 =	simm.s32 $0x900;
	s18 =	rddreg [dreg:$0x6]  }
0x2d: {  	[dreg:$0xb] =	wrdreg s6;
	s21 =	sadd.s32 $0x0, s18  }
0x2e: {  	[tilespmem:s14], [sflag:$0x5] =	stream.linear.gather [hbm4b:s21+s14], $0x800, $0x38;
	[tilespmem:$0x1D140] =	vst v63  }
0x2f: {  	_ =	swait.ge [sflag:s15], $0x800  }
0x30: {  	s22 =	rddreg [dreg:$0x5];
	[sflag:s15] =	ssyncset.done $0x0  }
0x31: {  	s23 =	rddreg [dreg:$0x7];
	[sflag:s15] =	ssyncadd.s32 $0xFFFFF800;
	s1 =	sadd.s32 $0x0, s22  }
0x32: {  	[tilespmem:s23], [sflag:$0x5] =	stream.linear.gather [hbm4b:s1+s14], $0x800, $0x38;
	[tilespmem:$0x1D140] =	vst v63  }
0x33: {  	_ =	swait.ge [sflag:s15], $0x800  }
0x34: {  	s24 =	rddreg [dreg:$0x4];
	[sflag:s15] =	ssyncset.done $0x0  }
0x35: {  	s16 =	simm.s32 $0x800;
	[sflag:s15] =	ssyncadd.s32 $0xFFFFF800;
	s1 =	sadd.s32 $0x0, s24  }
0x36: {  	[tilespmem:s16], [sflag:$0x5] =	stream.linear.gather [hbm4b:s1+s14], $0x800, $0x38;
	[tilespmem:$0x1D140] =	vst v63  }
0x37: {  	_ =	swait.ge [sflag:s15], $0x800  }
0x38: {  	s9 =	sadd.s32 $0x66E00, s3;
	[sflag:s15] =	ssyncset.done $0x0  }
0x39: {  	s8 =	simm.s32 $0x1800;
	s6 =	simm.s32 $0x80;
	[sflag:s15] =	ssyncadd.s32 $0xFFFFF800  }
0x3a: {  	[tilespmem:s8], [sflag:$0x1] =	stream.indirect.gather [hbm4b:s9+s6], $0x80, s14, s6, $0xb8;
	[tilespmem:$0x1D140] =	vst v63  }
0x3b: {  	s7 =	simm.s32 $0x5800;
	s10 =	simm.s32 $0x1  }
0x3c: {  	[tilespmem:s7], [sflag:$0x2] =	stream.indirect.gather [hbm4b:s9+s6], $0x80, s6, s6, $0xb8;
	[tilespmem:$0x1D140] =	vst v63  }
0x3d: {  	_ =	swait.ge [sflag:s10], $0x4000  }
0x3e: {  	[sflag:s10] =	ssyncset.done $0x0  }
0x3f: {  	s11 =	simm.s32 $0x3;
	[sflag:s10] =	ssyncadd.s32 $0xFFFFC000  }
0x40: {  	[spmem:s2] =	stream.indirect.scatter.add.f32 [tilespmem:s8], [sflag:$0x3], $0x80, s16, s6, $0xb8;
	[tilespmem:$0x1D140] =	vst v63  }
0x41: {  	_ =	swait.ge [sflag:s11], $0x4000  }
0x42: {  	[sflag:s11] =	ssyncset.done $0x0  }
0x43: {  	s12 =	simm.s32 $0x2;
	s25 =	rddreg [dreg:$0x8];
	[sflag:s11] =	ssyncadd.s32 $0xFFFFC000  }
0x44: {  	[tilespmem:s8], [sflag:$0x1] =	stream.indirect.gather [hbm4b:s9+s6], $0x80, s25, s6, $0xb8;
	[tilespmem:$0x1D140] =	vst v63  }
0x45: {  	_ =	swait.ge [sflag:s12], $0x4000  }
0x46: {  	[sflag:s12] =	ssyncset.done $0x0  }
0x47: {  	s13 =	simm.s32 $0x4;
	s26 =	rddreg [dreg:$0x9];
	[sflag:s12] =	ssyncadd.s32 $0xFFFFC000  }
0x48: {  	[spmem:s2] =	stream.indirect.scatter.add.f32 [tilespmem:s7], [sflag:$0x4], $0x80, s26, s6, $0xb8;
	[tilespmem:$0x1D140] =	vst v63  }
0x49: {  	_ =	swait.ge [sflag:s13], $0x4000  }
0x4a: {  	[sflag:s13] =	ssyncset.done $0x0  }
0x4b: {  	s0 =	rddreg [dreg:$0xa];
	[sflag:s13] =	ssyncadd.s32 $0xFFFFC000  }
0x4c: {  	[tilespmem:s7], [sflag:$0x2] =	stream.indirect.gather [hbm4b:s9+s6], $0x80, s0, s6, $0xb8;
	[tilespmem:$0x1D140] =	vst v63  }
0x4d: {  	_ =	swait.ge [sflag:s10], $0x4000  }
0x4e: {  	[sflag:s10] =	ssyncset.done $0x0  }
0x4f: {  	s4 =	rddreg [dreg:$0xb];
	[sflag:s10] =	ssyncadd.s32 $0xFFFFC000  }
0x50: {  	[spmem:s2] =	stream.indirect.scatter.add.f32 [tilespmem:s8], [sflag:$0x3], $0x80, s4, s6, $0xb8;
	[tilespmem:$0x1D140] =	vst v63  }
0x51: {  	_ =	swait.ge [sflag:s11], $0x4000  }
0x52: {  	[sflag:s11] =	ssyncset.done $0x0  }
0x53: {  	s5 =	rddreg [dreg:$0xc];
	[sflag:s11] =	ssyncadd.s32 $0xFFFFC000  }
0x54: {  	[tilespmem:s8], [sflag:$0x1] =	stream.indirect.gather [hbm4b:s9+s6], $0x80, s5, s6, $0xb8;
	[tilespmem:$0x1D140] =	vst v63  }
0x55: {  	_ =	swait.ge [sflag:s12], $0x4000  }
0x56: {  	[sflag:s12] =	ssyncset.done $0x0  }
0x57: {  	s17 =	rddreg [dreg:$0xd];
	[sflag:s12] =	ssyncadd.s32 $0xFFFFC000  }
0x58: {  	[spmem:s2] =	stream.indirect.scatter.add.f32 [tilespmem:s7], [sflag:$0x4], $0x80, s17, s6, $0xb8;
	[tilespmem:$0x1D140] =	vst v63  }
0x59: {  	_ =	swait.ge [sflag:s13], $0x4000  }
0x5a: {  	[sflag:s13] =	ssyncset.done $0x0  }
0x5b: {  	s18 =	rddreg [dreg:$0xe];
	[sflag:s13] =	ssyncadd.s32 $0xFFFFC000  }
0x5c: {  	[tilespmem:s7], [sflag:$0x2] =	stream.indirect.gather [hbm4b:s9+s6], $0x80, s18, s6, $0xb8;
	[tilespmem:$0x1D140] =	vst v63  }
0x5d: {  	_ =	swait.ge [sflag:s10], $0x4000  }
0x5e: {  	[sflag:s10] =	ssyncset.done $0x0  }
0x5f: {  	s19 =	rddreg [dreg:$0xf];
	[sflag:s10] =	ssyncadd.s32 $0xFFFFC000  }
0x60: {  	[spmem:s2] =	stream.indirect.scatter.add.f32 [tilespmem:s8], [sflag:$0x3], $0x80, s19, s6, $0xb8;
	[tilespmem:$0x1D140] =	vst v63  }
0x61: {  	_ =	swait.ge [sflag:s11], $0x4000  }
0x62: {  	[sflag:s11] =	ssyncset.done $0x0  }
0x63: {  	s20 =	rddreg [dreg:$0x10];
	[sflag:s11] =	ssyncadd.s32 $0xFFFFC000  }
0x64: {  	[tilespmem:s8], [sflag:$0x1] =	stream.indirect.gather [hbm4b:s9+s6], $0x80, s20, s6, $0xb8;
	[tilespmem:$0x1D140] =	vst v63  }
0x65: {  	_ =	swait.ge [sflag:s12], $0x4000  }
0x66: {  	[sflag:s12] =	ssyncset.done $0x0  }
0x67: {  	s21 =	rddreg [dreg:$0x11];
	[sflag:s12] =	ssyncadd.s32 $0xFFFFC000  }
0x68: {  	[spmem:s2] =	stream.indirect.scatter.add.f32 [tilespmem:s7], [sflag:$0x4], $0x80, s21, s6, $0xb8;
	[tilespmem:$0x1D140] =	vst v63  }
0x69: {  	_ =	swait.ge [sflag:s13], $0x4000  }
0x6a: {  	[sflag:s13] =	ssyncset.done $0x0  }
0x6b: {  	s22 =	rddreg [dreg:$0x12];
	[sflag:s13] =	ssyncadd.s32 $0xFFFFC000  }
0x6c: {  	[tilespmem:s7], [sflag:$0x2] =	stream.indirect.gather [hbm4b:s9+s6], $0x80, s22, s6, $0xb8;
	[tilespmem:$0x1D140] =	vst v63  }
0x6d: {  	_ =	swait.ge [sflag:s10], $0x4000  }
0x6e: {  	[sflag:s10] =	ssyncset.done $0x0  }
0x6f: {  	s23 =	rddreg [dreg:$0x13];
	[sflag:s10] =	ssyncadd.s32 $0xFFFFC000  }
0x70: {  	[spmem:s2] =	stream.indirect.scatter.add.f32 [tilespmem:s8], [sflag:$0x3], $0x80, s23, s6, $0xb8;
	[tilespmem:$0x1D140] =	vst v63  }
0x71: {  	_ =	swait.ge [sflag:s11], $0x4000  }
0x72: {  	[sflag:s11] =	ssyncset.done $0x0  }
0x73: {  	s24 =	rddreg [dreg:$0x14];
	[sflag:s11] =	ssyncadd.s32 $0xFFFFC000  }
0x74: {  	[tilespmem:s8], [sflag:$0x1] =	stream.indirect.gather [hbm4b:s9+s6], $0x80, s24, s6, $0xb8;
	[tilespmem:$0x1D140] =	vst v63  }
0x75: {  	_ =	swait.ge [sflag:s12], $0x4000  }
0x76: {  	[sflag:s12] =	ssyncset.done $0x0  }
0x77: {  	s25 =	rddreg [dreg:$0x15];
	[sflag:s12] =	ssyncadd.s32 $0xFFFFC000  }
0x78: {  	[spmem:s2] =	stream.indirect.scatter.add.f32 [tilespmem:s7], [sflag:$0x4], $0x80, s25, s6, $0xb8;
	[tilespmem:$0x1D140] =	vst v63  }
0x79: {  	_ =	swait.ge [sflag:s13], $0x4000  }
0x7a: {  	[sflag:s13] =	ssyncset.done $0x0  }
0x7b: {  	s26 =	rddreg [dreg:$0x16];
	[sflag:s13] =	ssyncadd.s32 $0xFFFFC000  }
0x7c: {  	[tilespmem:s7], [sflag:$0x2] =	stream.indirect.gather [hbm4b:s9+s6], $0x80, s26, s6, $0xb8;
	[tilespmem:$0x1D140] =	vst v63  }
0x7d: {  	_ =	swait.ge [sflag:s10], $0x4000  }
0x7e: {  	[sflag:s10] =	ssyncset.done $0x0  }
0x7f: {  	s17 =	simm.s32 $0xC00;
	[sflag:s10] =	ssyncadd.s32 $0xFFFFC000  }
0x80: {  	[spmem:s2] =	stream.indirect.scatter.add.f32 [tilespmem:s8], [sflag:$0x3], $0x80, s17, s6, $0xb8;
	[tilespmem:$0x1D140] =	vst v63  }
0x81: {  	_ =	swait.ge [sflag:s11], $0x4000  }
0x82: {  	[sflag:s11] =	ssyncset.done $0x0  }
0x83: {  	s18 =	simm.s32 $0x500;
	[sflag:s11] =	ssyncadd.s32 $0xFFFFC000  }
0x84: {  	[tilespmem:s8], [sflag:$0x1] =	stream.indirect.gather [hbm4b:s9+s6], $0x80, s18, s6, $0xb8;
	[tilespmem:$0x1D140] =	vst v63  }
0x85: {  	_ =	swait.ge [sflag:s12], $0x4000  }
0x86: {  	[sflag:s12] =	ssyncset.done $0x0  }
0x87: {  	s19 =	simm.s32 $0xC80;
	[sflag:s12] =	ssyncadd.s32 $0xFFFFC000  }
0x88: {  	[spmem:s2] =	stream.indirect.scatter.add.f32 [tilespmem:s7], [sflag:$0x4], $0x80, s19, s6, $0xb8;
	[tilespmem:$0x1D140] =	vst v63  }
0x89: {  	_ =	swait.ge [sflag:s13], $0x4000  }
0x8a: {  	[sflag:s13] =	ssyncset.done $0x0  }
0x8b: {  	s20 =	simm.s32 $0x580;
	[sflag:s13] =	ssyncadd.s32 $0xFFFFC000  }
0x8c: {  	[tilespmem:s7], [sflag:$0x2] =	stream.indirect.gather [hbm4b:s9+s6], $0x80, s20, s6, $0xb8;
	[tilespmem:$0x1D140] =	vst v63  }
0x8d: {  	_ =	swait.ge [sflag:s10], $0x4000  }
0x8e: {  	[sflag:s10] =	ssyncset.done $0x0  }
0x8f: {  	s21 =	simm.s32 $0xD00;
	[sflag:s10] =	ssyncadd.s32 $0xFFFFC000  }
0x90: {  	[spmem:s2] =	stream.indirect.scatter.add.f32 [tilespmem:s8], [sflag:$0x3], $0x80, s21, s6, $0xb8;
	[tilespmem:$0x1D140] =	vst v63  }
0x91: {  	_ =	swait.ge [sflag:s11], $0x4000  }
0x92: {  	[sflag:s11] =	ssyncset.done $0x0  }
0x93: {  	s22 =	simm.s32 $0x600;
	[sflag:s11] =	ssyncadd.s32 $0xFFFFC000  }
0x94: {  	[tilespmem:s8], [sflag:$0x1] =	stream.indirect.gather [hbm4b:s9+s6], $0x80, s22, s6, $0xb8;
	[tilespmem:$0x1D140] =	vst v63  }
0x95: {  	_ =	swait.ge [sflag:s12], $0x4000  }
0x96: {  	[sflag:s12] =	ssyncset.done $0x0  }
0x97: {  	s23 =	simm.s32 $0xD80;
	[sflag:s12] =	ssyncadd.s32 $0xFFFFC000  }
0x98: {  	[spmem:s2] =	stream.indirect.scatter.add.f32 [tilespmem:s7], [sflag:$0x4], $0x80, s23, s6, $0xb8;
	[tilespmem:$0x1D140] =	vst v63  }
0x99: {  	_ =	swait.ge [sflag:s13], $0x4000  }
0x9a: {  	[sflag:s13] =	ssyncset.done $0x0  }
0x9b: {  	s25 =	simm.s32 $0x680;
	[sflag:s13] =	ssyncadd.s32 $0xFFFFC000  }
0x9c: {  	[tilespmem:s7], [sflag:$0x2] =	stream.indirect.gather [hbm4b:s9+s6], $0x80, s25, s6, $0xb8;
	[tilespmem:$0x1D140] =	vst v63  }
0x9d: {  	_ =	swait.ge [sflag:s10], $0x4000  }
0x9e: {  	[sflag:s10] =	ssyncset.done $0x0  }
0x9f: {  	s26 =	simm.s32 $0xE00;
	[sflag:s10] =	ssyncadd.s32 $0xFFFFC000  }
0xa0: {  	[spmem:s2] =	stream.indirect.scatter.add.f32 [tilespmem:s8], [sflag:$0x3], $0x80, s26, s6, $0xb8;
	[tilespmem:$0x1D140] =	vst v63  }
0xa1: {  	_ =	swait.ge [sflag:s11], $0x4000  }
0xa2: {  	[sflag:s11] =	ssyncset.done $0x0  }
0xa3: {  	s28 =	simm.s32 $0x700;
	[sflag:s11] =	ssyncadd.s32 $0xFFFFC000  }
0xa4: {  	[tilespmem:s8], [sflag:$0x1] =	stream.indirect.gather [hbm4b:s9+s6], $0x80, s28, s6, $0xb8;
	[tilespmem:$0x1D140] =	vst v63  }
0xa5: {  	_ =	swait.ge [sflag:s12], $0x4000  }
0xa6: {  	[sflag:s12] =	ssyncset.done $0x0  }
0xa7: {  	s29 =	simm.s32 $0xE80;
	[sflag:s12] =	ssyncadd.s32 $0xFFFFC000  }
0xa8: {  	[spmem:s2] =	stream.indirect.scatter.add.f32 [tilespmem:s7], [sflag:$0x4], $0x80, s29, s6, $0xb8;
	[tilespmem:$0x1D140] =	vst v63  }
0xa9: {  	_ =	swait.ge [sflag:s13], $0x4000  }
0xaa: {  	[sflag:s13] =	ssyncset.done $0x0  }
0xab: {  	s30 =	simm.s32 $0x780;
	[sflag:s13] =	ssyncadd.s32 $0xFFFFC000  }
0xac: {  	[tilespmem:s7], [sflag:$0x2] =	stream.indirect.gather [hbm4b:s9+s6], $0x80, s30, s6, $0xb8;
	[tilespmem:$0x1D140] =	vst v63  }
0xad: {  	_ =	swait.ge [sflag:s10], $0x4000  }
0xae: {  	[sflag:s10] =	ssyncset.done $0x0  }
0xaf: {  	s1 =	simm.s32 $0xF00;
	[sflag:s10] =	ssyncadd.s32 $0xFFFFC000  }
0xb0: {  	[spmem:s2] =	stream.indirect.scatter.add.f32 [tilespmem:s8], [sflag:$0x3], $0x80, s1, s6, $0xb8;
	[tilespmem:$0x1D140] =	vst v63  }
0xb1: {  	_ =	swait.ge [sflag:s11], $0x4000  }
0xb2: {  	[sflag:s11] =	ssyncset.done $0x0  }
0xb3: {  	[sflag:s11] =	ssyncadd.s32 $0xFFFFC000  }
0xb4: {  	_ =	swait.ge [sflag:s12], $0x4000  }
0xb5: {  	s0 =	sadd.s32 s31, s3;
	[sflag:s12] =	ssyncset.done $0x0  }
0xb6: {  	s4 =	sadd.s32 $0xB5200, s0;
	s24 =	simm.s32 $0xF80;
	[sflag:s12] =	ssyncadd.s32 $0xFFFFC000  }
0xb7: {  	[spmem:s2] =	stream.indirect.scatter.add.f32 [tilespmem:s7], [sflag:$0x4], $0x80, s24, s6, $0xb8;
	[tilespmem:$0x1D140] =	vst v63  }
0xb8: {  	s5 =	sadd.s32 $0xD9B00, s3;
	_ =	swait.ge [sflag:s13], $0x4000;
	[dreg:$0x1a] =	wrdreg s4  }
0xb9: {  	s31 =	simm.s32 $0x100;
	[dreg:$0x1b] =	wrdreg s5  }
0xba: {  	s3 =	simm.s32 $0x200;
	[sflag:s13] =	ssyncset.done $0x0;
	s4 =	rddreg [dreg:$0x6]  }
.LBB2_1:
0xbb: {  	[sflag:s13] =	ssyncadd.s32 $0xFFFFC000;
	s4 =	sadd.s32 s31, s4  }
0xbc: {  	[tilespmem:s14], [sflag:$0x5] =	stream.linear.gather [hbm4b:s4+s14], $0x800, $0x38;
	[tilespmem:$0x1D140] =	vst v63  }
0xbd: {  	_ =	swait.ge [sflag:s15], $0x800  }
0xbe: {  	s4 =	rddreg [dreg:$0x5];
	[sflag:s15] =	ssyncset.done $0x0  }
0xbf: {  	s0 =	rddreg [dreg:$0x7];
	[sflag:s15] =	ssyncadd.s32 $0xFFFFF800;
	s4 =	sadd.s32 s31, s4  }
0xc0: {  	[tilespmem:s0], [sflag:$0x5] =	stream.linear.gather [hbm4b:s4+s14], $0x800, $0x38;
	[tilespmem:$0x1D140] =	vst v63  }
0xc1: {  	_ =	swait.ge [sflag:s15], $0x800  }
0xc2: {  	s4 =	rddreg [dreg:$0x4];
	[sflag:s15] =	ssyncset.done $0x0  }
0xc3: {  	[sflag:s15] =	ssyncadd.s32 $0xFFFFF800;
	s0 =	sadd.s32 s31, s4  }
0xc4: {  	[tilespmem:s16], [sflag:$0x5] =	stream.linear.gather [hbm4b:s0+s14], $0x800, $0x38;
	[tilespmem:$0x1D140] =	vst v63  }
0xc5: {  	_ =	swait.ge [sflag:s15], $0x800  }
0xc6: {  	[sflag:s15] =	ssyncset.done $0x0  }
0xc7: {  	[sflag:s15] =	ssyncadd.s32 $0xFFFFF800  }
0xc8: {  	[tilespmem:s8], [sflag:$0x1] =	stream.indirect.gather [hbm4b:s9+s6], $0x80, s14, s6, $0xb8;
	[tilespmem:$0x1D140] =	vst v63  }
0xc9: {  	_ = 	snop  }
0xca: {  	[tilespmem:s7], [sflag:$0x2] =	stream.indirect.gather [hbm4b:s9+s6], $0x80, s6, s6, $0xb8;
	[tilespmem:$0x1D140] =	vst v63  }
0xcb: {  	_ =	swait.ge [sflag:s10], $0x4000  }
0xcc: {  	[sflag:s10] =	ssyncset.done $0x0  }
0xcd: {  	[sflag:s10] =	ssyncadd.s32 $0xFFFFC000  }
0xce: {  	[spmem:s2] =	stream.indirect.scatter.add.f32 [tilespmem:s8], [sflag:$0x3], $0x80, s16, s6, $0xb8;
	[tilespmem:$0x1D140] =	vst v63  }
0xcf: {  	_ =	swait.ge [sflag:s11], $0x4000  }
0xd0: {  	s5 =	smov.u32 s3;
	[sflag:s11] =	ssyncset.done $0x0  }
0xd1: {  	s31 =	smov.u32 s5;
	s5 =	rddreg [dreg:$0x8];
	[sflag:s11] =	ssyncadd.s32 $0xFFFFC000  }
0xd2: {  	[tilespmem:s8], [sflag:$0x1] =	stream.indirect.gather [hbm4b:s9+s6], $0x80, s5, s6, $0xb8;
	[tilespmem:$0x1D140] =	vst v63  }
0xd3: {  	_ =	swait.ge [sflag:s12], $0x4000  }
0xd4: {  	[sflag:s12] =	ssyncset.done $0x0  }
0xd5: {  	s4 =	rddreg [dreg:$0x9];
	[sflag:s12] =	ssyncadd.s32 $0xFFFFC000  }
0xd6: {  	[spmem:s2] =	stream.indirect.scatter.add.f32 [tilespmem:s7], [sflag:$0x4], $0x80, s4, s6, $0xb8;
	[tilespmem:$0x1D140] =	vst v63  }
0xd7: {  	_ =	swait.ge [sflag:s13], $0x4000  }
0xd8: {  	[sflag:s13] =	ssyncset.done $0x0  }
0xd9: {  	s5 =	rddreg [dreg:$0xa];
	[sflag:s13] =	ssyncadd.s32 $0xFFFFC000  }
0xda: {  	[tilespmem:s7], [sflag:$0x2] =	stream.indirect.gather [hbm4b:s9+s6], $0x80, s5, s6, $0xb8;
	[tilespmem:$0x1D140] =	vst v63  }
0xdb: {  	_ =	swait.ge [sflag:s10], $0x4000  }
0xdc: {  	[sflag:s10] =	ssyncset.done $0x0  }
0xdd: {  	s4 =	rddreg [dreg:$0xb];
	[sflag:s10] =	ssyncadd.s32 $0xFFFFC000  }
0xde: {  	[spmem:s2] =	stream.indirect.scatter.add.f32 [tilespmem:s8], [sflag:$0x3], $0x80, s4, s6, $0xb8;
	[tilespmem:$0x1D140] =	vst v63  }
0xdf: {  	_ =	swait.ge [sflag:s11], $0x4000  }
0xe0: {  	[sflag:s11] =	ssyncset.done $0x0  }
0xe1: {  	s5 =	rddreg [dreg:$0xc];
	[sflag:s11] =	ssyncadd.s32 $0xFFFFC000  }
0xe2: {  	[tilespmem:s8], [sflag:$0x1] =	stream.indirect.gather [hbm4b:s9+s6], $0x80, s5, s6, $0xb8;
	[tilespmem:$0x1D140] =	vst v63  }
0xe3: {  	_ =	swait.ge [sflag:s12], $0x4000  }
0xe4: {  	[sflag:s12] =	ssyncset.done $0x0  }
0xe5: {  	s4 =	rddreg [dreg:$0xd];
	[sflag:s12] =	ssyncadd.s32 $0xFFFFC000  }
0xe6: {  	[spmem:s2] =	stream.indirect.scatter.add.f32 [tilespmem:s7], [sflag:$0x4], $0x80, s4, s6, $0xb8;
	[tilespmem:$0x1D140] =	vst v63  }
0xe7: {  	_ =	swait.ge [sflag:s13], $0x4000  }
0xe8: {  	[sflag:s13] =	ssyncset.done $0x0  }
0xe9: {  	s5 =	rddreg [dreg:$0xe];
	[sflag:s13] =	ssyncadd.s32 $0xFFFFC000  }
0xea: {  	[tilespmem:s7], [sflag:$0x2] =	stream.indirect.gather [hbm4b:s9+s6], $0x80, s5, s6, $0xb8;
	[tilespmem:$0x1D140] =	vst v63  }
0xeb: {  	_ =	swait.ge [sflag:s10], $0x4000  }
0xec: {  	[sflag:s10] =	ssyncset.done $0x0  }
0xed: {  	s4 =	rddreg [dreg:$0xf];
	[sflag:s10] =	ssyncadd.s32 $0xFFFFC000  }
0xee: {  	[spmem:s2] =	stream.indirect.scatter.add.f32 [tilespmem:s8], [sflag:$0x3], $0x80, s4, s6, $0xb8;
	[tilespmem:$0x1D140] =	vst v63  }
0xef: {  	_ =	swait.ge [sflag:s11], $0x4000  }
0xf0: {  	[sflag:s11] =	ssyncset.done $0x0  }
0xf1: {  	s5 =	rddreg [dreg:$0x10];
	[sflag:s11] =	ssyncadd.s32 $0xFFFFC000  }
0xf2: {  	[tilespmem:s8], [sflag:$0x1] =	stream.indirect.gather [hbm4b:s9+s6], $0x80, s5, s6, $0xb8;
	[tilespmem:$0x1D140] =	vst v63  }
0xf3: {  	_ =	swait.ge [sflag:s12], $0x4000  }
0xf4: {  	[sflag:s12] =	ssyncset.done $0x0  }
0xf5: {  	s4 =	rddreg [dreg:$0x11];
	[sflag:s12] =	ssyncadd.s32 $0xFFFFC000  }
0xf6: {  	[spmem:s2] =	stream.indirect.scatter.add.f32 [tilespmem:s7], [sflag:$0x4], $0x80, s4, s6, $0xb8;
	[tilespmem:$0x1D140] =	vst v63  }
0xf7: {  	_ =	swait.ge [sflag:s13], $0x4000  }
0xf8: {  	[sflag:s13] =	ssyncset.done $0x0  }
0xf9: {  	s5 =	rddreg [dreg:$0x12];
	[sflag:s13] =	ssyncadd.s32 $0xFFFFC000  }
0xfa: {  	[tilespmem:s7], [sflag:$0x2] =	stream.indirect.gather [hbm4b:s9+s6], $0x80, s5, s6, $0xb8;
	[tilespmem:$0x1D140] =	vst v63  }
0xfb: {  	_ =	swait.ge [sflag:s10], $0x4000  }
0xfc: {  	[sflag:s10] =	ssyncset.done $0x0  }
0xfd: {  	s4 =	rddreg [dreg:$0x13];
	[sflag:s10] =	ssyncadd.s32 $0xFFFFC000  }
0xfe: {  	[spmem:s2] =	stream.indirect.scatter.add.f32 [tilespmem:s8], [sflag:$0x3], $0x80, s4, s6, $0xb8;
	[tilespmem:$0x1D140] =	vst v63  }
0xff: {  	_ =	swait.ge [sflag:s11], $0x4000  }
0x100: {  	[sflag:s11] =	ssyncset.done $0x0  }
0x101: {  	s5 =	rddreg [dreg:$0x14];
	[sflag:s11] =	ssyncadd.s32 $0xFFFFC000  }
0x102: {  	[tilespmem:s8], [sflag:$0x1] =	stream.indirect.gather [hbm4b:s9+s6], $0x80, s5, s6, $0xb8;
	[tilespmem:$0x1D140] =	vst v63  }
0x103: {  	_ =	swait.ge [sflag:s12], $0x4000  }
0x104: {  	[sflag:s12] =	ssyncset.done $0x0  }
0x105: {  	s4 =	rddreg [dreg:$0x15];
	[sflag:s12] =	ssyncadd.s32 $0xFFFFC000  }
0x106: {  	[spmem:s2] =	stream.indirect.scatter.add.f32 [tilespmem:s7], [sflag:$0x4], $0x80, s4, s6, $0xb8;
	[tilespmem:$0x1D140] =	vst v63  }
0x107: {  	_ =	swait.ge [sflag:s13], $0x4000  }
0x108: {  	[sflag:s13] =	ssyncset.done $0x0  }
0x109: {  	s5 =	rddreg [dreg:$0x16];
	[sflag:s13] =	ssyncadd.s32 $0xFFFFC000  }
0x10a: {  	[tilespmem:s7], [sflag:$0x2] =	stream.indirect.gather [hbm4b:s9+s6], $0x80, s5, s6, $0xb8;
	[tilespmem:$0x1D140] =	vst v63  }
0x10b: {  	_ =	swait.ge [sflag:s10], $0x4000  }
0x10c: {  	[sflag:s10] =	ssyncset.done $0x0  }
0x10d: {  	[sflag:s10] =	ssyncadd.s32 $0xFFFFC000  }
0x10e: {  	[spmem:s2] =	stream.indirect.scatter.add.f32 [tilespmem:s8], [sflag:$0x3], $0x80, s17, s6, $0xb8;
	[tilespmem:$0x1D140] =	vst v63  }
0x10f: {  	_ =	swait.ge [sflag:s11], $0x4000  }
0x110: {  	[sflag:s11] =	ssyncset.done $0x0  }
0x111: {  	[sflag:s11] =	ssyncadd.s32 $0xFFFFC000  }
0x112: {  	[tilespmem:s8], [sflag:$0x1] =	stream.indirect.gather [hbm4b:s9+s6], $0x80, s18, s6, $0xb8;
	[tilespmem:$0x1D140] =	vst v63  }
0x113: {  	_ =	swait.ge [sflag:s12], $0x4000  }
0x114: {  	[sflag:s12] =	ssyncset.done $0x0  }
0x115: {  	[sflag:s12] =	ssyncadd.s32 $0xFFFFC000  }
0x116: {  	[spmem:s2] =	stream.indirect.scatter.add.f32 [tilespmem:s7], [sflag:$0x4], $0x80, s19, s6, $0xb8;
	[tilespmem:$0x1D140] =	vst v63  }
0x117: {  	_ =	swait.ge [sflag:s13], $0x4000  }
0x118: {  	[sflag:s13] =	ssyncset.done $0x0  }
0x119: {  	[sflag:s13] =	ssyncadd.s32 $0xFFFFC000  }
0x11a: {  	[tilespmem:s7], [sflag:$0x2] =	stream.indirect.gather [hbm4b:s9+s6], $0x80, s20, s6, $0xb8;
	[tilespmem:$0x1D140] =	vst v63  }
0x11b: {  	_ =	swait.ge [sflag:s10], $0x4000  }
0x11c: {  	[sflag:s10] =	ssyncset.done $0x0  }
0x11d: {  	[sflag:s10] =	ssyncadd.s32 $0xFFFFC000  }
0x11e: {  	[spmem:s2] =	stream.indirect.scatter.add.f32 [tilespmem:s8], [sflag:$0x3], $0x80, s21, s6, $0xb8;
	[tilespmem:$0x1D140] =	vst v63  }
0x11f: {  	_ =	swait.ge [sflag:s11], $0x4000  }
0x120: {  	[sflag:s11] =	ssyncset.done $0x0  }
0x121: {  	[sflag:s11] =	ssyncadd.s32 $0xFFFFC000  }
0x122: {  	[tilespmem:s8], [sflag:$0x1] =	stream.indirect.gather [hbm4b:s9+s6], $0x80, s22, s6, $0xb8;
	[tilespmem:$0x1D140] =	vst v63  }
0x123: {  	_ =	swait.ge [sflag:s12], $0x4000  }
0x124: {  	[sflag:s12] =	ssyncset.done $0x0  }
0x125: {  	[sflag:s12] =	ssyncadd.s32 $0xFFFFC000  }
0x126: {  	[spmem:s2] =	stream.indirect.scatter.add.f32 [tilespmem:s7], [sflag:$0x4], $0x80, s23, s6, $0xb8;
	[tilespmem:$0x1D140] =	vst v63  }
0x127: {  	_ =	swait.ge [sflag:s13], $0x4000  }
0x128: {  	[sflag:s13] =	ssyncset.done $0x0  }
0x129: {  	[sflag:s13] =	ssyncadd.s32 $0xFFFFC000  }
0x12a: {  	[tilespmem:s7], [sflag:$0x2] =	stream.indirect.gather [hbm4b:s9+s6], $0x80, s25, s6, $0xb8;
	[tilespmem:$0x1D140] =	vst v63  }
0x12b: {  	_ =	swait.ge [sflag:s10], $0x4000  }
0x12c: {  	[sflag:s10] =	ssyncset.done $0x0  }
0x12d: {  	[sflag:s10] =	ssyncadd.s32 $0xFFFFC000  }
0x12e: {  	[spmem:s2] =	stream.indirect.scatter.add.f32 [tilespmem:s8], [sflag:$0x3], $0x80, s26, s6, $0xb8;
	[tilespmem:$0x1D140] =	vst v63  }
0x12f: {  	_ =	swait.ge [sflag:s11], $0x4000  }
0x130: {  	[sflag:s11] =	ssyncset.done $0x0  }
0x131: {  	[sflag:s11] =	ssyncadd.s32 $0xFFFFC000  }
0x132: {  	[tilespmem:s8], [sflag:$0x1] =	stream.indirect.gather [hbm4b:s9+s6], $0x80, s28, s6, $0xb8;
	[tilespmem:$0x1D140] =	vst v63  }
0x133: {  	_ =	swait.ge [sflag:s12], $0x4000  }
0x134: {  	[sflag:s12] =	ssyncset.done $0x0  }
0x135: {  	[sflag:s12] =	ssyncadd.s32 $0xFFFFC000  }
0x136: {  	[spmem:s2] =	stream.indirect.scatter.add.f32 [tilespmem:s7], [sflag:$0x4], $0x80, s29, s6, $0xb8;
	[tilespmem:$0x1D140] =	vst v63  }
0x137: {  	_ =	swait.ge [sflag:s13], $0x4000  }
0x138: {  	[sflag:s13] =	ssyncset.done $0x0  }
0x139: {  	[sflag:s13] =	ssyncadd.s32 $0xFFFFC000  }
0x13a: {  	[tilespmem:s7], [sflag:$0x2] =	stream.indirect.gather [hbm4b:s9+s6], $0x80, s30, s6, $0xb8;
	[tilespmem:$0x1D140] =	vst v63  }
0x13b: {  	_ =	swait.ge [sflag:s10], $0x4000  }
0x13c: {  	[sflag:s10] =	ssyncset.done $0x0  }
0x13d: {  	[sflag:s10] =	ssyncadd.s32 $0xFFFFC000  }
0x13e: {  	[spmem:s2] =	stream.indirect.scatter.add.f32 [tilespmem:s8], [sflag:$0x3], $0x80, s1, s6, $0xb8;
	[tilespmem:$0x1D140] =	vst v63  }
0x13f: {  	_ =	swait.ge [sflag:s11], $0x4000  }
0x140: {  	[sflag:s11] =	ssyncset.done $0x0  }
0x141: {  	[sflag:s11] =	ssyncadd.s32 $0xFFFFC000  }
0x142: {  	p1 =	sne.s32 s3, $0x900;
	_ =	swait.ge [sflag:s12], $0x4000  }
.Ltmp0:
0x143: {  	[sflag:s12] =	ssyncset.done $0x0;
	(pc) =	sbr.rel @p1 .LBB2_1-.Ltmp0, $4  }
0x144: {  	[sflag:s12] =	ssyncadd.s32 $0xFFFFC000  }
0x145: {  	[spmem:s2] =	stream.indirect.scatter.add.f32 [tilespmem:s7], [sflag:$0x4], $0x80, s24, s6, $0xb8;
	[tilespmem:$0x1D140] =	vst v63  }
0x146: {  	_ =	swait.ge [sflag:s13], $0x4000  }
0x147: {  	s3 =	sadd.s32 $0x100, s3;
	s4 =	rddreg [dreg:$0x6];
	[sflag:s13] =	ssyncset.done $0x0  }
0x148: {  	[sflag:s13] =	ssyncadd.s32 $0xFFFFC000;
	s0 =	sadd.s32 s31, s4  }
0x149: {  	[tilespmem:s14], [sflag:$0x5] =	stream.linear.gather [hbm4b:s0+s14], $0x800, $0x38;
	[tilespmem:$0x1D140] =	vst v63  }
0x14a: {  	_ =	swait.ge [sflag:s15], $0x800  }
0x14b: {  	s4 =	rddreg [dreg:$0x5];
	[sflag:s15] =	ssyncset.done $0x0  }
0x14c: {  	s3 =	rddreg [dreg:$0x7];
	[sflag:s15] =	ssyncadd.s32 $0xFFFFF800;
	s0 =	sadd.s32 s31, s4  }
0x14d: {  	[tilespmem:s3], [sflag:$0x5] =	stream.linear.gather [hbm4b:s0+s14], $0x800, $0x38;
	[tilespmem:$0x1D140] =	vst v63  }
0x14e: {  	_ =	swait.ge [sflag:s15], $0x800  }
0x14f: {  	s5 =	rddreg [dreg:$0x4];
	[sflag:s15] =	ssyncset.done $0x0  }
0x150: {  	s0 =	sadd.s32 s31, s5;
	[sflag:s15] =	ssyncadd.s32 $0xFFFFF800  }
0x151: {  	[tilespmem:s16], [sflag:$0x5] =	stream.linear.gather [hbm4b:s0+s14], $0x800, $0x38;
	[tilespmem:$0x1D140] =	vst v63  }
0x152: {  	_ =	swait.ge [sflag:s15], $0x800  }
0x153: {  	[sflag:s15] =	ssyncset.done $0x0  }
0x154: {  	[sflag:s15] =	ssyncadd.s32 $0xFFFFF800  }
0x155: {  	[tilespmem:s8], [sflag:$0x1] =	stream.indirect.gather [hbm4b:s9+s6], $0x80, s14, s6, $0xb8;
	[tilespmem:$0x1D140] =	vst v63  }
0x156: {  	_ = 	snop  }
0x157: {  	[tilespmem:s7], [sflag:$0x2] =	stream.indirect.gather [hbm4b:s9+s6], $0x80, s6, s6, $0xb8;
	[tilespmem:$0x1D140] =	vst v63  }
0x158: {  	_ =	swait.ge [sflag:s10], $0x4000  }
0x159: {  	[sflag:s10] =	ssyncset.done $0x0  }
0x15a: {  	[sflag:s10] =	ssyncadd.s32 $0xFFFFC000  }
0x15b: {  	[spmem:s2] =	stream.indirect.scatter.add.f32 [tilespmem:s8], [sflag:$0x3], $0x80, s16, s6, $0xb8;
	[tilespmem:$0x1D140] =	vst v63  }
0x15c: {  	_ =	swait.ge [sflag:s11], $0x4000  }
0x15d: {  	[sflag:s11] =	ssyncset.done $0x0  }
0x15e: {  	s16 =	rddreg [dreg:$0x8];
	[sflag:s11] =	ssyncadd.s32 $0xFFFFC000  }
0x15f: {  	[tilespmem:s8], [sflag:$0x1] =	stream.indirect.gather [hbm4b:s9+s6], $0x80, s16, s6, $0xb8;
	[tilespmem:$0x1D140] =	vst v63  }
0x160: {  	_ =	swait.ge [sflag:s12], $0x4000  }
0x161: {  	[sflag:s12] =	ssyncset.done $0x0  }
0x162: {  	s31 =	rddreg [dreg:$0x9];
	[sflag:s12] =	ssyncadd.s32 $0xFFFFC000  }
0x163: {  	[spmem:s2] =	stream.indirect.scatter.add.f32 [tilespmem:s7], [sflag:$0x4], $0x80, s31, s6, $0xb8;
	[tilespmem:$0x1D140] =	vst v63  }
0x164: {  	_ =	swait.ge [sflag:s13], $0x4000  }
0x165: {  	[sflag:s13] =	ssyncset.done $0x0  }
0x166: {  	s3 =	rddreg [dreg:$0xa];
	[sflag:s13] =	ssyncadd.s32 $0xFFFFC000  }
0x167: {  	[tilespmem:s7], [sflag:$0x2] =	stream.indirect.gather [hbm4b:s9+s6], $0x80, s3, s6, $0xb8;
	[tilespmem:$0x1D140] =	vst v63  }
0x168: {  	_ =	swait.ge [sflag:s10], $0x4000  }
0x169: {  	[sflag:s10] =	ssyncset.done $0x0  }
0x16a: {  	s4 =	rddreg [dreg:$0xb];
	[sflag:s10] =	ssyncadd.s32 $0xFFFFC000  }
0x16b: {  	[spmem:s2] =	stream.indirect.scatter.add.f32 [tilespmem:s8], [sflag:$0x3], $0x80, s4, s6, $0xb8;
	[tilespmem:$0x1D140] =	vst v63  }
0x16c: {  	_ =	swait.ge [sflag:s11], $0x4000  }
0x16d: {  	[sflag:s11] =	ssyncset.done $0x0  }
0x16e: {  	s5 =	rddreg [dreg:$0xc];
	[sflag:s11] =	ssyncadd.s32 $0xFFFFC000  }
0x16f: {  	[tilespmem:s8], [sflag:$0x1] =	stream.indirect.gather [hbm4b:s9+s6], $0x80, s5, s6, $0xb8;
	[tilespmem:$0x1D140] =	vst v63  }
0x170: {  	_ =	swait.ge [sflag:s12], $0x4000  }
0x171: {  	[sflag:s12] =	ssyncset.done $0x0  }
0x172: {  	s14 =	rddreg [dreg:$0xd];
	[sflag:s12] =	ssyncadd.s32 $0xFFFFC000  }
0x173: {  	[spmem:s2] =	stream.indirect.scatter.add.f32 [tilespmem:s7], [sflag:$0x4], $0x80, s14, s6, $0xb8;
	[tilespmem:$0x1D140] =	vst v63  }
0x174: {  	_ =	swait.ge [sflag:s13], $0x4000  }
0x175: {  	[sflag:s13] =	ssyncset.done $0x0  }
0x176: {  	s15 =	rddreg [dreg:$0xe];
	[sflag:s13] =	ssyncadd.s32 $0xFFFFC000  }
0x177: {  	[tilespmem:s7], [sflag:$0x2] =	stream.indirect.gather [hbm4b:s9+s6], $0x80, s15, s6, $0xb8;
	[tilespmem:$0x1D140] =	vst v63  }
0x178: {  	_ =	swait.ge [sflag:s10], $0x4000  }
0x179: {  	[sflag:s10] =	ssyncset.done $0x0  }
0x17a: {  	s16 =	rddreg [dreg:$0xf];
	[sflag:s10] =	ssyncadd.s32 $0xFFFFC000  }
0x17b: {  	[spmem:s2] =	stream.indirect.scatter.add.f32 [tilespmem:s8], [sflag:$0x3], $0x80, s16, s6, $0xb8;
	[tilespmem:$0x1D140] =	vst v63  }
0x17c: {  	_ =	swait.ge [sflag:s11], $0x4000  }
0x17d: {  	[sflag:s11] =	ssyncset.done $0x0  }
0x17e: {  	s31 =	rddreg [dreg:$0x10];
	[sflag:s11] =	ssyncadd.s32 $0xFFFFC000  }
0x17f: {  	[tilespmem:s8], [sflag:$0x1] =	stream.indirect.gather [hbm4b:s9+s6], $0x80, s31, s6, $0xb8;
	[tilespmem:$0x1D140] =	vst v63  }
0x180: {  	_ =	swait.ge [sflag:s12], $0x4000  }
0x181: {  	[sflag:s12] =	ssyncset.done $0x0  }
0x182: {  	s3 =	rddreg [dreg:$0x11];
	[sflag:s12] =	ssyncadd.s32 $0xFFFFC000  }
0x183: {  	[spmem:s2] =	stream.indirect.scatter.add.f32 [tilespmem:s7], [sflag:$0x4], $0x80, s3, s6, $0xb8;
	[tilespmem:$0x1D140] =	vst v63  }
0x184: {  	_ =	swait.ge [sflag:s13], $0x4000  }
0x185: {  	[sflag:s13] =	ssyncset.done $0x0  }
0x186: {  	s4 =	rddreg [dreg:$0x12];
	[sflag:s13] =	ssyncadd.s32 $0xFFFFC000  }
0x187: {  	[tilespmem:s7], [sflag:$0x2] =	stream.indirect.gather [hbm4b:s9+s6], $0x80, s4, s6, $0xb8;
	[tilespmem:$0x1D140] =	vst v63  }
0x188: {  	_ =	swait.ge [sflag:s10], $0x4000  }
0x189: {  	[sflag:s10] =	ssyncset.done $0x0  }
0x18a: {  	s5 =	rddreg [dreg:$0x13];
	[sflag:s10] =	ssyncadd.s32 $0xFFFFC000  }
0x18b: {  	[spmem:s2] =	stream.indirect.scatter.add.f32 [tilespmem:s8], [sflag:$0x3], $0x80, s5, s6, $0xb8;
	[tilespmem:$0x1D140] =	vst v63  }
0x18c: {  	_ =	swait.ge [sflag:s11], $0x4000  }
0x18d: {  	[sflag:s11] =	ssyncset.done $0x0  }
0x18e: {  	s14 =	rddreg [dreg:$0x14];
	[sflag:s11] =	ssyncadd.s32 $0xFFFFC000  }
0x18f: {  	[tilespmem:s8], [sflag:$0x1] =	stream.indirect.gather [hbm4b:s9+s6], $0x80, s14, s6, $0xb8;
	[tilespmem:$0x1D140] =	vst v63  }
0x190: {  	_ =	swait.ge [sflag:s12], $0x4000  }
0x191: {  	[sflag:s12] =	ssyncset.done $0x0  }
0x192: {  	s15 =	rddreg [dreg:$0x15];
	[sflag:s12] =	ssyncadd.s32 $0xFFFFC000  }
0x193: {  	[spmem:s2] =	stream.indirect.scatter.add.f32 [tilespmem:s7], [sflag:$0x4], $0x80, s15, s6, $0xb8;
	[tilespmem:$0x1D140] =	vst v63  }
0x194: {  	_ =	swait.ge [sflag:s13], $0x4000  }
0x195: {  	[sflag:s13] =	ssyncset.done $0x0  }
0x196: {  	s16 =	rddreg [dreg:$0x16];
	[sflag:s13] =	ssyncadd.s32 $0xFFFFC000  }
0x197: {  	[tilespmem:s7], [sflag:$0x2] =	stream.indirect.gather [hbm4b:s9+s6], $0x80, s16, s6, $0xb8;
	[tilespmem:$0x1D140] =	vst v63  }
0x198: {  	_ =	swait.ge [sflag:s10], $0x4000  }
0x199: {  	[sflag:s10] =	ssyncset.done $0x0  }
0x19a: {  	[sflag:s10] =	ssyncadd.s32 $0xFFFFC000  }
0x19b: {  	[spmem:s2] =	stream.indirect.scatter.add.f32 [tilespmem:s8], [sflag:$0x3], $0x80, s17, s6, $0xb8;
	[tilespmem:$0x1D140] =	vst v63  }
0x19c: {  	_ =	swait.ge [sflag:s11], $0x4000  }
0x19d: {  	[sflag:s11] =	ssyncset.done $0x0  }
0x19e: {  	[sflag:s11] =	ssyncadd.s32 $0xFFFFC000  }
0x19f: {  	[tilespmem:s8], [sflag:$0x1] =	stream.indirect.gather [hbm4b:s9+s6], $0x80, s18, s6, $0xb8;
	[tilespmem:$0x1D140] =	vst v63  }
0x1a0: {  	_ =	swait.ge [sflag:s12], $0x4000  }
0x1a1: {  	[sflag:s12] =	ssyncset.done $0x0  }
0x1a2: {  	[sflag:s12] =	ssyncadd.s32 $0xFFFFC000  }
0x1a3: {  	[spmem:s2] =	stream.indirect.scatter.add.f32 [tilespmem:s7], [sflag:$0x4], $0x80, s19, s6, $0xb8;
	[tilespmem:$0x1D140] =	vst v63  }
0x1a4: {  	_ =	swait.ge [sflag:s13], $0x4000  }
0x1a5: {  	[sflag:s13] =	ssyncset.done $0x0  }
0x1a6: {  	[sflag:s13] =	ssyncadd.s32 $0xFFFFC000  }
0x1a7: {  	[tilespmem:s7], [sflag:$0x2] =	stream.indirect.gather [hbm4b:s9+s6], $0x80, s20, s6, $0xb8;
	[tilespmem:$0x1D140] =	vst v63  }
0x1a8: {  	_ =	swait.ge [sflag:s10], $0x4000  }
0x1a9: {  	[sflag:s10] =	ssyncset.done $0x0  }
0x1aa: {  	[sflag:s10] =	ssyncadd.s32 $0xFFFFC000  }
0x1ab: {  	[spmem:s2] =	stream.indirect.scatter.add.f32 [tilespmem:s8], [sflag:$0x3], $0x80, s21, s6, $0xb8;
	[tilespmem:$0x1D140] =	vst v63  }
0x1ac: {  	_ =	swait.ge [sflag:s11], $0x4000  }
0x1ad: {  	[sflag:s11] =	ssyncset.done $0x0  }
0x1ae: {  	[sflag:s11] =	ssyncadd.s32 $0xFFFFC000  }
0x1af: {  	[tilespmem:s8], [sflag:$0x1] =	stream.indirect.gather [hbm4b:s9+s6], $0x80, s22, s6, $0xb8;
	[tilespmem:$0x1D140] =	vst v63  }
0x1b0: {  	_ =	swait.ge [sflag:s12], $0x4000  }
0x1b1: {  	[sflag:s12] =	ssyncset.done $0x0  }
0x1b2: {  	[sflag:s12] =	ssyncadd.s32 $0xFFFFC000  }
0x1b3: {  	[spmem:s2] =	stream.indirect.scatter.add.f32 [tilespmem:s7], [sflag:$0x4], $0x80, s23, s6, $0xb8;
	[tilespmem:$0x1D140] =	vst v63  }
0x1b4: {  	_ =	swait.ge [sflag:s13], $0x4000  }
0x1b5: {  	[sflag:s13] =	ssyncset.done $0x0  }
0x1b6: {  	[sflag:s13] =	ssyncadd.s32 $0xFFFFC000  }
0x1b7: {  	[tilespmem:s7], [sflag:$0x2] =	stream.indirect.gather [hbm4b:s9+s6], $0x80, s25, s6, $0xb8;
	[tilespmem:$0x1D140] =	vst v63  }
0x1b8: {  	_ =	swait.ge [sflag:s10], $0x4000  }
0x1b9: {  	[sflag:s10] =	ssyncset.done $0x0  }
0x1ba: {  	[sflag:s10] =	ssyncadd.s32 $0xFFFFC000  }
0x1bb: {  	[spmem:s2] =	stream.indirect.scatter.add.f32 [tilespmem:s8], [sflag:$0x3], $0x80, s26, s6, $0xb8;
	[tilespmem:$0x1D140] =	vst v63  }
0x1bc: {  	_ =	swait.ge [sflag:s11], $0x4000  }
0x1bd: {  	[sflag:s11] =	ssyncset.done $0x0  }
0x1be: {  	[sflag:s11] =	ssyncadd.s32 $0xFFFFC000  }
0x1bf: {  	[tilespmem:s8], [sflag:$0x1] =	stream.indirect.gather [hbm4b:s9+s6], $0x80, s28, s6, $0xb8;
	[tilespmem:$0x1D140] =	vst v63  }
0x1c0: {  	_ =	swait.ge [sflag:s12], $0x4000  }
0x1c1: {  	[sflag:s12] =	ssyncset.done $0x0  }
0x1c2: {  	[sflag:s12] =	ssyncadd.s32 $0xFFFFC000  }
0x1c3: {  	[spmem:s2] =	stream.indirect.scatter.add.f32 [tilespmem:s7], [sflag:$0x4], $0x80, s29, s6, $0xb8;
	[tilespmem:$0x1D140] =	vst v63  }
0x1c4: {  	_ =	swait.ge [sflag:s13], $0x4000  }
0x1c5: {  	[sflag:s13] =	ssyncset.done $0x0  }
0x1c6: {  	[sflag:s13] =	ssyncadd.s32 $0xFFFFC000  }
0x1c7: {  	[tilespmem:s7], [sflag:$0x2] =	stream.indirect.gather [hbm4b:s9+s6], $0x80, s30, s6, $0xb8;
	[tilespmem:$0x1D140] =	vst v63  }
0x1c8: {  	_ =	swait.ge [sflag:s10], $0x4000  }
0x1c9: {  	[sflag:s10] =	ssyncset.done $0x0  }
0x1ca: {  	[sflag:s10] =	ssyncadd.s32 $0xFFFFC000  }
0x1cb: {  	[spmem:s2] =	stream.indirect.scatter.add.f32 [tilespmem:s8], [sflag:$0x3], $0x80, s1, s6, $0xb8;
	[tilespmem:$0x1D140] =	vst v63  }
0x1cc: {  	_ =	swait.ge [sflag:s11], $0x4000  }
0x1cd: {  	[sflag:s11] =	ssyncset.done $0x0  }
0x1ce: {  	[sflag:s11] =	ssyncadd.s32 $0xFFFFC000  }
0x1cf: {  	_ =	swait.ge [sflag:s12], $0x4000  }
0x1d0: {  	[sflag:s12] =	ssyncset.done $0x0  }
0x1d1: {  	[sflag:s12] =	ssyncadd.s32 $0xFFFFC000  }
0x1d2: {  	[spmem:s2] =	stream.indirect.scatter.add.f32 [tilespmem:s7], [sflag:$0x4], $0x80, s24, s6, $0xb8;
	[tilespmem:$0x1D140] =	vst v63  }
0x1d3: {  	_ =	swait.ge [sflag:s13], $0x4000  }
0x1d4: {  	[sflag:s13] =	ssyncset.done $0x0  }
0x1d5: {  	[sflag:s13] =	ssyncadd.s32 $0xFFFFC000  }
0x1d6: {  	[bflag:$0x0] =	sbarrier.arrive $0xFFFF  }
0x1d7: {  	s1 =	rddreg [dreg:$0x17]  }
0x1d8: {  	s0 =	simm.s32 @p0 $0x1FC5;
	s2 =	rddreg [dreg:$0x1b]  }
0x1d9: {  	[hbm:s2], [sflag:s0] =	dma.local @p0 [spmem:s1], $0x2800  }
0x1da: {  	s0 =	simm.s32 @p0 $0x5  }
0x1db: {  	_ =	swait.ge @p0 [sflag:s0], $0x2800  }
0x1dc: {  	s1 =	rddreg [dreg:$0x19]  }
0x1dd: {  	[sflag:s0] =	ssyncset.done @p0 $0x0;
	s2 =	rddreg [dreg:$0x1a]  }
0x1de: {  	[sflag:s0] =	ssyncadd.s32 @p0 $0xFFFFD800;
	s0 =	rddreg [dreg:$0x18]  }
0x1df: {  	[hbm:s2], [sflag:s0] =	dma.local @!p0 [spmem:s1], $0x2700  }
0x1e0: {  	s0 =	simm.s32 @!p0 $0x5  }
0x1e1: {  	_ =	swait.ge @!p0 [sflag:s0], $0x2700  }
0x1e2: {  	[sflag:s0] =	ssyncset.done @!p0 $0x0  }
0x1e3: {  	[sflag:s0] =	ssyncadd.s32 @!p0 $0xFFFFD900  }
0x1e4: {  	_ =	sfence.sel $0x180000  }
0x1e5: {  	[bflag:$0x0] =	sbarrier.arrive $0xFFFF  }
0x1e6: {  	_ =	strace $0x9000004D  }
0x1e7: {  	s31 =	stileid.u32;
	[bflag:$0x2] =	sbarrier.arrive $0xFFFF  }
0x1e8: {  	p0 =	sne.s32 s31, $0x0;
	s0 =	rddreg [dreg:$0x3]  }
0x1e9: {  	s0 =	sadd.s32 @!p0 $0x100000, s0  }
0x1ea: {  	[sflag:s0] =	ssyncadd.tile.s32 @!p0 $0x1;
	_ =	shalt  }
.Lfunc_end2:
_tile_overlayer_lowered:
.L_overlay_start_2:
0x1eb: {  	(tag) =	ssettag $0x2  }
0x1ec: {  	s0 =	rddreg [dreg:$0x0];
	s2 =	stileid.u32  }
0x1ed: {  	s1 =	rddreg [dreg:$0x1];
	p0 =	sne.s32 s2, $0x0  }
0x1ee: {  	s3 =	rddreg [dreg:$0x2];
	[bflag:$0x3] =	sbarrier.arrive $0xFFFF;
	s2 =	simm.s32 @!p0 $0x1C05  }
0x1ef: {  	[timem:s3], [sflag:s2] =	dma.local @!p0 [hbm:s0], s1  }
0x1f0: {  	s0 =	simm.s32 @!p0 $0x5  }
0x1f1: {  	_ =	swait.ge @!p0 [sflag:s0], s1  }
0x1f2: {  	s1 =	ssub.s32 @!p0 $0x0, s1;
	[sflag:s0] =	ssyncset.done @!p0 $0x0  }
0x1f3: {  	[sflag:s0] =	ssyncadd.s32 @!p0 s1  }
0x1f4: {  	[bflag:$0x3] =	sbarrier.arrive $0xFFFF  }
0x1f5: {  	_ =	shalt  }

// kernel: kernel.9.cloned.1.call-start
scs
__scs_entry_jumppad:
0x0: {  	(pc) =	sbr.rel $0x88, $3  }
0x1: {  	(tag) =	ssettag $0x0;
	lr =	simm.s32 $0x1  }
0x2: {  	[smem:$0x3F86] =	sst lr;
	_ =	strace $0xD0000000  }
0x3: {  	_ = 	snop  }
0x4: {  	_ = 	snop  }
0x5: {  	_ = 	snop  }
0x6: {  	_ = 	snop  }
0x7: {  	_ = 	snop  }
__scs_overlays_trampoline_lowered:
0x8: {  	[smem:$0x3F95] =	sst s0  }
0x9: {  	[smem:$0x3F96] =	sst s1  }
0xa: {  	[smem:$0x3F97] =	sst s2  }
0xb: {  	[smem:$0x3F98] =	sst s3  }
0xc: {  	[smem:$0x3F99] =	sst s4  }
0xd: {  	[smem:$0x3F9A] =	sst s5  }
0xe: {  	[smem:$0x3F9B] =	sst s6  }
0xf: {  	[smem:$0x3F9C] =	sst s7  }
0x10: {  	[smem:$0x3F9D] =	sst s8  }
0x11: {  	[smem:$0x3F9E] =	sst s9;
	s0 =	simm.s32 @!p0 $0x0  }
0x12: {  	s1 =	sld [smem:$0x3F84];
	s0 =	simm.s32 @p0 $0x1  }
0x13: {  	[smem:$0x3F9F] =	sst s0;
	s0 =	simm.s32 @!p1 $0x0  }
0x14: {  	s2 =	sld [smem:$0x3F83];
	s0 =	simm.s32 @p1 $0x1  }
0x15: {  	[smem:$0x3FA0] =	sst s0;
	s0 =	simm.s32 @!p2 $0x0  }
0x16: {  	s3 =	sld [smem:$0x3FDB];
	s0 =	simm.s32 @p2 $0x1  }
0x17: {  	s4 =	simm.s32 $0x1BF5;
	[smem:$0x3FA2] =	sst s0  }
0x18: {  	s0 =	sld [smem:$0x3F85];
	_ =	swait.ge [sflag:s4], $0x0  }
0x19: {  	s7 =	sld [smem:$0x3F86]  }
0x1a: {  	s8 =	sadd.s32 $0xFFFFE003, lr  }
0x1b: {  	s9 =	sadd.s32 $0xFFFFFEF7, lr;
	s5 =	simm.s32 $0xFFFFFFFF;
	p2 =	slt.u32 s8, $0xFFFFF086  }
0x1c: {  	p1 =	slt.u32 s9, $0xF7A;
	s5 =	simm.s32 @!p2 $0x0  }
0x1d: {  	s5 =	simm.s32 @p1 $0x1;
	p0 =	seq.s32 s7, s2  }
0x1e: {  	s7 =	smul.u32 @!p0 $0xF7A, s2;
	p2 =	seq.s32 @!p0 s5, $0x0  }
0x1f: {  	s9 =	smul.u32 $0xF7A, s1;
	s8 =	simm.s32 @!p0 $0x1BF5;
	p2 =	por !p2, p0  }
0x20: {  	[sflag:s8] =	ssyncset.s32 @!p0 $0xFFFFF086;
	s6 =	sadd.s32 @!p0 s3, s7;
	s7 =	simm.s32 @!p0 $0x108  }
0x21: {  	s3 =	sadd.s32 s3, s9;
	s6 =	sadd.s32 @!p0 $0x88, s6;
	s7 =	simm.s32 @p2 $0x1082  }
0x22: {  	[simem:s7], [sflag:s8] =	dma.local @!p0 [hbm:s6], $0xF7A  }
0x23: {  	s9 =	sor.u32 $0xD0000000, s2;
	s6 =	simm.s32 $0x108;
	_ =	swait.ge @!p0 [sflag:s8], $0x0  }
0x24: {  	s3 =	sadd.s32 $0x88, s3;
	s6 =	simm.s32 @!p1 $0x1082;
	[sflag:s4] =	ssyncset.s32 $0xFFFFF086  }
0x25: {  	[simem:s6], [sflag:s4] =	dma.local [hbm:s3], $0xF7A  }
0x26: {  	[smem:$0x3F86] =	sst s1;
	(tag) =	ssettag s2;
	_ =	strace s9  }
0x27: {  	s1 =	sld [smem:$0x3F96]  }
0x28: {  	s2 =	sld [smem:$0x3F97]  }
0x29: {  	s4 =	sld [smem:$0x3F99]  }
0x2a: {  	p0 =	seq.s32 s5, $0x0;
	s5 =	sld [smem:$0x3F9A]  }
0x2b: {  	s6 =	sld [smem:$0x3F9B]  }
0x2c: {  	s7 =	sld [smem:$0x3F9C]  }
0x2d: {  	s3 =	simm.s32 $0x108;
	s8 =	sld [smem:$0x3F9D]  }
0x2e: {  	s3 =	simm.s32 @!p0 $0x1082;
	s9 =	sld [smem:$0x3F9E]  }
0x2f: {  	lr =	sadd.s32 s0, s3;
	s0 =	sld [smem:$0x3F95]  }
0x30: {  	s3 =	sld [smem:$0x3F98]  }
0x31: {  	[smem:$0x3FA1] =	sst s10  }
0x32: {  	s10 =	sld [smem:$0x3F9F];
	_ =	sdelay $0x3  }
0x33: {  	p0 =	seq.s32 s10, $0x1;
	s10 =	sld [smem:$0x3FA1];
	_ =	sdelay $0x3  }
0x34: {  	[smem:$0x3FA1] =	sst s10  }
0x35: {  	s10 =	sld [smem:$0x3FA0];
	_ =	sdelay $0x3  }
0x36: {  	p1 =	seq.s32 s10, $0x1;
	s10 =	sld [smem:$0x3FA1];
	_ =	sdelay $0x3  }
0x37: {  	[smem:$0x3FA1] =	sst s10  }
0x38: {  	s10 =	sld [smem:$0x3FA2]  }
0x39: {  	_ = 	snop;
	(pc) =	sbr.ind lr, $3  }
0x3a: {  	_ = 	snop  }
0x3b: {  	_ = 	snop  }
0x3c: {  	p2 =	seq.s32 s10, $0x1;
	s10 =	sld [smem:$0x3FA1]  }
0x3d: {  	_ =	shalt  }
0x3e: {  	_ =	shalt  }
0x3f: {  	_ =	shalt  }
0x40: {  	_ =	shalt  }
0x41: {  	_ =	shalt  }
0x42: {  	_ =	shalt  }
0x43: {  	_ =	shalt  }
0x44: {  	_ =	shalt  }
0x45: {  	_ =	shalt  }
0x46: {  	_ =	shalt  }
0x47: {  	_ =	shalt  }
0x48: {  	_ =	shalt  }
0x49: {  	_ =	shalt  }
0x4a: {  	_ =	shalt  }
0x4b: {  	_ =	shalt  }
0x4c: {  	_ =	shalt  }
0x4d: {  	_ =	shalt  }
0x4e: {  	_ =	shalt  }
0x4f: {  	_ =	shalt  }
0x50: {  	_ =	shalt  }
0x51: {  	_ =	shalt  }
0x52: {  	_ =	shalt  }
0x53: {  	_ =	shalt  }
0x54: {  	_ =	shalt  }
0x55: {  	_ =	shalt  }
0x56: {  	_ =	shalt  }
0x57: {  	_ =	shalt  }
0x58: {  	_ =	shalt  }
0x59: {  	_ =	shalt  }
0x5a: {  	_ =	shalt  }
0x5b: {  	_ =	shalt  }
0x5c: {  	_ =	shalt  }
0x5d: {  	_ =	shalt  }
0x5e: {  	_ =	shalt  }
0x5f: {  	_ =	shalt  }
0x60: {  	_ =	shalt  }
0x61: {  	_ =	shalt  }
0x62: {  	_ =	shalt  }
0x63: {  	_ =	shalt  }
0x64: {  	_ =	shalt  }
0x65: {  	_ =	shalt  }
0x66: {  	_ =	shalt  }
0x67: {  	_ =	shalt  }
0x68: {  	_ =	shalt  }
0x69: {  	_ =	shalt  }
0x6a: {  	_ =	shalt  }
0x6b: {  	_ =	shalt  }
0x6c: {  	_ =	shalt  }
0x6d: {  	_ =	shalt  }
0x6e: {  	_ =	shalt  }
0x6f: {  	_ =	shalt  }
0x70: {  	_ =	shalt  }
0x71: {  	_ =	shalt  }
0x72: {  	_ =	shalt  }
0x73: {  	_ =	shalt  }
0x74: {  	_ =	shalt  }
0x75: {  	_ =	shalt  }
0x76: {  	_ =	shalt  }
0x77: {  	_ =	shalt  }
0x78: {  	_ =	shalt  }
0x79: {  	_ =	shalt  }
0x7a: {  	_ =	shalt  }
0x7b: {  	_ =	shalt  }
0x7c: {  	_ =	shalt  }
0x7d: {  	_ =	shalt  }
0x7e: {  	_ =	shalt  }
0x7f: {  	_ =	shalt  }
0x80: {  	_ =	shalt  }
0x81: {  	_ =	shalt  }
0x82: {  	_ =	shalt  }
0x83: {  	_ =	shalt  }
0x84: {  	_ =	shalt  }
0x85: {  	_ =	shalt  }
0x86: {  	_ =	shalt  }
0x87: {  	_ =	shalt  }
.Lfunc_end0:
.L_simem_size_0:
called_computation_lowered:
.L_overlay_start_0:
0x88: {  	s0 =	sld [smem:$0x3FD9]  }
0x89: {  	s1 =	sld [smem:$0x3FFE];
	_ =	sdelay $0x3  }
0x8a: {  	s0 =	sadd.s32 s1, s0  }
0x8b: {  	[smem:$0x3FAD] =	sst s0  }
0x8c: {  	_ = 	snop  }
0x8d: {  	s0 =	sld [smem:$0x3FD0];
	(tm) =	ssettm $0x1  }
0x8e: {  	s16 =	sld [smem:$0x3FFB];
	_ =	sdelay $0x3  }
0x8f: {  	_ =	strace s16  }
0x90: {  	s1 =	sld [smem:$0x3FFC];
	_ =	sdelay $0x3  }
0x91: {  	_ =	strace s1  }
0x92: {  	s1 =	sld [smem:$0x3FFD];
	_ =	sdelay $0x3  }
0x93: {  	_ =	strace s1  }
0x94: {  	_ =	strace $0x8FFFFFFF  }
0x95: {  	s17 =	sld [smem:$0x3FDB];
	_ =	sdelay $0x1  }
0x96: {  	s2 =	simm.s32 $_scs_section_size  }
0x97: {  	s3 =	simm.s32 $_size__tile_overlayer_lowered;
	s4 =	simm.s32 $_tile_overlayer_lowered  }
0x98: {  	s20 =	simm.s32 $0x1BFF;
	s19 =	sshll.u32 s4, $0x1;
	s1 =	sadd.s32 s2, s17  }
0x99: {  	s5 =	simm.s32 $0x0;
	s18 =	sshll.u32 s3, $0x1;
	s3 =	sadd.s32 s19, s1  }
0x9a: {  	[timem:s5], [sflag:s20] =	dma.local [hbm:s3], s18  }
0x9b: {  	_ =	swait.ge [sflag:s20], s18  }
0x9c: {  	s2 =	ssub.s32 $0x0, s18;
	[sflag:s20] =	ssyncset.done $0x0  }
0x9d: {  	[sflag:s20] =	ssyncadd.s32 s2;
	_ =	sdelay $0x1  }
0x9e: {  	s21 =	simm.s32 $0x1B8B  }
0x9f: {  	_ =	swait.ge [sflag:s21], $0x1  }
0xa0: {  	[sflag:s21] =	ssyncset.done $0x0  }
0xa1: {  	s23 =	simm.s32 $0x1B8E;
	s22 =	sld [smem:$0x3FFE];
	[sflag:s21] =	ssyncadd.s32 $0xFFFFFFFF  }
0xa2: {  	s24 =	simm.s32 $execute0_lowered;
	[smem:$0x3FD2] =	sst s23  }
0xa3: {  	s3 =	sshll.u32 s24, $0x1;
	_ =	strace $0x80000049;
	[dreg:$0x1] =	wrdreg $0xFFFFFFFF  }
0xa4: {  	s25 =	simm.s32 $_size_execute0_lowered;
	s1 =	sadd.s32 s1, s3;
	[dreg:$0x0] =	wrdreg $0x0  }
0xa5: {  	s3 =	sshll.u32 s25, $0x1;
	[dreg:$0x2] =	wrdreg s1  }
0xa6: {  	[dreg:$0x3] =	wrdreg s3  }
0xa7: {  	[dreg:$0x4] =	wrdreg $0xC0  }
0xa8: {  	_ =	task [dreg:s5], $0x5FFFF  }
0xa9: {  	[dreg:$0x1] =	wrdreg $0xFFFFFFFF  }
0xaa: {  	[dreg:$0x0] =	wrdreg $0x60  }
0xab: {  	[dreg:$0x2] =	wrdreg s22  }
0xac: {  	[dreg:$0x3] =	wrdreg s0  }
0xad: {  	[dreg:$0x4] =	wrdreg $0x98800  }
0xae: {  	[dreg:$0x5] =	wrdreg $0x9  }
0xaf: {  	_ =	task.clear_ibuf [dreg:s5], $0x6FFFF;
	_ =	strace $0x90000049  }
0xb0: {  	s26 =	simm.s32 $0x9;
	_ =	strace $0x8000004B  }
0xb1: {  	_ =	swait.ge [sflag:s26], $0x1  }
0xb2: {  	[sflag:s26] =	ssyncadd.s32 $0xFFFFFFFF  }
0xb3: {  	_ =	strace $0x9000004B  }
0xb4: {  	_ =	sfence  }
0xb5: {  	s28 =	sld [smem:$0x0];
	_ =	sdelay $0x1  }
0xb6: {  	s29 =	srdreg.scid  }
0xb7: {  	s30 =	sshll.u32 s29, $0xD;
	s31 =	sshrl.u32 s29, $0x2  }
0xb8: {  	s2 =	sand.u32 $0x4000, s30;
	s1 =	sand.u32 $0x1, s29;
	s0 =	sadd.s32 s31, s28  }
0xb9: {  	s1 =	sor.u32 s2, s1;
	s0 =	sshll.u32 s0, $0x11  }
0xba: {  	s0 =	sor.u32 s0, s1  }
0xbb: {  	s0 =	sadd.s32 $0x8F2B, s0  }
0xbc: {  	[sflag:s0] =	ssyncadd.remote.s32 $0x1  }
0xbd: {  	_ =	sfence.sel $0xFFFF  }
0xbe: {  	[dreg:$0x0] =	wrdreg $0xFFFFFFFF;
	(pc) =	sbr.abs _section_cstart, $3  }
0xbf: {  	[dreg:$0x1] =	wrdreg $0xFFFFFFFF  }
0xc0: {  	_ =	task.clear_ibuf [dreg:s5], $0x2FFFF;
	_ =	strace $0x9FFFFFFF  }
0xc1: {  	(tm) =	ssettm $0x7FFFFFFF  }
tec
execute0_lowered:
.L_overlay_start_1:
0x0: {  	(tag) =	ssettag $0x1  }
0x1: {  	s0 =	stileid.u32  }
0x2: {  	s4 =	smul.u32 $0x5000, s0  }
0x3: {  	s3 =	rddreg [dreg:$0x0]  }
0x4: {  	s1 =	rddreg [dreg:$0x1];
	s4 =	sshrl.u32 s4, $0x3  }
0x5: {  	s2 =	rddreg [dreg:$0x2];
	s14 =	simm.s32 $0x0;
	s4 =	sadd.s32 s4, s3  }
0x6: {  	[smem:$0x7FF] =	sst s14;
	p0 =	seq.s32 s0, $0xF;
	s4 =	sadd.s32 $0x4600, s4  }
0x7: {  	_ =	strace $0x8000004A;
	[dreg:$0x4] =	wrdreg s4;
	s4 =	sadd.s32 $0x124800, s2  }
0x8: {  	s5 =	sadd.s32 $0x8E000, s3;
	s21 =	smul.u32 $0x4E000, s0;
	s7 =	sshrl.u32 @p0 s4, $0x3  }
0x9: {  	s6 =	sadd.s32 @p0 $0x24900, s5;
	s4 =	simm.s32 @p0 $0x1FC5;
	[dreg:$0x17] =	wrdreg s7  }
0xa: {  	[spmem:s7], [sflag:s4] =	dma.local @p0 [hbm:s6], $0x2800  }
0xb: {  	s6 =	simm.s32 @p0 $0x5  }
0xc: {  	s4 =	sshrl.u32 s21, $0x2;
	_ =	swait.ge @p0 [sflag:s6], $0x2800  }
0xd: {  	s31 =	smul.u32 $0x2700, s0;
	s4 =	sadd.s32 s4, s2;
	[sflag:s6] =	ssyncset.done @p0 $0x0  }
0xe: {  	s4 =	sshrl.u32 @!p0 s4, $0x3;
	[sflag:s6] =	ssyncadd.s32 @p0 $0xFFFFD800;
	s6 =	sshll.u32 @!p0 s0, $0x6  }
0xf: {  	s7 =	sadd.s32 @!p0 s5, s31;
	[dreg:$0x19] =	wrdreg s4;
	s5 =	sor.u32 @!p0 $0x1C05, s6  }
0x10: {  	[dreg:$0x18] =	wrdreg s5  }
0x11: {  	[spmem:s4], [sflag:s5] =	dma.local @!p0 [hbm:s7], $0x2700  }
0x12: {  	s4 =	simm.s32 @!p0 $0x5  }
0x13: {  	_ =	swait.ge @!p0 [sflag:s4], $0x2700  }
0x14: {  	s23 =	simm.s32 $0x9800;
	[sflag:s4] =	ssyncset.done @!p0 $0x0  }
0x15: {  	s15 =	simm.s32 $0x5;
	s22 =	sadd.s32 $0xDC400, s3;
	[sflag:s4] =	ssyncadd.s32 @!p0 $0xFFFFD900  }
0x16: {  	[tilespmem:s23], [sflag:$0x5] =	stream.linear.gather [hbm4b:s22+s14], $0x80, $0x38;
	[tilespmem:$0x1D140] =	vst v63  }
0x17: {  	_ =	swait.ge [sflag:s15], $0x80  }
0x18: {  	s24 =	smul.u32 $0xA00, s0;
	[sflag:s15] =	ssyncset.done $0x0  }
0x19: {  	s25 =	sadd.s32 $0xE600, s3;
	[sflag:s15] =	ssyncadd.s32 $0xFFFFFF80  }
0x1a: {  	s6 =	sadd.s32 s24, s25;
	[bflag:$0x0] =	sbarrier.arrive $0xFFFF  }
0x1b: {  	s1 =	sadd.s32 s24, s1;
	[dreg:$0x5] =	wrdreg s6  }
0x1c: {  	s26 =	simm.s32 $0x1000;
	[dreg:$0x6] =	wrdreg s1  }
0x1d: {  	s0 =	simm.s32 $0x100;
	[dreg:$0x7] =	wrdreg s26  }
0x1e: {  	s4 =	simm.s32 $0x880;
	[dreg:$0x8] =	wrdreg s0  }
0x1f: {  	s5 =	simm.s32 $0x180;
	[dreg:$0x9] =	wrdreg s4  }
0x20: {  	s7 =	simm.s32 $0x200;
	[dreg:$0xa] =	wrdreg s5  }
0x21: {  	s8 =	simm.s32 $0x980;
	[dreg:$0xc] =	wrdreg s7  }
0x22: {  	s9 =	simm.s32 $0x280;
	[dreg:$0xd] =	wrdreg s8  }
0x23: {  	s10 =	simm.s32 $0xA00;
	[dreg:$0xe] =	wrdreg s9  }
0x24: {  	s11 =	simm.s32 $0x300;
	[dreg:$0xf] =	wrdreg s10  }
0x25: {  	s12 =	simm.s32 $0xA80;
	[dreg:$0x10] =	wrdreg s11  }
0x26: {  	s13 =	simm.s32 $0x380;
	[dreg:$0x11] =	wrdreg s12  }
0x27: {  	s16 =	simm.s32 $0xB00;
	[dreg:$0x12] =	wrdreg s13  }
0x28: {  	s17 =	simm.s32 $0x400;
	[dreg:$0x13] =	wrdreg s16  }
0x29: {  	s19 =	simm.s32 $0xB80;
	[dreg:$0x14] =	wrdreg s17  }
0x2a: {  	s20 =	simm.s32 $0x480;
	[dreg:$0x15] =	wrdreg s19  }
0x2b: {  	[dreg:$0x16] =	wrdreg s20  }
0x2c: {  	s6 =	simm.s32 $0x900;
	s18 =	rddreg [dreg:$0x6]  }
0x2d: {  	[dreg:$0xb] =	wrdreg s6;
	s21 =	sadd.s32 $0x0, s18  }
0x2e: {  	[tilespmem:s14], [sflag:$0x5] =	stream.linear.gather [hbm4b:s21+s14], $0x800, $0x38;
	[tilespmem:$0x1D140] =	vst v63  }
0x2f: {  	_ =	swait.ge [sflag:s15], $0x800  }
0x30: {  	s22 =	rddreg [dreg:$0x5];
	[sflag:s15] =	ssyncset.done $0x0  }
0x31: {  	s23 =	rddreg [dreg:$0x7];
	[sflag:s15] =	ssyncadd.s32 $0xFFFFF800;
	s1 =	sadd.s32 $0x0, s22  }
0x32: {  	[tilespmem:s23], [sflag:$0x5] =	stream.linear.gather [hbm4b:s1+s14], $0x800, $0x38;
	[tilespmem:$0x1D140] =	vst v63  }
0x33: {  	_ =	swait.ge [sflag:s15], $0x800  }
0x34: {  	s24 =	rddreg [dreg:$0x4];
	[sflag:s15] =	ssyncset.done $0x0  }
0x35: {  	s16 =	simm.s32 $0x800;
	[sflag:s15] =	ssyncadd.s32 $0xFFFFF800;
	s1 =	sadd.s32 $0x0, s24  }
0x36: {  	[tilespmem:s16], [sflag:$0x5] =	stream.linear.gather [hbm4b:s1+s14], $0x800, $0x38;
	[tilespmem:$0x1D140] =	vst v63  }
0x37: {  	_ =	swait.ge [sflag:s15], $0x800  }
0x38: {  	s9 =	sadd.s32 $0x66E00, s3;
	[sflag:s15] =	ssyncset.done $0x0  }
0x39: {  	s8 =	simm.s32 $0x1800;
	s6 =	simm.s32 $0x80;
	[sflag:s15] =	ssyncadd.s32 $0xFFFFF800  }
0x3a: {  	[tilespmem:s8], [sflag:$0x1] =	stream.indirect.gather [hbm4b:s9+s6], $0x80, s14, s6, $0xb8;
	[tilespmem:$0x1D140] =	vst v63  }
0x3b: {  	s7 =	simm.s32 $0x5800;
	s10 =	simm.s32 $0x1  }
0x3c: {  	[tilespmem:s7], [sflag:$0x2] =	stream.indirect.gather [hbm4b:s9+s6], $0x80, s6, s6, $0xb8;
	[tilespmem:$0x1D140] =	vst v63  }
0x3d: {  	_ =	swait.ge [sflag:s10], $0x4000  }
0x3e: {  	[sflag:s10] =	ssyncset.done $0x0  }
0x3f: {  	s11 =	simm.s32 $0x3;
	[sflag:s10] =	ssyncadd.s32 $0xFFFFC000  }
0x40: {  	[spmem:s2] =	stream.indirect.scatter.add.f32 [tilespmem:s8], [sflag:$0x3], $0x80, s16, s6, $0xb8;
	[tilespmem:$0x1D140] =	vst v63  }
0x41: {  	_ =	swait.ge [sflag:s11], $0x4000  }
0x42: {  	[sflag:s11] =	ssyncset.done $0x0  }
0x43: {  	s12 =	simm.s32 $0x2;
	s25 =	rddreg [dreg:$0x8];
	[sflag:s11] =	ssyncadd.s32 $0xFFFFC000  }
0x44: {  	[tilespmem:s8], [sflag:$0x1] =	stream.indirect.gather [hbm4b:s9+s6], $0x80, s25, s6, $0xb8;
	[tilespmem:$0x1D140] =	vst v63  }
0x45: {  	_ =	swait.ge [sflag:s12], $0x4000  }
0x46: {  	[sflag:s12] =	ssyncset.done $0x0  }
0x47: {  	s13 =	simm.s32 $0x4;
	s26 =	rddreg [dreg:$0x9];
	[sflag:s12] =	ssyncadd.s32 $0xFFFFC000  }
0x48: {  	[spmem:s2] =	stream.indirect.scatter.add.f32 [tilespmem:s7], [sflag:$0x4], $0x80, s26, s6, $0xb8;
	[tilespmem:$0x1D140] =	vst v63  }
0x49: {  	_ =	swait.ge [sflag:s13], $0x4000  }
0x4a: {  	[sflag:s13] =	ssyncset.done $0x0  }
0x4b: {  	s0 =	rddreg [dreg:$0xa];
	[sflag:s13] =	ssyncadd.s32 $0xFFFFC000  }
0x4c: {  	[tilespmem:s7], [sflag:$0x2] =	stream.indirect.gather [hbm4b:s9+s6], $0x80, s0, s6, $0xb8;
	[tilespmem:$0x1D140] =	vst v63  }
0x4d: {  	_ =	swait.ge [sflag:s10], $0x4000  }
0x4e: {  	[sflag:s10] =	ssyncset.done $0x0  }
0x4f: {  	s4 =	rddreg [dreg:$0xb];
	[sflag:s10] =	ssyncadd.s32 $0xFFFFC000  }
0x50: {  	[spmem:s2] =	stream.indirect.scatter.add.f32 [tilespmem:s8], [sflag:$0x3], $0x80, s4, s6, $0xb8;
	[tilespmem:$0x1D140] =	vst v63  }
0x51: {  	_ =	swait.ge [sflag:s11], $0x4000  }
0x52: {  	[sflag:s11] =	ssyncset.done $0x0  }
0x53: {  	s5 =	rddreg [dreg:$0xc];
	[sflag:s11] =	ssyncadd.s32 $0xFFFFC000  }
0x54: {  	[tilespmem:s8], [sflag:$0x1] =	stream.indirect.gather [hbm4b:s9+s6], $0x80, s5, s6, $0xb8;
	[tilespmem:$0x1D140] =	vst v63  }
0x55: {  	_ =	swait.ge [sflag:s12], $0x4000  }
0x56: {  	[sflag:s12] =	ssyncset.done $0x0  }
0x57: {  	s17 =	rddreg [dreg:$0xd];
	[sflag:s12] =	ssyncadd.s32 $0xFFFFC000  }
0x58: {  	[spmem:s2] =	stream.indirect.scatter.add.f32 [tilespmem:s7], [sflag:$0x4], $0x80, s17, s6, $0xb8;
	[tilespmem:$0x1D140] =	vst v63  }
0x59: {  	_ =	swait.ge [sflag:s13], $0x4000  }
0x5a: {  	[sflag:s13] =	ssyncset.done $0x0  }
0x5b: {  	s18 =	rddreg [dreg:$0xe];
	[sflag:s13] =	ssyncadd.s32 $0xFFFFC000  }
0x5c: {  	[tilespmem:s7], [sflag:$0x2] =	stream.indirect.gather [hbm4b:s9+s6], $0x80, s18, s6, $0xb8;
	[tilespmem:$0x1D140] =	vst v63  }
0x5d: {  	_ =	swait.ge [sflag:s10], $0x4000  }
0x5e: {  	[sflag:s10] =	ssyncset.done $0x0  }
0x5f: {  	s19 =	rddreg [dreg:$0xf];
	[sflag:s10] =	ssyncadd.s32 $0xFFFFC000  }
0x60: {  	[spmem:s2] =	stream.indirect.scatter.add.f32 [tilespmem:s8], [sflag:$0x3], $0x80, s19, s6, $0xb8;
	[tilespmem:$0x1D140] =	vst v63  }
0x61: {  	_ =	swait.ge [sflag:s11], $0x4000  }
0x62: {  	[sflag:s11] =	ssyncset.done $0x0  }
0x63: {  	s20 =	rddreg [dreg:$0x10];
	[sflag:s11] =	ssyncadd.s32 $0xFFFFC000  }
0x64: {  	[tilespmem:s8], [sflag:$0x1] =	stream.indirect.gather [hbm4b:s9+s6], $0x80, s20, s6, $0xb8;
	[tilespmem:$0x1D140] =	vst v63  }
0x65: {  	_ =	swait.ge [sflag:s12], $0x4000  }
0x66: {  	[sflag:s12] =	ssyncset.done $0x0  }
0x67: {  	s21 =	rddreg [dreg:$0x11];
	[sflag:s12] =	ssyncadd.s32 $0xFFFFC000  }
0x68: {  	[spmem:s2] =	stream.indirect.scatter.add.f32 [tilespmem:s7], [sflag:$0x4], $0x80, s21, s6, $0xb8;
	[tilespmem:$0x1D140] =	vst v63  }
0x69: {  	_ =	swait.ge [sflag:s13], $0x4000  }
0x6a: {  	[sflag:s13] =	ssyncset.done $0x0  }
0x6b: {  	s22 =	rddreg [dreg:$0x12];
	[sflag:s13] =	ssyncadd.s32 $0xFFFFC000  }
0x6c: {  	[tilespmem:s7], [sflag:$0x2] =	stream.indirect.gather [hbm4b:s9+s6], $0x80, s22, s6, $0xb8;
	[tilespmem:$0x1D140] =	vst v63  }
0x6d: {  	_ =	swait.ge [sflag:s10], $0x4000  }
0x6e: {  	[sflag:s10] =	ssyncset.done $0x0  }
0x6f: {  	s23 =	rddreg [dreg:$0x13];
	[sflag:s10] =	ssyncadd.s32 $0xFFFFC000  }
0x70: {  	[spmem:s2] =	stream.indirect.scatter.add.f32 [tilespmem:s8], [sflag:$0x3], $0x80, s23, s6, $0xb8;
	[tilespmem:$0x1D140] =	vst v63  }
0x71: {  	_ =	swait.ge [sflag:s11], $0x4000  }
0x72: {  	[sflag:s11] =	ssyncset.done $0x0  }
0x73: {  	s24 =	rddreg [dreg:$0x14];
	[sflag:s11] =	ssyncadd.s32 $0xFFFFC000  }
0x74: {  	[tilespmem:s8], [sflag:$0x1] =	stream.indirect.gather [hbm4b:s9+s6], $0x80, s24, s6, $0xb8;
	[tilespmem:$0x1D140] =	vst v63  }
0x75: {  	_ =	swait.ge [sflag:s12], $0x4000  }
0x76: {  	[sflag:s12] =	ssyncset.done $0x0  }
0x77: {  	s25 =	rddreg [dreg:$0x15];
	[sflag:s12] =	ssyncadd.s32 $0xFFFFC000  }
0x78: {  	[spmem:s2] =	stream.indirect.scatter.add.f32 [tilespmem:s7], [sflag:$0x4], $0x80, s25, s6, $0xb8;
	[tilespmem:$0x1D140] =	vst v63  }
0x79: {  	_ =	swait.ge [sflag:s13], $0x4000  }
0x7a: {  	[sflag:s13] =	ssyncset.done $0x0  }
0x7b: {  	s26 =	rddreg [dreg:$0x16];
	[sflag:s13] =	ssyncadd.s32 $0xFFFFC000  }
0x7c: {  	[tilespmem:s7], [sflag:$0x2] =	stream.indirect.gather [hbm4b:s9+s6], $0x80, s26, s6, $0xb8;
	[tilespmem:$0x1D140] =	vst v63  }
0x7d: {  	_ =	swait.ge [sflag:s10], $0x4000  }
0x7e: {  	[sflag:s10] =	ssyncset.done $0x0  }
0x7f: {  	s17 =	simm.s32 $0xC00;
	[sflag:s10] =	ssyncadd.s32 $0xFFFFC000  }
0x80: {  	[spmem:s2] =	stream.indirect.scatter.add.f32 [tilespmem:s8], [sflag:$0x3], $0x80, s17, s6, $0xb8;
	[tilespmem:$0x1D140] =	vst v63  }
0x81: {  	_ =	swait.ge [sflag:s11], $0x4000  }
0x82: {  	[sflag:s11] =	ssyncset.done $0x0  }
0x83: {  	s18 =	simm.s32 $0x500;
	[sflag:s11] =	ssyncadd.s32 $0xFFFFC000  }
0x84: {  	[tilespmem:s8], [sflag:$0x1] =	stream.indirect.gather [hbm4b:s9+s6], $0x80, s18, s6, $0xb8;
	[tilespmem:$0x1D140] =	vst v63  }
0x85: {  	_ =	swait.ge [sflag:s12], $0x4000  }
0x86: {  	[sflag:s12] =	ssyncset.done $0x0  }
0x87: {  	s19 =	simm.s32 $0xC80;
	[sflag:s12] =	ssyncadd.s32 $0xFFFFC000  }
0x88: {  	[spmem:s2] =	stream.indirect.scatter.add.f32 [tilespmem:s7], [sflag:$0x4], $0x80, s19, s6, $0xb8;
	[tilespmem:$0x1D140] =	vst v63  }
0x89: {  	_ =	swait.ge [sflag:s13], $0x4000  }
0x8a: {  	[sflag:s13] =	ssyncset.done $0x0  }
0x8b: {  	s20 =	simm.s32 $0x580;
	[sflag:s13] =	ssyncadd.s32 $0xFFFFC000  }
0x8c: {  	[tilespmem:s7], [sflag:$0x2] =	stream.indirect.gather [hbm4b:s9+s6], $0x80, s20, s6, $0xb8;
	[tilespmem:$0x1D140] =	vst v63  }
0x8d: {  	_ =	swait.ge [sflag:s10], $0x4000  }
0x8e: {  	[sflag:s10] =	ssyncset.done $0x0  }
0x8f: {  	s21 =	simm.s32 $0xD00;
	[sflag:s10] =	ssyncadd.s32 $0xFFFFC000  }
0x90: {  	[spmem:s2] =	stream.indirect.scatter.add.f32 [tilespmem:s8], [sflag:$0x3], $0x80, s21, s6, $0xb8;
	[tilespmem:$0x1D140] =	vst v63  }
0x91: {  	_ =	swait.ge [sflag:s11], $0x4000  }
0x92: {  	[sflag:s11] =	ssyncset.done $0x0  }
0x93: {  	s22 =	simm.s32 $0x600;
	[sflag:s11] =	ssyncadd.s32 $0xFFFFC000  }
0x94: {  	[tilespmem:s8], [sflag:$0x1] =	stream.indirect.gather [hbm4b:s9+s6], $0x80, s22, s6, $0xb8;
	[tilespmem:$0x1D140] =	vst v63  }
0x95: {  	_ =	swait.ge [sflag:s12], $0x4000  }
0x96: {  	[sflag:s12] =	ssyncset.done $0x0  }
0x97: {  	s23 =	simm.s32 $0xD80;
	[sflag:s12] =	ssyncadd.s32 $0xFFFFC000  }
0x98: {  	[spmem:s2] =	stream.indirect.scatter.add.f32 [tilespmem:s7], [sflag:$0x4], $0x80, s23, s6, $0xb8;
	[tilespmem:$0x1D140] =	vst v63  }
0x99: {  	_ =	swait.ge [sflag:s13], $0x4000  }
0x9a: {  	[sflag:s13] =	ssyncset.done $0x0  }
0x9b: {  	s25 =	simm.s32 $0x680;
	[sflag:s13] =	ssyncadd.s32 $0xFFFFC000  }
0x9c: {  	[tilespmem:s7], [sflag:$0x2] =	stream.indirect.gather [hbm4b:s9+s6], $0x80, s25, s6, $0xb8;
	[tilespmem:$0x1D140] =	vst v63  }
0x9d: {  	_ =	swait.ge [sflag:s10], $0x4000  }
0x9e: {  	[sflag:s10] =	ssyncset.done $0x0  }
0x9f: {  	s26 =	simm.s32 $0xE00;
	[sflag:s10] =	ssyncadd.s32 $0xFFFFC000  }
0xa0: {  	[spmem:s2] =	stream.indirect.scatter.add.f32 [tilespmem:s8], [sflag:$0x3], $0x80, s26, s6, $0xb8;
	[tilespmem:$0x1D140] =	vst v63  }
0xa1: {  	_ =	swait.ge [sflag:s11], $0x4000  }
0xa2: {  	[sflag:s11] =	ssyncset.done $0x0  }
0xa3: {  	s28 =	simm.s32 $0x700;
	[sflag:s11] =	ssyncadd.s32 $0xFFFFC000  }
0xa4: {  	[tilespmem:s8], [sflag:$0x1] =	stream.indirect.gather [hbm4b:s9+s6], $0x80, s28, s6, $0xb8;
	[tilespmem:$0x1D140] =	vst v63  }
0xa5: {  	_ =	swait.ge [sflag:s12], $0x4000  }
0xa6: {  	[sflag:s12] =	ssyncset.done $0x0  }
0xa7: {  	s29 =	simm.s32 $0xE80;
	[sflag:s12] =	ssyncadd.s32 $0xFFFFC000  }
0xa8: {  	[spmem:s2] =	stream.indirect.scatter.add.f32 [tilespmem:s7], [sflag:$0x4], $0x80, s29, s6, $0xb8;
	[tilespmem:$0x1D140] =	vst v63  }
0xa9: {  	_ =	swait.ge [sflag:s13], $0x4000  }
0xaa: {  	[sflag:s13] =	ssyncset.done $0x0  }
0xab: {  	s30 =	simm.s32 $0x780;
	[sflag:s13] =	ssyncadd.s32 $0xFFFFC000  }
0xac: {  	[tilespmem:s7], [sflag:$0x2] =	stream.indirect.gather [hbm4b:s9+s6], $0x80, s30, s6, $0xb8;
	[tilespmem:$0x1D140] =	vst v63  }
0xad: {  	_ =	swait.ge [sflag:s10], $0x4000  }
0xae: {  	[sflag:s10] =	ssyncset.done $0x0  }
0xaf: {  	s1 =	simm.s32 $0xF00;
	[sflag:s10] =	ssyncadd.s32 $0xFFFFC000  }
0xb0: {  	[spmem:s2] =	stream.indirect.scatter.add.f32 [tilespmem:s8], [sflag:$0x3], $0x80, s1, s6, $0xb8;
	[tilespmem:$0x1D140] =	vst v63  }
0xb1: {  	_ =	swait.ge [sflag:s11], $0x4000  }
0xb2: {  	[sflag:s11] =	ssyncset.done $0x0  }
0xb3: {  	[sflag:s11] =	ssyncadd.s32 $0xFFFFC000  }
0xb4: {  	_ =	swait.ge [sflag:s12], $0x4000  }
0xb5: {  	s0 =	sadd.s32 s31, s3;
	[sflag:s12] =	ssyncset.done $0x0  }
0xb6: {  	s4 =	sadd.s32 $0xDC600, s0;
	s24 =	simm.s32 $0xF80;
	[sflag:s12] =	ssyncadd.s32 $0xFFFFC000  }
0xb7: {  	[spmem:s2] =	stream.indirect.scatter.add.f32 [tilespmem:s7], [sflag:$0x4], $0x80, s24, s6, $0xb8;
	[tilespmem:$0x1D140] =	vst v63  }
0xb8: {  	s5 =	sadd.s32 $0x100F00, s3;
	_ =	swait.ge [sflag:s13], $0x4000;
	[dreg:$0x1a] =	wrdreg s4  }
0xb9: {  	s31 =	simm.s32 $0x100;
	[dreg:$0x1b] =	wrdreg s5  }
0xba: {  	s3 =	simm.s32 $0x200;
	[sflag:s13] =	ssyncset.done $0x0;
	s4 =	rddreg [dreg:$0x6]  }
.LBB2_1:
0xbb: {  	[sflag:s13] =	ssyncadd.s32 $0xFFFFC000;
	s4 =	sadd.s32 s31, s4  }
0xbc: {  	[tilespmem:s14], [sflag:$0x5] =	stream.linear.gather [hbm4b:s4+s14], $0x800, $0x38;
	[tilespmem:$0x1D140] =	vst v63  }
0xbd: {  	_ =	swait.ge [sflag:s15], $0x800  }
0xbe: {  	s4 =	rddreg [dreg:$0x5];
	[sflag:s15] =	ssyncset.done $0x0  }
0xbf: {  	s0 =	rddreg [dreg:$0x7];
	[sflag:s15] =	ssyncadd.s32 $0xFFFFF800;
	s4 =	sadd.s32 s31, s4  }
0xc0: {  	[tilespmem:s0], [sflag:$0x5] =	stream.linear.gather [hbm4b:s4+s14], $0x800, $0x38;
	[tilespmem:$0x1D140] =	vst v63  }
0xc1: {  	_ =	swait.ge [sflag:s15], $0x800  }
0xc2: {  	s4 =	rddreg [dreg:$0x4];
	[sflag:s15] =	ssyncset.done $0x0  }
0xc3: {  	[sflag:s15] =	ssyncadd.s32 $0xFFFFF800;
	s0 =	sadd.s32 s31, s4  }
0xc4: {  	[tilespmem:s16], [sflag:$0x5] =	stream.linear.gather [hbm4b:s0+s14], $0x800, $0x38;
	[tilespmem:$0x1D140] =	vst v63  }
0xc5: {  	_ =	swait.ge [sflag:s15], $0x800  }
0xc6: {  	[sflag:s15] =	ssyncset.done $0x0  }
0xc7: {  	[sflag:s15] =	ssyncadd.s32 $0xFFFFF800  }
0xc8: {  	[tilespmem:s8], [sflag:$0x1] =	stream.indirect.gather [hbm4b:s9+s6], $0x80, s14, s6, $0xb8;
	[tilespmem:$0x1D140] =	vst v63  }
0xc9: {  	_ = 	snop  }
0xca: {  	[tilespmem:s7], [sflag:$0x2] =	stream.indirect.gather [hbm4b:s9+s6], $0x80, s6, s6, $0xb8;
	[tilespmem:$0x1D140] =	vst v63  }
0xcb: {  	_ =	swait.ge [sflag:s10], $0x4000  }
0xcc: {  	[sflag:s10] =	ssyncset.done $0x0  }
0xcd: {  	[sflag:s10] =	ssyncadd.s32 $0xFFFFC000  }
0xce: {  	[spmem:s2] =	stream.indirect.scatter.add.f32 [tilespmem:s8], [sflag:$0x3], $0x80, s16, s6, $0xb8;
	[tilespmem:$0x1D140] =	vst v63  }
0xcf: {  	_ =	swait.ge [sflag:s11], $0x4000  }
0xd0: {  	s5 =	smov.u32 s3;
	[sflag:s11] =	ssyncset.done $0x0  }
0xd1: {  	s31 =	smov.u32 s5;
	s5 =	rddreg [dreg:$0x8];
	[sflag:s11] =	ssyncadd.s32 $0xFFFFC000  }
0xd2: {  	[tilespmem:s8], [sflag:$0x1] =	stream.indirect.gather [hbm4b:s9+s6], $0x80, s5, s6, $0xb8;
	[tilespmem:$0x1D140] =	vst v63  }
0xd3: {  	_ =	swait.ge [sflag:s12], $0x4000  }
0xd4: {  	[sflag:s12] =	ssyncset.done $0x0  }
0xd5: {  	s4 =	rddreg [dreg:$0x9];
	[sflag:s12] =	ssyncadd.s32 $0xFFFFC000  }
0xd6: {  	[spmem:s2] =	stream.indirect.scatter.add.f32 [tilespmem:s7], [sflag:$0x4], $0x80, s4, s6, $0xb8;
	[tilespmem:$0x1D140] =	vst v63  }
0xd7: {  	_ =	swait.ge [sflag:s13], $0x4000  }
0xd8: {  	[sflag:s13] =	ssyncset.done $0x0  }
0xd9: {  	s5 =	rddreg [dreg:$0xa];
	[sflag:s13] =	ssyncadd.s32 $0xFFFFC000  }
0xda: {  	[tilespmem:s7], [sflag:$0x2] =	stream.indirect.gather [hbm4b:s9+s6], $0x80, s5, s6, $0xb8;
	[tilespmem:$0x1D140] =	vst v63  }
0xdb: {  	_ =	swait.ge [sflag:s10], $0x4000  }
0xdc: {  	[sflag:s10] =	ssyncset.done $0x0  }
0xdd: {  	s4 =	rddreg [dreg:$0xb];
	[sflag:s10] =	ssyncadd.s32 $0xFFFFC000  }
0xde: {  	[spmem:s2] =	stream.indirect.scatter.add.f32 [tilespmem:s8], [sflag:$0x3], $0x80, s4, s6, $0xb8;
	[tilespmem:$0x1D140] =	vst v63  }
0xdf: {  	_ =	swait.ge [sflag:s11], $0x4000  }
0xe0: {  	[sflag:s11] =	ssyncset.done $0x0  }
0xe1: {  	s5 =	rddreg [dreg:$0xc];
	[sflag:s11] =	ssyncadd.s32 $0xFFFFC000  }
0xe2: {  	[tilespmem:s8], [sflag:$0x1] =	stream.indirect.gather [hbm4b:s9+s6], $0x80, s5, s6, $0xb8;
	[tilespmem:$0x1D140] =	vst v63  }
0xe3: {  	_ =	swait.ge [sflag:s12], $0x4000  }
0xe4: {  	[sflag:s12] =	ssyncset.done $0x0  }
0xe5: {  	s4 =	rddreg [dreg:$0xd];
	[sflag:s12] =	ssyncadd.s32 $0xFFFFC000  }
0xe6: {  	[spmem:s2] =	stream.indirect.scatter.add.f32 [tilespmem:s7], [sflag:$0x4], $0x80, s4, s6, $0xb8;
	[tilespmem:$0x1D140] =	vst v63  }
0xe7: {  	_ =	swait.ge [sflag:s13], $0x4000  }
0xe8: {  	[sflag:s13] =	ssyncset.done $0x0  }
0xe9: {  	s5 =	rddreg [dreg:$0xe];
	[sflag:s13] =	ssyncadd.s32 $0xFFFFC000  }
0xea: {  	[tilespmem:s7], [sflag:$0x2] =	stream.indirect.gather [hbm4b:s9+s6], $0x80, s5, s6, $0xb8;
	[tilespmem:$0x1D140] =	vst v63  }
0xeb: {  	_ =	swait.ge [sflag:s10], $0x4000  }
0xec: {  	[sflag:s10] =	ssyncset.done $0x0  }
0xed: {  	s4 =	rddreg [dreg:$0xf];
	[sflag:s10] =	ssyncadd.s32 $0xFFFFC000  }
0xee: {  	[spmem:s2] =	stream.indirect.scatter.add.f32 [tilespmem:s8], [sflag:$0x3], $0x80, s4, s6, $0xb8;
	[tilespmem:$0x1D140] =	vst v63  }
0xef: {  	_ =	swait.ge [sflag:s11], $0x4000  }
0xf0: {  	[sflag:s11] =	ssyncset.done $0x0  }
0xf1: {  	s5 =	rddreg [dreg:$0x10];
	[sflag:s11] =	ssyncadd.s32 $0xFFFFC000  }
0xf2: {  	[tilespmem:s8], [sflag:$0x1] =	stream.indirect.gather [hbm4b:s9+s6], $0x80, s5, s6, $0xb8;
	[tilespmem:$0x1D140] =	vst v63  }
0xf3: {  	_ =	swait.ge [sflag:s12], $0x4000  }
0xf4: {  	[sflag:s12] =	ssyncset.done $0x0  }
0xf5: {  	s4 =	rddreg [dreg:$0x11];
	[sflag:s12] =	ssyncadd.s32 $0xFFFFC000  }
0xf6: {  	[spmem:s2] =	stream.indirect.scatter.add.f32 [tilespmem:s7], [sflag:$0x4], $0x80, s4, s6, $0xb8;
	[tilespmem:$0x1D140] =	vst v63  }
0xf7: {  	_ =	swait.ge [sflag:s13], $0x4000  }
0xf8: {  	[sflag:s13] =	ssyncset.done $0x0  }
0xf9: {  	s5 =	rddreg [dreg:$0x12];
	[sflag:s13] =	ssyncadd.s32 $0xFFFFC000  }
0xfa: {  	[tilespmem:s7], [sflag:$0x2] =	stream.indirect.gather [hbm4b:s9+s6], $0x80, s5, s6, $0xb8;
	[tilespmem:$0x1D140] =	vst v63  }
0xfb: {  	_ =	swait.ge [sflag:s10], $0x4000  }
0xfc: {  	[sflag:s10] =	ssyncset.done $0x0  }
0xfd: {  	s4 =	rddreg [dreg:$0x13];
	[sflag:s10] =	ssyncadd.s32 $0xFFFFC000  }
0xfe: {  	[spmem:s2] =	stream.indirect.scatter.add.f32 [tilespmem:s8], [sflag:$0x3], $0x80, s4, s6, $0xb8;
	[tilespmem:$0x1D140] =	vst v63  }
0xff: {  	_ =	swait.ge [sflag:s11], $0x4000  }
0x100: {  	[sflag:s11] =	ssyncset.done $0x0  }
0x101: {  	s5 =	rddreg [dreg:$0x14];
	[sflag:s11] =	ssyncadd.s32 $0xFFFFC000  }
0x102: {  	[tilespmem:s8], [sflag:$0x1] =	stream.indirect.gather [hbm4b:s9+s6], $0x80, s5, s6, $0xb8;
	[tilespmem:$0x1D140] =	vst v63  }
0x103: {  	_ =	swait.ge [sflag:s12], $0x4000  }
0x104: {  	[sflag:s12] =	ssyncset.done $0x0  }
0x105: {  	s4 =	rddreg [dreg:$0x15];
	[sflag:s12] =	ssyncadd.s32 $0xFFFFC000  }
0x106: {  	[spmem:s2] =	stream.indirect.scatter.add.f32 [tilespmem:s7], [sflag:$0x4], $0x80, s4, s6, $0xb8;
	[tilespmem:$0x1D140] =	vst v63  }
0x107: {  	_ =	swait.ge [sflag:s13], $0x4000  }
0x108: {  	[sflag:s13] =	ssyncset.done $0x0  }
0x109: {  	s5 =	rddreg [dreg:$0x16];
	[sflag:s13] =	ssyncadd.s32 $0xFFFFC000  }
0x10a: {  	[tilespmem:s7], [sflag:$0x2] =	stream.indirect.gather [hbm4b:s9+s6], $0x80, s5, s6, $0xb8;
	[tilespmem:$0x1D140] =	vst v63  }
0x10b: {  	_ =	swait.ge [sflag:s10], $0x4000  }
0x10c: {  	[sflag:s10] =	ssyncset.done $0x0  }
0x10d: {  	[sflag:s10] =	ssyncadd.s32 $0xFFFFC000  }
0x10e: {  	[spmem:s2] =	stream.indirect.scatter.add.f32 [tilespmem:s8], [sflag:$0x3], $0x80, s17, s6, $0xb8;
	[tilespmem:$0x1D140] =	vst v63  }
0x10f: {  	_ =	swait.ge [sflag:s11], $0x4000  }
0x110: {  	[sflag:s11] =	ssyncset.done $0x0  }
0x111: {  	[sflag:s11] =	ssyncadd.s32 $0xFFFFC000  }
0x112: {  	[tilespmem:s8], [sflag:$0x1] =	stream.indirect.gather [hbm4b:s9+s6], $0x80, s18, s6, $0xb8;
	[tilespmem:$0x1D140] =	vst v63  }
0x113: {  	_ =	swait.ge [sflag:s12], $0x4000  }
0x114: {  	[sflag:s12] =	ssyncset.done $0x0  }
0x115: {  	[sflag:s12] =	ssyncadd.s32 $0xFFFFC000  }
0x116: {  	[spmem:s2] =	stream.indirect.scatter.add.f32 [tilespmem:s7], [sflag:$0x4], $0x80, s19, s6, $0xb8;
	[tilespmem:$0x1D140] =	vst v63  }
0x117: {  	_ =	swait.ge [sflag:s13], $0x4000  }
0x118: {  	[sflag:s13] =	ssyncset.done $0x0  }
0x119: {  	[sflag:s13] =	ssyncadd.s32 $0xFFFFC000  }
0x11a: {  	[tilespmem:s7], [sflag:$0x2] =	stream.indirect.gather [hbm4b:s9+s6], $0x80, s20, s6, $0xb8;
	[tilespmem:$0x1D140] =	vst v63  }
0x11b: {  	_ =	swait.ge [sflag:s10], $0x4000  }
0x11c: {  	[sflag:s10] =	ssyncset.done $0x0  }
0x11d: {  	[sflag:s10] =	ssyncadd.s32 $0xFFFFC000  }
0x11e: {  	[spmem:s2] =	stream.indirect.scatter.add.f32 [tilespmem:s8], [sflag:$0x3], $0x80, s21, s6, $0xb8;
	[tilespmem:$0x1D140] =	vst v63  }
0x11f: {  	_ =	swait.ge [sflag:s11], $0x4000  }
0x120: {  	[sflag:s11] =	ssyncset.done $0x0  }
0x121: {  	[sflag:s11] =	ssyncadd.s32 $0xFFFFC000  }
0x122: {  	[tilespmem:s8], [sflag:$0x1] =	stream.indirect.gather [hbm4b:s9+s6], $0x80, s22, s6, $0xb8;
	[tilespmem:$0x1D140] =	vst v63  }
0x123: {  	_ =	swait.ge [sflag:s12], $0x4000  }
0x124: {  	[sflag:s12] =	ssyncset.done $0x0  }
0x125: {  	[sflag:s12] =	ssyncadd.s32 $0xFFFFC000  }
0x126: {  	[spmem:s2] =	stream.indirect.scatter.add.f32 [tilespmem:s7], [sflag:$0x4], $0x80, s23, s6, $0xb8;
	[tilespmem:$0x1D140] =	vst v63  }
0x127: {  	_ =	swait.ge [sflag:s13], $0x4000  }
0x128: {  	[sflag:s13] =	ssyncset.done $0x0  }
0x129: {  	[sflag:s13] =	ssyncadd.s32 $0xFFFFC000  }
0x12a: {  	[tilespmem:s7], [sflag:$0x2] =	stream.indirect.gather [hbm4b:s9+s6], $0x80, s25, s6, $0xb8;
	[tilespmem:$0x1D140] =	vst v63  }
0x12b: {  	_ =	swait.ge [sflag:s10], $0x4000  }
0x12c: {  	[sflag:s10] =	ssyncset.done $0x0  }
0x12d: {  	[sflag:s10] =	ssyncadd.s32 $0xFFFFC000  }
0x12e: {  	[spmem:s2] =	stream.indirect.scatter.add.f32 [tilespmem:s8], [sflag:$0x3], $0x80, s26, s6, $0xb8;
	[tilespmem:$0x1D140] =	vst v63  }
0x12f: {  	_ =	swait.ge [sflag:s11], $0x4000  }
0x130: {  	[sflag:s11] =	ssyncset.done $0x0  }
0x131: {  	[sflag:s11] =	ssyncadd.s32 $0xFFFFC000  }
0x132: {  	[tilespmem:s8], [sflag:$0x1] =	stream.indirect.gather [hbm4b:s9+s6], $0x80, s28, s6, $0xb8;
	[tilespmem:$0x1D140] =	vst v63  }
0x133: {  	_ =	swait.ge [sflag:s12], $0x4000  }
0x134: {  	[sflag:s12] =	ssyncset.done $0x0  }
0x135: {  	[sflag:s12] =	ssyncadd.s32 $0xFFFFC000  }
0x136: {  	[spmem:s2] =	stream.indirect.scatter.add.f32 [tilespmem:s7], [sflag:$0x4], $0x80, s29, s6, $0xb8;
	[tilespmem:$0x1D140] =	vst v63  }
0x137: {  	_ =	swait.ge [sflag:s13], $0x4000  }
0x138: {  	[sflag:s13] =	ssyncset.done $0x0  }
0x139: {  	[sflag:s13] =	ssyncadd.s32 $0xFFFFC000  }
0x13a: {  	[tilespmem:s7], [sflag:$0x2] =	stream.indirect.gather [hbm4b:s9+s6], $0x80, s30, s6, $0xb8;
	[tilespmem:$0x1D140] =	vst v63  }
0x13b: {  	_ =	swait.ge [sflag:s10], $0x4000  }
0x13c: {  	[sflag:s10] =	ssyncset.done $0x0  }
0x13d: {  	[sflag:s10] =	ssyncadd.s32 $0xFFFFC000  }
0x13e: {  	[spmem:s2] =	stream.indirect.scatter.add.f32 [tilespmem:s8], [sflag:$0x3], $0x80, s1, s6, $0xb8;
	[tilespmem:$0x1D140] =	vst v63  }
0x13f: {  	_ =	swait.ge [sflag:s11], $0x4000  }
0x140: {  	[sflag:s11] =	ssyncset.done $0x0  }
0x141: {  	[sflag:s11] =	ssyncadd.s32 $0xFFFFC000  }
0x142: {  	p1 =	sne.s32 s3, $0x900;
	_ =	swait.ge [sflag:s12], $0x4000  }
.Ltmp0:
0x143: {  	[sflag:s12] =	ssyncset.done $0x0;
	(pc) =	sbr.rel @p1 .LBB2_1-.Ltmp0, $4  }
0x144: {  	[sflag:s12] =	ssyncadd.s32 $0xFFFFC000  }
0x145: {  	[spmem:s2] =	stream.indirect.scatter.add.f32 [tilespmem:s7], [sflag:$0x4], $0x80, s24, s6, $0xb8;
	[tilespmem:$0x1D140] =	vst v63  }
0x146: {  	_ =	swait.ge [sflag:s13], $0x4000  }
0x147: {  	s3 =	sadd.s32 $0x100, s3;
	s4 =	rddreg [dreg:$0x6];
	[sflag:s13] =	ssyncset.done $0x0  }
0x148: {  	[sflag:s13] =	ssyncadd.s32 $0xFFFFC000;
	s0 =	sadd.s32 s31, s4  }
0x149: {  	[tilespmem:s14], [sflag:$0x5] =	stream.linear.gather [hbm4b:s0+s14], $0x800, $0x38;
	[tilespmem:$0x1D140] =	vst v63  }
0x14a: {  	_ =	swait.ge [sflag:s15], $0x800  }
0x14b: {  	s4 =	rddreg [dreg:$0x5];
	[sflag:s15] =	ssyncset.done $0x0  }
0x14c: {  	s3 =	rddreg [dreg:$0x7];
	[sflag:s15] =	ssyncadd.s32 $0xFFFFF800;
	s0 =	sadd.s32 s31, s4  }
0x14d: {  	[tilespmem:s3], [sflag:$0x5] =	stream.linear.gather [hbm4b:s0+s14], $0x800, $0x38;
	[tilespmem:$0x1D140] =	vst v63  }
0x14e: {  	_ =	swait.ge [sflag:s15], $0x800  }
0x14f: {  	s5 =	rddreg [dreg:$0x4];
	[sflag:s15] =	ssyncset.done $0x0  }
0x150: {  	s0 =	sadd.s32 s31, s5;
	[sflag:s15] =	ssyncadd.s32 $0xFFFFF800  }
0x151: {  	[tilespmem:s16], [sflag:$0x5] =	stream.linear.gather [hbm4b:s0+s14], $0x800, $0x38;
	[tilespmem:$0x1D140] =	vst v63  }
0x152: {  	_ =	swait.ge [sflag:s15], $0x800  }
0x153: {  	[sflag:s15] =	ssyncset.done $0x0  }
0x154: {  	[sflag:s15] =	ssyncadd.s32 $0xFFFFF800  }
0x155: {  	[tilespmem:s8], [sflag:$0x1] =	stream.indirect.gather [hbm4b:s9+s6], $0x80, s14, s6, $0xb8;
	[tilespmem:$0x1D140] =	vst v63  }
0x156: {  	_ = 	snop  }
0x157: {  	[tilespmem:s7], [sflag:$0x2] =	stream.indirect.gather [hbm4b:s9+s6], $0x80, s6, s6, $0xb8;
	[tilespmem:$0x1D140] =	vst v63  }
0x158: {  	_ =	swait.ge [sflag:s10], $0x4000  }
0x159: {  	[sflag:s10] =	ssyncset.done $0x0  }
0x15a: {  	[sflag:s10] =	ssyncadd.s32 $0xFFFFC000  }
0x15b: {  	[spmem:s2] =	stream.indirect.scatter.add.f32 [tilespmem:s8], [sflag:$0x3], $0x80, s16, s6, $0xb8;
	[tilespmem:$0x1D140] =	vst v63  }
0x15c: {  	_ =	swait.ge [sflag:s11], $0x4000  }
0x15d: {  	[sflag:s11] =	ssyncset.done $0x0  }
0x15e: {  	s16 =	rddreg [dreg:$0x8];
	[sflag:s11] =	ssyncadd.s32 $0xFFFFC000  }
0x15f: {  	[tilespmem:s8], [sflag:$0x1] =	stream.indirect.gather [hbm4b:s9+s6], $0x80, s16, s6, $0xb8;
	[tilespmem:$0x1D140] =	vst v63  }
0x160: {  	_ =	swait.ge [sflag:s12], $0x4000  }
0x161: {  	[sflag:s12] =	ssyncset.done $0x0  }
0x162: {  	s31 =	rddreg [dreg:$0x9];
	[sflag:s12] =	ssyncadd.s32 $0xFFFFC000  }
0x163: {  	[spmem:s2] =	stream.indirect.scatter.add.f32 [tilespmem:s7], [sflag:$0x4], $0x80, s31, s6, $0xb8;
	[tilespmem:$0x1D140] =	vst v63  }
0x164: {  	_ =	swait.ge [sflag:s13], $0x4000  }
0x165: {  	[sflag:s13] =	ssyncset.done $0x0  }
0x166: {  	s3 =	rddreg [dreg:$0xa];
	[sflag:s13] =	ssyncadd.s32 $0xFFFFC000  }
0x167: {  	[tilespmem:s7], [sflag:$0x2] =	stream.indirect.gather [hbm4b:s9+s6], $0x80, s3, s6, $0xb8;
	[tilespmem:$0x1D140] =	vst v63  }
0x168: {  	_ =	swait.ge [sflag:s10], $0x4000  }
0x169: {  	[sflag:s10] =	ssyncset.done $0x0  }
0x16a: {  	s4 =	rddreg [dreg:$0xb];
	[sflag:s10] =	ssyncadd.s32 $0xFFFFC000  }
0x16b: {  	[spmem:s2] =	stream.indirect.scatter.add.f32 [tilespmem:s8], [sflag:$0x3], $0x80, s4, s6, $0xb8;
	[tilespmem:$0x1D140] =	vst v63  }
0x16c: {  	_ =	swait.ge [sflag:s11], $0x4000  }
0x16d: {  	[sflag:s11] =	ssyncset.done $0x0  }
0x16e: {  	s5 =	rddreg [dreg:$0xc];
	[sflag:s11] =	ssyncadd.s32 $0xFFFFC000  }
0x16f: {  	[tilespmem:s8], [sflag:$0x1] =	stream.indirect.gather [hbm4b:s9+s6], $0x80, s5, s6, $0xb8;
	[tilespmem:$0x1D140] =	vst v63  }
0x170: {  	_ =	swait.ge [sflag:s12], $0x4000  }
0x171: {  	[sflag:s12] =	ssyncset.done $0x0  }
0x172: {  	s14 =	rddreg [dreg:$0xd];
	[sflag:s12] =	ssyncadd.s32 $0xFFFFC000  }
0x173: {  	[spmem:s2] =	stream.indirect.scatter.add.f32 [tilespmem:s7], [sflag:$0x4], $0x80, s14, s6, $0xb8;
	[tilespmem:$0x1D140] =	vst v63  }
0x174: {  	_ =	swait.ge [sflag:s13], $0x4000  }
0x175: {  	[sflag:s13] =	ssyncset.done $0x0  }
0x176: {  	s15 =	rddreg [dreg:$0xe];
	[sflag:s13] =	ssyncadd.s32 $0xFFFFC000  }
0x177: {  	[tilespmem:s7], [sflag:$0x2] =	stream.indirect.gather [hbm4b:s9+s6], $0x80, s15, s6, $0xb8;
	[tilespmem:$0x1D140] =	vst v63  }
0x178: {  	_ =	swait.ge [sflag:s10], $0x4000  }
0x179: {  	[sflag:s10] =	ssyncset.done $0x0  }
0x17a: {  	s16 =	rddreg [dreg:$0xf];
	[sflag:s10] =	ssyncadd.s32 $0xFFFFC000  }
0x17b: {  	[spmem:s2] =	stream.indirect.scatter.add.f32 [tilespmem:s8], [sflag:$0x3], $0x80, s16, s6, $0xb8;
	[tilespmem:$0x1D140] =	vst v63  }
0x17c: {  	_ =	swait.ge [sflag:s11], $0x4000  }
0x17d: {  	[sflag:s11] =	ssyncset.done $0x0  }
0x17e: {  	s31 =	rddreg [dreg:$0x10];
	[sflag:s11] =	ssyncadd.s32 $0xFFFFC000  }
0x17f: {  	[tilespmem:s8], [sflag:$0x1] =	stream.indirect.gather [hbm4b:s9+s6], $0x80, s31, s6, $0xb8;
	[tilespmem:$0x1D140] =	vst v63  }
0x180: {  	_ =	swait.ge [sflag:s12], $0x4000  }
0x181: {  	[sflag:s12] =	ssyncset.done $0x0  }
0x182: {  	s3 =	rddreg [dreg:$0x11];
	[sflag:s12] =	ssyncadd.s32 $0xFFFFC000  }
0x183: {  	[spmem:s2] =	stream.indirect.scatter.add.f32 [tilespmem:s7], [sflag:$0x4], $0x80, s3, s6, $0xb8;
	[tilespmem:$0x1D140] =	vst v63  }
0x184: {  	_ =	swait.ge [sflag:s13], $0x4000  }
0x185: {  	[sflag:s13] =	ssyncset.done $0x0  }
0x186: {  	s4 =	rddreg [dreg:$0x12];
	[sflag:s13] =	ssyncadd.s32 $0xFFFFC000  }
0x187: {  	[tilespmem:s7], [sflag:$0x2] =	stream.indirect.gather [hbm4b:s9+s6], $0x80, s4, s6, $0xb8;
	[tilespmem:$0x1D140] =	vst v63  }
0x188: {  	_ =	swait.ge [sflag:s10], $0x4000  }
0x189: {  	[sflag:s10] =	ssyncset.done $0x0  }
0x18a: {  	s5 =	rddreg [dreg:$0x13];
	[sflag:s10] =	ssyncadd.s32 $0xFFFFC000  }
0x18b: {  	[spmem:s2] =	stream.indirect.scatter.add.f32 [tilespmem:s8], [sflag:$0x3], $0x80, s5, s6, $0xb8;
	[tilespmem:$0x1D140] =	vst v63  }
0x18c: {  	_ =	swait.ge [sflag:s11], $0x4000  }
0x18d: {  	[sflag:s11] =	ssyncset.done $0x0  }
0x18e: {  	s14 =	rddreg [dreg:$0x14];
	[sflag:s11] =	ssyncadd.s32 $0xFFFFC000  }
0x18f: {  	[tilespmem:s8], [sflag:$0x1] =	stream.indirect.gather [hbm4b:s9+s6], $0x80, s14, s6, $0xb8;
	[tilespmem:$0x1D140] =	vst v63  }
0x190: {  	_ =	swait.ge [sflag:s12], $0x4000  }
0x191: {  	[sflag:s12] =	ssyncset.done $0x0  }
0x192: {  	s15 =	rddreg [dreg:$0x15];
	[sflag:s12] =	ssyncadd.s32 $0xFFFFC000  }
0x193: {  	[spmem:s2] =	stream.indirect.scatter.add.f32 [tilespmem:s7], [sflag:$0x4], $0x80, s15, s6, $0xb8;
	[tilespmem:$0x1D140] =	vst v63  }
0x194: {  	_ =	swait.ge [sflag:s13], $0x4000  }
0x195: {  	[sflag:s13] =	ssyncset.done $0x0  }
0x196: {  	s16 =	rddreg [dreg:$0x16];
	[sflag:s13] =	ssyncadd.s32 $0xFFFFC000  }
0x197: {  	[tilespmem:s7], [sflag:$0x2] =	stream.indirect.gather [hbm4b:s9+s6], $0x80, s16, s6, $0xb8;
	[tilespmem:$0x1D140] =	vst v63  }
0x198: {  	_ =	swait.ge [sflag:s10], $0x4000  }
0x199: {  	[sflag:s10] =	ssyncset.done $0x0  }
0x19a: {  	[sflag:s10] =	ssyncadd.s32 $0xFFFFC000  }
0x19b: {  	[spmem:s2] =	stream.indirect.scatter.add.f32 [tilespmem:s8], [sflag:$0x3], $0x80, s17, s6, $0xb8;
	[tilespmem:$0x1D140] =	vst v63  }
0x19c: {  	_ =	swait.ge [sflag:s11], $0x4000  }
0x19d: {  	[sflag:s11] =	ssyncset.done $0x0  }
0x19e: {  	[sflag:s11] =	ssyncadd.s32 $0xFFFFC000  }
0x19f: {  	[tilespmem:s8], [sflag:$0x1] =	stream.indirect.gather [hbm4b:s9+s6], $0x80, s18, s6, $0xb8;
	[tilespmem:$0x1D140] =	vst v63  }
0x1a0: {  	_ =	swait.ge [sflag:s12], $0x4000  }
0x1a1: {  	[sflag:s12] =	ssyncset.done $0x0  }
0x1a2: {  	[sflag:s12] =	ssyncadd.s32 $0xFFFFC000  }
0x1a3: {  	[spmem:s2] =	stream.indirect.scatter.add.f32 [tilespmem:s7], [sflag:$0x4], $0x80, s19, s6, $0xb8;
	[tilespmem:$0x1D140] =	vst v63  }
0x1a4: {  	_ =	swait.ge [sflag:s13], $0x4000  }
0x1a5: {  	[sflag:s13] =	ssyncset.done $0x0  }
0x1a6: {  	[sflag:s13] =	ssyncadd.s32 $0xFFFFC000  }
0x1a7: {  	[tilespmem:s7], [sflag:$0x2] =	stream.indirect.gather [hbm4b:s9+s6], $0x80, s20, s6, $0xb8;
	[tilespmem:$0x1D140] =	vst v63  }
0x1a8: {  	_ =	swait.ge [sflag:s10], $0x4000  }
0x1a9: {  	[sflag:s10] =	ssyncset.done $0x0  }
0x1aa: {  	[sflag:s10] =	ssyncadd.s32 $0xFFFFC000  }
0x1ab: {  	[spmem:s2] =	stream.indirect.scatter.add.f32 [tilespmem:s8], [sflag:$0x3], $0x80, s21, s6, $0xb8;
	[tilespmem:$0x1D140] =	vst v63  }
0x1ac: {  	_ =	swait.ge [sflag:s11], $0x4000  }
0x1ad: {  	[sflag:s11] =	ssyncset.done $0x0  }
0x1ae: {  	[sflag:s11] =	ssyncadd.s32 $0xFFFFC000  }
0x1af: {  	[tilespmem:s8], [sflag:$0x1] =	stream.indirect.gather [hbm4b:s9+s6], $0x80, s22, s6, $0xb8;
	[tilespmem:$0x1D140] =	vst v63  }
0x1b0: {  	_ =	swait.ge [sflag:s12], $0x4000  }
0x1b1: {  	[sflag:s12] =	ssyncset.done $0x0  }
0x1b2: {  	[sflag:s12] =	ssyncadd.s32 $0xFFFFC000  }
0x1b3: {  	[spmem:s2] =	stream.indirect.scatter.add.f32 [tilespmem:s7], [sflag:$0x4], $0x80, s23, s6, $0xb8;
	[tilespmem:$0x1D140] =	vst v63  }
0x1b4: {  	_ =	swait.ge [sflag:s13], $0x4000  }
0x1b5: {  	[sflag:s13] =	ssyncset.done $0x0  }
0x1b6: {  	[sflag:s13] =	ssyncadd.s32 $0xFFFFC000  }
0x1b7: {  	[tilespmem:s7], [sflag:$0x2] =	stream.indirect.gather [hbm4b:s9+s6], $0x80, s25, s6, $0xb8;
	[tilespmem:$0x1D140] =	vst v63  }
0x1b8: {  	_ =	swait.ge [sflag:s10], $0x4000  }
0x1b9: {  	[sflag:s10] =	ssyncset.done $0x0  }
0x1ba: {  	[sflag:s10] =	ssyncadd.s32 $0xFFFFC000  }
0x1bb: {  	[spmem:s2] =	stream.indirect.scatter.add.f32 [tilespmem:s8], [sflag:$0x3], $0x80, s26, s6, $0xb8;
	[tilespmem:$0x1D140] =	vst v63  }
0x1bc: {  	_ =	swait.ge [sflag:s11], $0x4000  }
0x1bd: {  	[sflag:s11] =	ssyncset.done $0x0  }
0x1be: {  	[sflag:s11] =	ssyncadd.s32 $0xFFFFC000  }
0x1bf: {  	[tilespmem:s8], [sflag:$0x1] =	stream.indirect.gather [hbm4b:s9+s6], $0x80, s28, s6, $0xb8;
	[tilespmem:$0x1D140] =	vst v63  }
0x1c0: {  	_ =	swait.ge [sflag:s12], $0x4000  }
0x1c1: {  	[sflag:s12] =	ssyncset.done $0x0  }
0x1c2: {  	[sflag:s12] =	ssyncadd.s32 $0xFFFFC000  }
0x1c3: {  	[spmem:s2] =	stream.indirect.scatter.add.f32 [tilespmem:s7], [sflag:$0x4], $0x80, s29, s6, $0xb8;
	[tilespmem:$0x1D140] =	vst v63  }
0x1c4: {  	_ =	swait.ge [sflag:s13], $0x4000  }
0x1c5: {  	[sflag:s13] =	ssyncset.done $0x0  }
0x1c6: {  	[sflag:s13] =	ssyncadd.s32 $0xFFFFC000  }
0x1c7: {  	[tilespmem:s7], [sflag:$0x2] =	stream.indirect.gather [hbm4b:s9+s6], $0x80, s30, s6, $0xb8;
	[tilespmem:$0x1D140] =	vst v63  }
0x1c8: {  	_ =	swait.ge [sflag:s10], $0x4000  }
0x1c9: {  	[sflag:s10] =	ssyncset.done $0x0  }
0x1ca: {  	[sflag:s10] =	ssyncadd.s32 $0xFFFFC000  }
0x1cb: {  	[spmem:s2] =	stream.indirect.scatter.add.f32 [tilespmem:s8], [sflag:$0x3], $0x80, s1, s6, $0xb8;
	[tilespmem:$0x1D140] =	vst v63  }
0x1cc: {  	_ =	swait.ge [sflag:s11], $0x4000  }
0x1cd: {  	[sflag:s11] =	ssyncset.done $0x0  }
0x1ce: {  	[sflag:s11] =	ssyncadd.s32 $0xFFFFC000  }
0x1cf: {  	_ =	swait.ge [sflag:s12], $0x4000  }
0x1d0: {  	[sflag:s12] =	ssyncset.done $0x0  }
0x1d1: {  	[sflag:s12] =	ssyncadd.s32 $0xFFFFC000  }
0x1d2: {  	[spmem:s2] =	stream.indirect.scatter.add.f32 [tilespmem:s7], [sflag:$0x4], $0x80, s24, s6, $0xb8;
	[tilespmem:$0x1D140] =	vst v63  }
0x1d3: {  	_ =	swait.ge [sflag:s13], $0x4000  }
0x1d4: {  	[sflag:s13] =	ssyncset.done $0x0  }
0x1d5: {  	[sflag:s13] =	ssyncadd.s32 $0xFFFFC000  }
0x1d6: {  	[bflag:$0x0] =	sbarrier.arrive $0xFFFF  }
0x1d7: {  	s1 =	rddreg [dreg:$0x17]  }
0x1d8: {  	s0 =	simm.s32 @p0 $0x1FC5;
	s2 =	rddreg [dreg:$0x1b]  }
0x1d9: {  	[hbm:s2], [sflag:s0] =	dma.local @p0 [spmem:s1], $0x2800  }
0x1da: {  	s0 =	simm.s32 @p0 $0x5  }
0x1db: {  	_ =	swait.ge @p0 [sflag:s0], $0x2800  }
0x1dc: {  	s1 =	rddreg [dreg:$0x19]  }
0x1dd: {  	[sflag:s0] =	ssyncset.done @p0 $0x0;
	s2 =	rddreg [dreg:$0x1a]  }
0x1de: {  	[sflag:s0] =	ssyncadd.s32 @p0 $0xFFFFD800;
	s0 =	rddreg [dreg:$0x18]  }
0x1df: {  	[hbm:s2], [sflag:s0] =	dma.local @!p0 [spmem:s1], $0x2700  }
0x1e0: {  	s0 =	simm.s32 @!p0 $0x5  }
0x1e1: {  	_ =	swait.ge @!p0 [sflag:s0], $0x2700  }
0x1e2: {  	[sflag:s0] =	ssyncset.done @!p0 $0x0  }
0x1e3: {  	[sflag:s0] =	ssyncadd.s32 @!p0 $0xFFFFD900  }
0x1e4: {  	_ =	sfence.sel $0x180000  }
0x1e5: {  	[bflag:$0x0] =	sbarrier.arrive $0xFFFF  }
0x1e6: {  	_ =	strace $0x9000004A  }
0x1e7: {  	s31 =	stileid.u32;
	[bflag:$0x2] =	sbarrier.arrive $0xFFFF  }
0x1e8: {  	p0 =	sne.s32 s31, $0x0;
	s0 =	rddreg [dreg:$0x3]  }
0x1e9: {  	s0 =	sadd.s32 @!p0 $0x100000, s0  }
0x1ea: {  	[sflag:s0] =	ssyncadd.tile.s32 @!p0 $0x1;
	_ =	shalt  }
.Lfunc_end2:
_tile_overlayer_lowered:
.L_overlay_start_2:
0x1eb: {  	(tag) =	ssettag $0x2  }
0x1ec: {  	s0 =	rddreg [dreg:$0x0];
	s2 =	stileid.u32  }
0x1ed: {  	s1 =	rddreg [dreg:$0x1];
	p0 =	sne.s32 s2, $0x0  }
0x1ee: {  	s3 =	rddreg [dreg:$0x2];
	[bflag:$0x3] =	sbarrier.arrive $0xFFFF;
	s2 =	simm.s32 @!p0 $0x1C05  }
0x1ef: {  	[timem:s3], [sflag:s2] =	dma.local @!p0 [hbm:s0], s1  }
0x1f0: {  	s0 =	simm.s32 @!p0 $0x5  }
0x1f1: {  	_ =	swait.ge @!p0 [sflag:s0], s1  }
0x1f2: {  	s1 =	ssub.s32 @!p0 $0x0, s1;
	[sflag:s0] =	ssyncset.done @!p0 $0x0  }
0x1f3: {  	[sflag:s0] =	ssyncadd.s32 @!p0 s1  }
0x1f4: {  	[bflag:$0x3] =	sbarrier.arrive $0xFFFF  }
0x1f5: {  	_ =	shalt  }

</sc_bundles>
